<compile_context>
chip_gen: v7x
topology: tpu7x:2x2x1
jax: 0.10.2.dev20260603
libtpu: 0.0.44.dev20260713+nightly
codegen_flags: <defaults>
</compile_context>

<pallas_src>
import functools

import jax
import jax.numpy as jnp
from jax import lax
from jax.experimental import pallas as pl
from jax.experimental.pallas import tpu as pltpu
from jax.experimental.pallas import tpu_sc as plsc

NC = 2
NS = 16
L = 16
NW = NC * NS
K = 128

_mesh = lambda: plsc.VectorSubcoreMesh(
    core_axis_name="c", subcore_axis_name="s", num_cores=NC, num_subcores=NS
)


def _zero_vmem_2d(ref, rows, width):
    z = jnp.zeros((L,), jnp.float32)

    def body(i, _):
        for j in range(width // L):
            ref[i, pl.ds(j * L, L)] = z
        return 0

    lax.fori_loop(0, rows, body, 0)


def _zero_vmem_1d(ref, n):
    z = jnp.zeros((L,), jnp.float32)

    def body(i, _):
        ref[pl.ds(i * L, L)] = z
        return 0

    lax.fori_loop(0, n // L, body, 0)


def _make_degree_kernel(E_pad, NP):
    e_per_tile = E_pad // NW
    n_chunks = e_per_tile // K
    npt = NP // NS

    @functools.partial(
        pl.kernel,
        out_type=jax.ShapeDtypeStruct((NC, 2, NP), jnp.float32),
        mesh=_mesh(),
        compiler_params=pltpu.CompilerParams(needs_layout_passes=False),
        scratch_types=[
            pltpu.VMEM_SHARED((NS, NP), jnp.float32),
            pltpu.VMEM_SHARED((NS, NP), jnp.float32),
            pltpu.VMEM((NP,), jnp.float32),
            pltpu.VMEM((NP,), jnp.float32),
            pltpu.VMEM((e_per_tile,), jnp.int32),
            pltpu.VMEM((e_per_tile,), jnp.int32),
            pltpu.VMEM((NS, npt), jnp.float32),
            pltpu.VMEM((npt,), jnp.float32),
        ],
    )
    def deg_kernel(src_hbm, dst_hbm, out_hbm, stage_o, stage_i, hist_o, hist_i,
                   sidx, didx, comb, res):
        c = lax.axis_index("c")
        s = lax.axis_index("s")
        g = c * NS + s

        pltpu.sync_copy(src_hbm.at[pl.ds(g * e_per_tile, e_per_tile)], sidx)
        pltpu.sync_copy(dst_hbm.at[pl.ds(g * e_per_tile, e_per_tile)], didx)
        _zero_vmem_1d(hist_o, NP)
        _zero_vmem_1d(hist_i, NP)
        one = jnp.ones((L,), jnp.float32)

        def chunk(i, _):
            base = i * K
            for u in range(K // L):
                plsc.addupdate_scatter(hist_o, [sidx[pl.ds(base + u * L, L)]], one)
                plsc.addupdate_scatter(hist_i, [didx[pl.ds(base + u * L, L)]], one)
            return 0

        lax.fori_loop(0, n_chunks, chunk, 0)

        pltpu.sync_copy(hist_o, stage_o.at[s])
        pltpu.sync_copy(hist_i, stage_i.at[s])
        plsc.subcore_barrier()
        base_n = s * npt
        for a, stage in ((0, stage_o), (1, stage_i)):
            pltpu.sync_copy(stage.at[:, pl.ds(base_n, npt)], comb)

            def red(j, _):
                acc = comb[0, pl.ds(j * L, L)]
                for i in range(1, NS):
                    acc = acc + comb[i, pl.ds(j * L, L)]
                res[pl.ds(j * L, L)] = acc
                return 0

            lax.fori_loop(0, npt // L, red, 0)
            pltpu.sync_copy(res, out_hbm.at[c, a, pl.ds(base_n, npt)])

    return deg_kernel


def _make_agg_kernel(NP, D, E_pad):
    e_per_tile = E_pad // NW
    n_chunks = e_per_tile // K
    NSB = 2
    SBC = n_chunks // NSB
    assert n_chunks % NSB == 0 and SBC % 2 == 0
    rpt = NP // NS
    ZR = 32
    assert rpt % ZR == 0 and rpt % 8 == 0

    @functools.partial(
        pl.kernel,
        out_type=jax.ShapeDtypeStruct((NC, NP, D), jnp.float32),
        mesh=_mesh(),
        compiler_params=pltpu.CompilerParams(use_tc_tiling_on_sc=(D % 128 == 0)),
        scratch_types=[
            pltpu.VMEM_SHARED((NP, D), jnp.float32),
            pltpu.VMEM((SBC, K), jnp.int32),
            pltpu.VMEM((SBC, K), jnp.int32),
            pltpu.VMEM((2, K, D), jnp.float32),
            pltpu.VMEM((ZR, D), jnp.float32),
            pltpu.SemaphoreType.DMA,
            pltpu.SemaphoreType.DMA,
        ],
    )
    def agg_kernel(h_hbm, src_hbm, dst_hbm, out_hbm, agg, sidx, didx, rows, zbuf,
                   gsem0, gsem1):
        c = lax.axis_index("c")
        s = lax.axis_index("s")
        g = c * NS + s

        _zero_vmem_2d(zbuf, ZR, D)
        row0 = s * rpt
        for r in range(rpt // ZR):
            pltpu.sync_copy(zbuf, agg.at[pl.ds(row0 + r * ZR, ZR)])
        plsc.subcore_barrier()

        sems = (gsem0, gsem1)

        def fetch(i, slot):
            pltpu.async_copy(h_hbm.at[sidx.at[i]], rows.at[slot], sems[slot])

        def drain_scatter(i, slot):
            pltpu.make_async_copy(h_hbm.at[sidx.at[i]], rows.at[slot],
                                  sems[slot]).wait()
            pltpu.sync_copy(rows.at[slot], agg.at[didx.at[i]], add=True)

        for sb in range(NSB):
            crow = g * n_chunks + sb * SBC
            pltpu.sync_copy(src_hbm.at[pl.ds(crow, SBC)], sidx)
            pltpu.sync_copy(dst_hbm.at[pl.ds(crow, SBC)], didx)

            fetch(0, 0)

            def block(j, _):
                fetch(2 * j + 1, 1)
                drain_scatter(2 * j, 0)
                fetch(2 * j + 2, 0)
                drain_scatter(2 * j + 1, 1)
                return 0

            lax.fori_loop(0, SBC // 2 - 1, block, 0)
            fetch(SBC - 1, 1)
            drain_scatter(SBC - 2, 0)
            drain_scatter(SBC - 1, 1)

        plsc.subcore_barrier()
        pltpu.sync_copy(agg.at[pl.ds(row0, rpt)], out_hbm.at[c, pl.ds(row0, rpt)])

    return agg_kernel


def _tc_mm_scale(x, w, ns):
    def body(x_ref, w_ref, ns_ref, o_ref):
        o_ref[...] = (
            jnp.dot(x_ref[...], w_ref[...], preferred_element_type=jnp.float32)
            * ns_ref[...]
        )

    return pl.pallas_call(
        body,
        out_shape=jax.ShapeDtypeStruct((x.shape[0], w.shape[1]), jnp.float32),
    )(x, w, ns)


def _tc_layer_mid(aggp, nd, b1, w, ns):
    def body(ap_ref, nd_ref, b1_ref, w_ref, ns_ref, o_ref):
        a = ap_ref[0] + ap_ref[1]
        h = jnp.maximum(a * nd_ref[...] + b1_ref[...], 0.0)
        o_ref[...] = (
            jnp.dot(h, w_ref[...], preferred_element_type=jnp.float32) * ns_ref[...]
        )

    return pl.pallas_call(
        body,
        out_shape=jax.ShapeDtypeStruct((aggp.shape[1], w.shape[1]), jnp.float32),
    )(aggp, nd, b1, w, ns)


def _tc_final(aggp, nd, b2, D_out):
    N = nd.shape[0]

    def body(ap_ref, nd_ref, b2_ref, o_ref):
        o_ref[...] = (
            ap_ref[0, :N, :D_out] + ap_ref[1, :N, :D_out]
        ) * nd_ref[...] + b2_ref[...]

    return pl.pallas_call(
        body,
        out_shape=jax.ShapeDtypeStruct((N, D_out), jnp.float32),
    )(aggp, nd, b2)


def kernel(features, edge_index, W1, b1, W2, b2):
    N, D_in = features.shape
    E = edge_index.shape[1]
    D_hid = W1.shape[1]
    D_out = W2.shape[1]

    NP = ((N + NS * L - 1) // (NS * L)) * (NS * L)
    E_pad = ((E + NW * 2 * K - 1) // (NW * 2 * K)) * (NW * 2 * K)

    fill = N + (jnp.arange(E_pad - E, dtype=jnp.int32) % (NP - N))
    src = jnp.concatenate([edge_index[0].astype(jnp.int32), fill])
    dst = jnp.concatenate([edge_index[1].astype(jnp.int32), fill])
    src2 = src.reshape(E_pad // K, K)
    dst2 = dst.reshape(E_pad // K, K)
    xp = jnp.pad(features, ((0, NP - N), (0, 0)))

    degp = _make_degree_kernel(E_pad, NP)(src, dst)
    ns = lax.rsqrt(jnp.clip(degp[0, 0] + degp[1, 0], 1.0))[:, None]
    nd = lax.rsqrt(jnp.clip(degp[0, 1] + degp[1, 1], 1.0))[:, None]

    h1s = _tc_mm_scale(xp, W1, ns)
    aggp1 = _make_agg_kernel(NP, D_hid, E_pad)(h1s, src2, dst2)
    h2s = _tc_layer_mid(aggp1, nd, b1, W2, ns)
    aggp2 = _make_agg_kernel(NP, D_out, E_pad)(h2s, src2, dst2)
    return _tc_final(aggp2, nd[:N], b2, D_out)

# --- scband reference (transcript-rebuilt; emitter-appended) ---
"""Pipeline reference for scband-gcn-65292092833824 (READ-ONLY COPY).

The authoritative reference and input builder live on the scoring server;
editing this copy changes nothing except your own understanding.
"""

import jax, jax.numpy as jnp
import numpy as np

N_NODES = 10000
N_EDGES = 320000
D_IN = 128
D_HID = 128
D_OUT = 64


def setup_inputs(seed: int = 0) -> dict:
    key = jax.random.key(seed)
    k1, k2, k3, k4 = jax.random.split(key, 4)
    features = jax.random.normal(k1, (N_NODES, D_IN), dtype=jnp.float32)
    edge_index = jax.random.randint(k2, (2, N_EDGES), 0, N_NODES)
    W1 = jax.random.normal(k3, (D_IN, D_HID), dtype=jnp.float32) * (1.0 / np.sqrt(D_IN))
    b1 = jnp.zeros((D_HID,), dtype=jnp.float32)
    W2 = jax.random.normal(k4, (D_HID, D_OUT), dtype=jnp.float32) * (1.0 / np.sqrt(D_HID))
    b2 = jnp.zeros((D_OUT,), dtype=jnp.float32)
    return {"features": features, "edge_index": edge_index, "W1": W1, "b1": b1, "W2": W2, "b2": b2}


def _gcn_conv(x, src, dst, W, b):
    # DGL GraphConv with norm='both': h = D_in^{-1/2} A D_out^{-1/2} (x W) + b
    h = x @ W
    ones = jnp.ones((src.shape[0],), dtype=h.dtype)
    deg_out = jax.ops.segment_sum(ones, src, num_segments=N_NODES)
    deg_in = jax.ops.segment_sum(ones, dst, num_segments=N_NODES)
    norm_src = 1.0 / jnp.sqrt(jnp.clip(deg_out, 1.0))
    norm_dst = 1.0 / jnp.sqrt(jnp.clip(deg_in, 1.0))
    h = h * norm_src[:, None]
    agg = jax.ops.segment_sum(h[src], dst, num_segments=N_NODES)
    agg = agg * norm_dst[:, None]
    return agg + b


def reference(features, edge_index, W1, b1, W2, b2):
    src = edge_index[0]
    dst = edge_index[1]
    h = _gcn_conv(features, src, dst, W1, b1)
    h = jax.nn.relu(h)  # activation of gcn_layer1
    # dropout p=0.0 -> identity in this reference
    h = _gcn_conv(h, src, dst, W2, b2)  # gcn_layer2, no activation
    return h

if __name__ == "__main__":
    import jax
    _d = setup_inputs()
    print(jax.jit(kernel)(*tuple(_d.values())))

</pallas_src>

<mosaic_0001>
#map = affine_map<(d0, d1) -> (0)>
#map1 = affine_map<(d0, d1) -> (0, 0, 0)>
module attributes {stable_mosaic.version = 14 : i64} {
  func.func @deg_kernel(%arg0: i32, %arg1: i32, %arg2: memref<327680xi32, #tpu.memory_space<hbm>>, %arg3: memref<327680xi32, #tpu.memory_space<hbm>>, %arg4: memref<2x2x10240xf32, #tpu.memory_space<hbm>>, %arg5: memref<16x10240xf32, #tpu.memory_space<vmem_shared>>, %arg6: memref<16x10240xf32, #tpu.memory_space<vmem_shared>>, %arg7: memref<10240xf32, #tpu.memory_space<vmem>>, %arg8: memref<10240xf32, #tpu.memory_space<vmem>>, %arg9: memref<10240xi32, #tpu.memory_space<vmem>>, %arg10: memref<10240xi32, #tpu.memory_space<vmem>>, %arg11: memref<16x640xf32, #tpu.memory_space<vmem>>, %arg12: memref<640xf32, #tpu.memory_space<vmem>>) attributes {dimension_semantics = [#tpu.dimension_semantics<core_parallel>, #tpu.dimension_semantics<subcore_parallel>], iteration_bounds = array<i64: 2, 16>, scalar_prefetch = 0 : i64, scratch_operands = 8 : i64, tpu.core_type = #tpu.core_type<sc_vector_subcore>, window_params = [{transform_indices = #map}, {transform_indices = #map}, {transform_indices = #map1}]} {
    %mul3A = arith.constant 16 : i32
    %mul3A_0 = arith.muli %arg0, %mul3A : i32
    %add3A = arith.addi %mul3A_0, %arg1 : i32
    %mul3A_1 = arith.constant 10240 : i32
    %mul3A_2 = arith.muli %add3A, %mul3A_1 : i32
    "tpu.region"() ({
      %run_scoped3A_47 = tpu.sem_alloc : memref<!tpu.dma_semaphore, #tpu.memory_space<semaphore_mem>>
      %dma_start3A = tpu.memref_slice %arg2[%mul3A_2] : memref<327680xi32, #tpu.memory_space<hbm>> -> memref<10240xi32, #tpu.memory_space<hbm>>
      %dma_start3A_48 = tpu.memref_slice %arg2[%mul3A_2] : memref<327680xi32, #tpu.memory_space<hbm>> -> memref<10240xi32, #tpu.memory_space<hbm>>
      tpu.enqueue_dma source(%dma_start3A_48 : memref<10240xi32, #tpu.memory_space<hbm>>) target(%arg9 : memref<10240xi32, #tpu.memory_space<vmem>>) target_semaphore(%run_scoped3A_47 : memref<!tpu.dma_semaphore, #tpu.memory_space<semaphore_mem>>)
      %dma_wait3A = tpu.memref_slice %arg2[%mul3A_2] : memref<327680xi32, #tpu.memory_space<hbm>> -> memref<10240xi32, #tpu.memory_space<hbm>>
      %dma_wait3A_49 = tpu.memref_slice %arg2[%mul3A_2] : memref<327680xi32, #tpu.memory_space<hbm>> -> memref<10240xi32, #tpu.memory_space<hbm>>
      tpu.wait_dma2 semaphore(%run_scoped3A_47 : memref<!tpu.dma_semaphore, #tpu.memory_space<semaphore_mem>>) src(%dma_wait3A_49 : memref<10240xi32, #tpu.memory_space<hbm>>) dst(%arg9 : memref<10240xi32, #tpu.memory_space<vmem>>)
      tpu.yield
    }) : () -> ()
    %mul3A_3 = arith.constant 10240 : i32
    %mul3A_4 = arith.muli %add3A, %mul3A_3 : i32
    "tpu.region"() ({
      %run_scoped3A_47 = tpu.sem_alloc : memref<!tpu.dma_semaphore, #tpu.memory_space<semaphore_mem>>
      %dma_start3A = tpu.memref_slice %arg3[%mul3A_4] : memref<327680xi32, #tpu.memory_space<hbm>> -> memref<10240xi32, #tpu.memory_space<hbm>>
      %dma_start3A_48 = tpu.memref_slice %arg3[%mul3A_4] : memref<327680xi32, #tpu.memory_space<hbm>> -> memref<10240xi32, #tpu.memory_space<hbm>>
      tpu.enqueue_dma source(%dma_start3A_48 : memref<10240xi32, #tpu.memory_space<hbm>>) target(%arg10 : memref<10240xi32, #tpu.memory_space<vmem>>) target_semaphore(%run_scoped3A_47 : memref<!tpu.dma_semaphore, #tpu.memory_space<semaphore_mem>>)
      %dma_wait3A = tpu.memref_slice %arg3[%mul3A_4] : memref<327680xi32, #tpu.memory_space<hbm>> -> memref<10240xi32, #tpu.memory_space<hbm>>
      %dma_wait3A_49 = tpu.memref_slice %arg3[%mul3A_4] : memref<327680xi32, #tpu.memory_space<hbm>> -> memref<10240xi32, #tpu.memory_space<hbm>>
      tpu.wait_dma2 semaphore(%run_scoped3A_47 : memref<!tpu.dma_semaphore, #tpu.memory_space<semaphore_mem>>) src(%dma_wait3A_49 : memref<10240xi32, #tpu.memory_space<hbm>>) dst(%arg10 : memref<10240xi32, #tpu.memory_space<vmem>>)
      tpu.yield
    }) : () -> ()
    %broadcast_in_dim3A = arith.constant 0.000000e+00 : f32
    %broadcast_in_dim3A_5 = vector.broadcast %broadcast_in_dim3A : f32 to vector<16xf32>
    %scan3A = arith.constant 0 : i32
    %scan3A_6 = arith.constant 0 : i32
    %scan3A_7 = arith.constant 640 : i32
    %scan3A_8 = arith.addi %scan3A_6, %scan3A_7 : i32
    %scan3A_9 = arith.constant 1 : i32
    %scan3A_10 = scf.for %scan3A_47 = %scan3A_6 to %scan3A_8 step %scan3A_9 iter_args(%scan3A_48 = %scan3A) -> (i32)  : i32 {
      %mul3A_49 = arith.constant 16 : i32
      %mul3A_50 = arith.muli %scan3A_47, %mul3A_49 : i32
      %swap3A = arith.index_cast %mul3A_50 : i32 to index
      %swap3A_51 = tpu.vector_load %arg7[%swap3A] {strides = array<i32>} : memref<10240xf32, #tpu.memory_space<vmem>>, vector<16xf32>,
      tpu.vector_store %arg7[%swap3A], %broadcast_in_dim3A_5 {strides = array<i32>} : memref<10240xf32, #tpu.memory_space<vmem>>, vector<16xf32>,
      %scan3A_52 = arith.constant 0 : i32
      scf.yield %scan3A_52 : i32
    }
    %scan3A_11 = arith.constant 640 : i32
    %broadcast_in_dim3A_12 = arith.constant 0.000000e+00 : f32
    %broadcast_in_dim3A_13 = vector.broadcast %broadcast_in_dim3A_12 : f32 to vector<16xf32>
    %scan3A_14 = arith.constant 0 : i32
    %scan3A_15 = arith.constant 0 : i32
    %scan3A_16 = arith.constant 640 : i32
    %scan3A_17 = arith.addi %scan3A_15, %scan3A_16 : i32
    %scan3A_18 = arith.constant 1 : i32
    %scan3A_19 = scf.for %scan3A_47 = %scan3A_15 to %scan3A_17 step %scan3A_18 iter_args(%scan3A_48 = %scan3A_14) -> (i32)  : i32 {
      %mul3A_49 = arith.constant 16 : i32
      %mul3A_50 = arith.muli %scan3A_47, %mul3A_49 : i32
      %swap3A = arith.index_cast %mul3A_50 : i32 to index
      %swap3A_51 = tpu.vector_load %arg8[%swap3A] {strides = array<i32>} : memref<10240xf32, #tpu.memory_space<vmem>>, vector<16xf32>,
      tpu.vector_store %arg8[%swap3A], %broadcast_in_dim3A_13 {strides = array<i32>} : memref<10240xf32, #tpu.memory_space<vmem>>, vector<16xf32>,
      %scan3A_52 = arith.constant 0 : i32
      scf.yield %scan3A_52 : i32
    }
    %scan3A_20 = arith.constant 640 : i32
    %broadcast_in_dim3A_21 = arith.constant 1.000000e+00 : f32
    %broadcast_in_dim3A_22 = vector.broadcast %broadcast_in_dim3A_21 : f32 to vector<16xf32>
    %scan3A_23 = arith.constant 0 : i32
    %scan3A_24 = arith.constant 0 : i32
    %scan3A_25 = arith.constant 80 : i32
    %scan3A_26 = arith.addi %scan3A_24, %scan3A_25 : i32
    %scan3A_27 = arith.constant 1 : i32
    %scan3A_28 = scf.for %scan3A_47 = %scan3A_24 to %scan3A_26 step %scan3A_27 iter_args(%scan3A_48 = %scan3A_23) -> (i32)  : i32 {
      %mul3A_49 = arith.constant 128 : i32
      %mul3A_50 = arith.muli %scan3A_47, %mul3A_49 : i32
      %add3A_51 = arith.constant 0 : i32
      %add3A_52 = arith.addi %mul3A_50, %add3A_51 : i32
      %get3A = arith.index_cast %add3A_52 : i32 to index
      %get3A_53 = tpu.vector_load %arg9[%get3A] {strides = array<i32>} : memref<10240xi32, #tpu.memory_space<vmem>>, vector<16xi32>,
      tpu.vector_store_idx %arg7[%get3A_53], %broadcast_in_dim3A_22 {add = true} : memref<10240xf32, #tpu.memory_space<vmem>>[vector<16xi32>], vector<16xf32>,
      %add3A_54 = arith.constant 0 : i32
      %add3A_55 = arith.addi %mul3A_50, %add3A_54 : i32
      %get3A_56 = arith.index_cast %add3A_55 : i32 to index
      %get3A_57 = tpu.vector_load %arg10[%get3A_56] {strides = array<i32>} : memref<10240xi32, #tpu.memory_space<vmem>>, vector<16xi32>,
      tpu.vector_store_idx %arg8[%get3A_57], %broadcast_in_dim3A_22 {add = true} : memref<10240xf32, #tpu.memory_space<vmem>>[vector<16xi32>], vector<16xf32>,
      %add3A_58 = arith.constant 16 : i32
      %add3A_59 = arith.addi %mul3A_50, %add3A_58 : i32
      %get3A_60 = arith.index_cast %add3A_59 : i32 to index
      %get3A_61 = tpu.vector_load %arg9[%get3A_60] {strides = array<i32>} : memref<10240xi32, #tpu.memory_space<vmem>>, vector<16xi32>,
      tpu.vector_store_idx %arg7[%get3A_61], %broadcast_in_dim3A_22 {add = true} : memref<10240xf32, #tpu.memory_space<vmem>>[vector<16xi32>], vector<16xf32>,
      %add3A_62 = arith.constant 16 : i32
      %add3A_63 = arith.addi %mul3A_50, %add3A_62 : i32
      %get3A_64 = arith.index_cast %add3A_63 : i32 to index
      %get3A_65 = tpu.vector_load %arg10[%get3A_64] {strides = array<i32>} : memref<10240xi32, #tpu.memory_space<vmem>>, vector<16xi32>,
      tpu.vector_store_idx %arg8[%get3A_65], %broadcast_in_dim3A_22 {add = true} : memref<10240xf32, #tpu.memory_space<vmem>>[vector<16xi32>], vector<16xf32>,
      %add3A_66 = arith.constant 32 : i32
      %add3A_67 = arith.addi %mul3A_50, %add3A_66 : i32
      %get3A_68 = arith.index_cast %add3A_67 : i32 to index
      %get3A_69 = tpu.vector_load %arg9[%get3A_68] {strides = array<i32>} : memref<10240xi32, #tpu.memory_space<vmem>>, vector<16xi32>,
      tpu.vector_store_idx %arg7[%get3A_69], %broadcast_in_dim3A_22 {add = true} : memref<10240xf32, #tpu.memory_space<vmem>>[vector<16xi32>], vector<16xf32>,
      %add3A_70 = arith.constant 32 : i32
      %add3A_71 = arith.addi %mul3A_50, %add3A_70 : i32
      %get3A_72 = arith.index_cast %add3A_71 : i32 to index
      %get3A_73 = tpu.vector_load %arg10[%get3A_72] {strides = array<i32>} : memref<10240xi32, #tpu.memory_space<vmem>>, vector<16xi32>,
      tpu.vector_store_idx %arg8[%get3A_73], %broadcast_in_dim3A_22 {add = true} : memref<10240xf32, #tpu.memory_space<vmem>>[vector<16xi32>], vector<16xf32>,
      %add3A_74 = arith.constant 48 : i32
      %add3A_75 = arith.addi %mul3A_50, %add3A_74 : i32
      %get3A_76 = arith.index_cast %add3A_75 : i32 to index
      %get3A_77 = tpu.vector_load %arg9[%get3A_76] {strides = array<i32>} : memref<10240xi32, #tpu.memory_space<vmem>>, vector<16xi32>,
      tpu.vector_store_idx %arg7[%get3A_77], %broadcast_in_dim3A_22 {add = true} : memref<10240xf32, #tpu.memory_space<vmem>>[vector<16xi32>], vector<16xf32>,
      %add3A_78 = arith.constant 48 : i32
      %add3A_79 = arith.addi %mul3A_50, %add3A_78 : i32
      %get3A_80 = arith.index_cast %add3A_79 : i32 to index
      %get3A_81 = tpu.vector_load %arg10[%get3A_80] {strides = array<i32>} : memref<10240xi32, #tpu.memory_space<vmem>>, vector<16xi32>,
      tpu.vector_store_idx %arg8[%get3A_81], %broadcast_in_dim3A_22 {add = true} : memref<10240xf32, #tpu.memory_space<vmem>>[vector<16xi32>], vector<16xf32>,
      %add3A_82 = arith.constant 64 : i32
      %add3A_83 = arith.addi %mul3A_50, %add3A_82 : i32
      %get3A_84 = arith.index_cast %add3A_83 : i32 to index
      %get3A_85 = tpu.vector_load %arg9[%get3A_84] {strides = array<i32>} : memref<10240xi32, #tpu.memory_space<vmem>>, vector<16xi32>,
      tpu.vector_store_idx %arg7[%get3A_85], %broadcast_in_dim3A_22 {add = true} : memref<10240xf32, #tpu.memory_space<vmem>>[vector<16xi32>], vector<16xf32>,
      %add3A_86 = arith.constant 64 : i32
      %add3A_87 = arith.addi %mul3A_50, %add3A_86 : i32
      %get3A_88 = arith.index_cast %add3A_87 : i32 to index
      %get3A_89 = tpu.vector_load %arg10[%get3A_88] {strides = array<i32>} : memref<10240xi32, #tpu.memory_space<vmem>>, vector<16xi32>,
      tpu.vector_store_idx %arg8[%get3A_89], %broadcast_in_dim3A_22 {add = true} : memref<10240xf32, #tpu.memory_space<vmem>>[vector<16xi32>], vector<16xf32>,
      %add3A_90 = arith.constant 80 : i32
      %add3A_91 = arith.addi %mul3A_50, %add3A_90 : i32
      %get3A_92 = arith.index_cast %add3A_91 : i32 to index
      %get3A_93 = tpu.vector_load %arg9[%get3A_92] {strides = array<i32>} : memref<10240xi32, #tpu.memory_space<vmem>>, vector<16xi32>,
      tpu.vector_store_idx %arg7[%get3A_93], %broadcast_in_dim3A_22 {add = true} : memref<10240xf32, #tpu.memory_space<vmem>>[vector<16xi32>], vector<16xf32>,
      %add3A_94 = arith.constant 80 : i32
      %add3A_95 = arith.addi %mul3A_50, %add3A_94 : i32
      %get3A_96 = arith.index_cast %add3A_95 : i32 to index
      %get3A_97 = tpu.vector_load %arg10[%get3A_96] {strides = array<i32>} : memref<10240xi32, #tpu.memory_space<vmem>>, vector<16xi32>,
      tpu.vector_store_idx %arg8[%get3A_97], %broadcast_in_dim3A_22 {add = true} : memref<10240xf32, #tpu.memory_space<vmem>>[vector<16xi32>], vector<16xf32>,
      %add3A_98 = arith.constant 96 : i32
      %add3A_99 = arith.addi %mul3A_50, %add3A_98 : i32
      %get3A_100 = arith.index_cast %add3A_99 : i32 to index
      %get3A_101 = tpu.vector_load %arg9[%get3A_100] {strides = array<i32>} : memref<10240xi32, #tpu.memory_space<vmem>>, vector<16xi32>,
      tpu.vector_store_idx %arg7[%get3A_101], %broadcast_in_dim3A_22 {add = true} : memref<10240xf32, #tpu.memory_space<vmem>>[vector<16xi32>], vector<16xf32>,
      %add3A_102 = arith.constant 96 : i32
      %add3A_103 = arith.addi %mul3A_50, %add3A_102 : i32
      %get3A_104 = arith.index_cast %add3A_103 : i32 to index
      %get3A_105 = tpu.vector_load %arg10[%get3A_104] {strides = array<i32>} : memref<10240xi32, #tpu.memory_space<vmem>>, vector<16xi32>,
      tpu.vector_store_idx %arg8[%get3A_105], %broadcast_in_dim3A_22 {add = true} : memref<10240xf32, #tpu.memory_space<vmem>>[vector<16xi32>], vector<16xf32>,
      %add3A_106 = arith.constant 112 : i32
      %add3A_107 = arith.addi %mul3A_50, %add3A_106 : i32
      %get3A_108 = arith.index_cast %add3A_107 : i32 to index
      %get3A_109 = tpu.vector_load %arg9[%get3A_108] {strides = array<i32>} : memref<10240xi32, #tpu.memory_space<vmem>>, vector<16xi32>,
      tpu.vector_store_idx %arg7[%get3A_109], %broadcast_in_dim3A_22 {add = true} : memref<10240xf32, #tpu.memory_space<vmem>>[vector<16xi32>], vector<16xf32>,
      %add3A_110 = arith.constant 112 : i32
      %add3A_111 = arith.addi %mul3A_50, %add3A_110 : i32
      %get3A_112 = arith.index_cast %add3A_111 : i32 to index
      %get3A_113 = tpu.vector_load %arg10[%get3A_112] {strides = array<i32>} : memref<10240xi32, #tpu.memory_space<vmem>>, vector<16xi32>,
      tpu.vector_store_idx %arg8[%get3A_113], %broadcast_in_dim3A_22 {add = true} : memref<10240xf32, #tpu.memory_space<vmem>>[vector<16xi32>], vector<16xf32>,
      %scan3A_114 = arith.constant 0 : i32
      scf.yield %scan3A_114 : i32
    }
    %scan3A_29 = arith.constant 80 : i32
    "tpu.region"() ({
      %run_scoped3A_47 = tpu.sem_alloc : memref<!tpu.dma_semaphore, #tpu.memory_space<semaphore_mem>>
      %dma_start3A = arith.constant 0 : i32
      %dma_start3A_48 = tpu.memref_slice %arg5[%arg1, %dma_start3A] : memref<16x10240xf32, #tpu.memory_space<vmem_shared>> -> memref<1x10240xf32, #tpu.memory_space<vmem_shared>>
      %dma_start3A_49 = tpu.memref_squeeze %dma_start3A_48 : memref<1x10240xf32, #tpu.memory_space<vmem_shared>> -> memref<10240xf32, #tpu.memory_space<vmem_shared>>
      %dma_start3A_50 = arith.constant 0 : i32
      %dma_start3A_51 = tpu.memref_slice %arg5[%arg1, %dma_start3A_50] : memref<16x10240xf32, #tpu.memory_space<vmem_shared>> -> memref<1x10240xf32, #tpu.memory_space<vmem_shared>>
      %dma_start3A_52 = tpu.memref_squeeze %dma_start3A_51 : memref<1x10240xf32, #tpu.memory_space<vmem_shared>> -> memref<10240xf32, #tpu.memory_space<vmem_shared>>
      tpu.enqueue_dma source(%arg7 : memref<10240xf32, #tpu.memory_space<vmem>>) target(%dma_start3A_52 : memref<10240xf32, #tpu.memory_space<vmem_shared>>) target_semaphore(%run_scoped3A_47 : memref<!tpu.dma_semaphore, #tpu.memory_space<semaphore_mem>>)
      %dma_wait3A = arith.constant 0 : i32
      %dma_wait3A_53 = tpu.memref_slice %arg5[%arg1, %dma_wait3A] : memref<16x10240xf32, #tpu.memory_space<vmem_shared>> -> memref<1x10240xf32, #tpu.memory_space<vmem_shared>>
      %dma_wait3A_54 = tpu.memref_squeeze %dma_wait3A_53 : memref<1x10240xf32, #tpu.memory_space<vmem_shared>> -> memref<10240xf32, #tpu.memory_space<vmem_shared>>
      %dma_wait3A_55 = arith.constant 0 : i32
      %dma_wait3A_56 = tpu.memref_slice %arg5[%arg1, %dma_wait3A_55] : memref<16x10240xf32, #tpu.memory_space<vmem_shared>> -> memref<1x10240xf32, #tpu.memory_space<vmem_shared>>
      %dma_wait3A_57 = tpu.memref_squeeze %dma_wait3A_56 : memref<1x10240xf32, #tpu.memory_space<vmem_shared>> -> memref<10240xf32, #tpu.memory_space<vmem_shared>>
      tpu.wait_dma2 semaphore(%run_scoped3A_47 : memref<!tpu.dma_semaphore, #tpu.memory_space<semaphore_mem>>) src(%arg7 : memref<10240xf32, #tpu.memory_space<vmem>>) dst(%dma_wait3A_57 : memref<10240xf32, #tpu.memory_space<vmem_shared>>)
      tpu.yield
    }) : () -> ()
    "tpu.region"() ({
      %run_scoped3A_47 = tpu.sem_alloc : memref<!tpu.dma_semaphore, #tpu.memory_space<semaphore_mem>>
      %dma_start3A = arith.constant 0 : i32
      %dma_start3A_48 = tpu.memref_slice %arg6[%arg1, %dma_start3A] : memref<16x10240xf32, #tpu.memory_space<vmem_shared>> -> memref<1x10240xf32, #tpu.memory_space<vmem_shared>>
      %dma_start3A_49 = tpu.memref_squeeze %dma_start3A_48 : memref<1x10240xf32, #tpu.memory_space<vmem_shared>> -> memref<10240xf32, #tpu.memory_space<vmem_shared>>
      %dma_start3A_50 = arith.constant 0 : i32
      %dma_start3A_51 = tpu.memref_slice %arg6[%arg1, %dma_start3A_50] : memref<16x10240xf32, #tpu.memory_space<vmem_shared>> -> memref<1x10240xf32, #tpu.memory_space<vmem_shared>>
      %dma_start3A_52 = tpu.memref_squeeze %dma_start3A_51 : memref<1x10240xf32, #tpu.memory_space<vmem_shared>> -> memref<10240xf32, #tpu.memory_space<vmem_shared>>
      tpu.enqueue_dma source(%arg8 : memref<10240xf32, #tpu.memory_space<vmem>>) target(%dma_start3A_52 : memref<10240xf32, #tpu.memory_space<vmem_shared>>) target_semaphore(%run_scoped3A_47 : memref<!tpu.dma_semaphore, #tpu.memory_space<semaphore_mem>>)
      %dma_wait3A = arith.constant 0 : i32
      %dma_wait3A_53 = tpu.memref_slice %arg6[%arg1, %dma_wait3A] : memref<16x10240xf32, #tpu.memory_space<vmem_shared>> -> memref<1x10240xf32, #tpu.memory_space<vmem_shared>>
      %dma_wait3A_54 = tpu.memref_squeeze %dma_wait3A_53 : memref<1x10240xf32, #tpu.memory_space<vmem_shared>> -> memref<10240xf32, #tpu.memory_space<vmem_shared>>
      %dma_wait3A_55 = arith.constant 0 : i32
      %dma_wait3A_56 = tpu.memref_slice %arg6[%arg1, %dma_wait3A_55] : memref<16x10240xf32, #tpu.memory_space<vmem_shared>> -> memref<1x10240xf32, #tpu.memory_space<vmem_shared>>
      %dma_wait3A_57 = tpu.memref_squeeze %dma_wait3A_56 : memref<1x10240xf32, #tpu.memory_space<vmem_shared>> -> memref<10240xf32, #tpu.memory_space<vmem_shared>>
      tpu.wait_dma2 semaphore(%run_scoped3A_47 : memref<!tpu.dma_semaphore, #tpu.memory_space<semaphore_mem>>) src(%arg8 : memref<10240xf32, #tpu.memory_space<vmem>>) dst(%dma_wait3A_57 : memref<10240xf32, #tpu.memory_space<vmem_shared>>)
      tpu.yield
    }) : () -> ()
    %barrier3A = arith.constant 0 : index
    tpu.barrier barrier_id(%barrier3A)
    %mul3A_30 = arith.constant 640 : i32
    %mul3A_31 = arith.muli %arg1, %mul3A_30 : i32
    "tpu.region"() ({
      %run_scoped3A_47 = tpu.sem_alloc : memref<!tpu.dma_semaphore, #tpu.memory_space<semaphore_mem>>
      %dma_start3A = arith.constant 0 : i32
      %dma_start3A_48 = tpu.memref_slice %arg5[%dma_start3A, %mul3A_31] : memref<16x10240xf32, #tpu.memory_space<vmem_shared>> -> memref<16x640xf32, #tpu.memory_space<vmem_shared>>
      %dma_start3A_49 = arith.constant 0 : i32
      %dma_start3A_50 = tpu.memref_slice %arg5[%dma_start3A_49, %mul3A_31] : memref<16x10240xf32, #tpu.memory_space<vmem_shared>> -> memref<16x640xf32, #tpu.memory_space<vmem_shared>>
      tpu.enqueue_dma source(%dma_start3A_50 : memref<16x640xf32, #tpu.memory_space<vmem_shared>>) target(%arg11 : memref<16x640xf32, #tpu.memory_space<vmem>>) target_semaphore(%run_scoped3A_47 : memref<!tpu.dma_semaphore, #tpu.memory_space<semaphore_mem>>)
      %dma_wait3A = arith.constant 0 : i32
      %dma_wait3A_51 = tpu.memref_slice %arg5[%dma_wait3A, %mul3A_31] : memref<16x10240xf32, #tpu.memory_space<vmem_shared>> -> memref<16x640xf32, #tpu.memory_space<vmem_shared>>
      %dma_wait3A_52 = arith.constant 0 : i32
      %dma_wait3A_53 = tpu.memref_slice %arg5[%dma_wait3A_52, %mul3A_31] : memref<16x10240xf32, #tpu.memory_space<vmem_shared>> -> memref<16x640xf32, #tpu.memory_space<vmem_shared>>
      tpu.wait_dma2 semaphore(%run_scoped3A_47 : memref<!tpu.dma_semaphore, #tpu.memory_space<semaphore_mem>>) src(%dma_wait3A_53 : memref<16x640xf32, #tpu.memory_space<vmem_shared>>) dst(%arg11 : memref<16x640xf32, #tpu.memory_space<vmem>>)
      tpu.yield
    }) : () -> ()
    %scan3A_32 = arith.constant 0 : i32
    %scan3A_33 = arith.constant 0 : i32
    %scan3A_34 = arith.constant 40 : i32
    %scan3A_35 = arith.addi %scan3A_33, %scan3A_34 : i32
    %scan3A_36 = arith.constant 1 : i32
    %scan3A_37 = scf.for %scan3A_47 = %scan3A_33 to %scan3A_35 step %scan3A_36 iter_args(%scan3A_48 = %scan3A_32) -> (i32)  : i32 {
      %mul3A_49 = arith.constant 16 : i32
      %mul3A_50 = arith.muli %scan3A_47, %mul3A_49 : i32
      %get3A = arith.constant 0 : i32
      %get3A_51 = arith.index_cast %get3A : i32 to index
      %get3A_52 = arith.index_cast %mul3A_50 : i32 to index
      %get3A_53 = tpu.vector_load %arg11[%get3A_51, %get3A_52] {strides = array<i32>} : memref<16x640xf32, #tpu.memory_space<vmem>>, vector<16xf32>,
      %mul3A_54 = arith.constant 16 : i32
      %mul3A_55 = arith.muli %scan3A_47, %mul3A_54 : i32
      %get3A_56 = arith.constant 1 : i32
      %get3A_57 = arith.index_cast %get3A_56 : i32 to index
      %get3A_58 = arith.index_cast %mul3A_55 : i32 to index
      %get3A_59 = tpu.vector_load %arg11[%get3A_57, %get3A_58] {strides = array<i32>} : memref<16x640xf32, #tpu.memory_space<vmem>>, vector<16xf32>,
      %add3A_60 = arith.addf %get3A_53, %get3A_59 : vector<16xf32>
      %mul3A_61 = arith.constant 16 : i32
      %mul3A_62 = arith.muli %scan3A_47, %mul3A_61 : i32
      %get3A_63 = arith.constant 2 : i32
      %get3A_64 = arith.index_cast %get3A_63 : i32 to index
      %get3A_65 = arith.index_cast %mul3A_62 : i32 to index
      %get3A_66 = tpu.vector_load %arg11[%get3A_64, %get3A_65] {strides = array<i32>} : memref<16x640xf32, #tpu.memory_space<vmem>>, vector<16xf32>,
      %add3A_67 = arith.addf %add3A_60, %get3A_66 : vector<16xf32>
      %mul3A_68 = arith.constant 16 : i32
      %mul3A_69 = arith.muli %scan3A_47, %mul3A_68 : i32
      %get3A_70 = arith.constant 3 : i32
      %get3A_71 = arith.index_cast %get3A_70 : i32 to index
      %get3A_72 = arith.index_cast %mul3A_69 : i32 to index
      %get3A_73 = tpu.vector_load %arg11[%get3A_71, %get3A_72] {strides = array<i32>} : memref<16x640xf32, #tpu.memory_space<vmem>>, vector<16xf32>,
      %add3A_74 = arith.addf %add3A_67, %get3A_73 : vector<16xf32>
      %mul3A_75 = arith.constant 16 : i32
      %mul3A_76 = arith.muli %scan3A_47, %mul3A_75 : i32
      %get3A_77 = arith.constant 4 : i32
      %get3A_78 = arith.index_cast %get3A_77 : i32 to index
      %get3A_79 = arith.index_cast %mul3A_76 : i32 to index
      %get3A_80 = tpu.vector_load %arg11[%get3A_78, %get3A_79] {strides = array<i32>} : memref<16x640xf32, #tpu.memory_space<vmem>>, vector<16xf32>,
      %add3A_81 = arith.addf %add3A_74, %get3A_80 : vector<16xf32>
      %mul3A_82 = arith.constant 16 : i32
      %mul3A_83 = arith.muli %scan3A_47, %mul3A_82 : i32
      %get3A_84 = arith.constant 5 : i32
      %get3A_85 = arith.index_cast %get3A_84 : i32 to index
      %get3A_86 = arith.index_cast %mul3A_83 : i32 to index
      %get3A_87 = tpu.vector_load %arg11[%get3A_85, %get3A_86] {strides = array<i32>} : memref<16x640xf32, #tpu.memory_space<vmem>>, vector<16xf32>,
      %add3A_88 = arith.addf %add3A_81, %get3A_87 : vector<16xf32>
      %mul3A_89 = arith.constant 16 : i32
      %mul3A_90 = arith.muli %scan3A_47, %mul3A_89 : i32
      %get3A_91 = arith.constant 6 : i32
      %get3A_92 = arith.index_cast %get3A_91 : i32 to index
      %get3A_93 = arith.index_cast %mul3A_90 : i32 to index
      %get3A_94 = tpu.vector_load %arg11[%get3A_92, %get3A_93] {strides = array<i32>} : memref<16x640xf32, #tpu.memory_space<vmem>>, vector<16xf32>,
      %add3A_95 = arith.addf %add3A_88, %get3A_94 : vector<16xf32>
      %mul3A_96 = arith.constant 16 : i32
      %mul3A_97 = arith.muli %scan3A_47, %mul3A_96 : i32
      %get3A_98 = arith.constant 7 : i32
      %get3A_99 = arith.index_cast %get3A_98 : i32 to index
      %get3A_100 = arith.index_cast %mul3A_97 : i32 to index
      %get3A_101 = tpu.vector_load %arg11[%get3A_99, %get3A_100] {strides = array<i32>} : memref<16x640xf32, #tpu.memory_space<vmem>>, vector<16xf32>,
      %add3A_102 = arith.addf %add3A_95, %get3A_101 : vector<16xf32>
      %mul3A_103 = arith.constant 16 : i32
      %mul3A_104 = arith.muli %scan3A_47, %mul3A_103 : i32
      %get3A_105 = arith.constant 8 : i32
      %get3A_106 = arith.index_cast %get3A_105 : i32 to index
      %get3A_107 = arith.index_cast %mul3A_104 : i32 to index
      %get3A_108 = tpu.vector_load %arg11[%get3A_106, %get3A_107] {strides = array<i32>} : memref<16x640xf32, #tpu.memory_space<vmem>>, vector<16xf32>,
      %add3A_109 = arith.addf %add3A_102, %get3A_108 : vector<16xf32>
      %mul3A_110 = arith.constant 16 : i32
      %mul3A_111 = arith.muli %scan3A_47, %mul3A_110 : i32
      %get3A_112 = arith.constant 9 : i32
      %get3A_113 = arith.index_cast %get3A_112 : i32 to index
      %get3A_114 = arith.index_cast %mul3A_111 : i32 to index
      %get3A_115 = tpu.vector_load %arg11[%get3A_113, %get3A_114] {strides = array<i32>} : memref<16x640xf32, #tpu.memory_space<vmem>>, vector<16xf32>,
      %add3A_116 = arith.addf %add3A_109, %get3A_115 : vector<16xf32>
      %mul3A_117 = arith.constant 16 : i32
      %mul3A_118 = arith.muli %scan3A_47, %mul3A_117 : i32
      %get3A_119 = arith.constant 10 : i32
      %get3A_120 = arith.index_cast %get3A_119 : i32 to index
      %get3A_121 = arith.index_cast %mul3A_118 : i32 to index
      %get3A_122 = tpu.vector_load %arg11[%get3A_120, %get3A_121] {strides = array<i32>} : memref<16x640xf32, #tpu.memory_space<vmem>>, vector<16xf32>,
      %add3A_123 = arith.addf %add3A_116, %get3A_122 : vector<16xf32>
      %mul3A_124 = arith.constant 16 : i32
      %mul3A_125 = arith.muli %scan3A_47, %mul3A_124 : i32
      %get3A_126 = arith.constant 11 : i32
      %get3A_127 = arith.index_cast %get3A_126 : i32 to index
      %get3A_128 = arith.index_cast %mul3A_125 : i32 to index
      %get3A_129 = tpu.vector_load %arg11[%get3A_127, %get3A_128] {strides = array<i32>} : memref<16x640xf32, #tpu.memory_space<vmem>>, vector<16xf32>,
      %add3A_130 = arith.addf %add3A_123, %get3A_129 : vector<16xf32>
      %mul3A_131 = arith.constant 16 : i32
      %mul3A_132 = arith.muli %scan3A_47, %mul3A_131 : i32
      %get3A_133 = arith.constant 12 : i32
      %get3A_134 = arith.index_cast %get3A_133 : i32 to index
      %get3A_135 = arith.index_cast %mul3A_132 : i32 to index
      %get3A_136 = tpu.vector_load %arg11[%get3A_134, %get3A_135] {strides = array<i32>} : memref<16x640xf32, #tpu.memory_space<vmem>>, vector<16xf32>,
      %add3A_137 = arith.addf %add3A_130, %get3A_136 : vector<16xf32>
      %mul3A_138 = arith.constant 16 : i32
      %mul3A_139 = arith.muli %scan3A_47, %mul3A_138 : i32
      %get3A_140 = arith.constant 13 : i32
      %get3A_141 = arith.index_cast %get3A_140 : i32 to index
      %get3A_142 = arith.index_cast %mul3A_139 : i32 to index
      %get3A_143 = tpu.vector_load %arg11[%get3A_141, %get3A_142] {strides = array<i32>} : memref<16x640xf32, #tpu.memory_space<vmem>>, vector<16xf32>,
      %add3A_144 = arith.addf %add3A_137, %get3A_143 : vector<16xf32>
      %mul3A_145 = arith.constant 16 : i32
      %mul3A_146 = arith.muli %scan3A_47, %mul3A_145 : i32
      %get3A_147 = arith.constant 14 : i32
      %get3A_148 = arith.index_cast %get3A_147 : i32 to index
      %get3A_149 = arith.index_cast %mul3A_146 : i32 to index
      %get3A_150 = tpu.vector_load %arg11[%get3A_148, %get3A_149] {strides = array<i32>} : memref<16x640xf32, #tpu.memory_space<vmem>>, vector<16xf32>,
      %add3A_151 = arith.addf %add3A_144, %get3A_150 : vector<16xf32>
      %mul3A_152 = arith.constant 16 : i32
      %mul3A_153 = arith.muli %scan3A_47, %mul3A_152 : i32
      %get3A_154 = arith.constant 15 : i32
      %get3A_155 = arith.index_cast %get3A_154 : i32 to index
      %get3A_156 = arith.index_cast %mul3A_153 : i32 to index
      %get3A_157 = tpu.vector_load %arg11[%get3A_155, %get3A_156] {strides = array<i32>} : memref<16x640xf32, #tpu.memory_space<vmem>>, vector<16xf32>,
      %add3A_158 = arith.addf %add3A_151, %get3A_157 : vector<16xf32>
      %mul3A_159 = arith.constant 16 : i32
      %mul3A_160 = arith.muli %scan3A_47, %mul3A_159 : i32
      %swap3A = arith.index_cast %mul3A_160 : i32 to index
      %swap3A_161 = tpu.vector_load %arg12[%swap3A] {strides = array<i32>} : memref<640xf32, #tpu.memory_space<vmem>>, vector<16xf32>,
      tpu.vector_store %arg12[%swap3A], %add3A_158 {strides = array<i32>} : memref<640xf32, #tpu.memory_space<vmem>>, vector<16xf32>,
      %scan3A_162 = arith.constant 0 : i32
      scf.yield %scan3A_162 : i32
    }
    %scan3A_38 = arith.constant 40 : i32
    %run_scoped3A = arith.constant 0 : i32
    "tpu.region"() ({
      %run_scoped3A_47 = tpu.sem_alloc : memref<!tpu.dma_semaphore, #tpu.memory_space<semaphore_mem>>
      %dma_start3A = tpu.memref_slice %arg4[%arg0, %run_scoped3A, %mul3A_31] : memref<2x2x10240xf32, #tpu.memory_space<hbm>> -> memref<1x1x640xf32, #tpu.memory_space<hbm>>
      %dma_start3A_48 = tpu.memref_squeeze %dma_start3A : memref<1x1x640xf32, #tpu.memory_space<hbm>> -> memref<640xf32, #tpu.memory_space<hbm>>
      %dma_start3A_49 = tpu.memref_slice %arg4[%arg0, %run_scoped3A, %mul3A_31] : memref<2x2x10240xf32, #tpu.memory_space<hbm>> -> memref<1x1x640xf32, #tpu.memory_space<hbm>>
      %dma_start3A_50 = tpu.memref_squeeze %dma_start3A_49 : memref<1x1x640xf32, #tpu.memory_space<hbm>> -> memref<640xf32, #tpu.memory_space<hbm>>
      tpu.enqueue_dma source(%arg12 : memref<640xf32, #tpu.memory_space<vmem>>) target(%dma_start3A_50 : memref<640xf32, #tpu.memory_space<hbm>>) target_semaphore(%run_scoped3A_47 : memref<!tpu.dma_semaphore, #tpu.memory_space<semaphore_mem>>)
      %dma_wait3A = tpu.memref_slice %arg4[%arg0, %run_scoped3A, %mul3A_31] : memref<2x2x10240xf32, #tpu.memory_space<hbm>> -> memref<1x1x640xf32, #tpu.memory_space<hbm>>
      %dma_wait3A_51 = tpu.memref_squeeze %dma_wait3A : memref<1x1x640xf32, #tpu.memory_space<hbm>> -> memref<640xf32, #tpu.memory_space<hbm>>
      %dma_wait3A_52 = tpu.memref_slice %arg4[%arg0, %run_scoped3A, %mul3A_31] : memref<2x2x10240xf32, #tpu.memory_space<hbm>> -> memref<1x1x640xf32, #tpu.memory_space<hbm>>
      %dma_wait3A_53 = tpu.memref_squeeze %dma_wait3A_52 : memref<1x1x640xf32, #tpu.memory_space<hbm>> -> memref<640xf32, #tpu.memory_space<hbm>>
      tpu.wait_dma2 semaphore(%run_scoped3A_47 : memref<!tpu.dma_semaphore, #tpu.memory_space<semaphore_mem>>) src(%arg12 : memref<640xf32, #tpu.memory_space<vmem>>) dst(%dma_wait3A_53 : memref<640xf32, #tpu.memory_space<hbm>>)
      tpu.yield
    }) : () -> ()
    "tpu.region"() ({
      %run_scoped3A_47 = tpu.sem_alloc : memref<!tpu.dma_semaphore, #tpu.memory_space<semaphore_mem>>
      %dma_start3A = arith.constant 0 : i32
      %dma_start3A_48 = tpu.memref_slice %arg6[%dma_start3A, %mul3A_31] : memref<16x10240xf32, #tpu.memory_space<vmem_shared>> -> memref<16x640xf32, #tpu.memory_space<vmem_shared>>
      %dma_start3A_49 = arith.constant 0 : i32
      %dma_start3A_50 = tpu.memref_slice %arg6[%dma_start3A_49, %mul3A_31] : memref<16x10240xf32, #tpu.memory_space<vmem_shared>> -> memref<16x640xf32, #tpu.memory_space<vmem_shared>>
      tpu.enqueue_dma source(%dma_start3A_50 : memref<16x640xf32, #tpu.memory_space<vmem_shared>>) target(%arg11 : memref<16x640xf32, #tpu.memory_space<vmem>>) target_semaphore(%run_scoped3A_47 : memref<!tpu.dma_semaphore, #tpu.memory_space<semaphore_mem>>)
      %dma_wait3A = arith.constant 0 : i32
      %dma_wait3A_51 = tpu.memref_slice %arg6[%dma_wait3A, %mul3A_31] : memref<16x10240xf32, #tpu.memory_space<vmem_shared>> -> memref<16x640xf32, #tpu.memory_space<vmem_shared>>
      %dma_wait3A_52 = arith.constant 0 : i32
      %dma_wait3A_53 = tpu.memref_slice %arg6[%dma_wait3A_52, %mul3A_31] : memref<16x10240xf32, #tpu.memory_space<vmem_shared>> -> memref<16x640xf32, #tpu.memory_space<vmem_shared>>
      tpu.wait_dma2 semaphore(%run_scoped3A_47 : memref<!tpu.dma_semaphore, #tpu.memory_space<semaphore_mem>>) src(%dma_wait3A_53 : memref<16x640xf32, #tpu.memory_space<vmem_shared>>) dst(%arg11 : memref<16x640xf32, #tpu.memory_space<vmem>>)
      tpu.yield
    }) : () -> ()
    %scan3A_39 = arith.constant 0 : i32
    %scan3A_40 = arith.constant 0 : i32
    %scan3A_41 = arith.constant 40 : i32
    %scan3A_42 = arith.addi %scan3A_40, %scan3A_41 : i32
    %scan3A_43 = arith.constant 1 : i32
    %scan3A_44 = scf.for %scan3A_47 = %scan3A_40 to %scan3A_42 step %scan3A_43 iter_args(%scan3A_48 = %scan3A_39) -> (i32)  : i32 {
      %mul3A_49 = arith.constant 16 : i32
      %mul3A_50 = arith.muli %scan3A_47, %mul3A_49 : i32
      %get3A = arith.constant 0 : i32
      %get3A_51 = arith.index_cast %get3A : i32 to index
      %get3A_52 = arith.index_cast %mul3A_50 : i32 to index
      %get3A_53 = tpu.vector_load %arg11[%get3A_51, %get3A_52] {strides = array<i32>} : memref<16x640xf32, #tpu.memory_space<vmem>>, vector<16xf32>,
      %mul3A_54 = arith.constant 16 : i32
      %mul3A_55 = arith.muli %scan3A_47, %mul3A_54 : i32
      %get3A_56 = arith.constant 1 : i32
      %get3A_57 = arith.index_cast %get3A_56 : i32 to index
      %get3A_58 = arith.index_cast %mul3A_55 : i32 to index
      %get3A_59 = tpu.vector_load %arg11[%get3A_57, %get3A_58] {strides = array<i32>} : memref<16x640xf32, #tpu.memory_space<vmem>>, vector<16xf32>,
      %add3A_60 = arith.addf %get3A_53, %get3A_59 : vector<16xf32>
      %mul3A_61 = arith.constant 16 : i32
      %mul3A_62 = arith.muli %scan3A_47, %mul3A_61 : i32
      %get3A_63 = arith.constant 2 : i32
      %get3A_64 = arith.index_cast %get3A_63 : i32 to index
      %get3A_65 = arith.index_cast %mul3A_62 : i32 to index
      %get3A_66 = tpu.vector_load %arg11[%get3A_64, %get3A_65] {strides = array<i32>} : memref<16x640xf32, #tpu.memory_space<vmem>>, vector<16xf32>,
      %add3A_67 = arith.addf %add3A_60, %get3A_66 : vector<16xf32>
      %mul3A_68 = arith.constant 16 : i32
      %mul3A_69 = arith.muli %scan3A_47, %mul3A_68 : i32
      %get3A_70 = arith.constant 3 : i32
      %get3A_71 = arith.index_cast %get3A_70 : i32 to index
      %get3A_72 = arith.index_cast %mul3A_69 : i32 to index
      %get3A_73 = tpu.vector_load %arg11[%get3A_71, %get3A_72] {strides = array<i32>} : memref<16x640xf32, #tpu.memory_space<vmem>>, vector<16xf32>,
      %add3A_74 = arith.addf %add3A_67, %get3A_73 : vector<16xf32>
      %mul3A_75 = arith.constant 16 : i32
      %mul3A_76 = arith.muli %scan3A_47, %mul3A_75 : i32
      %get3A_77 = arith.constant 4 : i32
      %get3A_78 = arith.index_cast %get3A_77 : i32 to index
      %get3A_79 = arith.index_cast %mul3A_76 : i32 to index
      %get3A_80 = tpu.vector_load %arg11[%get3A_78, %get3A_79] {strides = array<i32>} : memref<16x640xf32, #tpu.memory_space<vmem>>, vector<16xf32>,
      %add3A_81 = arith.addf %add3A_74, %get3A_80 : vector<16xf32>
      %mul3A_82 = arith.constant 16 : i32
      %mul3A_83 = arith.muli %scan3A_47, %mul3A_82 : i32
      %get3A_84 = arith.constant 5 : i32
      %get3A_85 = arith.index_cast %get3A_84 : i32 to index
      %get3A_86 = arith.index_cast %mul3A_83 : i32 to index
      %get3A_87 = tpu.vector_load %arg11[%get3A_85, %get3A_86] {strides = array<i32>} : memref<16x640xf32, #tpu.memory_space<vmem>>, vector<16xf32>,
      %add3A_88 = arith.addf %add3A_81, %get3A_87 : vector<16xf32>
      %mul3A_89 = arith.constant 16 : i32
      %mul3A_90 = arith.muli %scan3A_47, %mul3A_89 : i32
      %get3A_91 = arith.constant 6 : i32
      %get3A_92 = arith.index_cast %get3A_91 : i32 to index
      %get3A_93 = arith.index_cast %mul3A_90 : i32 to index
      %get3A_94 = tpu.vector_load %arg11[%get3A_92, %get3A_93] {strides = array<i32>} : memref<16x640xf32, #tpu.memory_space<vmem>>, vector<16xf32>,
      %add3A_95 = arith.addf %add3A_88, %get3A_94 : vector<16xf32>
      %mul3A_96 = arith.constant 16 : i32
      %mul3A_97 = arith.muli %scan3A_47, %mul3A_96 : i32
      %get3A_98 = arith.constant 7 : i32
      %get3A_99 = arith.index_cast %get3A_98 : i32 to index
      %get3A_100 = arith.index_cast %mul3A_97 : i32 to index
      %get3A_101 = tpu.vector_load %arg11[%get3A_99, %get3A_100] {strides = array<i32>} : memref<16x640xf32, #tpu.memory_space<vmem>>, vector<16xf32>,
      %add3A_102 = arith.addf %add3A_95, %get3A_101 : vector<16xf32>
      %mul3A_103 = arith.constant 16 : i32
      %mul3A_104 = arith.muli %scan3A_47, %mul3A_103 : i32
      %get3A_105 = arith.constant 8 : i32
      %get3A_106 = arith.index_cast %get3A_105 : i32 to index
      %get3A_107 = arith.index_cast %mul3A_104 : i32 to index
      %get3A_108 = tpu.vector_load %arg11[%get3A_106, %get3A_107] {strides = array<i32>} : memref<16x640xf32, #tpu.memory_space<vmem>>, vector<16xf32>,
      %add3A_109 = arith.addf %add3A_102, %get3A_108 : vector<16xf32>
      %mul3A_110 = arith.constant 16 : i32
      %mul3A_111 = arith.muli %scan3A_47, %mul3A_110 : i32
      %get3A_112 = arith.constant 9 : i32
      %get3A_113 = arith.index_cast %get3A_112 : i32 to index
      %get3A_114 = arith.index_cast %mul3A_111 : i32 to index
      %get3A_115 = tpu.vector_load %arg11[%get3A_113, %get3A_114] {strides = array<i32>} : memref<16x640xf32, #tpu.memory_space<vmem>>, vector<16xf32>,
      %add3A_116 = arith.addf %add3A_109, %get3A_115 : vector<16xf32>
      %mul3A_117 = arith.constant 16 : i32
      %mul3A_118 = arith.muli %scan3A_47, %mul3A_117 : i32
      %get3A_119 = arith.constant 10 : i32
      %get3A_120 = arith.index_cast %get3A_119 : i32 to index
      %get3A_121 = arith.index_cast %mul3A_118 : i32 to index
      %get3A_122 = tpu.vector_load %arg11[%get3A_120, %get3A_121] {strides = array<i32>} : memref<16x640xf32, #tpu.memory_space<vmem>>, vector<16xf32>,
      %add3A_123 = arith.addf %add3A_116, %get3A_122 : vector<16xf32>
      %mul3A_124 = arith.constant 16 : i32
      %mul3A_125 = arith.muli %scan3A_47, %mul3A_124 : i32
      %get3A_126 = arith.constant 11 : i32
      %get3A_127 = arith.index_cast %get3A_126 : i32 to index
      %get3A_128 = arith.index_cast %mul3A_125 : i32 to index
      %get3A_129 = tpu.vector_load %arg11[%get3A_127, %get3A_128] {strides = array<i32>} : memref<16x640xf32, #tpu.memory_space<vmem>>, vector<16xf32>,
      %add3A_130 = arith.addf %add3A_123, %get3A_129 : vector<16xf32>
      %mul3A_131 = arith.constant 16 : i32
      %mul3A_132 = arith.muli %scan3A_47, %mul3A_131 : i32
      %get3A_133 = arith.constant 12 : i32
      %get3A_134 = arith.index_cast %get3A_133 : i32 to index
      %get3A_135 = arith.index_cast %mul3A_132 : i32 to index
      %get3A_136 = tpu.vector_load %arg11[%get3A_134, %get3A_135] {strides = array<i32>} : memref<16x640xf32, #tpu.memory_space<vmem>>, vector<16xf32>,
      %add3A_137 = arith.addf %add3A_130, %get3A_136 : vector<16xf32>
      %mul3A_138 = arith.constant 16 : i32
      %mul3A_139 = arith.muli %scan3A_47, %mul3A_138 : i32
      %get3A_140 = arith.constant 13 : i32
      %get3A_141 = arith.index_cast %get3A_140 : i32 to index
      %get3A_142 = arith.index_cast %mul3A_139 : i32 to index
      %get3A_143 = tpu.vector_load %arg11[%get3A_141, %get3A_142] {strides = array<i32>} : memref<16x640xf32, #tpu.memory_space<vmem>>, vector<16xf32>,
      %add3A_144 = arith.addf %add3A_137, %get3A_143 : vector<16xf32>
      %mul3A_145 = arith.constant 16 : i32
      %mul3A_146 = arith.muli %scan3A_47, %mul3A_145 : i32
      %get3A_147 = arith.constant 14 : i32
      %get3A_148 = arith.index_cast %get3A_147 : i32 to index
      %get3A_149 = arith.index_cast %mul3A_146 : i32 to index
      %get3A_150 = tpu.vector_load %arg11[%get3A_148, %get3A_149] {strides = array<i32>} : memref<16x640xf32, #tpu.memory_space<vmem>>, vector<16xf32>,
      %add3A_151 = arith.addf %add3A_144, %get3A_150 : vector<16xf32>
      %mul3A_152 = arith.constant 16 : i32
      %mul3A_153 = arith.muli %scan3A_47, %mul3A_152 : i32
      %get3A_154 = arith.constant 15 : i32
      %get3A_155 = arith.index_cast %get3A_154 : i32 to index
      %get3A_156 = arith.index_cast %mul3A_153 : i32 to index
      %get3A_157 = tpu.vector_load %arg11[%get3A_155, %get3A_156] {strides = array<i32>} : memref<16x640xf32, #tpu.memory_space<vmem>>, vector<16xf32>,
      %add3A_158 = arith.addf %add3A_151, %get3A_157 : vector<16xf32>
      %mul3A_159 = arith.constant 16 : i32
      %mul3A_160 = arith.muli %scan3A_47, %mul3A_159 : i32
      %swap3A = arith.index_cast %mul3A_160 : i32 to index
      %swap3A_161 = tpu.vector_load %arg12[%swap3A] {strides = array<i32>} : memref<640xf32, #tpu.memory_space<vmem>>, vector<16xf32>,
      tpu.vector_store %arg12[%swap3A], %add3A_158 {strides = array<i32>} : memref<640xf32, #tpu.memory_space<vmem>>, vector<16xf32>,
      %scan3A_162 = arith.constant 0 : i32
      scf.yield %scan3A_162 : i32
    }
    %scan3A_45 = arith.constant 40 : i32
    %run_scoped3A_46 = arith.constant 1 : i32
    "tpu.region"() ({
      %run_scoped3A_47 = tpu.sem_alloc : memref<!tpu.dma_semaphore, #tpu.memory_space<semaphore_mem>>
      %dma_start3A = tpu.memref_slice %arg4[%arg0, %run_scoped3A_46, %mul3A_31] : memref<2x2x10240xf32, #tpu.memory_space<hbm>> -> memref<1x1x640xf32, #tpu.memory_space<hbm>>
      %dma_start3A_48 = tpu.memref_squeeze %dma_start3A : memref<1x1x640xf32, #tpu.memory_space<hbm>> -> memref<640xf32, #tpu.memory_space<hbm>>
      %dma_start3A_49 = tpu.memref_slice %arg4[%arg0, %run_scoped3A_46, %mul3A_31] : memref<2x2x10240xf32, #tpu.memory_space<hbm>> -> memref<1x1x640xf32, #tpu.memory_space<hbm>>
      %dma_start3A_50 = tpu.memref_squeeze %dma_start3A_49 : memref<1x1x640xf32, #tpu.memory_space<hbm>> -> memref<640xf32, #tpu.memory_space<hbm>>
      tpu.enqueue_dma source(%arg12 : memref<640xf32, #tpu.memory_space<vmem>>) target(%dma_start3A_50 : memref<640xf32, #tpu.memory_space<hbm>>) target_semaphore(%run_scoped3A_47 : memref<!tpu.dma_semaphore, #tpu.memory_space<semaphore_mem>>)
      %dma_wait3A = tpu.memref_slice %arg4[%arg0, %run_scoped3A_46, %mul3A_31] : memref<2x2x10240xf32, #tpu.memory_space<hbm>> -> memref<1x1x640xf32, #tpu.memory_space<hbm>>
      %dma_wait3A_51 = tpu.memref_squeeze %dma_wait3A : memref<1x1x640xf32, #tpu.memory_space<hbm>> -> memref<640xf32, #tpu.memory_space<hbm>>
      %dma_wait3A_52 = tpu.memref_slice %arg4[%arg0, %run_scoped3A_46, %mul3A_31] : memref<2x2x10240xf32, #tpu.memory_space<hbm>> -> memref<1x1x640xf32, #tpu.memory_space<hbm>>
      %dma_wait3A_53 = tpu.memref_squeeze %dma_wait3A_52 : memref<1x1x640xf32, #tpu.memory_space<hbm>> -> memref<640xf32, #tpu.memory_space<hbm>>
      tpu.wait_dma2 semaphore(%run_scoped3A_47 : memref<!tpu.dma_semaphore, #tpu.memory_space<semaphore_mem>>) src(%arg12 : memref<640xf32, #tpu.memory_space<vmem>>) dst(%dma_wait3A_53 : memref<640xf32, #tpu.memory_space<hbm>>)
      tpu.yield
    }) : () -> ()
    return
  }
}

#map = affine_map<(d0, d1) -> (0, 0)>
#map1 = affine_map<(d0, d1) -> (0, 0, 0)>
module attributes {stable_mosaic.version = 14 : i64} {
  func.func @agg_kernel(%arg0: i32, %arg1: i32, %arg2: memref<10240x128xf32, #tpu.memory_space<hbm>>, %arg3: memref<2560x128xi32, #tpu.memory_space<hbm>>, %arg4: memref<2560x128xi32, #tpu.memory_space<hbm>>, %arg5: memref<2x10240x128xf32, #tpu.memory_space<hbm>>, %arg6: memref<10240x128xf32, #tpu.memory_space<vmem_shared>>, %arg7: memref<40x128xi32, #tpu.memory_space<vmem>>, %arg8: memref<40x128xi32, #tpu.memory_space<vmem>>, %arg9: memref<2x128x128xf32, #tpu.memory_space<vmem>>, %arg10: memref<32x128xf32, #tpu.memory_space<vmem>>, %arg11: memref<!tpu.dma_semaphore, #tpu.memory_space<semaphore_mem>>, %arg12: memref<!tpu.dma_semaphore, #tpu.memory_space<semaphore_mem>>) attributes {dimension_semantics = [#tpu.dimension_semantics<core_parallel>, #tpu.dimension_semantics<subcore_parallel>], iteration_bounds = array<i64: 2, 16>, scalar_prefetch = 0 : i64, scratch_operands = 7 : i64, tpu.core_type = #tpu.core_type<sc_vector_subcore>, window_params = [{transform_indices = #map}, {transform_indices = #map}, {transform_indices = #map}, {transform_indices = #map1}]} {
    %mul3A = arith.constant 16 : i32
    %mul3A_0 = arith.muli %arg0, %mul3A : i32
    %add3A = arith.addi %mul3A_0, %arg1 : i32
    %broadcast_in_dim3A = arith.constant 0.000000e+00 : f32
    %broadcast_in_dim3A_1 = vector.broadcast %broadcast_in_dim3A : f32 to vector<16xf32>
    %scan3A = arith.constant 0 : i32
    %scan3A_2 = arith.constant 0 : i32
    %scan3A_3 = arith.constant 32 : i32
    %scan3A_4 = arith.addi %scan3A_2, %scan3A_3 : i32
    %scan3A_5 = arith.constant 1 : i32
    %scan3A_6 = scf.for %scan3A_174 = %scan3A_2 to %scan3A_4 step %scan3A_5 iter_args(%scan3A_175 = %scan3A) -> (i32)  : i32 {
      %swap3A = arith.index_cast %scan3A_174 : i32 to index
      %swap3A_176 = arith.constant 0 : index
      %swap3A_177 = tpu.vector_load %arg10[%swap3A, %swap3A_176] {strides = array<i32>} : memref<32x128xf32, #tpu.memory_space<vmem>>, vector<1x16xf32>,
      %swap3A_178 = vector.shape_cast %swap3A_177 : vector<1x16xf32> to vector<16xf32>
      %swap3A_179 = vector.shape_cast %broadcast_in_dim3A_1 : vector<16xf32> to vector<1x16xf32>
      tpu.vector_store %arg10[%swap3A, %swap3A_176], %swap3A_179 {strides = array<i32>} : memref<32x128xf32, #tpu.memory_space<vmem>>, vector<1x16xf32>,
      %swap3A_180 = arith.index_cast %scan3A_174 : i32 to index
      %swap3A_181 = arith.constant 16 : index
      %swap3A_182 = tpu.vector_load %arg10[%swap3A_180, %swap3A_181] {strides = array<i32>} : memref<32x128xf32, #tpu.memory_space<vmem>>, vector<1x16xf32>,
      %swap3A_183 = vector.shape_cast %swap3A_182 : vector<1x16xf32> to vector<16xf32>
      %swap3A_184 = vector.shape_cast %broadcast_in_dim3A_1 : vector<16xf32> to vector<1x16xf32>
      tpu.vector_store %arg10[%swap3A_180, %swap3A_181], %swap3A_184 {strides = array<i32>} : memref<32x128xf32, #tpu.memory_space<vmem>>, vector<1x16xf32>,
      %swap3A_185 = arith.index_cast %scan3A_174 : i32 to index
      %swap3A_186 = arith.constant 32 : index
      %swap3A_187 = tpu.vector_load %arg10[%swap3A_185, %swap3A_186] {strides = array<i32>} : memref<32x128xf32, #tpu.memory_space<vmem>>, vector<1x16xf32>,
      %swap3A_188 = vector.shape_cast %swap3A_187 : vector<1x16xf32> to vector<16xf32>
      %swap3A_189 = vector.shape_cast %broadcast_in_dim3A_1 : vector<16xf32> to vector<1x16xf32>
      tpu.vector_store %arg10[%swap3A_185, %swap3A_186], %swap3A_189 {strides = array<i32>} : memref<32x128xf32, #tpu.memory_space<vmem>>, vector<1x16xf32>,
      %swap3A_190 = arith.index_cast %scan3A_174 : i32 to index
      %swap3A_191 = arith.constant 48 : index
      %swap3A_192 = tpu.vector_load %arg10[%swap3A_190, %swap3A_191] {strides = array<i32>} : memref<32x128xf32, #tpu.memory_space<vmem>>, vector<1x16xf32>,
      %swap3A_193 = vector.shape_cast %swap3A_192 : vector<1x16xf32> to vector<16xf32>
      %swap3A_194 = vector.shape_cast %broadcast_in_dim3A_1 : vector<16xf32> to vector<1x16xf32>
      tpu.vector_store %arg10[%swap3A_190, %swap3A_191], %swap3A_194 {strides = array<i32>} : memref<32x128xf32, #tpu.memory_space<vmem>>, vector<1x16xf32>,
      %swap3A_195 = arith.index_cast %scan3A_174 : i32 to index
      %swap3A_196 = arith.constant 64 : index
      %swap3A_197 = tpu.vector_load %arg10[%swap3A_195, %swap3A_196] {strides = array<i32>} : memref<32x128xf32, #tpu.memory_space<vmem>>, vector<1x16xf32>,
      %swap3A_198 = vector.shape_cast %swap3A_197 : vector<1x16xf32> to vector<16xf32>
      %swap3A_199 = vector.shape_cast %broadcast_in_dim3A_1 : vector<16xf32> to vector<1x16xf32>
      tpu.vector_store %arg10[%swap3A_195, %swap3A_196], %swap3A_199 {strides = array<i32>} : memref<32x128xf32, #tpu.memory_space<vmem>>, vector<1x16xf32>,
      %swap3A_200 = arith.index_cast %scan3A_174 : i32 to index
      %swap3A_201 = arith.constant 80 : index
      %swap3A_202 = tpu.vector_load %arg10[%swap3A_200, %swap3A_201] {strides = array<i32>} : memref<32x128xf32, #tpu.memory_space<vmem>>, vector<1x16xf32>,
      %swap3A_203 = vector.shape_cast %swap3A_202 : vector<1x16xf32> to vector<16xf32>
      %swap3A_204 = vector.shape_cast %broadcast_in_dim3A_1 : vector<16xf32> to vector<1x16xf32>
      tpu.vector_store %arg10[%swap3A_200, %swap3A_201], %swap3A_204 {strides = array<i32>} : memref<32x128xf32, #tpu.memory_space<vmem>>, vector<1x16xf32>,
      %swap3A_205 = arith.index_cast %scan3A_174 : i32 to index
      %swap3A_206 = arith.constant 96 : index
      %swap3A_207 = tpu.vector_load %arg10[%swap3A_205, %swap3A_206] {strides = array<i32>} : memref<32x128xf32, #tpu.memory_space<vmem>>, vector<1x16xf32>,
      %swap3A_208 = vector.shape_cast %swap3A_207 : vector<1x16xf32> to vector<16xf32>
      %swap3A_209 = vector.shape_cast %broadcast_in_dim3A_1 : vector<16xf32> to vector<1x16xf32>
      tpu.vector_store %arg10[%swap3A_205, %swap3A_206], %swap3A_209 {strides = array<i32>} : memref<32x128xf32, #tpu.memory_space<vmem>>, vector<1x16xf32>,
      %swap3A_210 = arith.index_cast %scan3A_174 : i32 to index
      %swap3A_211 = arith.constant 112 : index
      %swap3A_212 = tpu.vector_load %arg10[%swap3A_210, %swap3A_211] {strides = array<i32>} : memref<32x128xf32, #tpu.memory_space<vmem>>, vector<1x16xf32>,
      %swap3A_213 = vector.shape_cast %swap3A_212 : vector<1x16xf32> to vector<16xf32>
      %swap3A_214 = vector.shape_cast %broadcast_in_dim3A_1 : vector<16xf32> to vector<1x16xf32>
      tpu.vector_store %arg10[%swap3A_210, %swap3A_211], %swap3A_214 {strides = array<i32>} : memref<32x128xf32, #tpu.memory_space<vmem>>, vector<1x16xf32>,
      %scan3A_215 = arith.constant 0 : i32
      scf.yield %scan3A_215 : i32
    }
    %scan3A_7 = arith.constant 32 : i32
    %mul3A_8 = arith.constant 640 : i32
    %mul3A_9 = arith.muli %arg1, %mul3A_8 : i32
    %add3A_10 = arith.constant 0 : i32
    %add3A_11 = arith.addi %mul3A_9, %add3A_10 : i32
    "tpu.region"() ({
      %run_scoped3A_174 = tpu.sem_alloc : memref<!tpu.dma_semaphore, #tpu.memory_space<semaphore_mem>>
      %dma_start3A_175 = arith.constant 0 : i32
      %dma_start3A_176 = tpu.memref_slice %arg6[%add3A_11, %dma_start3A_175] : memref<10240x128xf32, #tpu.memory_space<vmem_shared>> -> memref<32x128xf32, #tpu.memory_space<vmem_shared>>
      %dma_start3A_177 = arith.constant 0 : i32
      %dma_start3A_178 = tpu.memref_slice %arg6[%add3A_11, %dma_start3A_177] : memref<10240x128xf32, #tpu.memory_space<vmem_shared>> -> memref<32x128xf32, #tpu.memory_space<vmem_shared>>
      tpu.enqueue_dma source(%arg10 : memref<32x128xf32, #tpu.memory_space<vmem>>) target(%dma_start3A_178 : memref<32x128xf32, #tpu.memory_space<vmem_shared>>) target_semaphore(%run_scoped3A_174 : memref<!tpu.dma_semaphore, #tpu.memory_space<semaphore_mem>>)
      %dma_wait3A_179 = arith.constant 0 : i32
      %dma_wait3A_180 = tpu.memref_slice %arg6[%add3A_11, %dma_wait3A_179] : memref<10240x128xf32, #tpu.memory_space<vmem_shared>> -> memref<32x128xf32, #tpu.memory_space<vmem_shared>>
      %dma_wait3A_181 = arith.constant 0 : i32
      %dma_wait3A_182 = tpu.memref_slice %arg6[%add3A_11, %dma_wait3A_181] : memref<10240x128xf32, #tpu.memory_space<vmem_shared>> -> memref<32x128xf32, #tpu.memory_space<vmem_shared>>
      tpu.wait_dma2 semaphore(%run_scoped3A_174 : memref<!tpu.dma_semaphore, #tpu.memory_space<semaphore_mem>>) src(%arg10 : memref<32x128xf32, #tpu.memory_space<vmem>>) dst(%dma_wait3A_182 : memref<32x128xf32, #tpu.memory_space<vmem_shared>>)
      tpu.yield
    }) : () -> ()
    %add3A_12 = arith.constant 32 : i32
    %add3A_13 = arith.addi %mul3A_9, %add3A_12 : i32
    "tpu.region"() ({
      %run_scoped3A_174 = tpu.sem_alloc : memref<!tpu.dma_semaphore, #tpu.memory_space<semaphore_mem>>
      %dma_start3A_175 = arith.constant 0 : i32
      %dma_start3A_176 = tpu.memref_slice %arg6[%add3A_13, %dma_start3A_175] : memref<10240x128xf32, #tpu.memory_space<vmem_shared>> -> memref<32x128xf32, #tpu.memory_space<vmem_shared>>
      %dma_start3A_177 = arith.constant 0 : i32
      %dma_start3A_178 = tpu.memref_slice %arg6[%add3A_13, %dma_start3A_177] : memref<10240x128xf32, #tpu.memory_space<vmem_shared>> -> memref<32x128xf32, #tpu.memory_space<vmem_shared>>
      tpu.enqueue_dma source(%arg10 : memref<32x128xf32, #tpu.memory_space<vmem>>) target(%dma_start3A_178 : memref<32x128xf32, #tpu.memory_space<vmem_shared>>) target_semaphore(%run_scoped3A_174 : memref<!tpu.dma_semaphore, #tpu.memory_space<semaphore_mem>>)
      %dma_wait3A_179 = arith.constant 0 : i32
      %dma_wait3A_180 = tpu.memref_slice %arg6[%add3A_13, %dma_wait3A_179] : memref<10240x128xf32, #tpu.memory_space<vmem_shared>> -> memref<32x128xf32, #tpu.memory_space<vmem_shared>>
      %dma_wait3A_181 = arith.constant 0 : i32
      %dma_wait3A_182 = tpu.memref_slice %arg6[%add3A_13, %dma_wait3A_181] : memref<10240x128xf32, #tpu.memory_space<vmem_shared>> -> memref<32x128xf32, #tpu.memory_space<vmem_shared>>
      tpu.wait_dma2 semaphore(%run_scoped3A_174 : memref<!tpu.dma_semaphore, #tpu.memory_space<semaphore_mem>>) src(%arg10 : memref<32x128xf32, #tpu.memory_space<vmem>>) dst(%dma_wait3A_182 : memref<32x128xf32, #tpu.memory_space<vmem_shared>>)
      tpu.yield
    }) : () -> ()
    %add3A_14 = arith.constant 64 : i32
    %add3A_15 = arith.addi %mul3A_9, %add3A_14 : i32
    "tpu.region"() ({
      %run_scoped3A_174 = tpu.sem_alloc : memref<!tpu.dma_semaphore, #tpu.memory_space<semaphore_mem>>
      %dma_start3A_175 = arith.constant 0 : i32
      %dma_start3A_176 = tpu.memref_slice %arg6[%add3A_15, %dma_start3A_175] : memref<10240x128xf32, #tpu.memory_space<vmem_shared>> -> memref<32x128xf32, #tpu.memory_space<vmem_shared>>
      %dma_start3A_177 = arith.constant 0 : i32
      %dma_start3A_178 = tpu.memref_slice %arg6[%add3A_15, %dma_start3A_177] : memref<10240x128xf32, #tpu.memory_space<vmem_shared>> -> memref<32x128xf32, #tpu.memory_space<vmem_shared>>
      tpu.enqueue_dma source(%arg10 : memref<32x128xf32, #tpu.memory_space<vmem>>) target(%dma_start3A_178 : memref<32x128xf32, #tpu.memory_space<vmem_shared>>) target_semaphore(%run_scoped3A_174 : memref<!tpu.dma_semaphore, #tpu.memory_space<semaphore_mem>>)
      %dma_wait3A_179 = arith.constant 0 : i32
      %dma_wait3A_180 = tpu.memref_slice %arg6[%add3A_15, %dma_wait3A_179] : memref<10240x128xf32, #tpu.memory_space<vmem_shared>> -> memref<32x128xf32, #tpu.memory_space<vmem_shared>>
      %dma_wait3A_181 = arith.constant 0 : i32
      %dma_wait3A_182 = tpu.memref_slice %arg6[%add3A_15, %dma_wait3A_181] : memref<10240x128xf32, #tpu.memory_space<vmem_shared>> -> memref<32x128xf32, #tpu.memory_space<vmem_shared>>
      tpu.wait_dma2 semaphore(%run_scoped3A_174 : memref<!tpu.dma_semaphore, #tpu.memory_space<semaphore_mem>>) src(%arg10 : memref<32x128xf32, #tpu.memory_space<vmem>>) dst(%dma_wait3A_182 : memref<32x128xf32, #tpu.memory_space<vmem_shared>>)
      tpu.yield
    }) : () -> ()
    %add3A_16 = arith.constant 96 : i32
    %add3A_17 = arith.addi %mul3A_9, %add3A_16 : i32
    "tpu.region"() ({
      %run_scoped3A_174 = tpu.sem_alloc : memref<!tpu.dma_semaphore, #tpu.memory_space<semaphore_mem>>
      %dma_start3A_175 = arith.constant 0 : i32
      %dma_start3A_176 = tpu.memref_slice %arg6[%add3A_17, %dma_start3A_175] : memref<10240x128xf32, #tpu.memory_space<vmem_shared>> -> memref<32x128xf32, #tpu.memory_space<vmem_shared>>
      %dma_start3A_177 = arith.constant 0 : i32
      %dma_start3A_178 = tpu.memref_slice %arg6[%add3A_17, %dma_start3A_177] : memref<10240x128xf32, #tpu.memory_space<vmem_shared>> -> memref<32x128xf32, #tpu.memory_space<vmem_shared>>
      tpu.enqueue_dma source(%arg10 : memref<32x128xf32, #tpu.memory_space<vmem>>) target(%dma_start3A_178 : memref<32x128xf32, #tpu.memory_space<vmem_shared>>) target_semaphore(%run_scoped3A_174 : memref<!tpu.dma_semaphore, #tpu.memory_space<semaphore_mem>>)
      %dma_wait3A_179 = arith.constant 0 : i32
      %dma_wait3A_180 = tpu.memref_slice %arg6[%add3A_17, %dma_wait3A_179] : memref<10240x128xf32, #tpu.memory_space<vmem_shared>> -> memref<32x128xf32, #tpu.memory_space<vmem_shared>>
      %dma_wait3A_181 = arith.constant 0 : i32
      %dma_wait3A_182 = tpu.memref_slice %arg6[%add3A_17, %dma_wait3A_181] : memref<10240x128xf32, #tpu.memory_space<vmem_shared>> -> memref<32x128xf32, #tpu.memory_space<vmem_shared>>
      tpu.wait_dma2 semaphore(%run_scoped3A_174 : memref<!tpu.dma_semaphore, #tpu.memory_space<semaphore_mem>>) src(%arg10 : memref<32x128xf32, #tpu.memory_space<vmem>>) dst(%dma_wait3A_182 : memref<32x128xf32, #tpu.memory_space<vmem_shared>>)
      tpu.yield
    }) : () -> ()
    %add3A_18 = arith.constant 128 : i32
    %add3A_19 = arith.addi %mul3A_9, %add3A_18 : i32
    "tpu.region"() ({
      %run_scoped3A_174 = tpu.sem_alloc : memref<!tpu.dma_semaphore, #tpu.memory_space<semaphore_mem>>
      %dma_start3A_175 = arith.constant 0 : i32
      %dma_start3A_176 = tpu.memref_slice %arg6[%add3A_19, %dma_start3A_175] : memref<10240x128xf32, #tpu.memory_space<vmem_shared>> -> memref<32x128xf32, #tpu.memory_space<vmem_shared>>
      %dma_start3A_177 = arith.constant 0 : i32
      %dma_start3A_178 = tpu.memref_slice %arg6[%add3A_19, %dma_start3A_177] : memref<10240x128xf32, #tpu.memory_space<vmem_shared>> -> memref<32x128xf32, #tpu.memory_space<vmem_shared>>
      tpu.enqueue_dma source(%arg10 : memref<32x128xf32, #tpu.memory_space<vmem>>) target(%dma_start3A_178 : memref<32x128xf32, #tpu.memory_space<vmem_shared>>) target_semaphore(%run_scoped3A_174 : memref<!tpu.dma_semaphore, #tpu.memory_space<semaphore_mem>>)
      %dma_wait3A_179 = arith.constant 0 : i32
      %dma_wait3A_180 = tpu.memref_slice %arg6[%add3A_19, %dma_wait3A_179] : memref<10240x128xf32, #tpu.memory_space<vmem_shared>> -> memref<32x128xf32, #tpu.memory_space<vmem_shared>>
      %dma_wait3A_181 = arith.constant 0 : i32
      %dma_wait3A_182 = tpu.memref_slice %arg6[%add3A_19, %dma_wait3A_181] : memref<10240x128xf32, #tpu.memory_space<vmem_shared>> -> memref<32x128xf32, #tpu.memory_space<vmem_shared>>
      tpu.wait_dma2 semaphore(%run_scoped3A_174 : memref<!tpu.dma_semaphore, #tpu.memory_space<semaphore_mem>>) src(%arg10 : memref<32x128xf32, #tpu.memory_space<vmem>>) dst(%dma_wait3A_182 : memref<32x128xf32, #tpu.memory_space<vmem_shared>>)
      tpu.yield
    }) : () -> ()
    %add3A_20 = arith.constant 160 : i32
    %add3A_21 = arith.addi %mul3A_9, %add3A_20 : i32
    "tpu.region"() ({
      %run_scoped3A_174 = tpu.sem_alloc : memref<!tpu.dma_semaphore, #tpu.memory_space<semaphore_mem>>
      %dma_start3A_175 = arith.constant 0 : i32
      %dma_start3A_176 = tpu.memref_slice %arg6[%add3A_21, %dma_start3A_175] : memref<10240x128xf32, #tpu.memory_space<vmem_shared>> -> memref<32x128xf32, #tpu.memory_space<vmem_shared>>
      %dma_start3A_177 = arith.constant 0 : i32
      %dma_start3A_178 = tpu.memref_slice %arg6[%add3A_21, %dma_start3A_177] : memref<10240x128xf32, #tpu.memory_space<vmem_shared>> -> memref<32x128xf32, #tpu.memory_space<vmem_shared>>
      tpu.enqueue_dma source(%arg10 : memref<32x128xf32, #tpu.memory_space<vmem>>) target(%dma_start3A_178 : memref<32x128xf32, #tpu.memory_space<vmem_shared>>) target_semaphore(%run_scoped3A_174 : memref<!tpu.dma_semaphore, #tpu.memory_space<semaphore_mem>>)
      %dma_wait3A_179 = arith.constant 0 : i32
      %dma_wait3A_180 = tpu.memref_slice %arg6[%add3A_21, %dma_wait3A_179] : memref<10240x128xf32, #tpu.memory_space<vmem_shared>> -> memref<32x128xf32, #tpu.memory_space<vmem_shared>>
      %dma_wait3A_181 = arith.constant 0 : i32
      %dma_wait3A_182 = tpu.memref_slice %arg6[%add3A_21, %dma_wait3A_181] : memref<10240x128xf32, #tpu.memory_space<vmem_shared>> -> memref<32x128xf32, #tpu.memory_space<vmem_shared>>
      tpu.wait_dma2 semaphore(%run_scoped3A_174 : memref<!tpu.dma_semaphore, #tpu.memory_space<semaphore_mem>>) src(%arg10 : memref<32x128xf32, #tpu.memory_space<vmem>>) dst(%dma_wait3A_182 : memref<32x128xf32, #tpu.memory_space<vmem_shared>>)
      tpu.yield
    }) : () -> ()
    %add3A_22 = arith.constant 192 : i32
    %add3A_23 = arith.addi %mul3A_9, %add3A_22 : i32
    "tpu.region"() ({
      %run_scoped3A_174 = tpu.sem_alloc : memref<!tpu.dma_semaphore, #tpu.memory_space<semaphore_mem>>
      %dma_start3A_175 = arith.constant 0 : i32
      %dma_start3A_176 = tpu.memref_slice %arg6[%add3A_23, %dma_start3A_175] : memref<10240x128xf32, #tpu.memory_space<vmem_shared>> -> memref<32x128xf32, #tpu.memory_space<vmem_shared>>
      %dma_start3A_177 = arith.constant 0 : i32
      %dma_start3A_178 = tpu.memref_slice %arg6[%add3A_23, %dma_start3A_177] : memref<10240x128xf32, #tpu.memory_space<vmem_shared>> -> memref<32x128xf32, #tpu.memory_space<vmem_shared>>
      tpu.enqueue_dma source(%arg10 : memref<32x128xf32, #tpu.memory_space<vmem>>) target(%dma_start3A_178 : memref<32x128xf32, #tpu.memory_space<vmem_shared>>) target_semaphore(%run_scoped3A_174 : memref<!tpu.dma_semaphore, #tpu.memory_space<semaphore_mem>>)
      %dma_wait3A_179 = arith.constant 0 : i32
      %dma_wait3A_180 = tpu.memref_slice %arg6[%add3A_23, %dma_wait3A_179] : memref<10240x128xf32, #tpu.memory_space<vmem_shared>> -> memref<32x128xf32, #tpu.memory_space<vmem_shared>>
      %dma_wait3A_181 = arith.constant 0 : i32
      %dma_wait3A_182 = tpu.memref_slice %arg6[%add3A_23, %dma_wait3A_181] : memref<10240x128xf32, #tpu.memory_space<vmem_shared>> -> memref<32x128xf32, #tpu.memory_space<vmem_shared>>
      tpu.wait_dma2 semaphore(%run_scoped3A_174 : memref<!tpu.dma_semaphore, #tpu.memory_space<semaphore_mem>>) src(%arg10 : memref<32x128xf32, #tpu.memory_space<vmem>>) dst(%dma_wait3A_182 : memref<32x128xf32, #tpu.memory_space<vmem_shared>>)
      tpu.yield
    }) : () -> ()
    %add3A_24 = arith.constant 224 : i32
    %add3A_25 = arith.addi %mul3A_9, %add3A_24 : i32
    "tpu.region"() ({
      %run_scoped3A_174 = tpu.sem_alloc : memref<!tpu.dma_semaphore, #tpu.memory_space<semaphore_mem>>
      %dma_start3A_175 = arith.constant 0 : i32
      %dma_start3A_176 = tpu.memref_slice %arg6[%add3A_25, %dma_start3A_175] : memref<10240x128xf32, #tpu.memory_space<vmem_shared>> -> memref<32x128xf32, #tpu.memory_space<vmem_shared>>
      %dma_start3A_177 = arith.constant 0 : i32
      %dma_start3A_178 = tpu.memref_slice %arg6[%add3A_25, %dma_start3A_177] : memref<10240x128xf32, #tpu.memory_space<vmem_shared>> -> memref<32x128xf32, #tpu.memory_space<vmem_shared>>
      tpu.enqueue_dma source(%arg10 : memref<32x128xf32, #tpu.memory_space<vmem>>) target(%dma_start3A_178 : memref<32x128xf32, #tpu.memory_space<vmem_shared>>) target_semaphore(%run_scoped3A_174 : memref<!tpu.dma_semaphore, #tpu.memory_space<semaphore_mem>>)
      %dma_wait3A_179 = arith.constant 0 : i32
      %dma_wait3A_180 = tpu.memref_slice %arg6[%add3A_25, %dma_wait3A_179] : memref<10240x128xf32, #tpu.memory_space<vmem_shared>> -> memref<32x128xf32, #tpu.memory_space<vmem_shared>>
      %dma_wait3A_181 = arith.constant 0 : i32
      %dma_wait3A_182 = tpu.memref_slice %arg6[%add3A_25, %dma_wait3A_181] : memref<10240x128xf32, #tpu.memory_space<vmem_shared>> -> memref<32x128xf32, #tpu.memory_space<vmem_shared>>
      tpu.wait_dma2 semaphore(%run_scoped3A_174 : memref<!tpu.dma_semaphore, #tpu.memory_space<semaphore_mem>>) src(%arg10 : memref<32x128xf32, #tpu.memory_space<vmem>>) dst(%dma_wait3A_182 : memref<32x128xf32, #tpu.memory_space<vmem_shared>>)
      tpu.yield
    }) : () -> ()
    %add3A_26 = arith.constant 256 : i32
    %add3A_27 = arith.addi %mul3A_9, %add3A_26 : i32
    "tpu.region"() ({
      %run_scoped3A_174 = tpu.sem_alloc : memref<!tpu.dma_semaphore, #tpu.memory_space<semaphore_mem>>
      %dma_start3A_175 = arith.constant 0 : i32
      %dma_start3A_176 = tpu.memref_slice %arg6[%add3A_27, %dma_start3A_175] : memref<10240x128xf32, #tpu.memory_space<vmem_shared>> -> memref<32x128xf32, #tpu.memory_space<vmem_shared>>
      %dma_start3A_177 = arith.constant 0 : i32
      %dma_start3A_178 = tpu.memref_slice %arg6[%add3A_27, %dma_start3A_177] : memref<10240x128xf32, #tpu.memory_space<vmem_shared>> -> memref<32x128xf32, #tpu.memory_space<vmem_shared>>
      tpu.enqueue_dma source(%arg10 : memref<32x128xf32, #tpu.memory_space<vmem>>) target(%dma_start3A_178 : memref<32x128xf32, #tpu.memory_space<vmem_shared>>) target_semaphore(%run_scoped3A_174 : memref<!tpu.dma_semaphore, #tpu.memory_space<semaphore_mem>>)
      %dma_wait3A_179 = arith.constant 0 : i32
      %dma_wait3A_180 = tpu.memref_slice %arg6[%add3A_27, %dma_wait3A_179] : memref<10240x128xf32, #tpu.memory_space<vmem_shared>> -> memref<32x128xf32, #tpu.memory_space<vmem_shared>>
      %dma_wait3A_181 = arith.constant 0 : i32
      %dma_wait3A_182 = tpu.memref_slice %arg6[%add3A_27, %dma_wait3A_181] : memref<10240x128xf32, #tpu.memory_space<vmem_shared>> -> memref<32x128xf32, #tpu.memory_space<vmem_shared>>
      tpu.wait_dma2 semaphore(%run_scoped3A_174 : memref<!tpu.dma_semaphore, #tpu.memory_space<semaphore_mem>>) src(%arg10 : memref<32x128xf32, #tpu.memory_space<vmem>>) dst(%dma_wait3A_182 : memref<32x128xf32, #tpu.memory_space<vmem_shared>>)
      tpu.yield
    }) : () -> ()
    %add3A_28 = arith.constant 288 : i32
    %add3A_29 = arith.addi %mul3A_9, %add3A_28 : i32
    "tpu.region"() ({
      %run_scoped3A_174 = tpu.sem_alloc : memref<!tpu.dma_semaphore, #tpu.memory_space<semaphore_mem>>
      %dma_start3A_175 = arith.constant 0 : i32
      %dma_start3A_176 = tpu.memref_slice %arg6[%add3A_29, %dma_start3A_175] : memref<10240x128xf32, #tpu.memory_space<vmem_shared>> -> memref<32x128xf32, #tpu.memory_space<vmem_shared>>
      %dma_start3A_177 = arith.constant 0 : i32
      %dma_start3A_178 = tpu.memref_slice %arg6[%add3A_29, %dma_start3A_177] : memref<10240x128xf32, #tpu.memory_space<vmem_shared>> -> memref<32x128xf32, #tpu.memory_space<vmem_shared>>
      tpu.enqueue_dma source(%arg10 : memref<32x128xf32, #tpu.memory_space<vmem>>) target(%dma_start3A_178 : memref<32x128xf32, #tpu.memory_space<vmem_shared>>) target_semaphore(%run_scoped3A_174 : memref<!tpu.dma_semaphore, #tpu.memory_space<semaphore_mem>>)
      %dma_wait3A_179 = arith.constant 0 : i32
      %dma_wait3A_180 = tpu.memref_slice %arg6[%add3A_29, %dma_wait3A_179] : memref<10240x128xf32, #tpu.memory_space<vmem_shared>> -> memref<32x128xf32, #tpu.memory_space<vmem_shared>>
      %dma_wait3A_181 = arith.constant 0 : i32
      %dma_wait3A_182 = tpu.memref_slice %arg6[%add3A_29, %dma_wait3A_181] : memref<10240x128xf32, #tpu.memory_space<vmem_shared>> -> memref<32x128xf32, #tpu.memory_space<vmem_shared>>
      tpu.wait_dma2 semaphore(%run_scoped3A_174 : memref<!tpu.dma_semaphore, #tpu.memory_space<semaphore_mem>>) src(%arg10 : memref<32x128xf32, #tpu.memory_space<vmem>>) dst(%dma_wait3A_182 : memref<32x128xf32, #tpu.memory_space<vmem_shared>>)
      tpu.yield
    }) : () -> ()
    %add3A_30 = arith.constant 320 : i32
    %add3A_31 = arith.addi %mul3A_9, %add3A_30 : i32
    "tpu.region"() ({
      %run_scoped3A_174 = tpu.sem_alloc : memref<!tpu.dma_semaphore, #tpu.memory_space<semaphore_mem>>
      %dma_start3A_175 = arith.constant 0 : i32
      %dma_start3A_176 = tpu.memref_slice %arg6[%add3A_31, %dma_start3A_175] : memref<10240x128xf32, #tpu.memory_space<vmem_shared>> -> memref<32x128xf32, #tpu.memory_space<vmem_shared>>
      %dma_start3A_177 = arith.constant 0 : i32
      %dma_start3A_178 = tpu.memref_slice %arg6[%add3A_31, %dma_start3A_177] : memref<10240x128xf32, #tpu.memory_space<vmem_shared>> -> memref<32x128xf32, #tpu.memory_space<vmem_shared>>
      tpu.enqueue_dma source(%arg10 : memref<32x128xf32, #tpu.memory_space<vmem>>) target(%dma_start3A_178 : memref<32x128xf32, #tpu.memory_space<vmem_shared>>) target_semaphore(%run_scoped3A_174 : memref<!tpu.dma_semaphore, #tpu.memory_space<semaphore_mem>>)
      %dma_wait3A_179 = arith.constant 0 : i32
      %dma_wait3A_180 = tpu.memref_slice %arg6[%add3A_31, %dma_wait3A_179] : memref<10240x128xf32, #tpu.memory_space<vmem_shared>> -> memref<32x128xf32, #tpu.memory_space<vmem_shared>>
      %dma_wait3A_181 = arith.constant 0 : i32
      %dma_wait3A_182 = tpu.memref_slice %arg6[%add3A_31, %dma_wait3A_181] : memref<10240x128xf32, #tpu.memory_space<vmem_shared>> -> memref<32x128xf32, #tpu.memory_space<vmem_shared>>
      tpu.wait_dma2 semaphore(%run_scoped3A_174 : memref<!tpu.dma_semaphore, #tpu.memory_space<semaphore_mem>>) src(%arg10 : memref<32x128xf32, #tpu.memory_space<vmem>>) dst(%dma_wait3A_182 : memref<32x128xf32, #tpu.memory_space<vmem_shared>>)
      tpu.yield
    }) : () -> ()
    %add3A_32 = arith.constant 352 : i32
    %add3A_33 = arith.addi %mul3A_9, %add3A_32 : i32
    "tpu.region"() ({
      %run_scoped3A_174 = tpu.sem_alloc : memref<!tpu.dma_semaphore, #tpu.memory_space<semaphore_mem>>
      %dma_start3A_175 = arith.constant 0 : i32
      %dma_start3A_176 = tpu.memref_slice %arg6[%add3A_33, %dma_start3A_175] : memref<10240x128xf32, #tpu.memory_space<vmem_shared>> -> memref<32x128xf32, #tpu.memory_space<vmem_shared>>
      %dma_start3A_177 = arith.constant 0 : i32
      %dma_start3A_178 = tpu.memref_slice %arg6[%add3A_33, %dma_start3A_177] : memref<10240x128xf32, #tpu.memory_space<vmem_shared>> -> memref<32x128xf32, #tpu.memory_space<vmem_shared>>
      tpu.enqueue_dma source(%arg10 : memref<32x128xf32, #tpu.memory_space<vmem>>) target(%dma_start3A_178 : memref<32x128xf32, #tpu.memory_space<vmem_shared>>) target_semaphore(%run_scoped3A_174 : memref<!tpu.dma_semaphore, #tpu.memory_space<semaphore_mem>>)
      %dma_wait3A_179 = arith.constant 0 : i32
      %dma_wait3A_180 = tpu.memref_slice %arg6[%add3A_33, %dma_wait3A_179] : memref<10240x128xf32, #tpu.memory_space<vmem_shared>> -> memref<32x128xf32, #tpu.memory_space<vmem_shared>>
      %dma_wait3A_181 = arith.constant 0 : i32
      %dma_wait3A_182 = tpu.memref_slice %arg6[%add3A_33, %dma_wait3A_181] : memref<10240x128xf32, #tpu.memory_space<vmem_shared>> -> memref<32x128xf32, #tpu.memory_space<vmem_shared>>
      tpu.wait_dma2 semaphore(%run_scoped3A_174 : memref<!tpu.dma_semaphore, #tpu.memory_space<semaphore_mem>>) src(%arg10 : memref<32x128xf32, #tpu.memory_space<vmem>>) dst(%dma_wait3A_182 : memref<32x128xf32, #tpu.memory_space<vmem_shared>>)
      tpu.yield
    }) : () -> ()
    %add3A_34 = arith.constant 384 : i32
    %add3A_35 = arith.addi %mul3A_9, %add3A_34 : i32
    "tpu.region"() ({
      %run_scoped3A_174 = tpu.sem_alloc : memref<!tpu.dma_semaphore, #tpu.memory_space<semaphore_mem>>
      %dma_start3A_175 = arith.constant 0 : i32
      %dma_start3A_176 = tpu.memref_slice %arg6[%add3A_35, %dma_start3A_175] : memref<10240x128xf32, #tpu.memory_space<vmem_shared>> -> memref<32x128xf32, #tpu.memory_space<vmem_shared>>
      %dma_start3A_177 = arith.constant 0 : i32
      %dma_start3A_178 = tpu.memref_slice %arg6[%add3A_35, %dma_start3A_177] : memref<10240x128xf32, #tpu.memory_space<vmem_shared>> -> memref<32x128xf32, #tpu.memory_space<vmem_shared>>
      tpu.enqueue_dma source(%arg10 : memref<32x128xf32, #tpu.memory_space<vmem>>) target(%dma_start3A_178 : memref<32x128xf32, #tpu.memory_space<vmem_shared>>) target_semaphore(%run_scoped3A_174 : memref<!tpu.dma_semaphore, #tpu.memory_space<semaphore_mem>>)
      %dma_wait3A_179 = arith.constant 0 : i32
      %dma_wait3A_180 = tpu.memref_slice %arg6[%add3A_35, %dma_wait3A_179] : memref<10240x128xf32, #tpu.memory_space<vmem_shared>> -> memref<32x128xf32, #tpu.memory_space<vmem_shared>>
      %dma_wait3A_181 = arith.constant 0 : i32
      %dma_wait3A_182 = tpu.memref_slice %arg6[%add3A_35, %dma_wait3A_181] : memref<10240x128xf32, #tpu.memory_space<vmem_shared>> -> memref<32x128xf32, #tpu.memory_space<vmem_shared>>
      tpu.wait_dma2 semaphore(%run_scoped3A_174 : memref<!tpu.dma_semaphore, #tpu.memory_space<semaphore_mem>>) src(%arg10 : memref<32x128xf32, #tpu.memory_space<vmem>>) dst(%dma_wait3A_182 : memref<32x128xf32, #tpu.memory_space<vmem_shared>>)
      tpu.yield
    }) : () -> ()
    %add3A_36 = arith.constant 416 : i32
    %add3A_37 = arith.addi %mul3A_9, %add3A_36 : i32
    "tpu.region"() ({
      %run_scoped3A_174 = tpu.sem_alloc : memref<!tpu.dma_semaphore, #tpu.memory_space<semaphore_mem>>
      %dma_start3A_175 = arith.constant 0 : i32
      %dma_start3A_176 = tpu.memref_slice %arg6[%add3A_37, %dma_start3A_175] : memref<10240x128xf32, #tpu.memory_space<vmem_shared>> -> memref<32x128xf32, #tpu.memory_space<vmem_shared>>
      %dma_start3A_177 = arith.constant 0 : i32
      %dma_start3A_178 = tpu.memref_slice %arg6[%add3A_37, %dma_start3A_177] : memref<10240x128xf32, #tpu.memory_space<vmem_shared>> -> memref<32x128xf32, #tpu.memory_space<vmem_shared>>
      tpu.enqueue_dma source(%arg10 : memref<32x128xf32, #tpu.memory_space<vmem>>) target(%dma_start3A_178 : memref<32x128xf32, #tpu.memory_space<vmem_shared>>) target_semaphore(%run_scoped3A_174 : memref<!tpu.dma_semaphore, #tpu.memory_space<semaphore_mem>>)
      %dma_wait3A_179 = arith.constant 0 : i32
      %dma_wait3A_180 = tpu.memref_slice %arg6[%add3A_37, %dma_wait3A_179] : memref<10240x128xf32, #tpu.memory_space<vmem_shared>> -> memref<32x128xf32, #tpu.memory_space<vmem_shared>>
      %dma_wait3A_181 = arith.constant 0 : i32
      %dma_wait3A_182 = tpu.memref_slice %arg6[%add3A_37, %dma_wait3A_181] : memref<10240x128xf32, #tpu.memory_space<vmem_shared>> -> memref<32x128xf32, #tpu.memory_space<vmem_shared>>
      tpu.wait_dma2 semaphore(%run_scoped3A_174 : memref<!tpu.dma_semaphore, #tpu.memory_space<semaphore_mem>>) src(%arg10 : memref<32x128xf32, #tpu.memory_space<vmem>>) dst(%dma_wait3A_182 : memref<32x128xf32, #tpu.memory_space<vmem_shared>>)
      tpu.yield
    }) : () -> ()
    %add3A_38 = arith.constant 448 : i32
    %add3A_39 = arith.addi %mul3A_9, %add3A_38 : i32
    "tpu.region"() ({
      %run_scoped3A_174 = tpu.sem_alloc : memref<!tpu.dma_semaphore, #tpu.memory_space<semaphore_mem>>
      %dma_start3A_175 = arith.constant 0 : i32
      %dma_start3A_176 = tpu.memref_slice %arg6[%add3A_39, %dma_start3A_175] : memref<10240x128xf32, #tpu.memory_space<vmem_shared>> -> memref<32x128xf32, #tpu.memory_space<vmem_shared>>
      %dma_start3A_177 = arith.constant 0 : i32
      %dma_start3A_178 = tpu.memref_slice %arg6[%add3A_39, %dma_start3A_177] : memref<10240x128xf32, #tpu.memory_space<vmem_shared>> -> memref<32x128xf32, #tpu.memory_space<vmem_shared>>
      tpu.enqueue_dma source(%arg10 : memref<32x128xf32, #tpu.memory_space<vmem>>) target(%dma_start3A_178 : memref<32x128xf32, #tpu.memory_space<vmem_shared>>) target_semaphore(%run_scoped3A_174 : memref<!tpu.dma_semaphore, #tpu.memory_space<semaphore_mem>>)
      %dma_wait3A_179 = arith.constant 0 : i32
      %dma_wait3A_180 = tpu.memref_slice %arg6[%add3A_39, %dma_wait3A_179] : memref<10240x128xf32, #tpu.memory_space<vmem_shared>> -> memref<32x128xf32, #tpu.memory_space<vmem_shared>>
      %dma_wait3A_181 = arith.constant 0 : i32
      %dma_wait3A_182 = tpu.memref_slice %arg6[%add3A_39, %dma_wait3A_181] : memref<10240x128xf32, #tpu.memory_space<vmem_shared>> -> memref<32x128xf32, #tpu.memory_space<vmem_shared>>
      tpu.wait_dma2 semaphore(%run_scoped3A_174 : memref<!tpu.dma_semaphore, #tpu.memory_space<semaphore_mem>>) src(%arg10 : memref<32x128xf32, #tpu.memory_space<vmem>>) dst(%dma_wait3A_182 : memref<32x128xf32, #tpu.memory_space<vmem_shared>>)
      tpu.yield
    }) : () -> ()
    %add3A_40 = arith.constant 480 : i32
    %add3A_41 = arith.addi %mul3A_9, %add3A_40 : i32
    "tpu.region"() ({
      %run_scoped3A_174 = tpu.sem_alloc : memref<!tpu.dma_semaphore, #tpu.memory_space<semaphore_mem>>
      %dma_start3A_175 = arith.constant 0 : i32
      %dma_start3A_176 = tpu.memref_slice %arg6[%add3A_41, %dma_start3A_175] : memref<10240x128xf32, #tpu.memory_space<vmem_shared>> -> memref<32x128xf32, #tpu.memory_space<vmem_shared>>
      %dma_start3A_177 = arith.constant 0 : i32
      %dma_start3A_178 = tpu.memref_slice %arg6[%add3A_41, %dma_start3A_177] : memref<10240x128xf32, #tpu.memory_space<vmem_shared>> -> memref<32x128xf32, #tpu.memory_space<vmem_shared>>
      tpu.enqueue_dma source(%arg10 : memref<32x128xf32, #tpu.memory_space<vmem>>) target(%dma_start3A_178 : memref<32x128xf32, #tpu.memory_space<vmem_shared>>) target_semaphore(%run_scoped3A_174 : memref<!tpu.dma_semaphore, #tpu.memory_space<semaphore_mem>>)
      %dma_wait3A_179 = arith.constant 0 : i32
      %dma_wait3A_180 = tpu.memref_slice %arg6[%add3A_41, %dma_wait3A_179] : memref<10240x128xf32, #tpu.memory_space<vmem_shared>> -> memref<32x128xf32, #tpu.memory_space<vmem_shared>>
      %dma_wait3A_181 = arith.constant 0 : i32
      %dma_wait3A_182 = tpu.memref_slice %arg6[%add3A_41, %dma_wait3A_181] : memref<10240x128xf32, #tpu.memory_space<vmem_shared>> -> memref<32x128xf32, #tpu.memory_space<vmem_shared>>
      tpu.wait_dma2 semaphore(%run_scoped3A_174 : memref<!tpu.dma_semaphore, #tpu.memory_space<semaphore_mem>>) src(%arg10 : memref<32x128xf32, #tpu.memory_space<vmem>>) dst(%dma_wait3A_182 : memref<32x128xf32, #tpu.memory_space<vmem_shared>>)
      tpu.yield
    }) : () -> ()
    %add3A_42 = arith.constant 512 : i32
    %add3A_43 = arith.addi %mul3A_9, %add3A_42 : i32
    "tpu.region"() ({
      %run_scoped3A_174 = tpu.sem_alloc : memref<!tpu.dma_semaphore, #tpu.memory_space<semaphore_mem>>
      %dma_start3A_175 = arith.constant 0 : i32
      %dma_start3A_176 = tpu.memref_slice %arg6[%add3A_43, %dma_start3A_175] : memref<10240x128xf32, #tpu.memory_space<vmem_shared>> -> memref<32x128xf32, #tpu.memory_space<vmem_shared>>
      %dma_start3A_177 = arith.constant 0 : i32
      %dma_start3A_178 = tpu.memref_slice %arg6[%add3A_43, %dma_start3A_177] : memref<10240x128xf32, #tpu.memory_space<vmem_shared>> -> memref<32x128xf32, #tpu.memory_space<vmem_shared>>
      tpu.enqueue_dma source(%arg10 : memref<32x128xf32, #tpu.memory_space<vmem>>) target(%dma_start3A_178 : memref<32x128xf32, #tpu.memory_space<vmem_shared>>) target_semaphore(%run_scoped3A_174 : memref<!tpu.dma_semaphore, #tpu.memory_space<semaphore_mem>>)
      %dma_wait3A_179 = arith.constant 0 : i32
      %dma_wait3A_180 = tpu.memref_slice %arg6[%add3A_43, %dma_wait3A_179] : memref<10240x128xf32, #tpu.memory_space<vmem_shared>> -> memref<32x128xf32, #tpu.memory_space<vmem_shared>>
      %dma_wait3A_181 = arith.constant 0 : i32
      %dma_wait3A_182 = tpu.memref_slice %arg6[%add3A_43, %dma_wait3A_181] : memref<10240x128xf32, #tpu.memory_space<vmem_shared>> -> memref<32x128xf32, #tpu.memory_space<vmem_shared>>
      tpu.wait_dma2 semaphore(%run_scoped3A_174 : memref<!tpu.dma_semaphore, #tpu.memory_space<semaphore_mem>>) src(%arg10 : memref<32x128xf32, #tpu.memory_space<vmem>>) dst(%dma_wait3A_182 : memref<32x128xf32, #tpu.memory_space<vmem_shared>>)
      tpu.yield
    }) : () -> ()
    %add3A_44 = arith.constant 544 : i32
    %add3A_45 = arith.addi %mul3A_9, %add3A_44 : i32
    "tpu.region"() ({
      %run_scoped3A_174 = tpu.sem_alloc : memref<!tpu.dma_semaphore, #tpu.memory_space<semaphore_mem>>
      %dma_start3A_175 = arith.constant 0 : i32
      %dma_start3A_176 = tpu.memref_slice %arg6[%add3A_45, %dma_start3A_175] : memref<10240x128xf32, #tpu.memory_space<vmem_shared>> -> memref<32x128xf32, #tpu.memory_space<vmem_shared>>
      %dma_start3A_177 = arith.constant 0 : i32
      %dma_start3A_178 = tpu.memref_slice %arg6[%add3A_45, %dma_start3A_177] : memref<10240x128xf32, #tpu.memory_space<vmem_shared>> -> memref<32x128xf32, #tpu.memory_space<vmem_shared>>
      tpu.enqueue_dma source(%arg10 : memref<32x128xf32, #tpu.memory_space<vmem>>) target(%dma_start3A_178 : memref<32x128xf32, #tpu.memory_space<vmem_shared>>) target_semaphore(%run_scoped3A_174 : memref<!tpu.dma_semaphore, #tpu.memory_space<semaphore_mem>>)
      %dma_wait3A_179 = arith.constant 0 : i32
      %dma_wait3A_180 = tpu.memref_slice %arg6[%add3A_45, %dma_wait3A_179] : memref<10240x128xf32, #tpu.memory_space<vmem_shared>> -> memref<32x128xf32, #tpu.memory_space<vmem_shared>>
      %dma_wait3A_181 = arith.constant 0 : i32
      %dma_wait3A_182 = tpu.memref_slice %arg6[%add3A_45, %dma_wait3A_181] : memref<10240x128xf32, #tpu.memory_space<vmem_shared>> -> memref<32x128xf32, #tpu.memory_space<vmem_shared>>
      tpu.wait_dma2 semaphore(%run_scoped3A_174 : memref<!tpu.dma_semaphore, #tpu.memory_space<semaphore_mem>>) src(%arg10 : memref<32x128xf32, #tpu.memory_space<vmem>>) dst(%dma_wait3A_182 : memref<32x128xf32, #tpu.memory_space<vmem_shared>>)
      tpu.yield
    }) : () -> ()
    %add3A_46 = arith.constant 576 : i32
    %add3A_47 = arith.addi %mul3A_9, %add3A_46 : i32
    "tpu.region"() ({
      %run_scoped3A_174 = tpu.sem_alloc : memref<!tpu.dma_semaphore, #tpu.memory_space<semaphore_mem>>
      %dma_start3A_175 = arith.constant 0 : i32
      %dma_start3A_176 = tpu.memref_slice %arg6[%add3A_47, %dma_start3A_175] : memref<10240x128xf32, #tpu.memory_space<vmem_shared>> -> memref<32x128xf32, #tpu.memory_space<vmem_shared>>
      %dma_start3A_177 = arith.constant 0 : i32
      %dma_start3A_178 = tpu.memref_slice %arg6[%add3A_47, %dma_start3A_177] : memref<10240x128xf32, #tpu.memory_space<vmem_shared>> -> memref<32x128xf32, #tpu.memory_space<vmem_shared>>
      tpu.enqueue_dma source(%arg10 : memref<32x128xf32, #tpu.memory_space<vmem>>) target(%dma_start3A_178 : memref<32x128xf32, #tpu.memory_space<vmem_shared>>) target_semaphore(%run_scoped3A_174 : memref<!tpu.dma_semaphore, #tpu.memory_space<semaphore_mem>>)
      %dma_wait3A_179 = arith.constant 0 : i32
      %dma_wait3A_180 = tpu.memref_slice %arg6[%add3A_47, %dma_wait3A_179] : memref<10240x128xf32, #tpu.memory_space<vmem_shared>> -> memref<32x128xf32, #tpu.memory_space<vmem_shared>>
      %dma_wait3A_181 = arith.constant 0 : i32
      %dma_wait3A_182 = tpu.memref_slice %arg6[%add3A_47, %dma_wait3A_181] : memref<10240x128xf32, #tpu.memory_space<vmem_shared>> -> memref<32x128xf32, #tpu.memory_space<vmem_shared>>
      tpu.wait_dma2 semaphore(%run_scoped3A_174 : memref<!tpu.dma_semaphore, #tpu.memory_space<semaphore_mem>>) src(%arg10 : memref<32x128xf32, #tpu.memory_space<vmem>>) dst(%dma_wait3A_182 : memref<32x128xf32, #tpu.memory_space<vmem_shared>>)
      tpu.yield
    }) : () -> ()
    %add3A_48 = arith.constant 608 : i32
    %add3A_49 = arith.addi %mul3A_9, %add3A_48 : i32
    "tpu.region"() ({
      %run_scoped3A_174 = tpu.sem_alloc : memref<!tpu.dma_semaphore, #tpu.memory_space<semaphore_mem>>
      %dma_start3A_175 = arith.constant 0 : i32
      %dma_start3A_176 = tpu.memref_slice %arg6[%add3A_49, %dma_start3A_175] : memref<10240x128xf32, #tpu.memory_space<vmem_shared>> -> memref<32x128xf32, #tpu.memory_space<vmem_shared>>
      %dma_start3A_177 = arith.constant 0 : i32
      %dma_start3A_178 = tpu.memref_slice %arg6[%add3A_49, %dma_start3A_177] : memref<10240x128xf32, #tpu.memory_space<vmem_shared>> -> memref<32x128xf32, #tpu.memory_space<vmem_shared>>
      tpu.enqueue_dma source(%arg10 : memref<32x128xf32, #tpu.memory_space<vmem>>) target(%dma_start3A_178 : memref<32x128xf32, #tpu.memory_space<vmem_shared>>) target_semaphore(%run_scoped3A_174 : memref<!tpu.dma_semaphore, #tpu.memory_space<semaphore_mem>>)
      %dma_wait3A_179 = arith.constant 0 : i32
      %dma_wait3A_180 = tpu.memref_slice %arg6[%add3A_49, %dma_wait3A_179] : memref<10240x128xf32, #tpu.memory_space<vmem_shared>> -> memref<32x128xf32, #tpu.memory_space<vmem_shared>>
      %dma_wait3A_181 = arith.constant 0 : i32
      %dma_wait3A_182 = tpu.memref_slice %arg6[%add3A_49, %dma_wait3A_181] : memref<10240x128xf32, #tpu.memory_space<vmem_shared>> -> memref<32x128xf32, #tpu.memory_space<vmem_shared>>
      tpu.wait_dma2 semaphore(%run_scoped3A_174 : memref<!tpu.dma_semaphore, #tpu.memory_space<semaphore_mem>>) src(%arg10 : memref<32x128xf32, #tpu.memory_space<vmem>>) dst(%dma_wait3A_182 : memref<32x128xf32, #tpu.memory_space<vmem_shared>>)
      tpu.yield
    }) : () -> ()
    %barrier3A = arith.constant 0 : index
    tpu.barrier barrier_id(%barrier3A)
    %mul3A_50 = arith.constant 80 : i32
    %mul3A_51 = arith.muli %add3A, %mul3A_50 : i32
    %add3A_52 = arith.constant 0 : i32
    %add3A_53 = arith.addi %mul3A_51, %add3A_52 : i32
    "tpu.region"() ({
      %run_scoped3A_174 = tpu.sem_alloc : memref<!tpu.dma_semaphore, #tpu.memory_space<semaphore_mem>>
      %dma_start3A_175 = arith.constant 0 : i32
      %dma_start3A_176 = tpu.memref_slice %arg3[%add3A_53, %dma_start3A_175] : memref<2560x128xi32, #tpu.memory_space<hbm>> -> memref<40x128xi32, #tpu.memory_space<hbm>>
      %dma_start3A_177 = arith.constant 0 : i32
      %dma_start3A_178 = tpu.memref_slice %arg3[%add3A_53, %dma_start3A_177] : memref<2560x128xi32, #tpu.memory_space<hbm>> -> memref<40x128xi32, #tpu.memory_space<hbm>>
      tpu.enqueue_dma source(%dma_start3A_178 : memref<40x128xi32, #tpu.memory_space<hbm>>) target(%arg7 : memref<40x128xi32, #tpu.memory_space<vmem>>) target_semaphore(%run_scoped3A_174 : memref<!tpu.dma_semaphore, #tpu.memory_space<semaphore_mem>>)
      %dma_wait3A_179 = arith.constant 0 : i32
      %dma_wait3A_180 = tpu.memref_slice %arg3[%add3A_53, %dma_wait3A_179] : memref<2560x128xi32, #tpu.memory_space<hbm>> -> memref<40x128xi32, #tpu.memory_space<hbm>>
      %dma_wait3A_181 = arith.constant 0 : i32
      %dma_wait3A_182 = tpu.memref_slice %arg3[%add3A_53, %dma_wait3A_181] : memref<2560x128xi32, #tpu.memory_space<hbm>> -> memref<40x128xi32, #tpu.memory_space<hbm>>
      tpu.wait_dma2 semaphore(%run_scoped3A_174 : memref<!tpu.dma_semaphore, #tpu.memory_space<semaphore_mem>>) src(%dma_wait3A_182 : memref<40x128xi32, #tpu.memory_space<hbm>>) dst(%arg7 : memref<40x128xi32, #tpu.memory_space<vmem>>)
      tpu.yield
    }) : () -> ()
    "tpu.region"() ({
      %run_scoped3A_174 = tpu.sem_alloc : memref<!tpu.dma_semaphore, #tpu.memory_space<semaphore_mem>>
      %dma_start3A_175 = arith.constant 0 : i32
      %dma_start3A_176 = tpu.memref_slice %arg4[%add3A_53, %dma_start3A_175] : memref<2560x128xi32, #tpu.memory_space<hbm>> -> memref<40x128xi32, #tpu.memory_space<hbm>>
      %dma_start3A_177 = arith.constant 0 : i32
      %dma_start3A_178 = tpu.memref_slice %arg4[%add3A_53, %dma_start3A_177] : memref<2560x128xi32, #tpu.memory_space<hbm>> -> memref<40x128xi32, #tpu.memory_space<hbm>>
      tpu.enqueue_dma source(%dma_start3A_178 : memref<40x128xi32, #tpu.memory_space<hbm>>) target(%arg8 : memref<40x128xi32, #tpu.memory_space<vmem>>) target_semaphore(%run_scoped3A_174 : memref<!tpu.dma_semaphore, #tpu.memory_space<semaphore_mem>>)
      %dma_wait3A_179 = arith.constant 0 : i32
      %dma_wait3A_180 = tpu.memref_slice %arg4[%add3A_53, %dma_wait3A_179] : memref<2560x128xi32, #tpu.memory_space<hbm>> -> memref<40x128xi32, #tpu.memory_space<hbm>>
      %dma_wait3A_181 = arith.constant 0 : i32
      %dma_wait3A_182 = tpu.memref_slice %arg4[%add3A_53, %dma_wait3A_181] : memref<2560x128xi32, #tpu.memory_space<hbm>> -> memref<40x128xi32, #tpu.memory_space<hbm>>
      tpu.wait_dma2 semaphore(%run_scoped3A_174 : memref<!tpu.dma_semaphore, #tpu.memory_space<semaphore_mem>>) src(%dma_wait3A_182 : memref<40x128xi32, #tpu.memory_space<hbm>>) dst(%arg8 : memref<40x128xi32, #tpu.memory_space<vmem>>)
      tpu.yield
    }) : () -> ()
    %dma_start3A = arith.constant 0 : i32
    %dma_start3A_54 = arith.constant 0 : i32
    %dma_start3A_55 = arith.constant 0 : i32
    %dma_start3A_56 = arith.constant 0 : i32
    %dma_start3A_57 = tpu.memref_slice %arg9[%dma_start3A_54, %dma_start3A_55, %dma_start3A_56] : memref<2x128x128xf32, #tpu.memory_space<vmem>> -> memref<1x128x128xf32, #tpu.memory_space<vmem>>
    %dma_start3A_58 = tpu.memref_squeeze %dma_start3A_57 : memref<1x128x128xf32, #tpu.memory_space<vmem>> -> memref<128x128xf32, #tpu.memory_space<vmem>>
    %dma_start3A_59 = arith.constant 0 : i32
    %dma_start3A_60 = tpu.memref_slice %arg7[%dma_start3A, %dma_start3A_59] : memref<40x128xi32, #tpu.memory_space<vmem>> -> memref<1x128xi32, #tpu.memory_space<vmem>>
    %dma_start3A_61 = tpu.memref_squeeze %dma_start3A_60 : memref<1x128xi32, #tpu.memory_space<vmem>> -> memref<128xi32, #tpu.memory_space<vmem>>
    %dma_start3A_62 = arith.constant 0 : i32
    %dma_start3A_63 = arith.constant 0 : i32
    %dma_start3A_64 = tpu.memref_slice %arg2[%dma_start3A_62, %dma_start3A_63] : memref<10240x128xf32, #tpu.memory_space<hbm>> -> memref<10240x128xf32, #tpu.memory_space<hbm>>
    tpu.enqueue_indirect_dma source(%dma_start3A_64 : memref<10240x128xf32, #tpu.memory_space<hbm>>) target(%dma_start3A_58 : memref<128x128xf32, #tpu.memory_space<vmem>>) offsets(%dma_start3A_61 : memref<128xi32, #tpu.memory_space<vmem>>) semaphore(%arg11 : memref<!tpu.dma_semaphore, #tpu.memory_space<semaphore_mem>>)
    %scan3A_65 = arith.constant 0 : i32
    %scan3A_66 = arith.constant 0 : i32
    %scan3A_67 = arith.constant 19 : i32
    %scan3A_68 = arith.addi %scan3A_66, %scan3A_67 : i32
    %scan3A_69 = arith.constant 1 : i32
    %scan3A_70 = scf.for %scan3A_174 = %scan3A_66 to %scan3A_68 step %scan3A_69 iter_args(%scan3A_175 = %scan3A_65) -> (i32)  : i32 {
      %mul3A_176 = arith.constant 2 : i32
      %mul3A_177 = arith.muli %mul3A_176, %scan3A_174 : i32
      %add3A_178 = arith.constant 1 : i32
      %add3A_179 = arith.addi %mul3A_177, %add3A_178 : i32
      %dma_start3A_180 = arith.constant 1 : i32
      %dma_start3A_181 = arith.constant 0 : i32
      %dma_start3A_182 = arith.constant 0 : i32
      %dma_start3A_183 = tpu.memref_slice %arg9[%dma_start3A_180, %dma_start3A_181, %dma_start3A_182] : memref<2x128x128xf32, #tpu.memory_space<vmem>> -> memref<1x128x128xf32, #tpu.memory_space<vmem>>
      %dma_start3A_184 = tpu.memref_squeeze %dma_start3A_183 : memref<1x128x128xf32, #tpu.memory_space<vmem>> -> memref<128x128xf32, #tpu.memory_space<vmem>>
      %dma_start3A_185 = arith.constant 0 : i32
      %dma_start3A_186 = tpu.memref_slice %arg7[%add3A_179, %dma_start3A_185] : memref<40x128xi32, #tpu.memory_space<vmem>> -> memref<1x128xi32, #tpu.memory_space<vmem>>
      %dma_start3A_187 = tpu.memref_squeeze %dma_start3A_186 : memref<1x128xi32, #tpu.memory_space<vmem>> -> memref<128xi32, #tpu.memory_space<vmem>>
      %dma_start3A_188 = arith.constant 0 : i32
      %dma_start3A_189 = arith.constant 0 : i32
      %dma_start3A_190 = tpu.memref_slice %arg2[%dma_start3A_188, %dma_start3A_189] : memref<10240x128xf32, #tpu.memory_space<hbm>> -> memref<10240x128xf32, #tpu.memory_space<hbm>>
      tpu.enqueue_indirect_dma source(%dma_start3A_190 : memref<10240x128xf32, #tpu.memory_space<hbm>>) target(%dma_start3A_184 : memref<128x128xf32, #tpu.memory_space<vmem>>) offsets(%dma_start3A_187 : memref<128xi32, #tpu.memory_space<vmem>>) semaphore(%arg12 : memref<!tpu.dma_semaphore, #tpu.memory_space<semaphore_mem>>)
      %mul3A_191 = arith.constant 2 : i32
      %mul3A_192 = arith.muli %mul3A_191, %scan3A_174 : i32
      %dma_wait3A_193 = arith.constant 0 : i32
      %dma_wait3A_194 = arith.constant 0 : i32
      %dma_wait3A_195 = arith.constant 0 : i32
      %dma_wait3A_196 = tpu.memref_slice %arg9[%dma_wait3A_193, %dma_wait3A_194, %dma_wait3A_195] : memref<2x128x128xf32, #tpu.memory_space<vmem>> -> memref<1x128x128xf32, #tpu.memory_space<vmem>>
      %dma_wait3A_197 = tpu.memref_squeeze %dma_wait3A_196 : memref<1x128x128xf32, #tpu.memory_space<vmem>> -> memref<128x128xf32, #tpu.memory_space<vmem>>
      %dma_wait3A_198 = arith.constant 0 : i32
      %dma_wait3A_199 = tpu.memref_slice %arg7[%mul3A_192, %dma_wait3A_198] : memref<40x128xi32, #tpu.memory_space<vmem>> -> memref<1x128xi32, #tpu.memory_space<vmem>>
      %dma_wait3A_200 = tpu.memref_squeeze %dma_wait3A_199 : memref<1x128xi32, #tpu.memory_space<vmem>> -> memref<128xi32, #tpu.memory_space<vmem>>
      %dma_wait3A_201 = arith.constant 0 : i32
      %dma_wait3A_202 = arith.constant 0 : i32
      %dma_wait3A_203 = tpu.memref_slice %arg2[%dma_wait3A_201, %dma_wait3A_202] : memref<10240x128xf32, #tpu.memory_space<hbm>> -> memref<10240x128xf32, #tpu.memory_space<hbm>>
      tpu.wait_indirect_dma semaphore(%arg11 : memref<!tpu.dma_semaphore, #tpu.memory_space<semaphore_mem>>) src(%dma_wait3A_203 : memref<10240x128xf32, #tpu.memory_space<hbm>>) dst(%dma_wait3A_197 : memref<128x128xf32, #tpu.memory_space<vmem>>)
      %run_scoped3A_204 = arith.constant 0 : i32
      "tpu.region"() ({
        %run_scoped3A_237 = tpu.sem_alloc : memref<!tpu.dma_semaphore, #tpu.memory_space<semaphore_mem>>
        %dma_start3A_238 = arith.constant 0 : i32
        %dma_start3A_239 = arith.constant 0 : i32
        %dma_start3A_240 = tpu.memref_slice %arg9[%run_scoped3A_204, %dma_start3A_238, %dma_start3A_239] : memref<2x128x128xf32, #tpu.memory_space<vmem>> -> memref<1x128x128xf32, #tpu.memory_space<vmem>>
        %dma_start3A_241 = tpu.memref_squeeze %dma_start3A_240 : memref<1x128x128xf32, #tpu.memory_space<vmem>> -> memref<128x128xf32, #tpu.memory_space<vmem>>
        %dma_start3A_242 = arith.constant 0 : i32
        %dma_start3A_243 = tpu.memref_slice %arg8[%mul3A_192, %dma_start3A_242] : memref<40x128xi32, #tpu.memory_space<vmem>> -> memref<1x128xi32, #tpu.memory_space<vmem>>
        %dma_start3A_244 = tpu.memref_squeeze %dma_start3A_243 : memref<1x128xi32, #tpu.memory_space<vmem>> -> memref<128xi32, #tpu.memory_space<vmem>>
        %dma_start3A_245 = arith.constant 0 : i32
        %dma_start3A_246 = arith.constant 0 : i32
        %dma_start3A_247 = tpu.memref_slice %arg6[%dma_start3A_245, %dma_start3A_246] : memref<10240x128xf32, #tpu.memory_space<vmem_shared>> -> memref<10240x128xf32, #tpu.memory_space<vmem_shared>>
        tpu.enqueue_indirect_dma source(%dma_start3A_241 : memref<128x128xf32, #tpu.memory_space<vmem>>) target(%dma_start3A_247 : memref<10240x128xf32, #tpu.memory_space<vmem_shared>>) offsets(%dma_start3A_244 : memref<128xi32, #tpu.memory_space<vmem>>) semaphore(%run_scoped3A_237 : memref<!tpu.dma_semaphore, #tpu.memory_space<semaphore_mem>>) {add = true}
        %dma_wait3A_248 = arith.constant 0 : i32
        %dma_wait3A_249 = arith.constant 0 : i32
        %dma_wait3A_250 = tpu.memref_slice %arg9[%run_scoped3A_204, %dma_wait3A_248, %dma_wait3A_249] : memref<2x128x128xf32, #tpu.memory_space<vmem>> -> memref<1x128x128xf32, #tpu.memory_space<vmem>>
        %dma_wait3A_251 = tpu.memref_squeeze %dma_wait3A_250 : memref<1x128x128xf32, #tpu.memory_space<vmem>> -> memref<128x128xf32, #tpu.memory_space<vmem>>
        %dma_wait3A_252 = arith.constant 0 : i32
        %dma_wait3A_253 = tpu.memref_slice %arg8[%mul3A_192, %dma_wait3A_252] : memref<40x128xi32, #tpu.memory_space<vmem>> -> memref<1x128xi32, #tpu.memory_space<vmem>>
        %dma_wait3A_254 = tpu.memref_squeeze %dma_wait3A_253 : memref<1x128xi32, #tpu.memory_space<vmem>> -> memref<128xi32, #tpu.memory_space<vmem>>
        %dma_wait3A_255 = arith.constant 0 : i32
        %dma_wait3A_256 = arith.constant 0 : i32
        %dma_wait3A_257 = tpu.memref_slice %arg6[%dma_wait3A_255, %dma_wait3A_256] : memref<10240x128xf32, #tpu.memory_space<vmem_shared>> -> memref<10240x128xf32, #tpu.memory_space<vmem_shared>>
        tpu.wait_indirect_dma semaphore(%run_scoped3A_237 : memref<!tpu.dma_semaphore, #tpu.memory_space<semaphore_mem>>) src(%dma_wait3A_251 : memref<128x128xf32, #tpu.memory_space<vmem>>) dst(%dma_wait3A_257 : memref<10240x128xf32, #tpu.memory_space<vmem_shared>>)
        tpu.yield
      }) : () -> ()
      %mul3A_205 = arith.constant 2 : i32
      %mul3A_206 = arith.muli %mul3A_205, %scan3A_174 : i32
      %add3A_207 = arith.constant 2 : i32
      %add3A_208 = arith.addi %mul3A_206, %add3A_207 : i32
      %dma_start3A_209 = arith.constant 0 : i32
      %dma_start3A_210 = arith.constant 0 : i32
      %dma_start3A_211 = arith.constant 0 : i32
      %dma_start3A_212 = tpu.memref_slice %arg9[%dma_start3A_209, %dma_start3A_210, %dma_start3A_211] : memref<2x128x128xf32, #tpu.memory_space<vmem>> -> memref<1x128x128xf32, #tpu.memory_space<vmem>>
      %dma_start3A_213 = tpu.memref_squeeze %dma_start3A_212 : memref<1x128x128xf32, #tpu.memory_space<vmem>> -> memref<128x128xf32, #tpu.memory_space<vmem>>
      %dma_start3A_214 = arith.constant 0 : i32
      %dma_start3A_215 = tpu.memref_slice %arg7[%add3A_208, %dma_start3A_214] : memref<40x128xi32, #tpu.memory_space<vmem>> -> memref<1x128xi32, #tpu.memory_space<vmem>>
      %dma_start3A_216 = tpu.memref_squeeze %dma_start3A_215 : memref<1x128xi32, #tpu.memory_space<vmem>> -> memref<128xi32, #tpu.memory_space<vmem>>
      %dma_start3A_217 = arith.constant 0 : i32
      %dma_start3A_218 = arith.constant 0 : i32
      %dma_start3A_219 = tpu.memref_slice %arg2[%dma_start3A_217, %dma_start3A_218] : memref<10240x128xf32, #tpu.memory_space<hbm>> -> memref<10240x128xf32, #tpu.memory_space<hbm>>
      tpu.enqueue_indirect_dma source(%dma_start3A_219 : memref<10240x128xf32, #tpu.memory_space<hbm>>) target(%dma_start3A_213 : memref<128x128xf32, #tpu.memory_space<vmem>>) offsets(%dma_start3A_216 : memref<128xi32, #tpu.memory_space<vmem>>) semaphore(%arg11 : memref<!tpu.dma_semaphore, #tpu.memory_space<semaphore_mem>>)
      %mul3A_220 = arith.constant 2 : i32
      %mul3A_221 = arith.muli %mul3A_220, %scan3A_174 : i32
      %add3A_222 = arith.constant 1 : i32
      %add3A_223 = arith.addi %mul3A_221, %add3A_222 : i32
      %dma_wait3A_224 = arith.constant 1 : i32
      %dma_wait3A_225 = arith.constant 0 : i32
      %dma_wait3A_226 = arith.constant 0 : i32
      %dma_wait3A_227 = tpu.memref_slice %arg9[%dma_wait3A_224, %dma_wait3A_225, %dma_wait3A_226] : memref<2x128x128xf32, #tpu.memory_space<vmem>> -> memref<1x128x128xf32, #tpu.memory_space<vmem>>
      %dma_wait3A_228 = tpu.memref_squeeze %dma_wait3A_227 : memref<1x128x128xf32, #tpu.memory_space<vmem>> -> memref<128x128xf32, #tpu.memory_space<vmem>>
      %dma_wait3A_229 = arith.constant 0 : i32
      %dma_wait3A_230 = tpu.memref_slice %arg7[%add3A_223, %dma_wait3A_229] : memref<40x128xi32, #tpu.memory_space<vmem>> -> memref<1x128xi32, #tpu.memory_space<vmem>>
      %dma_wait3A_231 = tpu.memref_squeeze %dma_wait3A_230 : memref<1x128xi32, #tpu.memory_space<vmem>> -> memref<128xi32, #tpu.memory_space<vmem>>
      %dma_wait3A_232 = arith.constant 0 : i32
      %dma_wait3A_233 = arith.constant 0 : i32
      %dma_wait3A_234 = tpu.memref_slice %arg2[%dma_wait3A_232, %dma_wait3A_233] : memref<10240x128xf32, #tpu.memory_space<hbm>> -> memref<10240x128xf32, #tpu.memory_space<hbm>>
      tpu.wait_indirect_dma semaphore(%arg12 : memref<!tpu.dma_semaphore, #tpu.memory_space<semaphore_mem>>) src(%dma_wait3A_234 : memref<10240x128xf32, #tpu.memory_space<hbm>>) dst(%dma_wait3A_228 : memref<128x128xf32, #tpu.memory_space<vmem>>)
      %run_scoped3A_235 = arith.constant 1 : i32
      "tpu.region"() ({
        %run_scoped3A_237 = tpu.sem_alloc : memref<!tpu.dma_semaphore, #tpu.memory_space<semaphore_mem>>
        %dma_start3A_238 = arith.constant 0 : i32
        %dma_start3A_239 = arith.constant 0 : i32
        %dma_start3A_240 = tpu.memref_slice %arg9[%run_scoped3A_235, %dma_start3A_238, %dma_start3A_239] : memref<2x128x128xf32, #tpu.memory_space<vmem>> -> memref<1x128x128xf32, #tpu.memory_space<vmem>>
        %dma_start3A_241 = tpu.memref_squeeze %dma_start3A_240 : memref<1x128x128xf32, #tpu.memory_space<vmem>> -> memref<128x128xf32, #tpu.memory_space<vmem>>
        %dma_start3A_242 = arith.constant 0 : i32
        %dma_start3A_243 = tpu.memref_slice %arg8[%add3A_223, %dma_start3A_242] : memref<40x128xi32, #tpu.memory_space<vmem>> -> memref<1x128xi32, #tpu.memory_space<vmem>>
        %dma_start3A_244 = tpu.memref_squeeze %dma_start3A_243 : memref<1x128xi32, #tpu.memory_space<vmem>> -> memref<128xi32, #tpu.memory_space<vmem>>
        %dma_start3A_245 = arith.constant 0 : i32
        %dma_start3A_246 = arith.constant 0 : i32
        %dma_start3A_247 = tpu.memref_slice %arg6[%dma_start3A_245, %dma_start3A_246] : memref<10240x128xf32, #tpu.memory_space<vmem_shared>> -> memref<10240x128xf32, #tpu.memory_space<vmem_shared>>
        tpu.enqueue_indirect_dma source(%dma_start3A_241 : memref<128x128xf32, #tpu.memory_space<vmem>>) target(%dma_start3A_247 : memref<10240x128xf32, #tpu.memory_space<vmem_shared>>) offsets(%dma_start3A_244 : memref<128xi32, #tpu.memory_space<vmem>>) semaphore(%run_scoped3A_237 : memref<!tpu.dma_semaphore, #tpu.memory_space<semaphore_mem>>) {add = true}
        %dma_wait3A_248 = arith.constant 0 : i32
        %dma_wait3A_249 = arith.constant 0 : i32
        %dma_wait3A_250 = tpu.memref_slice %arg9[%run_scoped3A_235, %dma_wait3A_248, %dma_wait3A_249] : memref<2x128x128xf32, #tpu.memory_space<vmem>> -> memref<1x128x128xf32, #tpu.memory_space<vmem>>
        %dma_wait3A_251 = tpu.memref_squeeze %dma_wait3A_250 : memref<1x128x128xf32, #tpu.memory_space<vmem>> -> memref<128x128xf32, #tpu.memory_space<vmem>>
        %dma_wait3A_252 = arith.constant 0 : i32
        %dma_wait3A_253 = tpu.memref_slice %arg8[%add3A_223, %dma_wait3A_252] : memref<40x128xi32, #tpu.memory_space<vmem>> -> memref<1x128xi32, #tpu.memory_space<vmem>>
        %dma_wait3A_254 = tpu.memref_squeeze %dma_wait3A_253 : memref<1x128xi32, #tpu.memory_space<vmem>> -> memref<128xi32, #tpu.memory_space<vmem>>
        %dma_wait3A_255 = arith.constant 0 : i32
        %dma_wait3A_256 = arith.constant 0 : i32
        %dma_wait3A_257 = tpu.memref_slice %arg6[%dma_wait3A_255, %dma_wait3A_256] : memref<10240x128xf32, #tpu.memory_space<vmem_shared>> -> memref<10240x128xf32, #tpu.memory_space<vmem_shared>>
        tpu.wait_indirect_dma semaphore(%run_scoped3A_237 : memref<!tpu.dma_semaphore, #tpu.memory_space<semaphore_mem>>) src(%dma_wait3A_251 : memref<128x128xf32, #tpu.memory_space<vmem>>) dst(%dma_wait3A_257 : memref<10240x128xf32, #tpu.memory_space<vmem_shared>>)
        tpu.yield
      }) : () -> ()
      %scan3A_236 = arith.constant 0 : i32
      scf.yield %scan3A_236 : i32
    }
    %scan3A_71 = arith.constant 19 : i32
    %dma_start3A_72 = arith.constant 39 : i32
    %dma_start3A_73 = arith.constant 1 : i32
    %dma_start3A_74 = arith.constant 0 : i32
    %dma_start3A_75 = arith.constant 0 : i32
    %dma_start3A_76 = tpu.memref_slice %arg9[%dma_start3A_73, %dma_start3A_74, %dma_start3A_75] : memref<2x128x128xf32, #tpu.memory_space<vmem>> -> memref<1x128x128xf32, #tpu.memory_space<vmem>>
    %dma_start3A_77 = tpu.memref_squeeze %dma_start3A_76 : memref<1x128x128xf32, #tpu.memory_space<vmem>> -> memref<128x128xf32, #tpu.memory_space<vmem>>
    %dma_start3A_78 = arith.constant 0 : i32
    %dma_start3A_79 = tpu.memref_slice %arg7[%dma_start3A_72, %dma_start3A_78] : memref<40x128xi32, #tpu.memory_space<vmem>> -> memref<1x128xi32, #tpu.memory_space<vmem>>
    %dma_start3A_80 = tpu.memref_squeeze %dma_start3A_79 : memref<1x128xi32, #tpu.memory_space<vmem>> -> memref<128xi32, #tpu.memory_space<vmem>>
    %dma_start3A_81 = arith.constant 0 : i32
    %dma_start3A_82 = arith.constant 0 : i32
    %dma_start3A_83 = tpu.memref_slice %arg2[%dma_start3A_81, %dma_start3A_82] : memref<10240x128xf32, #tpu.memory_space<hbm>> -> memref<10240x128xf32, #tpu.memory_space<hbm>>
    tpu.enqueue_indirect_dma source(%dma_start3A_83 : memref<10240x128xf32, #tpu.memory_space<hbm>>) target(%dma_start3A_77 : memref<128x128xf32, #tpu.memory_space<vmem>>) offsets(%dma_start3A_80 : memref<128xi32, #tpu.memory_space<vmem>>) semaphore(%arg12 : memref<!tpu.dma_semaphore, #tpu.memory_space<semaphore_mem>>)
    %dma_wait3A = arith.constant 38 : i32
    %dma_wait3A_84 = arith.constant 0 : i32
    %dma_wait3A_85 = arith.constant 0 : i32
    %dma_wait3A_86 = arith.constant 0 : i32
    %dma_wait3A_87 = tpu.memref_slice %arg9[%dma_wait3A_84, %dma_wait3A_85, %dma_wait3A_86] : memref<2x128x128xf32, #tpu.memory_space<vmem>> -> memref<1x128x128xf32, #tpu.memory_space<vmem>>
    %dma_wait3A_88 = tpu.memref_squeeze %dma_wait3A_87 : memref<1x128x128xf32, #tpu.memory_space<vmem>> -> memref<128x128xf32, #tpu.memory_space<vmem>>
    %dma_wait3A_89 = arith.constant 0 : i32
    %dma_wait3A_90 = tpu.memref_slice %arg7[%dma_wait3A, %dma_wait3A_89] : memref<40x128xi32, #tpu.memory_space<vmem>> -> memref<1x128xi32, #tpu.memory_space<vmem>>
    %dma_wait3A_91 = tpu.memref_squeeze %dma_wait3A_90 : memref<1x128xi32, #tpu.memory_space<vmem>> -> memref<128xi32, #tpu.memory_space<vmem>>
    %dma_wait3A_92 = arith.constant 0 : i32
    %dma_wait3A_93 = arith.constant 0 : i32
    %dma_wait3A_94 = tpu.memref_slice %arg2[%dma_wait3A_92, %dma_wait3A_93] : memref<10240x128xf32, #tpu.memory_space<hbm>> -> memref<10240x128xf32, #tpu.memory_space<hbm>>
    tpu.wait_indirect_dma semaphore(%arg11 : memref<!tpu.dma_semaphore, #tpu.memory_space<semaphore_mem>>) src(%dma_wait3A_94 : memref<10240x128xf32, #tpu.memory_space<hbm>>) dst(%dma_wait3A_88 : memref<128x128xf32, #tpu.memory_space<vmem>>)
    %run_scoped3A = arith.constant 0 : i32
    %run_scoped3A_95 = arith.constant 38 : i32
    "tpu.region"() ({
      %run_scoped3A_174 = tpu.sem_alloc : memref<!tpu.dma_semaphore, #tpu.memory_space<semaphore_mem>>
      %dma_start3A_175 = arith.constant 0 : i32
      %dma_start3A_176 = arith.constant 0 : i32
      %dma_start3A_177 = tpu.memref_slice %arg9[%run_scoped3A, %dma_start3A_175, %dma_start3A_176] : memref<2x128x128xf32, #tpu.memory_space<vmem>> -> memref<1x128x128xf32, #tpu.memory_space<vmem>>
      %dma_start3A_178 = tpu.memref_squeeze %dma_start3A_177 : memref<1x128x128xf32, #tpu.memory_space<vmem>> -> memref<128x128xf32, #tpu.memory_space<vmem>>
      %dma_start3A_179 = arith.constant 0 : i32
      %dma_start3A_180 = tpu.memref_slice %arg8[%run_scoped3A_95, %dma_start3A_179] : memref<40x128xi32, #tpu.memory_space<vmem>> -> memref<1x128xi32, #tpu.memory_space<vmem>>
      %dma_start3A_181 = tpu.memref_squeeze %dma_start3A_180 : memref<1x128xi32, #tpu.memory_space<vmem>> -> memref<128xi32, #tpu.memory_space<vmem>>
      %dma_start3A_182 = arith.constant 0 : i32
      %dma_start3A_183 = arith.constant 0 : i32
      %dma_start3A_184 = tpu.memref_slice %arg6[%dma_start3A_182, %dma_start3A_183] : memref<10240x128xf32, #tpu.memory_space<vmem_shared>> -> memref<10240x128xf32, #tpu.memory_space<vmem_shared>>
      tpu.enqueue_indirect_dma source(%dma_start3A_178 : memref<128x128xf32, #tpu.memory_space<vmem>>) target(%dma_start3A_184 : memref<10240x128xf32, #tpu.memory_space<vmem_shared>>) offsets(%dma_start3A_181 : memref<128xi32, #tpu.memory_space<vmem>>) semaphore(%run_scoped3A_174 : memref<!tpu.dma_semaphore, #tpu.memory_space<semaphore_mem>>) {add = true}
      %dma_wait3A_185 = arith.constant 0 : i32
      %dma_wait3A_186 = arith.constant 0 : i32
      %dma_wait3A_187 = tpu.memref_slice %arg9[%run_scoped3A, %dma_wait3A_185, %dma_wait3A_186] : memref<2x128x128xf32, #tpu.memory_space<vmem>> -> memref<1x128x128xf32, #tpu.memory_space<vmem>>
      %dma_wait3A_188 = tpu.memref_squeeze %dma_wait3A_187 : memref<1x128x128xf32, #tpu.memory_space<vmem>> -> memref<128x128xf32, #tpu.memory_space<vmem>>
      %dma_wait3A_189 = arith.constant 0 : i32
      %dma_wait3A_190 = tpu.memref_slice %arg8[%run_scoped3A_95, %dma_wait3A_189] : memref<40x128xi32, #tpu.memory_space<vmem>> -> memref<1x128xi32, #tpu.memory_space<vmem>>
      %dma_wait3A_191 = tpu.memref_squeeze %dma_wait3A_190 : memref<1x128xi32, #tpu.memory_space<vmem>> -> memref<128xi32, #tpu.memory_space<vmem>>
      %dma_wait3A_192 = arith.constant 0 : i32
      %dma_wait3A_193 = arith.constant 0 : i32
      %dma_wait3A_194 = tpu.memref_slice %arg6[%dma_wait3A_192, %dma_wait3A_193] : memref<10240x128xf32, #tpu.memory_space<vmem_shared>> -> memref<10240x128xf32, #tpu.memory_space<vmem_shared>>
      tpu.wait_indirect_dma semaphore(%run_scoped3A_174 : memref<!tpu.dma_semaphore, #tpu.memory_space<semaphore_mem>>) src(%dma_wait3A_188 : memref<128x128xf32, #tpu.memory_space<vmem>>) dst(%dma_wait3A_194 : memref<10240x128xf32, #tpu.memory_space<vmem_shared>>)
      tpu.yield
    }) : () -> ()
    %dma_wait3A_96 = arith.constant 39 : i32
    %dma_wait3A_97 = arith.constant 1 : i32
    %dma_wait3A_98 = arith.constant 0 : i32
    %dma_wait3A_99 = arith.constant 0 : i32
    %dma_wait3A_100 = tpu.memref_slice %arg9[%dma_wait3A_97, %dma_wait3A_98, %dma_wait3A_99] : memref<2x128x128xf32, #tpu.memory_space<vmem>> -> memref<1x128x128xf32, #tpu.memory_space<vmem>>
    %dma_wait3A_101 = tpu.memref_squeeze %dma_wait3A_100 : memref<1x128x128xf32, #tpu.memory_space<vmem>> -> memref<128x128xf32, #tpu.memory_space<vmem>>
    %dma_wait3A_102 = arith.constant 0 : i32
    %dma_wait3A_103 = tpu.memref_slice %arg7[%dma_wait3A_96, %dma_wait3A_102] : memref<40x128xi32, #tpu.memory_space<vmem>> -> memref<1x128xi32, #tpu.memory_space<vmem>>
    %dma_wait3A_104 = tpu.memref_squeeze %dma_wait3A_103 : memref<1x128xi32, #tpu.memory_space<vmem>> -> memref<128xi32, #tpu.memory_space<vmem>>
    %dma_wait3A_105 = arith.constant 0 : i32
    %dma_wait3A_106 = arith.constant 0 : i32
    %dma_wait3A_107 = tpu.memref_slice %arg2[%dma_wait3A_105, %dma_wait3A_106] : memref<10240x128xf32, #tpu.memory_space<hbm>> -> memref<10240x128xf32, #tpu.memory_space<hbm>>
    tpu.wait_indirect_dma semaphore(%arg12 : memref<!tpu.dma_semaphore, #tpu.memory_space<semaphore_mem>>) src(%dma_wait3A_107 : memref<10240x128xf32, #tpu.memory_space<hbm>>) dst(%dma_wait3A_101 : memref<128x128xf32, #tpu.memory_space<vmem>>)
    %run_scoped3A_108 = arith.constant 1 : i32
    %run_scoped3A_109 = arith.constant 39 : i32
    "tpu.region"() ({
      %run_scoped3A_174 = tpu.sem_alloc : memref<!tpu.dma_semaphore, #tpu.memory_space<semaphore_mem>>
      %dma_start3A_175 = arith.constant 0 : i32
      %dma_start3A_176 = arith.constant 0 : i32
      %dma_start3A_177 = tpu.memref_slice %arg9[%run_scoped3A_108, %dma_start3A_175, %dma_start3A_176] : memref<2x128x128xf32, #tpu.memory_space<vmem>> -> memref<1x128x128xf32, #tpu.memory_space<vmem>>
      %dma_start3A_178 = tpu.memref_squeeze %dma_start3A_177 : memref<1x128x128xf32, #tpu.memory_space<vmem>> -> memref<128x128xf32, #tpu.memory_space<vmem>>
      %dma_start3A_179 = arith.constant 0 : i32
      %dma_start3A_180 = tpu.memref_slice %arg8[%run_scoped3A_109, %dma_start3A_179] : memref<40x128xi32, #tpu.memory_space<vmem>> -> memref<1x128xi32, #tpu.memory_space<vmem>>
      %dma_start3A_181 = tpu.memref_squeeze %dma_start3A_180 : memref<1x128xi32, #tpu.memory_space<vmem>> -> memref<128xi32, #tpu.memory_space<vmem>>
      %dma_start3A_182 = arith.constant 0 : i32
      %dma_start3A_183 = arith.constant 0 : i32
      %dma_start3A_184 = tpu.memref_slice %arg6[%dma_start3A_182, %dma_start3A_183] : memref<10240x128xf32, #tpu.memory_space<vmem_shared>> -> memref<10240x128xf32, #tpu.memory_space<vmem_shared>>
      tpu.enqueue_indirect_dma source(%dma_start3A_178 : memref<128x128xf32, #tpu.memory_space<vmem>>) target(%dma_start3A_184 : memref<10240x128xf32, #tpu.memory_space<vmem_shared>>) offsets(%dma_start3A_181 : memref<128xi32, #tpu.memory_space<vmem>>) semaphore(%run_scoped3A_174 : memref<!tpu.dma_semaphore, #tpu.memory_space<semaphore_mem>>) {add = true}
      %dma_wait3A_185 = arith.constant 0 : i32
      %dma_wait3A_186 = arith.constant 0 : i32
      %dma_wait3A_187 = tpu.memref_slice %arg9[%run_scoped3A_108, %dma_wait3A_185, %dma_wait3A_186] : memref<2x128x128xf32, #tpu.memory_space<vmem>> -> memref<1x128x128xf32, #tpu.memory_space<vmem>>
      %dma_wait3A_188 = tpu.memref_squeeze %dma_wait3A_187 : memref<1x128x128xf32, #tpu.memory_space<vmem>> -> memref<128x128xf32, #tpu.memory_space<vmem>>
      %dma_wait3A_189 = arith.constant 0 : i32
      %dma_wait3A_190 = tpu.memref_slice %arg8[%run_scoped3A_109, %dma_wait3A_189] : memref<40x128xi32, #tpu.memory_space<vmem>> -> memref<1x128xi32, #tpu.memory_space<vmem>>
      %dma_wait3A_191 = tpu.memref_squeeze %dma_wait3A_190 : memref<1x128xi32, #tpu.memory_space<vmem>> -> memref<128xi32, #tpu.memory_space<vmem>>
      %dma_wait3A_192 = arith.constant 0 : i32
      %dma_wait3A_193 = arith.constant 0 : i32
      %dma_wait3A_194 = tpu.memref_slice %arg6[%dma_wait3A_192, %dma_wait3A_193] : memref<10240x128xf32, #tpu.memory_space<vmem_shared>> -> memref<10240x128xf32, #tpu.memory_space<vmem_shared>>
      tpu.wait_indirect_dma semaphore(%run_scoped3A_174 : memref<!tpu.dma_semaphore, #tpu.memory_space<semaphore_mem>>) src(%dma_wait3A_188 : memref<128x128xf32, #tpu.memory_space<vmem>>) dst(%dma_wait3A_194 : memref<10240x128xf32, #tpu.memory_space<vmem_shared>>)
      tpu.yield
    }) : () -> ()
    %mul3A_110 = arith.constant 80 : i32
    %mul3A_111 = arith.muli %add3A, %mul3A_110 : i32
    %add3A_112 = arith.constant 40 : i32
    %add3A_113 = arith.addi %mul3A_111, %add3A_112 : i32
    "tpu.region"() ({
      %run_scoped3A_174 = tpu.sem_alloc : memref<!tpu.dma_semaphore, #tpu.memory_space<semaphore_mem>>
      %dma_start3A_175 = arith.constant 0 : i32
      %dma_start3A_176 = tpu.memref_slice %arg3[%add3A_113, %dma_start3A_175] : memref<2560x128xi32, #tpu.memory_space<hbm>> -> memref<40x128xi32, #tpu.memory_space<hbm>>
      %dma_start3A_177 = arith.constant 0 : i32
      %dma_start3A_178 = tpu.memref_slice %arg3[%add3A_113, %dma_start3A_177] : memref<2560x128xi32, #tpu.memory_space<hbm>> -> memref<40x128xi32, #tpu.memory_space<hbm>>
      tpu.enqueue_dma source(%dma_start3A_178 : memref<40x128xi32, #tpu.memory_space<hbm>>) target(%arg7 : memref<40x128xi32, #tpu.memory_space<vmem>>) target_semaphore(%run_scoped3A_174 : memref<!tpu.dma_semaphore, #tpu.memory_space<semaphore_mem>>)
      %dma_wait3A_179 = arith.constant 0 : i32
      %dma_wait3A_180 = tpu.memref_slice %arg3[%add3A_113, %dma_wait3A_179] : memref<2560x128xi32, #tpu.memory_space<hbm>> -> memref<40x128xi32, #tpu.memory_space<hbm>>
      %dma_wait3A_181 = arith.constant 0 : i32
      %dma_wait3A_182 = tpu.memref_slice %arg3[%add3A_113, %dma_wait3A_181] : memref<2560x128xi32, #tpu.memory_space<hbm>> -> memref<40x128xi32, #tpu.memory_space<hbm>>
      tpu.wait_dma2 semaphore(%run_scoped3A_174 : memref<!tpu.dma_semaphore, #tpu.memory_space<semaphore_mem>>) src(%dma_wait3A_182 : memref<40x128xi32, #tpu.memory_space<hbm>>) dst(%arg7 : memref<40x128xi32, #tpu.memory_space<vmem>>)
      tpu.yield
    }) : () -> ()
    "tpu.region"() ({
      %run_scoped3A_174 = tpu.sem_alloc : memref<!tpu.dma_semaphore, #tpu.memory_space<semaphore_mem>>
      %dma_start3A_175 = arith.constant 0 : i32
      %dma_start3A_176 = tpu.memref_slice %arg4[%add3A_113, %dma_start3A_175] : memref<2560x128xi32, #tpu.memory_space<hbm>> -> memref<40x128xi32, #tpu.memory_space<hbm>>
      %dma_start3A_177 = arith.constant 0 : i32
      %dma_start3A_178 = tpu.memref_slice %arg4[%add3A_113, %dma_start3A_177] : memref<2560x128xi32, #tpu.memory_space<hbm>> -> memref<40x128xi32, #tpu.memory_space<hbm>>
      tpu.enqueue_dma source(%dma_start3A_178 : memref<40x128xi32, #tpu.memory_space<hbm>>) target(%arg8 : memref<40x128xi32, #tpu.memory_space<vmem>>) target_semaphore(%run_scoped3A_174 : memref<!tpu.dma_semaphore, #tpu.memory_space<semaphore_mem>>)
      %dma_wait3A_179 = arith.constant 0 : i32
      %dma_wait3A_180 = tpu.memref_slice %arg4[%add3A_113, %dma_wait3A_179] : memref<2560x128xi32, #tpu.memory_space<hbm>> -> memref<40x128xi32, #tpu.memory_space<hbm>>
      %dma_wait3A_181 = arith.constant 0 : i32
      %dma_wait3A_182 = tpu.memref_slice %arg4[%add3A_113, %dma_wait3A_181] : memref<2560x128xi32, #tpu.memory_space<hbm>> -> memref<40x128xi32, #tpu.memory_space<hbm>>
      tpu.wait_dma2 semaphore(%run_scoped3A_174 : memref<!tpu.dma_semaphore, #tpu.memory_space<semaphore_mem>>) src(%dma_wait3A_182 : memref<40x128xi32, #tpu.memory_space<hbm>>) dst(%arg8 : memref<40x128xi32, #tpu.memory_space<vmem>>)
      tpu.yield
    }) : () -> ()
    %dma_start3A_114 = arith.constant 0 : i32
    %dma_start3A_115 = arith.constant 0 : i32
    %dma_start3A_116 = arith.constant 0 : i32
    %dma_start3A_117 = arith.constant 0 : i32
    %dma_start3A_118 = tpu.memref_slice %arg9[%dma_start3A_115, %dma_start3A_116, %dma_start3A_117] : memref<2x128x128xf32, #tpu.memory_space<vmem>> -> memref<1x128x128xf32, #tpu.memory_space<vmem>>
    %dma_start3A_119 = tpu.memref_squeeze %dma_start3A_118 : memref<1x128x128xf32, #tpu.memory_space<vmem>> -> memref<128x128xf32, #tpu.memory_space<vmem>>
    %dma_start3A_120 = arith.constant 0 : i32
    %dma_start3A_121 = tpu.memref_slice %arg7[%dma_start3A_114, %dma_start3A_120] : memref<40x128xi32, #tpu.memory_space<vmem>> -> memref<1x128xi32, #tpu.memory_space<vmem>>
    %dma_start3A_122 = tpu.memref_squeeze %dma_start3A_121 : memref<1x128xi32, #tpu.memory_space<vmem>> -> memref<128xi32, #tpu.memory_space<vmem>>
    %dma_start3A_123 = arith.constant 0 : i32
    %dma_start3A_124 = arith.constant 0 : i32
    %dma_start3A_125 = tpu.memref_slice %arg2[%dma_start3A_123, %dma_start3A_124] : memref<10240x128xf32, #tpu.memory_space<hbm>> -> memref<10240x128xf32, #tpu.memory_space<hbm>>
    tpu.enqueue_indirect_dma source(%dma_start3A_125 : memref<10240x128xf32, #tpu.memory_space<hbm>>) target(%dma_start3A_119 : memref<128x128xf32, #tpu.memory_space<vmem>>) offsets(%dma_start3A_122 : memref<128xi32, #tpu.memory_space<vmem>>) semaphore(%arg11 : memref<!tpu.dma_semaphore, #tpu.memory_space<semaphore_mem>>)
    %scan3A_126 = arith.constant 0 : i32
    %scan3A_127 = arith.constant 0 : i32
    %scan3A_128 = arith.constant 19 : i32
    %scan3A_129 = arith.addi %scan3A_127, %scan3A_128 : i32
    %scan3A_130 = arith.constant 1 : i32
    %scan3A_131 = scf.for %scan3A_174 = %scan3A_127 to %scan3A_129 step %scan3A_130 iter_args(%scan3A_175 = %scan3A_126) -> (i32)  : i32 {
      %mul3A_176 = arith.constant 2 : i32
      %mul3A_177 = arith.muli %mul3A_176, %scan3A_174 : i32
      %add3A_178 = arith.constant 1 : i32
      %add3A_179 = arith.addi %mul3A_177, %add3A_178 : i32
      %dma_start3A_180 = arith.constant 1 : i32
      %dma_start3A_181 = arith.constant 0 : i32
      %dma_start3A_182 = arith.constant 0 : i32
      %dma_start3A_183 = tpu.memref_slice %arg9[%dma_start3A_180, %dma_start3A_181, %dma_start3A_182] : memref<2x128x128xf32, #tpu.memory_space<vmem>> -> memref<1x128x128xf32, #tpu.memory_space<vmem>>
      %dma_start3A_184 = tpu.memref_squeeze %dma_start3A_183 : memref<1x128x128xf32, #tpu.memory_space<vmem>> -> memref<128x128xf32, #tpu.memory_space<vmem>>
      %dma_start3A_185 = arith.constant 0 : i32
      %dma_start3A_186 = tpu.memref_slice %arg7[%add3A_179, %dma_start3A_185] : memref<40x128xi32, #tpu.memory_space<vmem>> -> memref<1x128xi32, #tpu.memory_space<vmem>>
      %dma_start3A_187 = tpu.memref_squeeze %dma_start3A_186 : memref<1x128xi32, #tpu.memory_space<vmem>> -> memref<128xi32, #tpu.memory_space<vmem>>
      %dma_start3A_188 = arith.constant 0 : i32
      %dma_start3A_189 = arith.constant 0 : i32
      %dma_start3A_190 = tpu.memref_slice %arg2[%dma_start3A_188, %dma_start3A_189] : memref<10240x128xf32, #tpu.memory_space<hbm>> -> memref<10240x128xf32, #tpu.memory_space<hbm>>
      tpu.enqueue_indirect_dma source(%dma_start3A_190 : memref<10240x128xf32, #tpu.memory_space<hbm>>) target(%dma_start3A_184 : memref<128x128xf32, #tpu.memory_space<vmem>>) offsets(%dma_start3A_187 : memref<128xi32, #tpu.memory_space<vmem>>) semaphore(%arg12 : memref<!tpu.dma_semaphore, #tpu.memory_space<semaphore_mem>>)
      %mul3A_191 = arith.constant 2 : i32
      %mul3A_192 = arith.muli %mul3A_191, %scan3A_174 : i32
      %dma_wait3A_193 = arith.constant 0 : i32
      %dma_wait3A_194 = arith.constant 0 : i32
      %dma_wait3A_195 = arith.constant 0 : i32
      %dma_wait3A_196 = tpu.memref_slice %arg9[%dma_wait3A_193, %dma_wait3A_194, %dma_wait3A_195] : memref<2x128x128xf32, #tpu.memory_space<vmem>> -> memref<1x128x128xf32, #tpu.memory_space<vmem>>
      %dma_wait3A_197 = tpu.memref_squeeze %dma_wait3A_196 : memref<1x128x128xf32, #tpu.memory_space<vmem>> -> memref<128x128xf32, #tpu.memory_space<vmem>>
      %dma_wait3A_198 = arith.constant 0 : i32
      %dma_wait3A_199 = tpu.memref_slice %arg7[%mul3A_192, %dma_wait3A_198] : memref<40x128xi32, #tpu.memory_space<vmem>> -> memref<1x128xi32, #tpu.memory_space<vmem>>
      %dma_wait3A_200 = tpu.memref_squeeze %dma_wait3A_199 : memref<1x128xi32, #tpu.memory_space<vmem>> -> memref<128xi32, #tpu.memory_space<vmem>>
      %dma_wait3A_201 = arith.constant 0 : i32
      %dma_wait3A_202 = arith.constant 0 : i32
      %dma_wait3A_203 = tpu.memref_slice %arg2[%dma_wait3A_201, %dma_wait3A_202] : memref<10240x128xf32, #tpu.memory_space<hbm>> -> memref<10240x128xf32, #tpu.memory_space<hbm>>
      tpu.wait_indirect_dma semaphore(%arg11 : memref<!tpu.dma_semaphore, #tpu.memory_space<semaphore_mem>>) src(%dma_wait3A_203 : memref<10240x128xf32, #tpu.memory_space<hbm>>) dst(%dma_wait3A_197 : memref<128x128xf32, #tpu.memory_space<vmem>>)
      %run_scoped3A_204 = arith.constant 0 : i32
      "tpu.region"() ({
        %run_scoped3A_237 = tpu.sem_alloc : memref<!tpu.dma_semaphore, #tpu.memory_space<semaphore_mem>>
        %dma_start3A_238 = arith.constant 0 : i32
        %dma_start3A_239 = arith.constant 0 : i32
        %dma_start3A_240 = tpu.memref_slice %arg9[%run_scoped3A_204, %dma_start3A_238, %dma_start3A_239] : memref<2x128x128xf32, #tpu.memory_space<vmem>> -> memref<1x128x128xf32, #tpu.memory_space<vmem>>
        %dma_start3A_241 = tpu.memref_squeeze %dma_start3A_240 : memref<1x128x128xf32, #tpu.memory_space<vmem>> -> memref<128x128xf32, #tpu.memory_space<vmem>>
        %dma_start3A_242 = arith.constant 0 : i32
        %dma_start3A_243 = tpu.memref_slice %arg8[%mul3A_192, %dma_start3A_242] : memref<40x128xi32, #tpu.memory_space<vmem>> -> memref<1x128xi32, #tpu.memory_space<vmem>>
        %dma_start3A_244 = tpu.memref_squeeze %dma_start3A_243 : memref<1x128xi32, #tpu.memory_space<vmem>> -> memref<128xi32, #tpu.memory_space<vmem>>
        %dma_start3A_245 = arith.constant 0 : i32
        %dma_start3A_246 = arith.constant 0 : i32
        %dma_start3A_247 = tpu.memref_slice %arg6[%dma_start3A_245, %dma_start3A_246] : memref<10240x128xf32, #tpu.memory_space<vmem_shared>> -> memref<10240x128xf32, #tpu.memory_space<vmem_shared>>
        tpu.enqueue_indirect_dma source(%dma_start3A_241 : memref<128x128xf32, #tpu.memory_space<vmem>>) target(%dma_start3A_247 : memref<10240x128xf32, #tpu.memory_space<vmem_shared>>) offsets(%dma_start3A_244 : memref<128xi32, #tpu.memory_space<vmem>>) semaphore(%run_scoped3A_237 : memref<!tpu.dma_semaphore, #tpu.memory_space<semaphore_mem>>) {add = true}
        %dma_wait3A_248 = arith.constant 0 : i32
        %dma_wait3A_249 = arith.constant 0 : i32
        %dma_wait3A_250 = tpu.memref_slice %arg9[%run_scoped3A_204, %dma_wait3A_248, %dma_wait3A_249] : memref<2x128x128xf32, #tpu.memory_space<vmem>> -> memref<1x128x128xf32, #tpu.memory_space<vmem>>
        %dma_wait3A_251 = tpu.memref_squeeze %dma_wait3A_250 : memref<1x128x128xf32, #tpu.memory_space<vmem>> -> memref<128x128xf32, #tpu.memory_space<vmem>>
        %dma_wait3A_252 = arith.constant 0 : i32
        %dma_wait3A_253 = tpu.memref_slice %arg8[%mul3A_192, %dma_wait3A_252] : memref<40x128xi32, #tpu.memory_space<vmem>> -> memref<1x128xi32, #tpu.memory_space<vmem>>
        %dma_wait3A_254 = tpu.memref_squeeze %dma_wait3A_253 : memref<1x128xi32, #tpu.memory_space<vmem>> -> memref<128xi32, #tpu.memory_space<vmem>>
        %dma_wait3A_255 = arith.constant 0 : i32
        %dma_wait3A_256 = arith.constant 0 : i32
        %dma_wait3A_257 = tpu.memref_slice %arg6[%dma_wait3A_255, %dma_wait3A_256] : memref<10240x128xf32, #tpu.memory_space<vmem_shared>> -> memref<10240x128xf32, #tpu.memory_space<vmem_shared>>
        tpu.wait_indirect_dma semaphore(%run_scoped3A_237 : memref<!tpu.dma_semaphore, #tpu.memory_space<semaphore_mem>>) src(%dma_wait3A_251 : memref<128x128xf32, #tpu.memory_space<vmem>>) dst(%dma_wait3A_257 : memref<10240x128xf32, #tpu.memory_space<vmem_shared>>)
        tpu.yield
      }) : () -> ()
      %mul3A_205 = arith.constant 2 : i32
      %mul3A_206 = arith.muli %mul3A_205, %scan3A_174 : i32
      %add3A_207 = arith.constant 2 : i32
      %add3A_208 = arith.addi %mul3A_206, %add3A_207 : i32
      %dma_start3A_209 = arith.constant 0 : i32
      %dma_start3A_210 = arith.constant 0 : i32
      %dma_start3A_211 = arith.constant 0 : i32
      %dma_start3A_212 = tpu.memref_slice %arg9[%dma_start3A_209, %dma_start3A_210, %dma_start3A_211] : memref<2x128x128xf32, #tpu.memory_space<vmem>> -> memref<1x128x128xf32, #tpu.memory_space<vmem>>
      %dma_start3A_213 = tpu.memref_squeeze %dma_start3A_212 : memref<1x128x128xf32, #tpu.memory_space<vmem>> -> memref<128x128xf32, #tpu.memory_space<vmem>>
      %dma_start3A_214 = arith.constant 0 : i32
      %dma_start3A_215 = tpu.memref_slice %arg7[%add3A_208, %dma_start3A_214] : memref<40x128xi32, #tpu.memory_space<vmem>> -> memref<1x128xi32, #tpu.memory_space<vmem>>
      %dma_start3A_216 = tpu.memref_squeeze %dma_start3A_215 : memref<1x128xi32, #tpu.memory_space<vmem>> -> memref<128xi32, #tpu.memory_space<vmem>>
      %dma_start3A_217 = arith.constant 0 : i32
      %dma_start3A_218 = arith.constant 0 : i32
      %dma_start3A_219 = tpu.memref_slice %arg2[%dma_start3A_217, %dma_start3A_218] : memref<10240x128xf32, #tpu.memory_space<hbm>> -> memref<10240x128xf32, #tpu.memory_space<hbm>>
      tpu.enqueue_indirect_dma source(%dma_start3A_219 : memref<10240x128xf32, #tpu.memory_space<hbm>>) target(%dma_start3A_213 : memref<128x128xf32, #tpu.memory_space<vmem>>) offsets(%dma_start3A_216 : memref<128xi32, #tpu.memory_space<vmem>>) semaphore(%arg11 : memref<!tpu.dma_semaphore, #tpu.memory_space<semaphore_mem>>)
      %mul3A_220 = arith.constant 2 : i32
      %mul3A_221 = arith.muli %mul3A_220, %scan3A_174 : i32
      %add3A_222 = arith.constant 1 : i32
      %add3A_223 = arith.addi %mul3A_221, %add3A_222 : i32
      %dma_wait3A_224 = arith.constant 1 : i32
      %dma_wait3A_225 = arith.constant 0 : i32
      %dma_wait3A_226 = arith.constant 0 : i32
      %dma_wait3A_227 = tpu.memref_slice %arg9[%dma_wait3A_224, %dma_wait3A_225, %dma_wait3A_226] : memref<2x128x128xf32, #tpu.memory_space<vmem>> -> memref<1x128x128xf32, #tpu.memory_space<vmem>>
      %dma_wait3A_228 = tpu.memref_squeeze %dma_wait3A_227 : memref<1x128x128xf32, #tpu.memory_space<vmem>> -> memref<128x128xf32, #tpu.memory_space<vmem>>
      %dma_wait3A_229 = arith.constant 0 : i32
      %dma_wait3A_230 = tpu.memref_slice %arg7[%add3A_223, %dma_wait3A_229] : memref<40x128xi32, #tpu.memory_space<vmem>> -> memref<1x128xi32, #tpu.memory_space<vmem>>
      %dma_wait3A_231 = tpu.memref_squeeze %dma_wait3A_230 : memref<1x128xi32, #tpu.memory_space<vmem>> -> memref<128xi32, #tpu.memory_space<vmem>>
      %dma_wait3A_232 = arith.constant 0 : i32
      %dma_wait3A_233 = arith.constant 0 : i32
      %dma_wait3A_234 = tpu.memref_slice %arg2[%dma_wait3A_232, %dma_wait3A_233] : memref<10240x128xf32, #tpu.memory_space<hbm>> -> memref<10240x128xf32, #tpu.memory_space<hbm>>
      tpu.wait_indirect_dma semaphore(%arg12 : memref<!tpu.dma_semaphore, #tpu.memory_space<semaphore_mem>>) src(%dma_wait3A_234 : memref<10240x128xf32, #tpu.memory_space<hbm>>) dst(%dma_wait3A_228 : memref<128x128xf32, #tpu.memory_space<vmem>>)
      %run_scoped3A_235 = arith.constant 1 : i32
      "tpu.region"() ({
        %run_scoped3A_237 = tpu.sem_alloc : memref<!tpu.dma_semaphore, #tpu.memory_space<semaphore_mem>>
        %dma_start3A_238 = arith.constant 0 : i32
        %dma_start3A_239 = arith.constant 0 : i32
        %dma_start3A_240 = tpu.memref_slice %arg9[%run_scoped3A_235, %dma_start3A_238, %dma_start3A_239] : memref<2x128x128xf32, #tpu.memory_space<vmem>> -> memref<1x128x128xf32, #tpu.memory_space<vmem>>
        %dma_start3A_241 = tpu.memref_squeeze %dma_start3A_240 : memref<1x128x128xf32, #tpu.memory_space<vmem>> -> memref<128x128xf32, #tpu.memory_space<vmem>>
        %dma_start3A_242 = arith.constant 0 : i32
        %dma_start3A_243 = tpu.memref_slice %arg8[%add3A_223, %dma_start3A_242] : memref<40x128xi32, #tpu.memory_space<vmem>> -> memref<1x128xi32, #tpu.memory_space<vmem>>
        %dma_start3A_244 = tpu.memref_squeeze %dma_start3A_243 : memref<1x128xi32, #tpu.memory_space<vmem>> -> memref<128xi32, #tpu.memory_space<vmem>>
        %dma_start3A_245 = arith.constant 0 : i32
        %dma_start3A_246 = arith.constant 0 : i32
        %dma_start3A_247 = tpu.memref_slice %arg6[%dma_start3A_245, %dma_start3A_246] : memref<10240x128xf32, #tpu.memory_space<vmem_shared>> -> memref<10240x128xf32, #tpu.memory_space<vmem_shared>>
        tpu.enqueue_indirect_dma source(%dma_start3A_241 : memref<128x128xf32, #tpu.memory_space<vmem>>) target(%dma_start3A_247 : memref<10240x128xf32, #tpu.memory_space<vmem_shared>>) offsets(%dma_start3A_244 : memref<128xi32, #tpu.memory_space<vmem>>) semaphore(%run_scoped3A_237 : memref<!tpu.dma_semaphore, #tpu.memory_space<semaphore_mem>>) {add = true}
        %dma_wait3A_248 = arith.constant 0 : i32
        %dma_wait3A_249 = arith.constant 0 : i32
        %dma_wait3A_250 = tpu.memref_slice %arg9[%run_scoped3A_235, %dma_wait3A_248, %dma_wait3A_249] : memref<2x128x128xf32, #tpu.memory_space<vmem>> -> memref<1x128x128xf32, #tpu.memory_space<vmem>>
        %dma_wait3A_251 = tpu.memref_squeeze %dma_wait3A_250 : memref<1x128x128xf32, #tpu.memory_space<vmem>> -> memref<128x128xf32, #tpu.memory_space<vmem>>
        %dma_wait3A_252 = arith.constant 0 : i32
        %dma_wait3A_253 = tpu.memref_slice %arg8[%add3A_223, %dma_wait3A_252] : memref<40x128xi32, #tpu.memory_space<vmem>> -> memref<1x128xi32, #tpu.memory_space<vmem>>
        %dma_wait3A_254 = tpu.memref_squeeze %dma_wait3A_253 : memref<1x128xi32, #tpu.memory_space<vmem>> -> memref<128xi32, #tpu.memory_space<vmem>>
        %dma_wait3A_255 = arith.constant 0 : i32
        %dma_wait3A_256 = arith.constant 0 : i32
        %dma_wait3A_257 = tpu.memref_slice %arg6[%dma_wait3A_255, %dma_wait3A_256] : memref<10240x128xf32, #tpu.memory_space<vmem_shared>> -> memref<10240x128xf32, #tpu.memory_space<vmem_shared>>
        tpu.wait_indirect_dma semaphore(%run_scoped3A_237 : memref<!tpu.dma_semaphore, #tpu.memory_space<semaphore_mem>>) src(%dma_wait3A_251 : memref<128x128xf32, #tpu.memory_space<vmem>>) dst(%dma_wait3A_257 : memref<10240x128xf32, #tpu.memory_space<vmem_shared>>)
        tpu.yield
      }) : () -> ()
      %scan3A_236 = arith.constant 0 : i32
      scf.yield %scan3A_236 : i32
    }
    %scan3A_132 = arith.constant 19 : i32
    %dma_start3A_133 = arith.constant 39 : i32
    %dma_start3A_134 = arith.constant 1 : i32
    %dma_start3A_135 = arith.constant 0 : i32
    %dma_start3A_136 = arith.constant 0 : i32
    %dma_start3A_137 = tpu.memref_slice %arg9[%dma_start3A_134, %dma_start3A_135, %dma_start3A_136] : memref<2x128x128xf32, #tpu.memory_space<vmem>> -> memref<1x128x128xf32, #tpu.memory_space<vmem>>
    %dma_start3A_138 = tpu.memref_squeeze %dma_start3A_137 : memref<1x128x128xf32, #tpu.memory_space<vmem>> -> memref<128x128xf32, #tpu.memory_space<vmem>>
    %dma_start3A_139 = arith.constant 0 : i32
    %dma_start3A_140 = tpu.memref_slice %arg7[%dma_start3A_133, %dma_start3A_139] : memref<40x128xi32, #tpu.memory_space<vmem>> -> memref<1x128xi32, #tpu.memory_space<vmem>>
    %dma_start3A_141 = tpu.memref_squeeze %dma_start3A_140 : memref<1x128xi32, #tpu.memory_space<vmem>> -> memref<128xi32, #tpu.memory_space<vmem>>
    %dma_start3A_142 = arith.constant 0 : i32
    %dma_start3A_143 = arith.constant 0 : i32
    %dma_start3A_144 = tpu.memref_slice %arg2[%dma_start3A_142, %dma_start3A_143] : memref<10240x128xf32, #tpu.memory_space<hbm>> -> memref<10240x128xf32, #tpu.memory_space<hbm>>
    tpu.enqueue_indirect_dma source(%dma_start3A_144 : memref<10240x128xf32, #tpu.memory_space<hbm>>) target(%dma_start3A_138 : memref<128x128xf32, #tpu.memory_space<vmem>>) offsets(%dma_start3A_141 : memref<128xi32, #tpu.memory_space<vmem>>) semaphore(%arg12 : memref<!tpu.dma_semaphore, #tpu.memory_space<semaphore_mem>>)
    %dma_wait3A_145 = arith.constant 38 : i32
    %dma_wait3A_146 = arith.constant 0 : i32
    %dma_wait3A_147 = arith.constant 0 : i32
    %dma_wait3A_148 = arith.constant 0 : i32
    %dma_wait3A_149 = tpu.memref_slice %arg9[%dma_wait3A_146, %dma_wait3A_147, %dma_wait3A_148] : memref<2x128x128xf32, #tpu.memory_space<vmem>> -> memref<1x128x128xf32, #tpu.memory_space<vmem>>
    %dma_wait3A_150 = tpu.memref_squeeze %dma_wait3A_149 : memref<1x128x128xf32, #tpu.memory_space<vmem>> -> memref<128x128xf32, #tpu.memory_space<vmem>>
    %dma_wait3A_151 = arith.constant 0 : i32
    %dma_wait3A_152 = tpu.memref_slice %arg7[%dma_wait3A_145, %dma_wait3A_151] : memref<40x128xi32, #tpu.memory_space<vmem>> -> memref<1x128xi32, #tpu.memory_space<vmem>>
    %dma_wait3A_153 = tpu.memref_squeeze %dma_wait3A_152 : memref<1x128xi32, #tpu.memory_space<vmem>> -> memref<128xi32, #tpu.memory_space<vmem>>
    %dma_wait3A_154 = arith.constant 0 : i32
    %dma_wait3A_155 = arith.constant 0 : i32
    %dma_wait3A_156 = tpu.memref_slice %arg2[%dma_wait3A_154, %dma_wait3A_155] : memref<10240x128xf32, #tpu.memory_space<hbm>> -> memref<10240x128xf32, #tpu.memory_space<hbm>>
    tpu.wait_indirect_dma semaphore(%arg11 : memref<!tpu.dma_semaphore, #tpu.memory_space<semaphore_mem>>) src(%dma_wait3A_156 : memref<10240x128xf32, #tpu.memory_space<hbm>>) dst(%dma_wait3A_150 : memref<128x128xf32, #tpu.memory_space<vmem>>)
    %run_scoped3A_157 = arith.constant 0 : i32
    %run_scoped3A_158 = arith.constant 38 : i32
    "tpu.region"() ({
      %run_scoped3A_174 = tpu.sem_alloc : memref<!tpu.dma_semaphore, #tpu.memory_space<semaphore_mem>>
      %dma_start3A_175 = arith.constant 0 : i32
      %dma_start3A_176 = arith.constant 0 : i32
      %dma_start3A_177 = tpu.memref_slice %arg9[%run_scoped3A_157, %dma_start3A_175, %dma_start3A_176] : memref<2x128x128xf32, #tpu.memory_space<vmem>> -> memref<1x128x128xf32, #tpu.memory_space<vmem>>
      %dma_start3A_178 = tpu.memref_squeeze %dma_start3A_177 : memref<1x128x128xf32, #tpu.memory_space<vmem>> -> memref<128x128xf32, #tpu.memory_space<vmem>>
      %dma_start3A_179 = arith.constant 0 : i32
      %dma_start3A_180 = tpu.memref_slice %arg8[%run_scoped3A_158, %dma_start3A_179] : memref<40x128xi32, #tpu.memory_space<vmem>> -> memref<1x128xi32, #tpu.memory_space<vmem>>
      %dma_start3A_181 = tpu.memref_squeeze %dma_start3A_180 : memref<1x128xi32, #tpu.memory_space<vmem>> -> memref<128xi32, #tpu.memory_space<vmem>>
      %dma_start3A_182 = arith.constant 0 : i32
      %dma_start3A_183 = arith.constant 0 : i32
      %dma_start3A_184 = tpu.memref_slice %arg6[%dma_start3A_182, %dma_start3A_183] : memref<10240x128xf32, #tpu.memory_space<vmem_shared>> -> memref<10240x128xf32, #tpu.memory_space<vmem_shared>>
      tpu.enqueue_indirect_dma source(%dma_start3A_178 : memref<128x128xf32, #tpu.memory_space<vmem>>) target(%dma_start3A_184 : memref<10240x128xf32, #tpu.memory_space<vmem_shared>>) offsets(%dma_start3A_181 : memref<128xi32, #tpu.memory_space<vmem>>) semaphore(%run_scoped3A_174 : memref<!tpu.dma_semaphore, #tpu.memory_space<semaphore_mem>>) {add = true}
      %dma_wait3A_185 = arith.constant 0 : i32
      %dma_wait3A_186 = arith.constant 0 : i32
      %dma_wait3A_187 = tpu.memref_slice %arg9[%run_scoped3A_157, %dma_wait3A_185, %dma_wait3A_186] : memref<2x128x128xf32, #tpu.memory_space<vmem>> -> memref<1x128x128xf32, #tpu.memory_space<vmem>>
      %dma_wait3A_188 = tpu.memref_squeeze %dma_wait3A_187 : memref<1x128x128xf32, #tpu.memory_space<vmem>> -> memref<128x128xf32, #tpu.memory_space<vmem>>
      %dma_wait3A_189 = arith.constant 0 : i32
      %dma_wait3A_190 = tpu.memref_slice %arg8[%run_scoped3A_158, %dma_wait3A_189] : memref<40x128xi32, #tpu.memory_space<vmem>> -> memref<1x128xi32, #tpu.memory_space<vmem>>
      %dma_wait3A_191 = tpu.memref_squeeze %dma_wait3A_190 : memref<1x128xi32, #tpu.memory_space<vmem>> -> memref<128xi32, #tpu.memory_space<vmem>>
      %dma_wait3A_192 = arith.constant 0 : i32
      %dma_wait3A_193 = arith.constant 0 : i32
      %dma_wait3A_194 = tpu.memref_slice %arg6[%dma_wait3A_192, %dma_wait3A_193] : memref<10240x128xf32, #tpu.memory_space<vmem_shared>> -> memref<10240x128xf32, #tpu.memory_space<vmem_shared>>
      tpu.wait_indirect_dma semaphore(%run_scoped3A_174 : memref<!tpu.dma_semaphore, #tpu.memory_space<semaphore_mem>>) src(%dma_wait3A_188 : memref<128x128xf32, #tpu.memory_space<vmem>>) dst(%dma_wait3A_194 : memref<10240x128xf32, #tpu.memory_space<vmem_shared>>)
      tpu.yield
    }) : () -> ()
    %dma_wait3A_159 = arith.constant 39 : i32
    %dma_wait3A_160 = arith.constant 1 : i32
    %dma_wait3A_161 = arith.constant 0 : i32
    %dma_wait3A_162 = arith.constant 0 : i32
    %dma_wait3A_163 = tpu.memref_slice %arg9[%dma_wait3A_160, %dma_wait3A_161, %dma_wait3A_162] : memref<2x128x128xf32, #tpu.memory_space<vmem>> -> memref<1x128x128xf32, #tpu.memory_space<vmem>>
    %dma_wait3A_164 = tpu.memref_squeeze %dma_wait3A_163 : memref<1x128x128xf32, #tpu.memory_space<vmem>> -> memref<128x128xf32, #tpu.memory_space<vmem>>
    %dma_wait3A_165 = arith.constant 0 : i32
    %dma_wait3A_166 = tpu.memref_slice %arg7[%dma_wait3A_159, %dma_wait3A_165] : memref<40x128xi32, #tpu.memory_space<vmem>> -> memref<1x128xi32, #tpu.memory_space<vmem>>
    %dma_wait3A_167 = tpu.memref_squeeze %dma_wait3A_166 : memref<1x128xi32, #tpu.memory_space<vmem>> -> memref<128xi32, #tpu.memory_space<vmem>>
    %dma_wait3A_168 = arith.constant 0 : i32
    %dma_wait3A_169 = arith.constant 0 : i32
    %dma_wait3A_170 = tpu.memref_slice %arg2[%dma_wait3A_168, %dma_wait3A_169] : memref<10240x128xf32, #tpu.memory_space<hbm>> -> memref<10240x128xf32, #tpu.memory_space<hbm>>
    tpu.wait_indirect_dma semaphore(%arg12 : memref<!tpu.dma_semaphore, #tpu.memory_space<semaphore_mem>>) src(%dma_wait3A_170 : memref<10240x128xf32, #tpu.memory_space<hbm>>) dst(%dma_wait3A_164 : memref<128x128xf32, #tpu.memory_space<vmem>>)
    %run_scoped3A_171 = arith.constant 1 : i32
    %run_scoped3A_172 = arith.constant 39 : i32
    "tpu.region"() ({
      %run_scoped3A_174 = tpu.sem_alloc : memref<!tpu.dma_semaphore, #tpu.memory_space<semaphore_mem>>
      %dma_start3A_175 = arith.constant 0 : i32
      %dma_start3A_176 = arith.constant 0 : i32
      %dma_start3A_177 = tpu.memref_slice %arg9[%run_scoped3A_171, %dma_start3A_175, %dma_start3A_176] : memref<2x128x128xf32, #tpu.memory_space<vmem>> -> memref<1x128x128xf32, #tpu.memory_space<vmem>>
      %dma_start3A_178 = tpu.memref_squeeze %dma_start3A_177 : memref<1x128x128xf32, #tpu.memory_space<vmem>> -> memref<128x128xf32, #tpu.memory_space<vmem>>
      %dma_start3A_179 = arith.constant 0 : i32
      %dma_start3A_180 = tpu.memref_slice %arg8[%run_scoped3A_172, %dma_start3A_179] : memref<40x128xi32, #tpu.memory_space<vmem>> -> memref<1x128xi32, #tpu.memory_space<vmem>>
      %dma_start3A_181 = tpu.memref_squeeze %dma_start3A_180 : memref<1x128xi32, #tpu.memory_space<vmem>> -> memref<128xi32, #tpu.memory_space<vmem>>
      %dma_start3A_182 = arith.constant 0 : i32
      %dma_start3A_183 = arith.constant 0 : i32
      %dma_start3A_184 = tpu.memref_slice %arg6[%dma_start3A_182, %dma_start3A_183] : memref<10240x128xf32, #tpu.memory_space<vmem_shared>> -> memref<10240x128xf32, #tpu.memory_space<vmem_shared>>
      tpu.enqueue_indirect_dma source(%dma_start3A_178 : memref<128x128xf32, #tpu.memory_space<vmem>>) target(%dma_start3A_184 : memref<10240x128xf32, #tpu.memory_space<vmem_shared>>) offsets(%dma_start3A_181 : memref<128xi32, #tpu.memory_space<vmem>>) semaphore(%run_scoped3A_174 : memref<!tpu.dma_semaphore, #tpu.memory_space<semaphore_mem>>) {add = true}
      %dma_wait3A_185 = arith.constant 0 : i32
      %dma_wait3A_186 = arith.constant 0 : i32
      %dma_wait3A_187 = tpu.memref_slice %arg9[%run_scoped3A_171, %dma_wait3A_185, %dma_wait3A_186] : memref<2x128x128xf32, #tpu.memory_space<vmem>> -> memref<1x128x128xf32, #tpu.memory_space<vmem>>
      %dma_wait3A_188 = tpu.memref_squeeze %dma_wait3A_187 : memref<1x128x128xf32, #tpu.memory_space<vmem>> -> memref<128x128xf32, #tpu.memory_space<vmem>>
      %dma_wait3A_189 = arith.constant 0 : i32
      %dma_wait3A_190 = tpu.memref_slice %arg8[%run_scoped3A_172, %dma_wait3A_189] : memref<40x128xi32, #tpu.memory_space<vmem>> -> memref<1x128xi32, #tpu.memory_space<vmem>>
      %dma_wait3A_191 = tpu.memref_squeeze %dma_wait3A_190 : memref<1x128xi32, #tpu.memory_space<vmem>> -> memref<128xi32, #tpu.memory_space<vmem>>
      %dma_wait3A_192 = arith.constant 0 : i32
      %dma_wait3A_193 = arith.constant 0 : i32
      %dma_wait3A_194 = tpu.memref_slice %arg6[%dma_wait3A_192, %dma_wait3A_193] : memref<10240x128xf32, #tpu.memory_space<vmem_shared>> -> memref<10240x128xf32, #tpu.memory_space<vmem_shared>>
      tpu.wait_indirect_dma semaphore(%run_scoped3A_174 : memref<!tpu.dma_semaphore, #tpu.memory_space<semaphore_mem>>) src(%dma_wait3A_188 : memref<128x128xf32, #tpu.memory_space<vmem>>) dst(%dma_wait3A_194 : memref<10240x128xf32, #tpu.memory_space<vmem_shared>>)
      tpu.yield
    }) : () -> ()
    %barrier3A_173 = arith.constant 0 : index
    tpu.barrier barrier_id(%barrier3A_173)
    "tpu.region"() ({
      %run_scoped3A_174 = tpu.sem_alloc : memref<!tpu.dma_semaphore, #tpu.memory_space<semaphore_mem>>
      %dma_start3A_175 = arith.constant 0 : i32
      %dma_start3A_176 = tpu.memref_slice %arg5[%arg0, %mul3A_9, %dma_start3A_175] : memref<2x10240x128xf32, #tpu.memory_space<hbm>> -> memref<1x640x128xf32, #tpu.memory_space<hbm>>
      %dma_start3A_177 = tpu.memref_squeeze %dma_start3A_176 : memref<1x640x128xf32, #tpu.memory_space<hbm>> -> memref<640x128xf32, #tpu.memory_space<hbm>>
      %dma_start3A_178 = arith.constant 0 : i32
      %dma_start3A_179 = tpu.memref_slice %arg6[%mul3A_9, %dma_start3A_178] : memref<10240x128xf32, #tpu.memory_space<vmem_shared>> -> memref<640x128xf32, #tpu.memory_space<vmem_shared>>
      tpu.enqueue_dma source(%dma_start3A_179 : memref<640x128xf32, #tpu.memory_space<vmem_shared>>) target(%dma_start3A_177 : memref<640x128xf32, #tpu.memory_space<hbm>>) target_semaphore(%run_scoped3A_174 : memref<!tpu.dma_semaphore, #tpu.memory_space<semaphore_mem>>)
      %dma_wait3A_180 = arith.constant 0 : i32
      %dma_wait3A_181 = tpu.memref_slice %arg5[%arg0, %mul3A_9, %dma_wait3A_180] : memref<2x10240x128xf32, #tpu.memory_space<hbm>> -> memref<1x640x128xf32, #tpu.memory_space<hbm>>
      %dma_wait3A_182 = tpu.memref_squeeze %dma_wait3A_181 : memref<1x640x128xf32, #tpu.memory_space<hbm>> -> memref<640x128xf32, #tpu.memory_space<hbm>>
      %dma_wait3A_183 = arith.constant 0 : i32
      %dma_wait3A_184 = tpu.memref_slice %arg6[%mul3A_9, %dma_wait3A_183] : memref<10240x128xf32, #tpu.memory_space<vmem_shared>> -> memref<640x128xf32, #tpu.memory_space<vmem_shared>>
      tpu.wait_dma2 semaphore(%run_scoped3A_174 : memref<!tpu.dma_semaphore, #tpu.memory_space<semaphore_mem>>) src(%dma_wait3A_184 : memref<640x128xf32, #tpu.memory_space<vmem_shared>>) dst(%dma_wait3A_182 : memref<640x128xf32, #tpu.memory_space<hbm>>)
      tpu.yield
    }) : () -> ()
    return
  }
}

#map = affine_map<(d0, d1) -> (0, 0)>
#map1 = affine_map<(d0, d1) -> (0, 0, 0)>
module attributes {stable_mosaic.version = 14 : i64} {
  func.func @agg_kernel(%arg0: i32, %arg1: i32, %arg2: memref<10240x64xf32, #tpu.memory_space<hbm>>, %arg3: memref<2560x128xi32, #tpu.memory_space<hbm>>, %arg4: memref<2560x128xi32, #tpu.memory_space<hbm>>, %arg5: memref<2x10240x64xf32, #tpu.memory_space<hbm>>, %arg6: memref<10240x64xf32, #tpu.memory_space<vmem_shared>>, %arg7: memref<40x128xi32, #tpu.memory_space<vmem>>, %arg8: memref<40x128xi32, #tpu.memory_space<vmem>>, %arg9: memref<2x128x64xf32, #tpu.memory_space<vmem>>, %arg10: memref<32x64xf32, #tpu.memory_space<vmem>>, %arg11: memref<!tpu.dma_semaphore, #tpu.memory_space<semaphore_mem>>, %arg12: memref<!tpu.dma_semaphore, #tpu.memory_space<semaphore_mem>>) attributes {dimension_semantics = [#tpu.dimension_semantics<core_parallel>, #tpu.dimension_semantics<subcore_parallel>], iteration_bounds = array<i64: 2, 16>, scalar_prefetch = 0 : i64, scratch_operands = 7 : i64, tpu.core_type = #tpu.core_type<sc_vector_subcore>, window_params = [{transform_indices = #map}, {transform_indices = #map}, {transform_indices = #map}, {transform_indices = #map1}]} {
    %mul3A = arith.constant 16 : i32
    %mul3A_0 = arith.muli %arg0, %mul3A : i32
    %add3A = arith.addi %mul3A_0, %arg1 : i32
    %broadcast_in_dim3A = arith.constant 0.000000e+00 : f32
    %broadcast_in_dim3A_1 = vector.broadcast %broadcast_in_dim3A : f32 to vector<16xf32>
    %scan3A = arith.constant 0 : i32
    %scan3A_2 = arith.constant 0 : i32
    %scan3A_3 = arith.constant 32 : i32
    %scan3A_4 = arith.addi %scan3A_2, %scan3A_3 : i32
    %scan3A_5 = arith.constant 1 : i32
    %scan3A_6 = scf.for %scan3A_174 = %scan3A_2 to %scan3A_4 step %scan3A_5 iter_args(%scan3A_175 = %scan3A) -> (i32)  : i32 {
      %swap3A = arith.index_cast %scan3A_174 : i32 to index
      %swap3A_176 = arith.constant 0 : index
      %swap3A_177 = tpu.vector_load %arg10[%swap3A, %swap3A_176] {strides = array<i32>} : memref<32x64xf32, #tpu.memory_space<vmem>>, vector<1x16xf32>,
      %swap3A_178 = vector.shape_cast %swap3A_177 : vector<1x16xf32> to vector<16xf32>
      %swap3A_179 = vector.shape_cast %broadcast_in_dim3A_1 : vector<16xf32> to vector<1x16xf32>
      tpu.vector_store %arg10[%swap3A, %swap3A_176], %swap3A_179 {strides = array<i32>} : memref<32x64xf32, #tpu.memory_space<vmem>>, vector<1x16xf32>,
      %swap3A_180 = arith.index_cast %scan3A_174 : i32 to index
      %swap3A_181 = arith.constant 16 : index
      %swap3A_182 = tpu.vector_load %arg10[%swap3A_180, %swap3A_181] {strides = array<i32>} : memref<32x64xf32, #tpu.memory_space<vmem>>, vector<1x16xf32>,
      %swap3A_183 = vector.shape_cast %swap3A_182 : vector<1x16xf32> to vector<16xf32>
      %swap3A_184 = vector.shape_cast %broadcast_in_dim3A_1 : vector<16xf32> to vector<1x16xf32>
      tpu.vector_store %arg10[%swap3A_180, %swap3A_181], %swap3A_184 {strides = array<i32>} : memref<32x64xf32, #tpu.memory_space<vmem>>, vector<1x16xf32>,
      %swap3A_185 = arith.index_cast %scan3A_174 : i32 to index
      %swap3A_186 = arith.constant 32 : index
      %swap3A_187 = tpu.vector_load %arg10[%swap3A_185, %swap3A_186] {strides = array<i32>} : memref<32x64xf32, #tpu.memory_space<vmem>>, vector<1x16xf32>,
      %swap3A_188 = vector.shape_cast %swap3A_187 : vector<1x16xf32> to vector<16xf32>
      %swap3A_189 = vector.shape_cast %broadcast_in_dim3A_1 : vector<16xf32> to vector<1x16xf32>
      tpu.vector_store %arg10[%swap3A_185, %swap3A_186], %swap3A_189 {strides = array<i32>} : memref<32x64xf32, #tpu.memory_space<vmem>>, vector<1x16xf32>,
      %swap3A_190 = arith.index_cast %scan3A_174 : i32 to index
      %swap3A_191 = arith.constant 48 : index
      %swap3A_192 = tpu.vector_load %arg10[%swap3A_190, %swap3A_191] {strides = array<i32>} : memref<32x64xf32, #tpu.memory_space<vmem>>, vector<1x16xf32>,
      %swap3A_193 = vector.shape_cast %swap3A_192 : vector<1x16xf32> to vector<16xf32>
      %swap3A_194 = vector.shape_cast %broadcast_in_dim3A_1 : vector<16xf32> to vector<1x16xf32>
      tpu.vector_store %arg10[%swap3A_190, %swap3A_191], %swap3A_194 {strides = array<i32>} : memref<32x64xf32, #tpu.memory_space<vmem>>, vector<1x16xf32>,
      %scan3A_195 = arith.constant 0 : i32
      scf.yield %scan3A_195 : i32
    }
    %scan3A_7 = arith.constant 32 : i32
    %mul3A_8 = arith.constant 640 : i32
    %mul3A_9 = arith.muli %arg1, %mul3A_8 : i32
    %add3A_10 = arith.constant 0 : i32
    %add3A_11 = arith.addi %mul3A_9, %add3A_10 : i32
    "tpu.region"() ({
      %run_scoped3A_174 = tpu.sem_alloc : memref<!tpu.dma_semaphore, #tpu.memory_space<semaphore_mem>>
      %dma_start3A_175 = arith.constant 0 : i32
      %dma_start3A_176 = tpu.memref_slice %arg6[%add3A_11, %dma_start3A_175] : memref<10240x64xf32, #tpu.memory_space<vmem_shared>> -> memref<32x64xf32, #tpu.memory_space<vmem_shared>>
      %dma_start3A_177 = arith.constant 0 : i32
      %dma_start3A_178 = tpu.memref_slice %arg6[%add3A_11, %dma_start3A_177] : memref<10240x64xf32, #tpu.memory_space<vmem_shared>> -> memref<32x64xf32, #tpu.memory_space<vmem_shared>>
      tpu.enqueue_dma source(%arg10 : memref<32x64xf32, #tpu.memory_space<vmem>>) target(%dma_start3A_178 : memref<32x64xf32, #tpu.memory_space<vmem_shared>>) target_semaphore(%run_scoped3A_174 : memref<!tpu.dma_semaphore, #tpu.memory_space<semaphore_mem>>)
      %dma_wait3A_179 = arith.constant 0 : i32
      %dma_wait3A_180 = tpu.memref_slice %arg6[%add3A_11, %dma_wait3A_179] : memref<10240x64xf32, #tpu.memory_space<vmem_shared>> -> memref<32x64xf32, #tpu.memory_space<vmem_shared>>
      %dma_wait3A_181 = arith.constant 0 : i32
      %dma_wait3A_182 = tpu.memref_slice %arg6[%add3A_11, %dma_wait3A_181] : memref<10240x64xf32, #tpu.memory_space<vmem_shared>> -> memref<32x64xf32, #tpu.memory_space<vmem_shared>>
      tpu.wait_dma2 semaphore(%run_scoped3A_174 : memref<!tpu.dma_semaphore, #tpu.memory_space<semaphore_mem>>) src(%arg10 : memref<32x64xf32, #tpu.memory_space<vmem>>) dst(%dma_wait3A_182 : memref<32x64xf32, #tpu.memory_space<vmem_shared>>)
      tpu.yield
    }) : () -> ()
    %add3A_12 = arith.constant 32 : i32
    %add3A_13 = arith.addi %mul3A_9, %add3A_12 : i32
    "tpu.region"() ({
      %run_scoped3A_174 = tpu.sem_alloc : memref<!tpu.dma_semaphore, #tpu.memory_space<semaphore_mem>>
      %dma_start3A_175 = arith.constant 0 : i32
      %dma_start3A_176 = tpu.memref_slice %arg6[%add3A_13, %dma_start3A_175] : memref<10240x64xf32, #tpu.memory_space<vmem_shared>> -> memref<32x64xf32, #tpu.memory_space<vmem_shared>>
      %dma_start3A_177 = arith.constant 0 : i32
      %dma_start3A_178 = tpu.memref_slice %arg6[%add3A_13, %dma_start3A_177] : memref<10240x64xf32, #tpu.memory_space<vmem_shared>> -> memref<32x64xf32, #tpu.memory_space<vmem_shared>>
      tpu.enqueue_dma source(%arg10 : memref<32x64xf32, #tpu.memory_space<vmem>>) target(%dma_start3A_178 : memref<32x64xf32, #tpu.memory_space<vmem_shared>>) target_semaphore(%run_scoped3A_174 : memref<!tpu.dma_semaphore, #tpu.memory_space<semaphore_mem>>)
      %dma_wait3A_179 = arith.constant 0 : i32
      %dma_wait3A_180 = tpu.memref_slice %arg6[%add3A_13, %dma_wait3A_179] : memref<10240x64xf32, #tpu.memory_space<vmem_shared>> -> memref<32x64xf32, #tpu.memory_space<vmem_shared>>
      %dma_wait3A_181 = arith.constant 0 : i32
      %dma_wait3A_182 = tpu.memref_slice %arg6[%add3A_13, %dma_wait3A_181] : memref<10240x64xf32, #tpu.memory_space<vmem_shared>> -> memref<32x64xf32, #tpu.memory_space<vmem_shared>>
      tpu.wait_dma2 semaphore(%run_scoped3A_174 : memref<!tpu.dma_semaphore, #tpu.memory_space<semaphore_mem>>) src(%arg10 : memref<32x64xf32, #tpu.memory_space<vmem>>) dst(%dma_wait3A_182 : memref<32x64xf32, #tpu.memory_space<vmem_shared>>)
      tpu.yield
    }) : () -> ()
    %add3A_14 = arith.constant 64 : i32
    %add3A_15 = arith.addi %mul3A_9, %add3A_14 : i32
    "tpu.region"() ({
      %run_scoped3A_174 = tpu.sem_alloc : memref<!tpu.dma_semaphore, #tpu.memory_space<semaphore_mem>>
      %dma_start3A_175 = arith.constant 0 : i32
      %dma_start3A_176 = tpu.memref_slice %arg6[%add3A_15, %dma_start3A_175] : memref<10240x64xf32, #tpu.memory_space<vmem_shared>> -> memref<32x64xf32, #tpu.memory_space<vmem_shared>>
      %dma_start3A_177 = arith.constant 0 : i32
      %dma_start3A_178 = tpu.memref_slice %arg6[%add3A_15, %dma_start3A_177] : memref<10240x64xf32, #tpu.memory_space<vmem_shared>> -> memref<32x64xf32, #tpu.memory_space<vmem_shared>>
      tpu.enqueue_dma source(%arg10 : memref<32x64xf32, #tpu.memory_space<vmem>>) target(%dma_start3A_178 : memref<32x64xf32, #tpu.memory_space<vmem_shared>>) target_semaphore(%run_scoped3A_174 : memref<!tpu.dma_semaphore, #tpu.memory_space<semaphore_mem>>)
      %dma_wait3A_179 = arith.constant 0 : i32
      %dma_wait3A_180 = tpu.memref_slice %arg6[%add3A_15, %dma_wait3A_179] : memref<10240x64xf32, #tpu.memory_space<vmem_shared>> -> memref<32x64xf32, #tpu.memory_space<vmem_shared>>
      %dma_wait3A_181 = arith.constant 0 : i32
      %dma_wait3A_182 = tpu.memref_slice %arg6[%add3A_15, %dma_wait3A_181] : memref<10240x64xf32, #tpu.memory_space<vmem_shared>> -> memref<32x64xf32, #tpu.memory_space<vmem_shared>>
      tpu.wait_dma2 semaphore(%run_scoped3A_174 : memref<!tpu.dma_semaphore, #tpu.memory_space<semaphore_mem>>) src(%arg10 : memref<32x64xf32, #tpu.memory_space<vmem>>) dst(%dma_wait3A_182 : memref<32x64xf32, #tpu.memory_space<vmem_shared>>)
      tpu.yield
    }) : () -> ()
    %add3A_16 = arith.constant 96 : i32
    %add3A_17 = arith.addi %mul3A_9, %add3A_16 : i32
    "tpu.region"() ({
      %run_scoped3A_174 = tpu.sem_alloc : memref<!tpu.dma_semaphore, #tpu.memory_space<semaphore_mem>>
      %dma_start3A_175 = arith.constant 0 : i32
      %dma_start3A_176 = tpu.memref_slice %arg6[%add3A_17, %dma_start3A_175] : memref<10240x64xf32, #tpu.memory_space<vmem_shared>> -> memref<32x64xf32, #tpu.memory_space<vmem_shared>>
      %dma_start3A_177 = arith.constant 0 : i32
      %dma_start3A_178 = tpu.memref_slice %arg6[%add3A_17, %dma_start3A_177] : memref<10240x64xf32, #tpu.memory_space<vmem_shared>> -> memref<32x64xf32, #tpu.memory_space<vmem_shared>>
      tpu.enqueue_dma source(%arg10 : memref<32x64xf32, #tpu.memory_space<vmem>>) target(%dma_start3A_178 : memref<32x64xf32, #tpu.memory_space<vmem_shared>>) target_semaphore(%run_scoped3A_174 : memref<!tpu.dma_semaphore, #tpu.memory_space<semaphore_mem>>)
      %dma_wait3A_179 = arith.constant 0 : i32
      %dma_wait3A_180 = tpu.memref_slice %arg6[%add3A_17, %dma_wait3A_179] : memref<10240x64xf32, #tpu.memory_space<vmem_shared>> -> memref<32x64xf32, #tpu.memory_space<vmem_shared>>
      %dma_wait3A_181 = arith.constant 0 : i32
      %dma_wait3A_182 = tpu.memref_slice %arg6[%add3A_17, %dma_wait3A_181] : memref<10240x64xf32, #tpu.memory_space<vmem_shared>> -> memref<32x64xf32, #tpu.memory_space<vmem_shared>>
      tpu.wait_dma2 semaphore(%run_scoped3A_174 : memref<!tpu.dma_semaphore, #tpu.memory_space<semaphore_mem>>) src(%arg10 : memref<32x64xf32, #tpu.memory_space<vmem>>) dst(%dma_wait3A_182 : memref<32x64xf32, #tpu.memory_space<vmem_shared>>)
      tpu.yield
    }) : () -> ()
    %add3A_18 = arith.constant 128 : i32
    %add3A_19 = arith.addi %mul3A_9, %add3A_18 : i32
    "tpu.region"() ({
      %run_scoped3A_174 = tpu.sem_alloc : memref<!tpu.dma_semaphore, #tpu.memory_space<semaphore_mem>>
      %dma_start3A_175 = arith.constant 0 : i32
      %dma_start3A_176 = tpu.memref_slice %arg6[%add3A_19, %dma_start3A_175] : memref<10240x64xf32, #tpu.memory_space<vmem_shared>> -> memref<32x64xf32, #tpu.memory_space<vmem_shared>>
      %dma_start3A_177 = arith.constant 0 : i32
      %dma_start3A_178 = tpu.memref_slice %arg6[%add3A_19, %dma_start3A_177] : memref<10240x64xf32, #tpu.memory_space<vmem_shared>> -> memref<32x64xf32, #tpu.memory_space<vmem_shared>>
      tpu.enqueue_dma source(%arg10 : memref<32x64xf32, #tpu.memory_space<vmem>>) target(%dma_start3A_178 : memref<32x64xf32, #tpu.memory_space<vmem_shared>>) target_semaphore(%run_scoped3A_174 : memref<!tpu.dma_semaphore, #tpu.memory_space<semaphore_mem>>)
      %dma_wait3A_179 = arith.constant 0 : i32
      %dma_wait3A_180 = tpu.memref_slice %arg6[%add3A_19, %dma_wait3A_179] : memref<10240x64xf32, #tpu.memory_space<vmem_shared>> -> memref<32x64xf32, #tpu.memory_space<vmem_shared>>
      %dma_wait3A_181 = arith.constant 0 : i32
      %dma_wait3A_182 = tpu.memref_slice %arg6[%add3A_19, %dma_wait3A_181] : memref<10240x64xf32, #tpu.memory_space<vmem_shared>> -> memref<32x64xf32, #tpu.memory_space<vmem_shared>>
      tpu.wait_dma2 semaphore(%run_scoped3A_174 : memref<!tpu.dma_semaphore, #tpu.memory_space<semaphore_mem>>) src(%arg10 : memref<32x64xf32, #tpu.memory_space<vmem>>) dst(%dma_wait3A_182 : memref<32x64xf32, #tpu.memory_space<vmem_shared>>)
      tpu.yield
    }) : () -> ()
    %add3A_20 = arith.constant 160 : i32
    %add3A_21 = arith.addi %mul3A_9, %add3A_20 : i32
    "tpu.region"() ({
      %run_scoped3A_174 = tpu.sem_alloc : memref<!tpu.dma_semaphore, #tpu.memory_space<semaphore_mem>>
      %dma_start3A_175 = arith.constant 0 : i32
      %dma_start3A_176 = tpu.memref_slice %arg6[%add3A_21, %dma_start3A_175] : memref<10240x64xf32, #tpu.memory_space<vmem_shared>> -> memref<32x64xf32, #tpu.memory_space<vmem_shared>>
      %dma_start3A_177 = arith.constant 0 : i32
      %dma_start3A_178 = tpu.memref_slice %arg6[%add3A_21, %dma_start3A_177] : memref<10240x64xf32, #tpu.memory_space<vmem_shared>> -> memref<32x64xf32, #tpu.memory_space<vmem_shared>>
      tpu.enqueue_dma source(%arg10 : memref<32x64xf32, #tpu.memory_space<vmem>>) target(%dma_start3A_178 : memref<32x64xf32, #tpu.memory_space<vmem_shared>>) target_semaphore(%run_scoped3A_174 : memref<!tpu.dma_semaphore, #tpu.memory_space<semaphore_mem>>)
      %dma_wait3A_179 = arith.constant 0 : i32
      %dma_wait3A_180 = tpu.memref_slice %arg6[%add3A_21, %dma_wait3A_179] : memref<10240x64xf32, #tpu.memory_space<vmem_shared>> -> memref<32x64xf32, #tpu.memory_space<vmem_shared>>
      %dma_wait3A_181 = arith.constant 0 : i32
      %dma_wait3A_182 = tpu.memref_slice %arg6[%add3A_21, %dma_wait3A_181] : memref<10240x64xf32, #tpu.memory_space<vmem_shared>> -> memref<32x64xf32, #tpu.memory_space<vmem_shared>>
      tpu.wait_dma2 semaphore(%run_scoped3A_174 : memref<!tpu.dma_semaphore, #tpu.memory_space<semaphore_mem>>) src(%arg10 : memref<32x64xf32, #tpu.memory_space<vmem>>) dst(%dma_wait3A_182 : memref<32x64xf32, #tpu.memory_space<vmem_shared>>)
      tpu.yield
    }) : () -> ()
    %add3A_22 = arith.constant 192 : i32
    %add3A_23 = arith.addi %mul3A_9, %add3A_22 : i32
    "tpu.region"() ({
      %run_scoped3A_174 = tpu.sem_alloc : memref<!tpu.dma_semaphore, #tpu.memory_space<semaphore_mem>>
      %dma_start3A_175 = arith.constant 0 : i32
      %dma_start3A_176 = tpu.memref_slice %arg6[%add3A_23, %dma_start3A_175] : memref<10240x64xf32, #tpu.memory_space<vmem_shared>> -> memref<32x64xf32, #tpu.memory_space<vmem_shared>>
      %dma_start3A_177 = arith.constant 0 : i32
      %dma_start3A_178 = tpu.memref_slice %arg6[%add3A_23, %dma_start3A_177] : memref<10240x64xf32, #tpu.memory_space<vmem_shared>> -> memref<32x64xf32, #tpu.memory_space<vmem_shared>>
      tpu.enqueue_dma source(%arg10 : memref<32x64xf32, #tpu.memory_space<vmem>>) target(%dma_start3A_178 : memref<32x64xf32, #tpu.memory_space<vmem_shared>>) target_semaphore(%run_scoped3A_174 : memref<!tpu.dma_semaphore, #tpu.memory_space<semaphore_mem>>)
      %dma_wait3A_179 = arith.constant 0 : i32
      %dma_wait3A_180 = tpu.memref_slice %arg6[%add3A_23, %dma_wait3A_179] : memref<10240x64xf32, #tpu.memory_space<vmem_shared>> -> memref<32x64xf32, #tpu.memory_space<vmem_shared>>
      %dma_wait3A_181 = arith.constant 0 : i32
      %dma_wait3A_182 = tpu.memref_slice %arg6[%add3A_23, %dma_wait3A_181] : memref<10240x64xf32, #tpu.memory_space<vmem_shared>> -> memref<32x64xf32, #tpu.memory_space<vmem_shared>>
      tpu.wait_dma2 semaphore(%run_scoped3A_174 : memref<!tpu.dma_semaphore, #tpu.memory_space<semaphore_mem>>) src(%arg10 : memref<32x64xf32, #tpu.memory_space<vmem>>) dst(%dma_wait3A_182 : memref<32x64xf32, #tpu.memory_space<vmem_shared>>)
      tpu.yield
    }) : () -> ()
    %add3A_24 = arith.constant 224 : i32
    %add3A_25 = arith.addi %mul3A_9, %add3A_24 : i32
    "tpu.region"() ({
      %run_scoped3A_174 = tpu.sem_alloc : memref<!tpu.dma_semaphore, #tpu.memory_space<semaphore_mem>>
      %dma_start3A_175 = arith.constant 0 : i32
      %dma_start3A_176 = tpu.memref_slice %arg6[%add3A_25, %dma_start3A_175] : memref<10240x64xf32, #tpu.memory_space<vmem_shared>> -> memref<32x64xf32, #tpu.memory_space<vmem_shared>>
      %dma_start3A_177 = arith.constant 0 : i32
      %dma_start3A_178 = tpu.memref_slice %arg6[%add3A_25, %dma_start3A_177] : memref<10240x64xf32, #tpu.memory_space<vmem_shared>> -> memref<32x64xf32, #tpu.memory_space<vmem_shared>>
      tpu.enqueue_dma source(%arg10 : memref<32x64xf32, #tpu.memory_space<vmem>>) target(%dma_start3A_178 : memref<32x64xf32, #tpu.memory_space<vmem_shared>>) target_semaphore(%run_scoped3A_174 : memref<!tpu.dma_semaphore, #tpu.memory_space<semaphore_mem>>)
      %dma_wait3A_179 = arith.constant 0 : i32
      %dma_wait3A_180 = tpu.memref_slice %arg6[%add3A_25, %dma_wait3A_179] : memref<10240x64xf32, #tpu.memory_space<vmem_shared>> -> memref<32x64xf32, #tpu.memory_space<vmem_shared>>
      %dma_wait3A_181 = arith.constant 0 : i32
      %dma_wait3A_182 = tpu.memref_slice %arg6[%add3A_25, %dma_wait3A_181] : memref<10240x64xf32, #tpu.memory_space<vmem_shared>> -> memref<32x64xf32, #tpu.memory_space<vmem_shared>>
      tpu.wait_dma2 semaphore(%run_scoped3A_174 : memref<!tpu.dma_semaphore, #tpu.memory_space<semaphore_mem>>) src(%arg10 : memref<32x64xf32, #tpu.memory_space<vmem>>) dst(%dma_wait3A_182 : memref<32x64xf32, #tpu.memory_space<vmem_shared>>)
      tpu.yield
    }) : () -> ()
    %add3A_26 = arith.constant 256 : i32
    %add3A_27 = arith.addi %mul3A_9, %add3A_26 : i32
    "tpu.region"() ({
      %run_scoped3A_174 = tpu.sem_alloc : memref<!tpu.dma_semaphore, #tpu.memory_space<semaphore_mem>>
      %dma_start3A_175 = arith.constant 0 : i32
      %dma_start3A_176 = tpu.memref_slice %arg6[%add3A_27, %dma_start3A_175] : memref<10240x64xf32, #tpu.memory_space<vmem_shared>> -> memref<32x64xf32, #tpu.memory_space<vmem_shared>>
      %dma_start3A_177 = arith.constant 0 : i32
      %dma_start3A_178 = tpu.memref_slice %arg6[%add3A_27, %dma_start3A_177] : memref<10240x64xf32, #tpu.memory_space<vmem_shared>> -> memref<32x64xf32, #tpu.memory_space<vmem_shared>>
      tpu.enqueue_dma source(%arg10 : memref<32x64xf32, #tpu.memory_space<vmem>>) target(%dma_start3A_178 : memref<32x64xf32, #tpu.memory_space<vmem_shared>>) target_semaphore(%run_scoped3A_174 : memref<!tpu.dma_semaphore, #tpu.memory_space<semaphore_mem>>)
      %dma_wait3A_179 = arith.constant 0 : i32
      %dma_wait3A_180 = tpu.memref_slice %arg6[%add3A_27, %dma_wait3A_179] : memref<10240x64xf32, #tpu.memory_space<vmem_shared>> -> memref<32x64xf32, #tpu.memory_space<vmem_shared>>
      %dma_wait3A_181 = arith.constant 0 : i32
      %dma_wait3A_182 = tpu.memref_slice %arg6[%add3A_27, %dma_wait3A_181] : memref<10240x64xf32, #tpu.memory_space<vmem_shared>> -> memref<32x64xf32, #tpu.memory_space<vmem_shared>>
      tpu.wait_dma2 semaphore(%run_scoped3A_174 : memref<!tpu.dma_semaphore, #tpu.memory_space<semaphore_mem>>) src(%arg10 : memref<32x64xf32, #tpu.memory_space<vmem>>) dst(%dma_wait3A_182 : memref<32x64xf32, #tpu.memory_space<vmem_shared>>)
      tpu.yield
    }) : () -> ()
    %add3A_28 = arith.constant 288 : i32
    %add3A_29 = arith.addi %mul3A_9, %add3A_28 : i32
    "tpu.region"() ({
      %run_scoped3A_174 = tpu.sem_alloc : memref<!tpu.dma_semaphore, #tpu.memory_space<semaphore_mem>>
      %dma_start3A_175 = arith.constant 0 : i32
      %dma_start3A_176 = tpu.memref_slice %arg6[%add3A_29, %dma_start3A_175] : memref<10240x64xf32, #tpu.memory_space<vmem_shared>> -> memref<32x64xf32, #tpu.memory_space<vmem_shared>>
      %dma_start3A_177 = arith.constant 0 : i32
      %dma_start3A_178 = tpu.memref_slice %arg6[%add3A_29, %dma_start3A_177] : memref<10240x64xf32, #tpu.memory_space<vmem_shared>> -> memref<32x64xf32, #tpu.memory_space<vmem_shared>>
      tpu.enqueue_dma source(%arg10 : memref<32x64xf32, #tpu.memory_space<vmem>>) target(%dma_start3A_178 : memref<32x64xf32, #tpu.memory_space<vmem_shared>>) target_semaphore(%run_scoped3A_174 : memref<!tpu.dma_semaphore, #tpu.memory_space<semaphore_mem>>)
      %dma_wait3A_179 = arith.constant 0 : i32
      %dma_wait3A_180 = tpu.memref_slice %arg6[%add3A_29, %dma_wait3A_179] : memref<10240x64xf32, #tpu.memory_space<vmem_shared>> -> memref<32x64xf32, #tpu.memory_space<vmem_shared>>
      %dma_wait3A_181 = arith.constant 0 : i32
      %dma_wait3A_182 = tpu.memref_slice %arg6[%add3A_29, %dma_wait3A_181] : memref<10240x64xf32, #tpu.memory_space<vmem_shared>> -> memref<32x64xf32, #tpu.memory_space<vmem_shared>>
      tpu.wait_dma2 semaphore(%run_scoped3A_174 : memref<!tpu.dma_semaphore, #tpu.memory_space<semaphore_mem>>) src(%arg10 : memref<32x64xf32, #tpu.memory_space<vmem>>) dst(%dma_wait3A_182 : memref<32x64xf32, #tpu.memory_space<vmem_shared>>)
      tpu.yield
    }) : () -> ()
    %add3A_30 = arith.constant 320 : i32
    %add3A_31 = arith.addi %mul3A_9, %add3A_30 : i32
    "tpu.region"() ({
      %run_scoped3A_174 = tpu.sem_alloc : memref<!tpu.dma_semaphore, #tpu.memory_space<semaphore_mem>>
      %dma_start3A_175 = arith.constant 0 : i32
      %dma_start3A_176 = tpu.memref_slice %arg6[%add3A_31, %dma_start3A_175] : memref<10240x64xf32, #tpu.memory_space<vmem_shared>> -> memref<32x64xf32, #tpu.memory_space<vmem_shared>>
      %dma_start3A_177 = arith.constant 0 : i32
      %dma_start3A_178 = tpu.memref_slice %arg6[%add3A_31, %dma_start3A_177] : memref<10240x64xf32, #tpu.memory_space<vmem_shared>> -> memref<32x64xf32, #tpu.memory_space<vmem_shared>>
      tpu.enqueue_dma source(%arg10 : memref<32x64xf32, #tpu.memory_space<vmem>>) target(%dma_start3A_178 : memref<32x64xf32, #tpu.memory_space<vmem_shared>>) target_semaphore(%run_scoped3A_174 : memref<!tpu.dma_semaphore, #tpu.memory_space<semaphore_mem>>)
      %dma_wait3A_179 = arith.constant 0 : i32
      %dma_wait3A_180 = tpu.memref_slice %arg6[%add3A_31, %dma_wait3A_179] : memref<10240x64xf32, #tpu.memory_space<vmem_shared>> -> memref<32x64xf32, #tpu.memory_space<vmem_shared>>
      %dma_wait3A_181 = arith.constant 0 : i32
      %dma_wait3A_182 = tpu.memref_slice %arg6[%add3A_31, %dma_wait3A_181] : memref<10240x64xf32, #tpu.memory_space<vmem_shared>> -> memref<32x64xf32, #tpu.memory_space<vmem_shared>>
      tpu.wait_dma2 semaphore(%run_scoped3A_174 : memref<!tpu.dma_semaphore, #tpu.memory_space<semaphore_mem>>) src(%arg10 : memref<32x64xf32, #tpu.memory_space<vmem>>) dst(%dma_wait3A_182 : memref<32x64xf32, #tpu.memory_space<vmem_shared>>)
      tpu.yield
    }) : () -> ()
    %add3A_32 = arith.constant 352 : i32
    %add3A_33 = arith.addi %mul3A_9, %add3A_32 : i32
    "tpu.region"() ({
      %run_scoped3A_174 = tpu.sem_alloc : memref<!tpu.dma_semaphore, #tpu.memory_space<semaphore_mem>>
      %dma_start3A_175 = arith.constant 0 : i32
      %dma_start3A_176 = tpu.memref_slice %arg6[%add3A_33, %dma_start3A_175] : memref<10240x64xf32, #tpu.memory_space<vmem_shared>> -> memref<32x64xf32, #tpu.memory_space<vmem_shared>>
      %dma_start3A_177 = arith.constant 0 : i32
      %dma_start3A_178 = tpu.memref_slice %arg6[%add3A_33, %dma_start3A_177] : memref<10240x64xf32, #tpu.memory_space<vmem_shared>> -> memref<32x64xf32, #tpu.memory_space<vmem_shared>>
      tpu.enqueue_dma source(%arg10 : memref<32x64xf32, #tpu.memory_space<vmem>>) target(%dma_start3A_178 : memref<32x64xf32, #tpu.memory_space<vmem_shared>>) target_semaphore(%run_scoped3A_174 : memref<!tpu.dma_semaphore, #tpu.memory_space<semaphore_mem>>)
      %dma_wait3A_179 = arith.constant 0 : i32
      %dma_wait3A_180 = tpu.memref_slice %arg6[%add3A_33, %dma_wait3A_179] : memref<10240x64xf32, #tpu.memory_space<vmem_shared>> -> memref<32x64xf32, #tpu.memory_space<vmem_shared>>
      %dma_wait3A_181 = arith.constant 0 : i32
      %dma_wait3A_182 = tpu.memref_slice %arg6[%add3A_33, %dma_wait3A_181] : memref<10240x64xf32, #tpu.memory_space<vmem_shared>> -> memref<32x64xf32, #tpu.memory_space<vmem_shared>>
      tpu.wait_dma2 semaphore(%run_scoped3A_174 : memref<!tpu.dma_semaphore, #tpu.memory_space<semaphore_mem>>) src(%arg10 : memref<32x64xf32, #tpu.memory_space<vmem>>) dst(%dma_wait3A_182 : memref<32x64xf32, #tpu.memory_space<vmem_shared>>)
      tpu.yield
    }) : () -> ()
    %add3A_34 = arith.constant 384 : i32
    %add3A_35 = arith.addi %mul3A_9, %add3A_34 : i32
    "tpu.region"() ({
      %run_scoped3A_174 = tpu.sem_alloc : memref<!tpu.dma_semaphore, #tpu.memory_space<semaphore_mem>>
      %dma_start3A_175 = arith.constant 0 : i32
      %dma_start3A_176 = tpu.memref_slice %arg6[%add3A_35, %dma_start3A_175] : memref<10240x64xf32, #tpu.memory_space<vmem_shared>> -> memref<32x64xf32, #tpu.memory_space<vmem_shared>>
      %dma_start3A_177 = arith.constant 0 : i32
      %dma_start3A_178 = tpu.memref_slice %arg6[%add3A_35, %dma_start3A_177] : memref<10240x64xf32, #tpu.memory_space<vmem_shared>> -> memref<32x64xf32, #tpu.memory_space<vmem_shared>>
      tpu.enqueue_dma source(%arg10 : memref<32x64xf32, #tpu.memory_space<vmem>>) target(%dma_start3A_178 : memref<32x64xf32, #tpu.memory_space<vmem_shared>>) target_semaphore(%run_scoped3A_174 : memref<!tpu.dma_semaphore, #tpu.memory_space<semaphore_mem>>)
      %dma_wait3A_179 = arith.constant 0 : i32
      %dma_wait3A_180 = tpu.memref_slice %arg6[%add3A_35, %dma_wait3A_179] : memref<10240x64xf32, #tpu.memory_space<vmem_shared>> -> memref<32x64xf32, #tpu.memory_space<vmem_shared>>
      %dma_wait3A_181 = arith.constant 0 : i32
      %dma_wait3A_182 = tpu.memref_slice %arg6[%add3A_35, %dma_wait3A_181] : memref<10240x64xf32, #tpu.memory_space<vmem_shared>> -> memref<32x64xf32, #tpu.memory_space<vmem_shared>>
      tpu.wait_dma2 semaphore(%run_scoped3A_174 : memref<!tpu.dma_semaphore, #tpu.memory_space<semaphore_mem>>) src(%arg10 : memref<32x64xf32, #tpu.memory_space<vmem>>) dst(%dma_wait3A_182 : memref<32x64xf32, #tpu.memory_space<vmem_shared>>)
      tpu.yield
    }) : () -> ()
    %add3A_36 = arith.constant 416 : i32
    %add3A_37 = arith.addi %mul3A_9, %add3A_36 : i32
    "tpu.region"() ({
      %run_scoped3A_174 = tpu.sem_alloc : memref<!tpu.dma_semaphore, #tpu.memory_space<semaphore_mem>>
      %dma_start3A_175 = arith.constant 0 : i32
      %dma_start3A_176 = tpu.memref_slice %arg6[%add3A_37, %dma_start3A_175] : memref<10240x64xf32, #tpu.memory_space<vmem_shared>> -> memref<32x64xf32, #tpu.memory_space<vmem_shared>>
      %dma_start3A_177 = arith.constant 0 : i32
      %dma_start3A_178 = tpu.memref_slice %arg6[%add3A_37, %dma_start3A_177] : memref<10240x64xf32, #tpu.memory_space<vmem_shared>> -> memref<32x64xf32, #tpu.memory_space<vmem_shared>>
      tpu.enqueue_dma source(%arg10 : memref<32x64xf32, #tpu.memory_space<vmem>>) target(%dma_start3A_178 : memref<32x64xf32, #tpu.memory_space<vmem_shared>>) target_semaphore(%run_scoped3A_174 : memref<!tpu.dma_semaphore, #tpu.memory_space<semaphore_mem>>)
      %dma_wait3A_179 = arith.constant 0 : i32
      %dma_wait3A_180 = tpu.memref_slice %arg6[%add3A_37, %dma_wait3A_179] : memref<10240x64xf32, #tpu.memory_space<vmem_shared>> -> memref<32x64xf32, #tpu.memory_space<vmem_shared>>
      %dma_wait3A_181 = arith.constant 0 : i32
      %dma_wait3A_182 = tpu.memref_slice %arg6[%add3A_37, %dma_wait3A_181] : memref<10240x64xf32, #tpu.memory_space<vmem_shared>> -> memref<32x64xf32, #tpu.memory_space<vmem_shared>>
      tpu.wait_dma2 semaphore(%run_scoped3A_174 : memref<!tpu.dma_semaphore, #tpu.memory_space<semaphore_mem>>) src(%arg10 : memref<32x64xf32, #tpu.memory_space<vmem>>) dst(%dma_wait3A_182 : memref<32x64xf32, #tpu.memory_space<vmem_shared>>)
      tpu.yield
    }) : () -> ()
    %add3A_38 = arith.constant 448 : i32
    %add3A_39 = arith.addi %mul3A_9, %add3A_38 : i32
    "tpu.region"() ({
      %run_scoped3A_174 = tpu.sem_alloc : memref<!tpu.dma_semaphore, #tpu.memory_space<semaphore_mem>>
      %dma_start3A_175 = arith.constant 0 : i32
      %dma_start3A_176 = tpu.memref_slice %arg6[%add3A_39, %dma_start3A_175] : memref<10240x64xf32, #tpu.memory_space<vmem_shared>> -> memref<32x64xf32, #tpu.memory_space<vmem_shared>>
      %dma_start3A_177 = arith.constant 0 : i32
      %dma_start3A_178 = tpu.memref_slice %arg6[%add3A_39, %dma_start3A_177] : memref<10240x64xf32, #tpu.memory_space<vmem_shared>> -> memref<32x64xf32, #tpu.memory_space<vmem_shared>>
      tpu.enqueue_dma source(%arg10 : memref<32x64xf32, #tpu.memory_space<vmem>>) target(%dma_start3A_178 : memref<32x64xf32, #tpu.memory_space<vmem_shared>>) target_semaphore(%run_scoped3A_174 : memref<!tpu.dma_semaphore, #tpu.memory_space<semaphore_mem>>)
      %dma_wait3A_179 = arith.constant 0 : i32
      %dma_wait3A_180 = tpu.memref_slice %arg6[%add3A_39, %dma_wait3A_179] : memref<10240x64xf32, #tpu.memory_space<vmem_shared>> -> memref<32x64xf32, #tpu.memory_space<vmem_shared>>
      %dma_wait3A_181 = arith.constant 0 : i32
      %dma_wait3A_182 = tpu.memref_slice %arg6[%add3A_39, %dma_wait3A_181] : memref<10240x64xf32, #tpu.memory_space<vmem_shared>> -> memref<32x64xf32, #tpu.memory_space<vmem_shared>>
      tpu.wait_dma2 semaphore(%run_scoped3A_174 : memref<!tpu.dma_semaphore, #tpu.memory_space<semaphore_mem>>) src(%arg10 : memref<32x64xf32, #tpu.memory_space<vmem>>) dst(%dma_wait3A_182 : memref<32x64xf32, #tpu.memory_space<vmem_shared>>)
      tpu.yield
    }) : () -> ()
    %add3A_40 = arith.constant 480 : i32
    %add3A_41 = arith.addi %mul3A_9, %add3A_40 : i32
    "tpu.region"() ({
      %run_scoped3A_174 = tpu.sem_alloc : memref<!tpu.dma_semaphore, #tpu.memory_space<semaphore_mem>>
      %dma_start3A_175 = arith.constant 0 : i32
      %dma_start3A_176 = tpu.memref_slice %arg6[%add3A_41, %dma_start3A_175] : memref<10240x64xf32, #tpu.memory_space<vmem_shared>> -> memref<32x64xf32, #tpu.memory_space<vmem_shared>>
      %dma_start3A_177 = arith.constant 0 : i32
      %dma_start3A_178 = tpu.memref_slice %arg6[%add3A_41, %dma_start3A_177] : memref<10240x64xf32, #tpu.memory_space<vmem_shared>> -> memref<32x64xf32, #tpu.memory_space<vmem_shared>>
      tpu.enqueue_dma source(%arg10 : memref<32x64xf32, #tpu.memory_space<vmem>>) target(%dma_start3A_178 : memref<32x64xf32, #tpu.memory_space<vmem_shared>>) target_semaphore(%run_scoped3A_174 : memref<!tpu.dma_semaphore, #tpu.memory_space<semaphore_mem>>)
      %dma_wait3A_179 = arith.constant 0 : i32
      %dma_wait3A_180 = tpu.memref_slice %arg6[%add3A_41, %dma_wait3A_179] : memref<10240x64xf32, #tpu.memory_space<vmem_shared>> -> memref<32x64xf32, #tpu.memory_space<vmem_shared>>
      %dma_wait3A_181 = arith.constant 0 : i32
      %dma_wait3A_182 = tpu.memref_slice %arg6[%add3A_41, %dma_wait3A_181] : memref<10240x64xf32, #tpu.memory_space<vmem_shared>> -> memref<32x64xf32, #tpu.memory_space<vmem_shared>>
      tpu.wait_dma2 semaphore(%run_scoped3A_174 : memref<!tpu.dma_semaphore, #tpu.memory_space<semaphore_mem>>) src(%arg10 : memref<32x64xf32, #tpu.memory_space<vmem>>) dst(%dma_wait3A_182 : memref<32x64xf32, #tpu.memory_space<vmem_shared>>)
      tpu.yield
    }) : () -> ()
    %add3A_42 = arith.constant 512 : i32
    %add3A_43 = arith.addi %mul3A_9, %add3A_42 : i32
    "tpu.region"() ({
      %run_scoped3A_174 = tpu.sem_alloc : memref<!tpu.dma_semaphore, #tpu.memory_space<semaphore_mem>>
      %dma_start3A_175 = arith.constant 0 : i32
      %dma_start3A_176 = tpu.memref_slice %arg6[%add3A_43, %dma_start3A_175] : memref<10240x64xf32, #tpu.memory_space<vmem_shared>> -> memref<32x64xf32, #tpu.memory_space<vmem_shared>>
      %dma_start3A_177 = arith.constant 0 : i32
      %dma_start3A_178 = tpu.memref_slice %arg6[%add3A_43, %dma_start3A_177] : memref<10240x64xf32, #tpu.memory_space<vmem_shared>> -> memref<32x64xf32, #tpu.memory_space<vmem_shared>>
      tpu.enqueue_dma source(%arg10 : memref<32x64xf32, #tpu.memory_space<vmem>>) target(%dma_start3A_178 : memref<32x64xf32, #tpu.memory_space<vmem_shared>>) target_semaphore(%run_scoped3A_174 : memref<!tpu.dma_semaphore, #tpu.memory_space<semaphore_mem>>)
      %dma_wait3A_179 = arith.constant 0 : i32
      %dma_wait3A_180 = tpu.memref_slice %arg6[%add3A_43, %dma_wait3A_179] : memref<10240x64xf32, #tpu.memory_space<vmem_shared>> -> memref<32x64xf32, #tpu.memory_space<vmem_shared>>
      %dma_wait3A_181 = arith.constant 0 : i32
      %dma_wait3A_182 = tpu.memref_slice %arg6[%add3A_43, %dma_wait3A_181] : memref<10240x64xf32, #tpu.memory_space<vmem_shared>> -> memref<32x64xf32, #tpu.memory_space<vmem_shared>>
      tpu.wait_dma2 semaphore(%run_scoped3A_174 : memref<!tpu.dma_semaphore, #tpu.memory_space<semaphore_mem>>) src(%arg10 : memref<32x64xf32, #tpu.memory_space<vmem>>) dst(%dma_wait3A_182 : memref<32x64xf32, #tpu.memory_space<vmem_shared>>)
      tpu.yield
    }) : () -> ()
    %add3A_44 = arith.constant 544 : i32
    %add3A_45 = arith.addi %mul3A_9, %add3A_44 : i32
    "tpu.region"() ({
      %run_scoped3A_174 = tpu.sem_alloc : memref<!tpu.dma_semaphore, #tpu.memory_space<semaphore_mem>>
      %dma_start3A_175 = arith.constant 0 : i32
      %dma_start3A_176 = tpu.memref_slice %arg6[%add3A_45, %dma_start3A_175] : memref<10240x64xf32, #tpu.memory_space<vmem_shared>> -> memref<32x64xf32, #tpu.memory_space<vmem_shared>>
      %dma_start3A_177 = arith.constant 0 : i32
      %dma_start3A_178 = tpu.memref_slice %arg6[%add3A_45, %dma_start3A_177] : memref<10240x64xf32, #tpu.memory_space<vmem_shared>> -> memref<32x64xf32, #tpu.memory_space<vmem_shared>>
      tpu.enqueue_dma source(%arg10 : memref<32x64xf32, #tpu.memory_space<vmem>>) target(%dma_start3A_178 : memref<32x64xf32, #tpu.memory_space<vmem_shared>>) target_semaphore(%run_scoped3A_174 : memref<!tpu.dma_semaphore, #tpu.memory_space<semaphore_mem>>)
      %dma_wait3A_179 = arith.constant 0 : i32
      %dma_wait3A_180 = tpu.memref_slice %arg6[%add3A_45, %dma_wait3A_179] : memref<10240x64xf32, #tpu.memory_space<vmem_shared>> -> memref<32x64xf32, #tpu.memory_space<vmem_shared>>
      %dma_wait3A_181 = arith.constant 0 : i32
      %dma_wait3A_182 = tpu.memref_slice %arg6[%add3A_45, %dma_wait3A_181] : memref<10240x64xf32, #tpu.memory_space<vmem_shared>> -> memref<32x64xf32, #tpu.memory_space<vmem_shared>>
      tpu.wait_dma2 semaphore(%run_scoped3A_174 : memref<!tpu.dma_semaphore, #tpu.memory_space<semaphore_mem>>) src(%arg10 : memref<32x64xf32, #tpu.memory_space<vmem>>) dst(%dma_wait3A_182 : memref<32x64xf32, #tpu.memory_space<vmem_shared>>)
      tpu.yield
    }) : () -> ()
    %add3A_46 = arith.constant 576 : i32
    %add3A_47 = arith.addi %mul3A_9, %add3A_46 : i32
    "tpu.region"() ({
      %run_scoped3A_174 = tpu.sem_alloc : memref<!tpu.dma_semaphore, #tpu.memory_space<semaphore_mem>>
      %dma_start3A_175 = arith.constant 0 : i32
      %dma_start3A_176 = tpu.memref_slice %arg6[%add3A_47, %dma_start3A_175] : memref<10240x64xf32, #tpu.memory_space<vmem_shared>> -> memref<32x64xf32, #tpu.memory_space<vmem_shared>>
      %dma_start3A_177 = arith.constant 0 : i32
      %dma_start3A_178 = tpu.memref_slice %arg6[%add3A_47, %dma_start3A_177] : memref<10240x64xf32, #tpu.memory_space<vmem_shared>> -> memref<32x64xf32, #tpu.memory_space<vmem_shared>>
      tpu.enqueue_dma source(%arg10 : memref<32x64xf32, #tpu.memory_space<vmem>>) target(%dma_start3A_178 : memref<32x64xf32, #tpu.memory_space<vmem_shared>>) target_semaphore(%run_scoped3A_174 : memref<!tpu.dma_semaphore, #tpu.memory_space<semaphore_mem>>)
      %dma_wait3A_179 = arith.constant 0 : i32
      %dma_wait3A_180 = tpu.memref_slice %arg6[%add3A_47, %dma_wait3A_179] : memref<10240x64xf32, #tpu.memory_space<vmem_shared>> -> memref<32x64xf32, #tpu.memory_space<vmem_shared>>
      %dma_wait3A_181 = arith.constant 0 : i32
      %dma_wait3A_182 = tpu.memref_slice %arg6[%add3A_47, %dma_wait3A_181] : memref<10240x64xf32, #tpu.memory_space<vmem_shared>> -> memref<32x64xf32, #tpu.memory_space<vmem_shared>>
      tpu.wait_dma2 semaphore(%run_scoped3A_174 : memref<!tpu.dma_semaphore, #tpu.memory_space<semaphore_mem>>) src(%arg10 : memref<32x64xf32, #tpu.memory_space<vmem>>) dst(%dma_wait3A_182 : memref<32x64xf32, #tpu.memory_space<vmem_shared>>)
      tpu.yield
    }) : () -> ()
    %add3A_48 = arith.constant 608 : i32
    %add3A_49 = arith.addi %mul3A_9, %add3A_48 : i32
    "tpu.region"() ({
      %run_scoped3A_174 = tpu.sem_alloc : memref<!tpu.dma_semaphore, #tpu.memory_space<semaphore_mem>>
      %dma_start3A_175 = arith.constant 0 : i32
      %dma_start3A_176 = tpu.memref_slice %arg6[%add3A_49, %dma_start3A_175] : memref<10240x64xf32, #tpu.memory_space<vmem_shared>> -> memref<32x64xf32, #tpu.memory_space<vmem_shared>>
      %dma_start3A_177 = arith.constant 0 : i32
      %dma_start3A_178 = tpu.memref_slice %arg6[%add3A_49, %dma_start3A_177] : memref<10240x64xf32, #tpu.memory_space<vmem_shared>> -> memref<32x64xf32, #tpu.memory_space<vmem_shared>>
      tpu.enqueue_dma source(%arg10 : memref<32x64xf32, #tpu.memory_space<vmem>>) target(%dma_start3A_178 : memref<32x64xf32, #tpu.memory_space<vmem_shared>>) target_semaphore(%run_scoped3A_174 : memref<!tpu.dma_semaphore, #tpu.memory_space<semaphore_mem>>)
      %dma_wait3A_179 = arith.constant 0 : i32
      %dma_wait3A_180 = tpu.memref_slice %arg6[%add3A_49, %dma_wait3A_179] : memref<10240x64xf32, #tpu.memory_space<vmem_shared>> -> memref<32x64xf32, #tpu.memory_space<vmem_shared>>
      %dma_wait3A_181 = arith.constant 0 : i32
      %dma_wait3A_182 = tpu.memref_slice %arg6[%add3A_49, %dma_wait3A_181] : memref<10240x64xf32, #tpu.memory_space<vmem_shared>> -> memref<32x64xf32, #tpu.memory_space<vmem_shared>>
      tpu.wait_dma2 semaphore(%run_scoped3A_174 : memref<!tpu.dma_semaphore, #tpu.memory_space<semaphore_mem>>) src(%arg10 : memref<32x64xf32, #tpu.memory_space<vmem>>) dst(%dma_wait3A_182 : memref<32x64xf32, #tpu.memory_space<vmem_shared>>)
      tpu.yield
    }) : () -> ()
    %barrier3A = arith.constant 0 : index
    tpu.barrier barrier_id(%barrier3A)
    %mul3A_50 = arith.constant 80 : i32
    %mul3A_51 = arith.muli %add3A, %mul3A_50 : i32
    %add3A_52 = arith.constant 0 : i32
    %add3A_53 = arith.addi %mul3A_51, %add3A_52 : i32
    "tpu.region"() ({
      %run_scoped3A_174 = tpu.sem_alloc : memref<!tpu.dma_semaphore, #tpu.memory_space<semaphore_mem>>
      %dma_start3A_175 = arith.constant 0 : i32
      %dma_start3A_176 = tpu.memref_slice %arg3[%add3A_53, %dma_start3A_175] : memref<2560x128xi32, #tpu.memory_space<hbm>> -> memref<40x128xi32, #tpu.memory_space<hbm>>
      %dma_start3A_177 = arith.constant 0 : i32
      %dma_start3A_178 = tpu.memref_slice %arg3[%add3A_53, %dma_start3A_177] : memref<2560x128xi32, #tpu.memory_space<hbm>> -> memref<40x128xi32, #tpu.memory_space<hbm>>
      tpu.enqueue_dma source(%dma_start3A_178 : memref<40x128xi32, #tpu.memory_space<hbm>>) target(%arg7 : memref<40x128xi32, #tpu.memory_space<vmem>>) target_semaphore(%run_scoped3A_174 : memref<!tpu.dma_semaphore, #tpu.memory_space<semaphore_mem>>)
      %dma_wait3A_179 = arith.constant 0 : i32
      %dma_wait3A_180 = tpu.memref_slice %arg3[%add3A_53, %dma_wait3A_179] : memref<2560x128xi32, #tpu.memory_space<hbm>> -> memref<40x128xi32, #tpu.memory_space<hbm>>
      %dma_wait3A_181 = arith.constant 0 : i32
      %dma_wait3A_182 = tpu.memref_slice %arg3[%add3A_53, %dma_wait3A_181] : memref<2560x128xi32, #tpu.memory_space<hbm>> -> memref<40x128xi32, #tpu.memory_space<hbm>>
      tpu.wait_dma2 semaphore(%run_scoped3A_174 : memref<!tpu.dma_semaphore, #tpu.memory_space<semaphore_mem>>) src(%dma_wait3A_182 : memref<40x128xi32, #tpu.memory_space<hbm>>) dst(%arg7 : memref<40x128xi32, #tpu.memory_space<vmem>>)
      tpu.yield
    }) : () -> ()
    "tpu.region"() ({
      %run_scoped3A_174 = tpu.sem_alloc : memref<!tpu.dma_semaphore, #tpu.memory_space<semaphore_mem>>
      %dma_start3A_175 = arith.constant 0 : i32
      %dma_start3A_176 = tpu.memref_slice %arg4[%add3A_53, %dma_start3A_175] : memref<2560x128xi32, #tpu.memory_space<hbm>> -> memref<40x128xi32, #tpu.memory_space<hbm>>
      %dma_start3A_177 = arith.constant 0 : i32
      %dma_start3A_178 = tpu.memref_slice %arg4[%add3A_53, %dma_start3A_177] : memref<2560x128xi32, #tpu.memory_space<hbm>> -> memref<40x128xi32, #tpu.memory_space<hbm>>
      tpu.enqueue_dma source(%dma_start3A_178 : memref<40x128xi32, #tpu.memory_space<hbm>>) target(%arg8 : memref<40x128xi32, #tpu.memory_space<vmem>>) target_semaphore(%run_scoped3A_174 : memref<!tpu.dma_semaphore, #tpu.memory_space<semaphore_mem>>)
      %dma_wait3A_179 = arith.constant 0 : i32
      %dma_wait3A_180 = tpu.memref_slice %arg4[%add3A_53, %dma_wait3A_179] : memref<2560x128xi32, #tpu.memory_space<hbm>> -> memref<40x128xi32, #tpu.memory_space<hbm>>
      %dma_wait3A_181 = arith.constant 0 : i32
      %dma_wait3A_182 = tpu.memref_slice %arg4[%add3A_53, %dma_wait3A_181] : memref<2560x128xi32, #tpu.memory_space<hbm>> -> memref<40x128xi32, #tpu.memory_space<hbm>>
      tpu.wait_dma2 semaphore(%run_scoped3A_174 : memref<!tpu.dma_semaphore, #tpu.memory_space<semaphore_mem>>) src(%dma_wait3A_182 : memref<40x128xi32, #tpu.memory_space<hbm>>) dst(%arg8 : memref<40x128xi32, #tpu.memory_space<vmem>>)
      tpu.yield
    }) : () -> ()
    %dma_start3A = arith.constant 0 : i32
    %dma_start3A_54 = arith.constant 0 : i32
    %dma_start3A_55 = arith.constant 0 : i32
    %dma_start3A_56 = arith.constant 0 : i32
    %dma_start3A_57 = tpu.memref_slice %arg9[%dma_start3A_54, %dma_start3A_55, %dma_start3A_56] : memref<2x128x64xf32, #tpu.memory_space<vmem>> -> memref<1x128x64xf32, #tpu.memory_space<vmem>>
    %dma_start3A_58 = tpu.memref_squeeze %dma_start3A_57 : memref<1x128x64xf32, #tpu.memory_space<vmem>> -> memref<128x64xf32, #tpu.memory_space<vmem>>
    %dma_start3A_59 = arith.constant 0 : i32
    %dma_start3A_60 = tpu.memref_slice %arg7[%dma_start3A, %dma_start3A_59] : memref<40x128xi32, #tpu.memory_space<vmem>> -> memref<1x128xi32, #tpu.memory_space<vmem>>
    %dma_start3A_61 = tpu.memref_squeeze %dma_start3A_60 : memref<1x128xi32, #tpu.memory_space<vmem>> -> memref<128xi32, #tpu.memory_space<vmem>>
    %dma_start3A_62 = arith.constant 0 : i32
    %dma_start3A_63 = arith.constant 0 : i32
    %dma_start3A_64 = tpu.memref_slice %arg2[%dma_start3A_62, %dma_start3A_63] : memref<10240x64xf32, #tpu.memory_space<hbm>> -> memref<10240x64xf32, #tpu.memory_space<hbm>>
    tpu.enqueue_indirect_dma source(%dma_start3A_64 : memref<10240x64xf32, #tpu.memory_space<hbm>>) target(%dma_start3A_58 : memref<128x64xf32, #tpu.memory_space<vmem>>) offsets(%dma_start3A_61 : memref<128xi32, #tpu.memory_space<vmem>>) semaphore(%arg11 : memref<!tpu.dma_semaphore, #tpu.memory_space<semaphore_mem>>)
    %scan3A_65 = arith.constant 0 : i32
    %scan3A_66 = arith.constant 0 : i32
    %scan3A_67 = arith.constant 19 : i32
    %scan3A_68 = arith.addi %scan3A_66, %scan3A_67 : i32
    %scan3A_69 = arith.constant 1 : i32
    %scan3A_70 = scf.for %scan3A_174 = %scan3A_66 to %scan3A_68 step %scan3A_69 iter_args(%scan3A_175 = %scan3A_65) -> (i32)  : i32 {
      %mul3A_176 = arith.constant 2 : i32
      %mul3A_177 = arith.muli %mul3A_176, %scan3A_174 : i32
      %add3A_178 = arith.constant 1 : i32
      %add3A_179 = arith.addi %mul3A_177, %add3A_178 : i32
      %dma_start3A_180 = arith.constant 1 : i32
      %dma_start3A_181 = arith.constant 0 : i32
      %dma_start3A_182 = arith.constant 0 : i32
      %dma_start3A_183 = tpu.memref_slice %arg9[%dma_start3A_180, %dma_start3A_181, %dma_start3A_182] : memref<2x128x64xf32, #tpu.memory_space<vmem>> -> memref<1x128x64xf32, #tpu.memory_space<vmem>>
      %dma_start3A_184 = tpu.memref_squeeze %dma_start3A_183 : memref<1x128x64xf32, #tpu.memory_space<vmem>> -> memref<128x64xf32, #tpu.memory_space<vmem>>
      %dma_start3A_185 = arith.constant 0 : i32
      %dma_start3A_186 = tpu.memref_slice %arg7[%add3A_179, %dma_start3A_185] : memref<40x128xi32, #tpu.memory_space<vmem>> -> memref<1x128xi32, #tpu.memory_space<vmem>>
      %dma_start3A_187 = tpu.memref_squeeze %dma_start3A_186 : memref<1x128xi32, #tpu.memory_space<vmem>> -> memref<128xi32, #tpu.memory_space<vmem>>
      %dma_start3A_188 = arith.constant 0 : i32
      %dma_start3A_189 = arith.constant 0 : i32
      %dma_start3A_190 = tpu.memref_slice %arg2[%dma_start3A_188, %dma_start3A_189] : memref<10240x64xf32, #tpu.memory_space<hbm>> -> memref<10240x64xf32, #tpu.memory_space<hbm>>
      tpu.enqueue_indirect_dma source(%dma_start3A_190 : memref<10240x64xf32, #tpu.memory_space<hbm>>) target(%dma_start3A_184 : memref<128x64xf32, #tpu.memory_space<vmem>>) offsets(%dma_start3A_187 : memref<128xi32, #tpu.memory_space<vmem>>) semaphore(%arg12 : memref<!tpu.dma_semaphore, #tpu.memory_space<semaphore_mem>>)
      %mul3A_191 = arith.constant 2 : i32
      %mul3A_192 = arith.muli %mul3A_191, %scan3A_174 : i32
      %dma_wait3A_193 = arith.constant 0 : i32
      %dma_wait3A_194 = arith.constant 0 : i32
      %dma_wait3A_195 = arith.constant 0 : i32
      %dma_wait3A_196 = tpu.memref_slice %arg9[%dma_wait3A_193, %dma_wait3A_194, %dma_wait3A_195] : memref<2x128x64xf32, #tpu.memory_space<vmem>> -> memref<1x128x64xf32, #tpu.memory_space<vmem>>
      %dma_wait3A_197 = tpu.memref_squeeze %dma_wait3A_196 : memref<1x128x64xf32, #tpu.memory_space<vmem>> -> memref<128x64xf32, #tpu.memory_space<vmem>>
      %dma_wait3A_198 = arith.constant 0 : i32
      %dma_wait3A_199 = tpu.memref_slice %arg7[%mul3A_192, %dma_wait3A_198] : memref<40x128xi32, #tpu.memory_space<vmem>> -> memref<1x128xi32, #tpu.memory_space<vmem>>
      %dma_wait3A_200 = tpu.memref_squeeze %dma_wait3A_199 : memref<1x128xi32, #tpu.memory_space<vmem>> -> memref<128xi32, #tpu.memory_space<vmem>>
      %dma_wait3A_201 = arith.constant 0 : i32
      %dma_wait3A_202 = arith.constant 0 : i32
      %dma_wait3A_203 = tpu.memref_slice %arg2[%dma_wait3A_201, %dma_wait3A_202] : memref<10240x64xf32, #tpu.memory_space<hbm>> -> memref<10240x64xf32, #tpu.memory_space<hbm>>
      tpu.wait_indirect_dma semaphore(%arg11 : memref<!tpu.dma_semaphore, #tpu.memory_space<semaphore_mem>>) src(%dma_wait3A_203 : memref<10240x64xf32, #tpu.memory_space<hbm>>) dst(%dma_wait3A_197 : memref<128x64xf32, #tpu.memory_space<vmem>>)
      %run_scoped3A_204 = arith.constant 0 : i32
      "tpu.region"() ({
        %run_scoped3A_237 = tpu.sem_alloc : memref<!tpu.dma_semaphore, #tpu.memory_space<semaphore_mem>>
        %dma_start3A_238 = arith.constant 0 : i32
        %dma_start3A_239 = arith.constant 0 : i32
        %dma_start3A_240 = tpu.memref_slice %arg9[%run_scoped3A_204, %dma_start3A_238, %dma_start3A_239] : memref<2x128x64xf32, #tpu.memory_space<vmem>> -> memref<1x128x64xf32, #tpu.memory_space<vmem>>
        %dma_start3A_241 = tpu.memref_squeeze %dma_start3A_240 : memref<1x128x64xf32, #tpu.memory_space<vmem>> -> memref<128x64xf32, #tpu.memory_space<vmem>>
        %dma_start3A_242 = arith.constant 0 : i32
        %dma_start3A_243 = tpu.memref_slice %arg8[%mul3A_192, %dma_start3A_242] : memref<40x128xi32, #tpu.memory_space<vmem>> -> memref<1x128xi32, #tpu.memory_space<vmem>>
        %dma_start3A_244 = tpu.memref_squeeze %dma_start3A_243 : memref<1x128xi32, #tpu.memory_space<vmem>> -> memref<128xi32, #tpu.memory_space<vmem>>
        %dma_start3A_245 = arith.constant 0 : i32
        %dma_start3A_246 = arith.constant 0 : i32
        %dma_start3A_247 = tpu.memref_slice %arg6[%dma_start3A_245, %dma_start3A_246] : memref<10240x64xf32, #tpu.memory_space<vmem_shared>> -> memref<10240x64xf32, #tpu.memory_space<vmem_shared>>
        tpu.enqueue_indirect_dma source(%dma_start3A_241 : memref<128x64xf32, #tpu.memory_space<vmem>>) target(%dma_start3A_247 : memref<10240x64xf32, #tpu.memory_space<vmem_shared>>) offsets(%dma_start3A_244 : memref<128xi32, #tpu.memory_space<vmem>>) semaphore(%run_scoped3A_237 : memref<!tpu.dma_semaphore, #tpu.memory_space<semaphore_mem>>) {add = true}
        %dma_wait3A_248 = arith.constant 0 : i32
        %dma_wait3A_249 = arith.constant 0 : i32
        %dma_wait3A_250 = tpu.memref_slice %arg9[%run_scoped3A_204, %dma_wait3A_248, %dma_wait3A_249] : memref<2x128x64xf32, #tpu.memory_space<vmem>> -> memref<1x128x64xf32, #tpu.memory_space<vmem>>
        %dma_wait3A_251 = tpu.memref_squeeze %dma_wait3A_250 : memref<1x128x64xf32, #tpu.memory_space<vmem>> -> memref<128x64xf32, #tpu.memory_space<vmem>>
        %dma_wait3A_252 = arith.constant 0 : i32
        %dma_wait3A_253 = tpu.memref_slice %arg8[%mul3A_192, %dma_wait3A_252] : memref<40x128xi32, #tpu.memory_space<vmem>> -> memref<1x128xi32, #tpu.memory_space<vmem>>
        %dma_wait3A_254 = tpu.memref_squeeze %dma_wait3A_253 : memref<1x128xi32, #tpu.memory_space<vmem>> -> memref<128xi32, #tpu.memory_space<vmem>>
        %dma_wait3A_255 = arith.constant 0 : i32
        %dma_wait3A_256 = arith.constant 0 : i32
        %dma_wait3A_257 = tpu.memref_slice %arg6[%dma_wait3A_255, %dma_wait3A_256] : memref<10240x64xf32, #tpu.memory_space<vmem_shared>> -> memref<10240x64xf32, #tpu.memory_space<vmem_shared>>
        tpu.wait_indirect_dma semaphore(%run_scoped3A_237 : memref<!tpu.dma_semaphore, #tpu.memory_space<semaphore_mem>>) src(%dma_wait3A_251 : memref<128x64xf32, #tpu.memory_space<vmem>>) dst(%dma_wait3A_257 : memref<10240x64xf32, #tpu.memory_space<vmem_shared>>)
        tpu.yield
      }) : () -> ()
      %mul3A_205 = arith.constant 2 : i32
      %mul3A_206 = arith.muli %mul3A_205, %scan3A_174 : i32
      %add3A_207 = arith.constant 2 : i32
      %add3A_208 = arith.addi %mul3A_206, %add3A_207 : i32
      %dma_start3A_209 = arith.constant 0 : i32
      %dma_start3A_210 = arith.constant 0 : i32
      %dma_start3A_211 = arith.constant 0 : i32
      %dma_start3A_212 = tpu.memref_slice %arg9[%dma_start3A_209, %dma_start3A_210, %dma_start3A_211] : memref<2x128x64xf32, #tpu.memory_space<vmem>> -> memref<1x128x64xf32, #tpu.memory_space<vmem>>
      %dma_start3A_213 = tpu.memref_squeeze %dma_start3A_212 : memref<1x128x64xf32, #tpu.memory_space<vmem>> -> memref<128x64xf32, #tpu.memory_space<vmem>>
      %dma_start3A_214 = arith.constant 0 : i32
      %dma_start3A_215 = tpu.memref_slice %arg7[%add3A_208, %dma_start3A_214] : memref<40x128xi32, #tpu.memory_space<vmem>> -> memref<1x128xi32, #tpu.memory_space<vmem>>
      %dma_start3A_216 = tpu.memref_squeeze %dma_start3A_215 : memref<1x128xi32, #tpu.memory_space<vmem>> -> memref<128xi32, #tpu.memory_space<vmem>>
      %dma_start3A_217 = arith.constant 0 : i32
      %dma_start3A_218 = arith.constant 0 : i32
      %dma_start3A_219 = tpu.memref_slice %arg2[%dma_start3A_217, %dma_start3A_218] : memref<10240x64xf32, #tpu.memory_space<hbm>> -> memref<10240x64xf32, #tpu.memory_space<hbm>>
      tpu.enqueue_indirect_dma source(%dma_start3A_219 : memref<10240x64xf32, #tpu.memory_space<hbm>>) target(%dma_start3A_213 : memref<128x64xf32, #tpu.memory_space<vmem>>) offsets(%dma_start3A_216 : memref<128xi32, #tpu.memory_space<vmem>>) semaphore(%arg11 : memref<!tpu.dma_semaphore, #tpu.memory_space<semaphore_mem>>)
      %mul3A_220 = arith.constant 2 : i32
      %mul3A_221 = arith.muli %mul3A_220, %scan3A_174 : i32
      %add3A_222 = arith.constant 1 : i32
      %add3A_223 = arith.addi %mul3A_221, %add3A_222 : i32
      %dma_wait3A_224 = arith.constant 1 : i32
      %dma_wait3A_225 = arith.constant 0 : i32
      %dma_wait3A_226 = arith.constant 0 : i32
      %dma_wait3A_227 = tpu.memref_slice %arg9[%dma_wait3A_224, %dma_wait3A_225, %dma_wait3A_226] : memref<2x128x64xf32, #tpu.memory_space<vmem>> -> memref<1x128x64xf32, #tpu.memory_space<vmem>>
      %dma_wait3A_228 = tpu.memref_squeeze %dma_wait3A_227 : memref<1x128x64xf32, #tpu.memory_space<vmem>> -> memref<128x64xf32, #tpu.memory_space<vmem>>
      %dma_wait3A_229 = arith.constant 0 : i32
      %dma_wait3A_230 = tpu.memref_slice %arg7[%add3A_223, %dma_wait3A_229] : memref<40x128xi32, #tpu.memory_space<vmem>> -> memref<1x128xi32, #tpu.memory_space<vmem>>
      %dma_wait3A_231 = tpu.memref_squeeze %dma_wait3A_230 : memref<1x128xi32, #tpu.memory_space<vmem>> -> memref<128xi32, #tpu.memory_space<vmem>>
      %dma_wait3A_232 = arith.constant 0 : i32
      %dma_wait3A_233 = arith.constant 0 : i32
      %dma_wait3A_234 = tpu.memref_slice %arg2[%dma_wait3A_232, %dma_wait3A_233] : memref<10240x64xf32, #tpu.memory_space<hbm>> -> memref<10240x64xf32, #tpu.memory_space<hbm>>
      tpu.wait_indirect_dma semaphore(%arg12 : memref<!tpu.dma_semaphore, #tpu.memory_space<semaphore_mem>>) src(%dma_wait3A_234 : memref<10240x64xf32, #tpu.memory_space<hbm>>) dst(%dma_wait3A_228 : memref<128x64xf32, #tpu.memory_space<vmem>>)
      %run_scoped3A_235 = arith.constant 1 : i32
      "tpu.region"() ({
        %run_scoped3A_237 = tpu.sem_alloc : memref<!tpu.dma_semaphore, #tpu.memory_space<semaphore_mem>>
        %dma_start3A_238 = arith.constant 0 : i32
        %dma_start3A_239 = arith.constant 0 : i32
        %dma_start3A_240 = tpu.memref_slice %arg9[%run_scoped3A_235, %dma_start3A_238, %dma_start3A_239] : memref<2x128x64xf32, #tpu.memory_space<vmem>> -> memref<1x128x64xf32, #tpu.memory_space<vmem>>
        %dma_start3A_241 = tpu.memref_squeeze %dma_start3A_240 : memref<1x128x64xf32, #tpu.memory_space<vmem>> -> memref<128x64xf32, #tpu.memory_space<vmem>>
        %dma_start3A_242 = arith.constant 0 : i32
        %dma_start3A_243 = tpu.memref_slice %arg8[%add3A_223, %dma_start3A_242] : memref<40x128xi32, #tpu.memory_space<vmem>> -> memref<1x128xi32, #tpu.memory_space<vmem>>
        %dma_start3A_244 = tpu.memref_squeeze %dma_start3A_243 : memref<1x128xi32, #tpu.memory_space<vmem>> -> memref<128xi32, #tpu.memory_space<vmem>>
        %dma_start3A_245 = arith.constant 0 : i32
        %dma_start3A_246 = arith.constant 0 : i32
        %dma_start3A_247 = tpu.memref_slice %arg6[%dma_start3A_245, %dma_start3A_246] : memref<10240x64xf32, #tpu.memory_space<vmem_shared>> -> memref<10240x64xf32, #tpu.memory_space<vmem_shared>>
        tpu.enqueue_indirect_dma source(%dma_start3A_241 : memref<128x64xf32, #tpu.memory_space<vmem>>) target(%dma_start3A_247 : memref<10240x64xf32, #tpu.memory_space<vmem_shared>>) offsets(%dma_start3A_244 : memref<128xi32, #tpu.memory_space<vmem>>) semaphore(%run_scoped3A_237 : memref<!tpu.dma_semaphore, #tpu.memory_space<semaphore_mem>>) {add = true}
        %dma_wait3A_248 = arith.constant 0 : i32
        %dma_wait3A_249 = arith.constant 0 : i32
        %dma_wait3A_250 = tpu.memref_slice %arg9[%run_scoped3A_235, %dma_wait3A_248, %dma_wait3A_249] : memref<2x128x64xf32, #tpu.memory_space<vmem>> -> memref<1x128x64xf32, #tpu.memory_space<vmem>>
        %dma_wait3A_251 = tpu.memref_squeeze %dma_wait3A_250 : memref<1x128x64xf32, #tpu.memory_space<vmem>> -> memref<128x64xf32, #tpu.memory_space<vmem>>
        %dma_wait3A_252 = arith.constant 0 : i32
        %dma_wait3A_253 = tpu.memref_slice %arg8[%add3A_223, %dma_wait3A_252] : memref<40x128xi32, #tpu.memory_space<vmem>> -> memref<1x128xi32, #tpu.memory_space<vmem>>
        %dma_wait3A_254 = tpu.memref_squeeze %dma_wait3A_253 : memref<1x128xi32, #tpu.memory_space<vmem>> -> memref<128xi32, #tpu.memory_space<vmem>>
        %dma_wait3A_255 = arith.constant 0 : i32
        %dma_wait3A_256 = arith.constant 0 : i32
        %dma_wait3A_257 = tpu.memref_slice %arg6[%dma_wait3A_255, %dma_wait3A_256] : memref<10240x64xf32, #tpu.memory_space<vmem_shared>> -> memref<10240x64xf32, #tpu.memory_space<vmem_shared>>
        tpu.wait_indirect_dma semaphore(%run_scoped3A_237 : memref<!tpu.dma_semaphore, #tpu.memory_space<semaphore_mem>>) src(%dma_wait3A_251 : memref<128x64xf32, #tpu.memory_space<vmem>>) dst(%dma_wait3A_257 : memref<10240x64xf32, #tpu.memory_space<vmem_shared>>)
        tpu.yield
      }) : () -> ()
      %scan3A_236 = arith.constant 0 : i32
      scf.yield %scan3A_236 : i32
    }
    %scan3A_71 = arith.constant 19 : i32
    %dma_start3A_72 = arith.constant 39 : i32
    %dma_start3A_73 = arith.constant 1 : i32
    %dma_start3A_74 = arith.constant 0 : i32
    %dma_start3A_75 = arith.constant 0 : i32
    %dma_start3A_76 = tpu.memref_slice %arg9[%dma_start3A_73, %dma_start3A_74, %dma_start3A_75] : memref<2x128x64xf32, #tpu.memory_space<vmem>> -> memref<1x128x64xf32, #tpu.memory_space<vmem>>
    %dma_start3A_77 = tpu.memref_squeeze %dma_start3A_76 : memref<1x128x64xf32, #tpu.memory_space<vmem>> -> memref<128x64xf32, #tpu.memory_space<vmem>>
    %dma_start3A_78 = arith.constant 0 : i32
    %dma_start3A_79 = tpu.memref_slice %arg7[%dma_start3A_72, %dma_start3A_78] : memref<40x128xi32, #tpu.memory_space<vmem>> -> memref<1x128xi32, #tpu.memory_space<vmem>>
    %dma_start3A_80 = tpu.memref_squeeze %dma_start3A_79 : memref<1x128xi32, #tpu.memory_space<vmem>> -> memref<128xi32, #tpu.memory_space<vmem>>
    %dma_start3A_81 = arith.constant 0 : i32
    %dma_start3A_82 = arith.constant 0 : i32
    %dma_start3A_83 = tpu.memref_slice %arg2[%dma_start3A_81, %dma_start3A_82] : memref<10240x64xf32, #tpu.memory_space<hbm>> -> memref<10240x64xf32, #tpu.memory_space<hbm>>
    tpu.enqueue_indirect_dma source(%dma_start3A_83 : memref<10240x64xf32, #tpu.memory_space<hbm>>) target(%dma_start3A_77 : memref<128x64xf32, #tpu.memory_space<vmem>>) offsets(%dma_start3A_80 : memref<128xi32, #tpu.memory_space<vmem>>) semaphore(%arg12 : memref<!tpu.dma_semaphore, #tpu.memory_space<semaphore_mem>>)
    %dma_wait3A = arith.constant 38 : i32
    %dma_wait3A_84 = arith.constant 0 : i32
    %dma_wait3A_85 = arith.constant 0 : i32
    %dma_wait3A_86 = arith.constant 0 : i32
    %dma_wait3A_87 = tpu.memref_slice %arg9[%dma_wait3A_84, %dma_wait3A_85, %dma_wait3A_86] : memref<2x128x64xf32, #tpu.memory_space<vmem>> -> memref<1x128x64xf32, #tpu.memory_space<vmem>>
    %dma_wait3A_88 = tpu.memref_squeeze %dma_wait3A_87 : memref<1x128x64xf32, #tpu.memory_space<vmem>> -> memref<128x64xf32, #tpu.memory_space<vmem>>
    %dma_wait3A_89 = arith.constant 0 : i32
    %dma_wait3A_90 = tpu.memref_slice %arg7[%dma_wait3A, %dma_wait3A_89] : memref<40x128xi32, #tpu.memory_space<vmem>> -> memref<1x128xi32, #tpu.memory_space<vmem>>
    %dma_wait3A_91 = tpu.memref_squeeze %dma_wait3A_90 : memref<1x128xi32, #tpu.memory_space<vmem>> -> memref<128xi32, #tpu.memory_space<vmem>>
    %dma_wait3A_92 = arith.constant 0 : i32
    %dma_wait3A_93 = arith.constant 0 : i32
    %dma_wait3A_94 = tpu.memref_slice %arg2[%dma_wait3A_92, %dma_wait3A_93] : memref<10240x64xf32, #tpu.memory_space<hbm>> -> memref<10240x64xf32, #tpu.memory_space<hbm>>
    tpu.wait_indirect_dma semaphore(%arg11 : memref<!tpu.dma_semaphore, #tpu.memory_space<semaphore_mem>>) src(%dma_wait3A_94 : memref<10240x64xf32, #tpu.memory_space<hbm>>) dst(%dma_wait3A_88 : memref<128x64xf32, #tpu.memory_space<vmem>>)
    %run_scoped3A = arith.constant 0 : i32
    %run_scoped3A_95 = arith.constant 38 : i32
    "tpu.region"() ({
      %run_scoped3A_174 = tpu.sem_alloc : memref<!tpu.dma_semaphore, #tpu.memory_space<semaphore_mem>>
      %dma_start3A_175 = arith.constant 0 : i32
      %dma_start3A_176 = arith.constant 0 : i32
      %dma_start3A_177 = tpu.memref_slice %arg9[%run_scoped3A, %dma_start3A_175, %dma_start3A_176] : memref<2x128x64xf32, #tpu.memory_space<vmem>> -> memref<1x128x64xf32, #tpu.memory_space<vmem>>
      %dma_start3A_178 = tpu.memref_squeeze %dma_start3A_177 : memref<1x128x64xf32, #tpu.memory_space<vmem>> -> memref<128x64xf32, #tpu.memory_space<vmem>>
      %dma_start3A_179 = arith.constant 0 : i32
      %dma_start3A_180 = tpu.memref_slice %arg8[%run_scoped3A_95, %dma_start3A_179] : memref<40x128xi32, #tpu.memory_space<vmem>> -> memref<1x128xi32, #tpu.memory_space<vmem>>
      %dma_start3A_181 = tpu.memref_squeeze %dma_start3A_180 : memref<1x128xi32, #tpu.memory_space<vmem>> -> memref<128xi32, #tpu.memory_space<vmem>>
      %dma_start3A_182 = arith.constant 0 : i32
      %dma_start3A_183 = arith.constant 0 : i32
      %dma_start3A_184 = tpu.memref_slice %arg6[%dma_start3A_182, %dma_start3A_183] : memref<10240x64xf32, #tpu.memory_space<vmem_shared>> -> memref<10240x64xf32, #tpu.memory_space<vmem_shared>>
      tpu.enqueue_indirect_dma source(%dma_start3A_178 : memref<128x64xf32, #tpu.memory_space<vmem>>) target(%dma_start3A_184 : memref<10240x64xf32, #tpu.memory_space<vmem_shared>>) offsets(%dma_start3A_181 : memref<128xi32, #tpu.memory_space<vmem>>) semaphore(%run_scoped3A_174 : memref<!tpu.dma_semaphore, #tpu.memory_space<semaphore_mem>>) {add = true}
      %dma_wait3A_185 = arith.constant 0 : i32
      %dma_wait3A_186 = arith.constant 0 : i32
      %dma_wait3A_187 = tpu.memref_slice %arg9[%run_scoped3A, %dma_wait3A_185, %dma_wait3A_186] : memref<2x128x64xf32, #tpu.memory_space<vmem>> -> memref<1x128x64xf32, #tpu.memory_space<vmem>>
      %dma_wait3A_188 = tpu.memref_squeeze %dma_wait3A_187 : memref<1x128x64xf32, #tpu.memory_space<vmem>> -> memref<128x64xf32, #tpu.memory_space<vmem>>
      %dma_wait3A_189 = arith.constant 0 : i32
      %dma_wait3A_190 = tpu.memref_slice %arg8[%run_scoped3A_95, %dma_wait3A_189] : memref<40x128xi32, #tpu.memory_space<vmem>> -> memref<1x128xi32, #tpu.memory_space<vmem>>
      %dma_wait3A_191 = tpu.memref_squeeze %dma_wait3A_190 : memref<1x128xi32, #tpu.memory_space<vmem>> -> memref<128xi32, #tpu.memory_space<vmem>>
      %dma_wait3A_192 = arith.constant 0 : i32
      %dma_wait3A_193 = arith.constant 0 : i32
      %dma_wait3A_194 = tpu.memref_slice %arg6[%dma_wait3A_192, %dma_wait3A_193] : memref<10240x64xf32, #tpu.memory_space<vmem_shared>> -> memref<10240x64xf32, #tpu.memory_space<vmem_shared>>
      tpu.wait_indirect_dma semaphore(%run_scoped3A_174 : memref<!tpu.dma_semaphore, #tpu.memory_space<semaphore_mem>>) src(%dma_wait3A_188 : memref<128x64xf32, #tpu.memory_space<vmem>>) dst(%dma_wait3A_194 : memref<10240x64xf32, #tpu.memory_space<vmem_shared>>)
      tpu.yield
    }) : () -> ()
    %dma_wait3A_96 = arith.constant 39 : i32
    %dma_wait3A_97 = arith.constant 1 : i32
    %dma_wait3A_98 = arith.constant 0 : i32
    %dma_wait3A_99 = arith.constant 0 : i32
    %dma_wait3A_100 = tpu.memref_slice %arg9[%dma_wait3A_97, %dma_wait3A_98, %dma_wait3A_99] : memref<2x128x64xf32, #tpu.memory_space<vmem>> -> memref<1x128x64xf32, #tpu.memory_space<vmem>>
    %dma_wait3A_101 = tpu.memref_squeeze %dma_wait3A_100 : memref<1x128x64xf32, #tpu.memory_space<vmem>> -> memref<128x64xf32, #tpu.memory_space<vmem>>
    %dma_wait3A_102 = arith.constant 0 : i32
    %dma_wait3A_103 = tpu.memref_slice %arg7[%dma_wait3A_96, %dma_wait3A_102] : memref<40x128xi32, #tpu.memory_space<vmem>> -> memref<1x128xi32, #tpu.memory_space<vmem>>
    %dma_wait3A_104 = tpu.memref_squeeze %dma_wait3A_103 : memref<1x128xi32, #tpu.memory_space<vmem>> -> memref<128xi32, #tpu.memory_space<vmem>>
    %dma_wait3A_105 = arith.constant 0 : i32
    %dma_wait3A_106 = arith.constant 0 : i32
    %dma_wait3A_107 = tpu.memref_slice %arg2[%dma_wait3A_105, %dma_wait3A_106] : memref<10240x64xf32, #tpu.memory_space<hbm>> -> memref<10240x64xf32, #tpu.memory_space<hbm>>
    tpu.wait_indirect_dma semaphore(%arg12 : memref<!tpu.dma_semaphore, #tpu.memory_space<semaphore_mem>>) src(%dma_wait3A_107 : memref<10240x64xf32, #tpu.memory_space<hbm>>) dst(%dma_wait3A_101 : memref<128x64xf32, #tpu.memory_space<vmem>>)
    %run_scoped3A_108 = arith.constant 1 : i32
    %run_scoped3A_109 = arith.constant 39 : i32
    "tpu.region"() ({
      %run_scoped3A_174 = tpu.sem_alloc : memref<!tpu.dma_semaphore, #tpu.memory_space<semaphore_mem>>
      %dma_start3A_175 = arith.constant 0 : i32
      %dma_start3A_176 = arith.constant 0 : i32
      %dma_start3A_177 = tpu.memref_slice %arg9[%run_scoped3A_108, %dma_start3A_175, %dma_start3A_176] : memref<2x128x64xf32, #tpu.memory_space<vmem>> -> memref<1x128x64xf32, #tpu.memory_space<vmem>>
      %dma_start3A_178 = tpu.memref_squeeze %dma_start3A_177 : memref<1x128x64xf32, #tpu.memory_space<vmem>> -> memref<128x64xf32, #tpu.memory_space<vmem>>
      %dma_start3A_179 = arith.constant 0 : i32
      %dma_start3A_180 = tpu.memref_slice %arg8[%run_scoped3A_109, %dma_start3A_179] : memref<40x128xi32, #tpu.memory_space<vmem>> -> memref<1x128xi32, #tpu.memory_space<vmem>>
      %dma_start3A_181 = tpu.memref_squeeze %dma_start3A_180 : memref<1x128xi32, #tpu.memory_space<vmem>> -> memref<128xi32, #tpu.memory_space<vmem>>
      %dma_start3A_182 = arith.constant 0 : i32
      %dma_start3A_183 = arith.constant 0 : i32
      %dma_start3A_184 = tpu.memref_slice %arg6[%dma_start3A_182, %dma_start3A_183] : memref<10240x64xf32, #tpu.memory_space<vmem_shared>> -> memref<10240x64xf32, #tpu.memory_space<vmem_shared>>
      tpu.enqueue_indirect_dma source(%dma_start3A_178 : memref<128x64xf32, #tpu.memory_space<vmem>>) target(%dma_start3A_184 : memref<10240x64xf32, #tpu.memory_space<vmem_shared>>) offsets(%dma_start3A_181 : memref<128xi32, #tpu.memory_space<vmem>>) semaphore(%run_scoped3A_174 : memref<!tpu.dma_semaphore, #tpu.memory_space<semaphore_mem>>) {add = true}
      %dma_wait3A_185 = arith.constant 0 : i32
      %dma_wait3A_186 = arith.constant 0 : i32
      %dma_wait3A_187 = tpu.memref_slice %arg9[%run_scoped3A_108, %dma_wait3A_185, %dma_wait3A_186] : memref<2x128x64xf32, #tpu.memory_space<vmem>> -> memref<1x128x64xf32, #tpu.memory_space<vmem>>
      %dma_wait3A_188 = tpu.memref_squeeze %dma_wait3A_187 : memref<1x128x64xf32, #tpu.memory_space<vmem>> -> memref<128x64xf32, #tpu.memory_space<vmem>>
      %dma_wait3A_189 = arith.constant 0 : i32
      %dma_wait3A_190 = tpu.memref_slice %arg8[%run_scoped3A_109, %dma_wait3A_189] : memref<40x128xi32, #tpu.memory_space<vmem>> -> memref<1x128xi32, #tpu.memory_space<vmem>>
      %dma_wait3A_191 = tpu.memref_squeeze %dma_wait3A_190 : memref<1x128xi32, #tpu.memory_space<vmem>> -> memref<128xi32, #tpu.memory_space<vmem>>
      %dma_wait3A_192 = arith.constant 0 : i32
      %dma_wait3A_193 = arith.constant 0 : i32
      %dma_wait3A_194 = tpu.memref_slice %arg6[%dma_wait3A_192, %dma_wait3A_193] : memref<10240x64xf32, #tpu.memory_space<vmem_shared>> -> memref<10240x64xf32, #tpu.memory_space<vmem_shared>>
      tpu.wait_indirect_dma semaphore(%run_scoped3A_174 : memref<!tpu.dma_semaphore, #tpu.memory_space<semaphore_mem>>) src(%dma_wait3A_188 : memref<128x64xf32, #tpu.memory_space<vmem>>) dst(%dma_wait3A_194 : memref<10240x64xf32, #tpu.memory_space<vmem_shared>>)
      tpu.yield
    }) : () -> ()
    %mul3A_110 = arith.constant 80 : i32
    %mul3A_111 = arith.muli %add3A, %mul3A_110 : i32
    %add3A_112 = arith.constant 40 : i32
    %add3A_113 = arith.addi %mul3A_111, %add3A_112 : i32
    "tpu.region"() ({
      %run_scoped3A_174 = tpu.sem_alloc : memref<!tpu.dma_semaphore, #tpu.memory_space<semaphore_mem>>
      %dma_start3A_175 = arith.constant 0 : i32
      %dma_start3A_176 = tpu.memref_slice %arg3[%add3A_113, %dma_start3A_175] : memref<2560x128xi32, #tpu.memory_space<hbm>> -> memref<40x128xi32, #tpu.memory_space<hbm>>
      %dma_start3A_177 = arith.constant 0 : i32
      %dma_start3A_178 = tpu.memref_slice %arg3[%add3A_113, %dma_start3A_177] : memref<2560x128xi32, #tpu.memory_space<hbm>> -> memref<40x128xi32, #tpu.memory_space<hbm>>
      tpu.enqueue_dma source(%dma_start3A_178 : memref<40x128xi32, #tpu.memory_space<hbm>>) target(%arg7 : memref<40x128xi32, #tpu.memory_space<vmem>>) target_semaphore(%run_scoped3A_174 : memref<!tpu.dma_semaphore, #tpu.memory_space<semaphore_mem>>)
      %dma_wait3A_179 = arith.constant 0 : i32
      %dma_wait3A_180 = tpu.memref_slice %arg3[%add3A_113, %dma_wait3A_179] : memref<2560x128xi32, #tpu.memory_space<hbm>> -> memref<40x128xi32, #tpu.memory_space<hbm>>
      %dma_wait3A_181 = arith.constant 0 : i32
      %dma_wait3A_182 = tpu.memref_slice %arg3[%add3A_113, %dma_wait3A_181] : memref<2560x128xi32, #tpu.memory_space<hbm>> -> memref<40x128xi32, #tpu.memory_space<hbm>>
      tpu.wait_dma2 semaphore(%run_scoped3A_174 : memref<!tpu.dma_semaphore, #tpu.memory_space<semaphore_mem>>) src(%dma_wait3A_182 : memref<40x128xi32, #tpu.memory_space<hbm>>) dst(%arg7 : memref<40x128xi32, #tpu.memory_space<vmem>>)
      tpu.yield
    }) : () -> ()
    "tpu.region"() ({
      %run_scoped3A_174 = tpu.sem_alloc : memref<!tpu.dma_semaphore, #tpu.memory_space<semaphore_mem>>
      %dma_start3A_175 = arith.constant 0 : i32
      %dma_start3A_176 = tpu.memref_slice %arg4[%add3A_113, %dma_start3A_175] : memref<2560x128xi32, #tpu.memory_space<hbm>> -> memref<40x128xi32, #tpu.memory_space<hbm>>
      %dma_start3A_177 = arith.constant 0 : i32
      %dma_start3A_178 = tpu.memref_slice %arg4[%add3A_113, %dma_start3A_177] : memref<2560x128xi32, #tpu.memory_space<hbm>> -> memref<40x128xi32, #tpu.memory_space<hbm>>
      tpu.enqueue_dma source(%dma_start3A_178 : memref<40x128xi32, #tpu.memory_space<hbm>>) target(%arg8 : memref<40x128xi32, #tpu.memory_space<vmem>>) target_semaphore(%run_scoped3A_174 : memref<!tpu.dma_semaphore, #tpu.memory_space<semaphore_mem>>)
      %dma_wait3A_179 = arith.constant 0 : i32
      %dma_wait3A_180 = tpu.memref_slice %arg4[%add3A_113, %dma_wait3A_179] : memref<2560x128xi32, #tpu.memory_space<hbm>> -> memref<40x128xi32, #tpu.memory_space<hbm>>
      %dma_wait3A_181 = arith.constant 0 : i32
      %dma_wait3A_182 = tpu.memref_slice %arg4[%add3A_113, %dma_wait3A_181] : memref<2560x128xi32, #tpu.memory_space<hbm>> -> memref<40x128xi32, #tpu.memory_space<hbm>>
      tpu.wait_dma2 semaphore(%run_scoped3A_174 : memref<!tpu.dma_semaphore, #tpu.memory_space<semaphore_mem>>) src(%dma_wait3A_182 : memref<40x128xi32, #tpu.memory_space<hbm>>) dst(%arg8 : memref<40x128xi32, #tpu.memory_space<vmem>>)
      tpu.yield
    }) : () -> ()
    %dma_start3A_114 = arith.constant 0 : i32
    %dma_start3A_115 = arith.constant 0 : i32
    %dma_start3A_116 = arith.constant 0 : i32
    %dma_start3A_117 = arith.constant 0 : i32
    %dma_start3A_118 = tpu.memref_slice %arg9[%dma_start3A_115, %dma_start3A_116, %dma_start3A_117] : memref<2x128x64xf32, #tpu.memory_space<vmem>> -> memref<1x128x64xf32, #tpu.memory_space<vmem>>
    %dma_start3A_119 = tpu.memref_squeeze %dma_start3A_118 : memref<1x128x64xf32, #tpu.memory_space<vmem>> -> memref<128x64xf32, #tpu.memory_space<vmem>>
    %dma_start3A_120 = arith.constant 0 : i32
    %dma_start3A_121 = tpu.memref_slice %arg7[%dma_start3A_114, %dma_start3A_120] : memref<40x128xi32, #tpu.memory_space<vmem>> -> memref<1x128xi32, #tpu.memory_space<vmem>>
    %dma_start3A_122 = tpu.memref_squeeze %dma_start3A_121 : memref<1x128xi32, #tpu.memory_space<vmem>> -> memref<128xi32, #tpu.memory_space<vmem>>
    %dma_start3A_123 = arith.constant 0 : i32
    %dma_start3A_124 = arith.constant 0 : i32
    %dma_start3A_125 = tpu.memref_slice %arg2[%dma_start3A_123, %dma_start3A_124] : memref<10240x64xf32, #tpu.memory_space<hbm>> -> memref<10240x64xf32, #tpu.memory_space<hbm>>
    tpu.enqueue_indirect_dma source(%dma_start3A_125 : memref<10240x64xf32, #tpu.memory_space<hbm>>) target(%dma_start3A_119 : memref<128x64xf32, #tpu.memory_space<vmem>>) offsets(%dma_start3A_122 : memref<128xi32, #tpu.memory_space<vmem>>) semaphore(%arg11 : memref<!tpu.dma_semaphore, #tpu.memory_space<semaphore_mem>>)
    %scan3A_126 = arith.constant 0 : i32
    %scan3A_127 = arith.constant 0 : i32
    %scan3A_128 = arith.constant 19 : i32
    %scan3A_129 = arith.addi %scan3A_127, %scan3A_128 : i32
    %scan3A_130 = arith.constant 1 : i32
    %scan3A_131 = scf.for %scan3A_174 = %scan3A_127 to %scan3A_129 step %scan3A_130 iter_args(%scan3A_175 = %scan3A_126) -> (i32)  : i32 {
      %mul3A_176 = arith.constant 2 : i32
      %mul3A_177 = arith.muli %mul3A_176, %scan3A_174 : i32
      %add3A_178 = arith.constant 1 : i32
      %add3A_179 = arith.addi %mul3A_177, %add3A_178 : i32
      %dma_start3A_180 = arith.constant 1 : i32
      %dma_start3A_181 = arith.constant 0 : i32
      %dma_start3A_182 = arith.constant 0 : i32
      %dma_start3A_183 = tpu.memref_slice %arg9[%dma_start3A_180, %dma_start3A_181, %dma_start3A_182] : memref<2x128x64xf32, #tpu.memory_space<vmem>> -> memref<1x128x64xf32, #tpu.memory_space<vmem>>
      %dma_start3A_184 = tpu.memref_squeeze %dma_start3A_183 : memref<1x128x64xf32, #tpu.memory_space<vmem>> -> memref<128x64xf32, #tpu.memory_space<vmem>>
      %dma_start3A_185 = arith.constant 0 : i32
      %dma_start3A_186 = tpu.memref_slice %arg7[%add3A_179, %dma_start3A_185] : memref<40x128xi32, #tpu.memory_space<vmem>> -> memref<1x128xi32, #tpu.memory_space<vmem>>
      %dma_start3A_187 = tpu.memref_squeeze %dma_start3A_186 : memref<1x128xi32, #tpu.memory_space<vmem>> -> memref<128xi32, #tpu.memory_space<vmem>>
      %dma_start3A_188 = arith.constant 0 : i32
      %dma_start3A_189 = arith.constant 0 : i32
      %dma_start3A_190 = tpu.memref_slice %arg2[%dma_start3A_188, %dma_start3A_189] : memref<10240x64xf32, #tpu.memory_space<hbm>> -> memref<10240x64xf32, #tpu.memory_space<hbm>>
      tpu.enqueue_indirect_dma source(%dma_start3A_190 : memref<10240x64xf32, #tpu.memory_space<hbm>>) target(%dma_start3A_184 : memref<128x64xf32, #tpu.memory_space<vmem>>) offsets(%dma_start3A_187 : memref<128xi32, #tpu.memory_space<vmem>>) semaphore(%arg12 : memref<!tpu.dma_semaphore, #tpu.memory_space<semaphore_mem>>)
      %mul3A_191 = arith.constant 2 : i32
      %mul3A_192 = arith.muli %mul3A_191, %scan3A_174 : i32
      %dma_wait3A_193 = arith.constant 0 : i32
      %dma_wait3A_194 = arith.constant 0 : i32
      %dma_wait3A_195 = arith.constant 0 : i32
      %dma_wait3A_196 = tpu.memref_slice %arg9[%dma_wait3A_193, %dma_wait3A_194, %dma_wait3A_195] : memref<2x128x64xf32, #tpu.memory_space<vmem>> -> memref<1x128x64xf32, #tpu.memory_space<vmem>>
      %dma_wait3A_197 = tpu.memref_squeeze %dma_wait3A_196 : memref<1x128x64xf32, #tpu.memory_space<vmem>> -> memref<128x64xf32, #tpu.memory_space<vmem>>
      %dma_wait3A_198 = arith.constant 0 : i32
      %dma_wait3A_199 = tpu.memref_slice %arg7[%mul3A_192, %dma_wait3A_198] : memref<40x128xi32, #tpu.memory_space<vmem>> -> memref<1x128xi32, #tpu.memory_space<vmem>>
      %dma_wait3A_200 = tpu.memref_squeeze %dma_wait3A_199 : memref<1x128xi32, #tpu.memory_space<vmem>> -> memref<128xi32, #tpu.memory_space<vmem>>
      %dma_wait3A_201 = arith.constant 0 : i32
      %dma_wait3A_202 = arith.constant 0 : i32
      %dma_wait3A_203 = tpu.memref_slice %arg2[%dma_wait3A_201, %dma_wait3A_202] : memref<10240x64xf32, #tpu.memory_space<hbm>> -> memref<10240x64xf32, #tpu.memory_space<hbm>>
      tpu.wait_indirect_dma semaphore(%arg11 : memref<!tpu.dma_semaphore, #tpu.memory_space<semaphore_mem>>) src(%dma_wait3A_203 : memref<10240x64xf32, #tpu.memory_space<hbm>>) dst(%dma_wait3A_197 : memref<128x64xf32, #tpu.memory_space<vmem>>)
      %run_scoped3A_204 = arith.constant 0 : i32
      "tpu.region"() ({
        %run_scoped3A_237 = tpu.sem_alloc : memref<!tpu.dma_semaphore, #tpu.memory_space<semaphore_mem>>
        %dma_start3A_238 = arith.constant 0 : i32
        %dma_start3A_239 = arith.constant 0 : i32
        %dma_start3A_240 = tpu.memref_slice %arg9[%run_scoped3A_204, %dma_start3A_238, %dma_start3A_239] : memref<2x128x64xf32, #tpu.memory_space<vmem>> -> memref<1x128x64xf32, #tpu.memory_space<vmem>>
        %dma_start3A_241 = tpu.memref_squeeze %dma_start3A_240 : memref<1x128x64xf32, #tpu.memory_space<vmem>> -> memref<128x64xf32, #tpu.memory_space<vmem>>
        %dma_start3A_242 = arith.constant 0 : i32
        %dma_start3A_243 = tpu.memref_slice %arg8[%mul3A_192, %dma_start3A_242] : memref<40x128xi32, #tpu.memory_space<vmem>> -> memref<1x128xi32, #tpu.memory_space<vmem>>
        %dma_start3A_244 = tpu.memref_squeeze %dma_start3A_243 : memref<1x128xi32, #tpu.memory_space<vmem>> -> memref<128xi32, #tpu.memory_space<vmem>>
        %dma_start3A_245 = arith.constant 0 : i32
        %dma_start3A_246 = arith.constant 0 : i32
        %dma_start3A_247 = tpu.memref_slice %arg6[%dma_start3A_245, %dma_start3A_246] : memref<10240x64xf32, #tpu.memory_space<vmem_shared>> -> memref<10240x64xf32, #tpu.memory_space<vmem_shared>>
        tpu.enqueue_indirect_dma source(%dma_start3A_241 : memref<128x64xf32, #tpu.memory_space<vmem>>) target(%dma_start3A_247 : memref<10240x64xf32, #tpu.memory_space<vmem_shared>>) offsets(%dma_start3A_244 : memref<128xi32, #tpu.memory_space<vmem>>) semaphore(%run_scoped3A_237 : memref<!tpu.dma_semaphore, #tpu.memory_space<semaphore_mem>>) {add = true}
        %dma_wait3A_248 = arith.constant 0 : i32
        %dma_wait3A_249 = arith.constant 0 : i32
        %dma_wait3A_250 = tpu.memref_slice %arg9[%run_scoped3A_204, %dma_wait3A_248, %dma_wait3A_249] : memref<2x128x64xf32, #tpu.memory_space<vmem>> -> memref<1x128x64xf32, #tpu.memory_space<vmem>>
        %dma_wait3A_251 = tpu.memref_squeeze %dma_wait3A_250 : memref<1x128x64xf32, #tpu.memory_space<vmem>> -> memref<128x64xf32, #tpu.memory_space<vmem>>
        %dma_wait3A_252 = arith.constant 0 : i32
        %dma_wait3A_253 = tpu.memref_slice %arg8[%mul3A_192, %dma_wait3A_252] : memref<40x128xi32, #tpu.memory_space<vmem>> -> memref<1x128xi32, #tpu.memory_space<vmem>>
        %dma_wait3A_254 = tpu.memref_squeeze %dma_wait3A_253 : memref<1x128xi32, #tpu.memory_space<vmem>> -> memref<128xi32, #tpu.memory_space<vmem>>
        %dma_wait3A_255 = arith.constant 0 : i32
        %dma_wait3A_256 = arith.constant 0 : i32
        %dma_wait3A_257 = tpu.memref_slice %arg6[%dma_wait3A_255, %dma_wait3A_256] : memref<10240x64xf32, #tpu.memory_space<vmem_shared>> -> memref<10240x64xf32, #tpu.memory_space<vmem_shared>>
        tpu.wait_indirect_dma semaphore(%run_scoped3A_237 : memref<!tpu.dma_semaphore, #tpu.memory_space<semaphore_mem>>) src(%dma_wait3A_251 : memref<128x64xf32, #tpu.memory_space<vmem>>) dst(%dma_wait3A_257 : memref<10240x64xf32, #tpu.memory_space<vmem_shared>>)
        tpu.yield
      }) : () -> ()
      %mul3A_205 = arith.constant 2 : i32
      %mul3A_206 = arith.muli %mul3A_205, %scan3A_174 : i32
      %add3A_207 = arith.constant 2 : i32
      %add3A_208 = arith.addi %mul3A_206, %add3A_207 : i32
      %dma_start3A_209 = arith.constant 0 : i32
      %dma_start3A_210 = arith.constant 0 : i32
      %dma_start3A_211 = arith.constant 0 : i32
      %dma_start3A_212 = tpu.memref_slice %arg9[%dma_start3A_209, %dma_start3A_210, %dma_start3A_211] : memref<2x128x64xf32, #tpu.memory_space<vmem>> -> memref<1x128x64xf32, #tpu.memory_space<vmem>>
      %dma_start3A_213 = tpu.memref_squeeze %dma_start3A_212 : memref<1x128x64xf32, #tpu.memory_space<vmem>> -> memref<128x64xf32, #tpu.memory_space<vmem>>
      %dma_start3A_214 = arith.constant 0 : i32
      %dma_start3A_215 = tpu.memref_slice %arg7[%add3A_208, %dma_start3A_214] : memref<40x128xi32, #tpu.memory_space<vmem>> -> memref<1x128xi32, #tpu.memory_space<vmem>>
      %dma_start3A_216 = tpu.memref_squeeze %dma_start3A_215 : memref<1x128xi32, #tpu.memory_space<vmem>> -> memref<128xi32, #tpu.memory_space<vmem>>
      %dma_start3A_217 = arith.constant 0 : i32
      %dma_start3A_218 = arith.constant 0 : i32
      %dma_start3A_219 = tpu.memref_slice %arg2[%dma_start3A_217, %dma_start3A_218] : memref<10240x64xf32, #tpu.memory_space<hbm>> -> memref<10240x64xf32, #tpu.memory_space<hbm>>
      tpu.enqueue_indirect_dma source(%dma_start3A_219 : memref<10240x64xf32, #tpu.memory_space<hbm>>) target(%dma_start3A_213 : memref<128x64xf32, #tpu.memory_space<vmem>>) offsets(%dma_start3A_216 : memref<128xi32, #tpu.memory_space<vmem>>) semaphore(%arg11 : memref<!tpu.dma_semaphore, #tpu.memory_space<semaphore_mem>>)
      %mul3A_220 = arith.constant 2 : i32
      %mul3A_221 = arith.muli %mul3A_220, %scan3A_174 : i32
      %add3A_222 = arith.constant 1 : i32
      %add3A_223 = arith.addi %mul3A_221, %add3A_222 : i32
      %dma_wait3A_224 = arith.constant 1 : i32
      %dma_wait3A_225 = arith.constant 0 : i32
      %dma_wait3A_226 = arith.constant 0 : i32
      %dma_wait3A_227 = tpu.memref_slice %arg9[%dma_wait3A_224, %dma_wait3A_225, %dma_wait3A_226] : memref<2x128x64xf32, #tpu.memory_space<vmem>> -> memref<1x128x64xf32, #tpu.memory_space<vmem>>
      %dma_wait3A_228 = tpu.memref_squeeze %dma_wait3A_227 : memref<1x128x64xf32, #tpu.memory_space<vmem>> -> memref<128x64xf32, #tpu.memory_space<vmem>>
      %dma_wait3A_229 = arith.constant 0 : i32
      %dma_wait3A_230 = tpu.memref_slice %arg7[%add3A_223, %dma_wait3A_229] : memref<40x128xi32, #tpu.memory_space<vmem>> -> memref<1x128xi32, #tpu.memory_space<vmem>>
      %dma_wait3A_231 = tpu.memref_squeeze %dma_wait3A_230 : memref<1x128xi32, #tpu.memory_space<vmem>> -> memref<128xi32, #tpu.memory_space<vmem>>
      %dma_wait3A_232 = arith.constant 0 : i32
      %dma_wait3A_233 = arith.constant 0 : i32
      %dma_wait3A_234 = tpu.memref_slice %arg2[%dma_wait3A_232, %dma_wait3A_233] : memref<10240x64xf32, #tpu.memory_space<hbm>> -> memref<10240x64xf32, #tpu.memory_space<hbm>>
      tpu.wait_indirect_dma semaphore(%arg12 : memref<!tpu.dma_semaphore, #tpu.memory_space<semaphore_mem>>) src(%dma_wait3A_234 : memref<10240x64xf32, #tpu.memory_space<hbm>>) dst(%dma_wait3A_228 : memref<128x64xf32, #tpu.memory_space<vmem>>)
      %run_scoped3A_235 = arith.constant 1 : i32
      "tpu.region"() ({
        %run_scoped3A_237 = tpu.sem_alloc : memref<!tpu.dma_semaphore, #tpu.memory_space<semaphore_mem>>
        %dma_start3A_238 = arith.constant 0 : i32
        %dma_start3A_239 = arith.constant 0 : i32
        %dma_start3A_240 = tpu.memref_slice %arg9[%run_scoped3A_235, %dma_start3A_238, %dma_start3A_239] : memref<2x128x64xf32, #tpu.memory_space<vmem>> -> memref<1x128x64xf32, #tpu.memory_space<vmem>>
        %dma_start3A_241 = tpu.memref_squeeze %dma_start3A_240 : memref<1x128x64xf32, #tpu.memory_space<vmem>> -> memref<128x64xf32, #tpu.memory_space<vmem>>
        %dma_start3A_242 = arith.constant 0 : i32
        %dma_start3A_243 = tpu.memref_slice %arg8[%add3A_223, %dma_start3A_242] : memref<40x128xi32, #tpu.memory_space<vmem>> -> memref<1x128xi32, #tpu.memory_space<vmem>>
        %dma_start3A_244 = tpu.memref_squeeze %dma_start3A_243 : memref<1x128xi32, #tpu.memory_space<vmem>> -> memref<128xi32, #tpu.memory_space<vmem>>
        %dma_start3A_245 = arith.constant 0 : i32
        %dma_start3A_246 = arith.constant 0 : i32
        %dma_start3A_247 = tpu.memref_slice %arg6[%dma_start3A_245, %dma_start3A_246] : memref<10240x64xf32, #tpu.memory_space<vmem_shared>> -> memref<10240x64xf32, #tpu.memory_space<vmem_shared>>
        tpu.enqueue_indirect_dma source(%dma_start3A_241 : memref<128x64xf32, #tpu.memory_space<vmem>>) target(%dma_start3A_247 : memref<10240x64xf32, #tpu.memory_space<vmem_shared>>) offsets(%dma_start3A_244 : memref<128xi32, #tpu.memory_space<vmem>>) semaphore(%run_scoped3A_237 : memref<!tpu.dma_semaphore, #tpu.memory_space<semaphore_mem>>) {add = true}
        %dma_wait3A_248 = arith.constant 0 : i32
        %dma_wait3A_249 = arith.constant 0 : i32
        %dma_wait3A_250 = tpu.memref_slice %arg9[%run_scoped3A_235, %dma_wait3A_248, %dma_wait3A_249] : memref<2x128x64xf32, #tpu.memory_space<vmem>> -> memref<1x128x64xf32, #tpu.memory_space<vmem>>
        %dma_wait3A_251 = tpu.memref_squeeze %dma_wait3A_250 : memref<1x128x64xf32, #tpu.memory_space<vmem>> -> memref<128x64xf32, #tpu.memory_space<vmem>>
        %dma_wait3A_252 = arith.constant 0 : i32
        %dma_wait3A_253 = tpu.memref_slice %arg8[%add3A_223, %dma_wait3A_252] : memref<40x128xi32, #tpu.memory_space<vmem>> -> memref<1x128xi32, #tpu.memory_space<vmem>>
        %dma_wait3A_254 = tpu.memref_squeeze %dma_wait3A_253 : memref<1x128xi32, #tpu.memory_space<vmem>> -> memref<128xi32, #tpu.memory_space<vmem>>
        %dma_wait3A_255 = arith.constant 0 : i32
        %dma_wait3A_256 = arith.constant 0 : i32
        %dma_wait3A_257 = tpu.memref_slice %arg6[%dma_wait3A_255, %dma_wait3A_256] : memref<10240x64xf32, #tpu.memory_space<vmem_shared>> -> memref<10240x64xf32, #tpu.memory_space<vmem_shared>>
        tpu.wait_indirect_dma semaphore(%run_scoped3A_237 : memref<!tpu.dma_semaphore, #tpu.memory_space<semaphore_mem>>) src(%dma_wait3A_251 : memref<128x64xf32, #tpu.memory_space<vmem>>) dst(%dma_wait3A_257 : memref<10240x64xf32, #tpu.memory_space<vmem_shared>>)
        tpu.yield
      }) : () -> ()
      %scan3A_236 = arith.constant 0 : i32
      scf.yield %scan3A_236 : i32
    }
    %scan3A_132 = arith.constant 19 : i32
    %dma_start3A_133 = arith.constant 39 : i32
    %dma_start3A_134 = arith.constant 1 : i32
    %dma_start3A_135 = arith.constant 0 : i32
    %dma_start3A_136 = arith.constant 0 : i32
    %dma_start3A_137 = tpu.memref_slice %arg9[%dma_start3A_134, %dma_start3A_135, %dma_start3A_136] : memref<2x128x64xf32, #tpu.memory_space<vmem>> -> memref<1x128x64xf32, #tpu.memory_space<vmem>>
    %dma_start3A_138 = tpu.memref_squeeze %dma_start3A_137 : memref<1x128x64xf32, #tpu.memory_space<vmem>> -> memref<128x64xf32, #tpu.memory_space<vmem>>
    %dma_start3A_139 = arith.constant 0 : i32
    %dma_start3A_140 = tpu.memref_slice %arg7[%dma_start3A_133, %dma_start3A_139] : memref<40x128xi32, #tpu.memory_space<vmem>> -> memref<1x128xi32, #tpu.memory_space<vmem>>
    %dma_start3A_141 = tpu.memref_squeeze %dma_start3A_140 : memref<1x128xi32, #tpu.memory_space<vmem>> -> memref<128xi32, #tpu.memory_space<vmem>>
    %dma_start3A_142 = arith.constant 0 : i32
    %dma_start3A_143 = arith.constant 0 : i32
    %dma_start3A_144 = tpu.memref_slice %arg2[%dma_start3A_142, %dma_start3A_143] : memref<10240x64xf32, #tpu.memory_space<hbm>> -> memref<10240x64xf32, #tpu.memory_space<hbm>>
    tpu.enqueue_indirect_dma source(%dma_start3A_144 : memref<10240x64xf32, #tpu.memory_space<hbm>>) target(%dma_start3A_138 : memref<128x64xf32, #tpu.memory_space<vmem>>) offsets(%dma_start3A_141 : memref<128xi32, #tpu.memory_space<vmem>>) semaphore(%arg12 : memref<!tpu.dma_semaphore, #tpu.memory_space<semaphore_mem>>)
    %dma_wait3A_145 = arith.constant 38 : i32
    %dma_wait3A_146 = arith.constant 0 : i32
    %dma_wait3A_147 = arith.constant 0 : i32
    %dma_wait3A_148 = arith.constant 0 : i32
    %dma_wait3A_149 = tpu.memref_slice %arg9[%dma_wait3A_146, %dma_wait3A_147, %dma_wait3A_148] : memref<2x128x64xf32, #tpu.memory_space<vmem>> -> memref<1x128x64xf32, #tpu.memory_space<vmem>>
    %dma_wait3A_150 = tpu.memref_squeeze %dma_wait3A_149 : memref<1x128x64xf32, #tpu.memory_space<vmem>> -> memref<128x64xf32, #tpu.memory_space<vmem>>
    %dma_wait3A_151 = arith.constant 0 : i32
    %dma_wait3A_152 = tpu.memref_slice %arg7[%dma_wait3A_145, %dma_wait3A_151] : memref<40x128xi32, #tpu.memory_space<vmem>> -> memref<1x128xi32, #tpu.memory_space<vmem>>
    %dma_wait3A_153 = tpu.memref_squeeze %dma_wait3A_152 : memref<1x128xi32, #tpu.memory_space<vmem>> -> memref<128xi32, #tpu.memory_space<vmem>>
    %dma_wait3A_154 = arith.constant 0 : i32
    %dma_wait3A_155 = arith.constant 0 : i32
    %dma_wait3A_156 = tpu.memref_slice %arg2[%dma_wait3A_154, %dma_wait3A_155] : memref<10240x64xf32, #tpu.memory_space<hbm>> -> memref<10240x64xf32, #tpu.memory_space<hbm>>
    tpu.wait_indirect_dma semaphore(%arg11 : memref<!tpu.dma_semaphore, #tpu.memory_space<semaphore_mem>>) src(%dma_wait3A_156 : memref<10240x64xf32, #tpu.memory_space<hbm>>) dst(%dma_wait3A_150 : memref<128x64xf32, #tpu.memory_space<vmem>>)
    %run_scoped3A_157 = arith.constant 0 : i32
    %run_scoped3A_158 = arith.constant 38 : i32
    "tpu.region"() ({
      %run_scoped3A_174 = tpu.sem_alloc : memref<!tpu.dma_semaphore, #tpu.memory_space<semaphore_mem>>
      %dma_start3A_175 = arith.constant 0 : i32
      %dma_start3A_176 = arith.constant 0 : i32
      %dma_start3A_177 = tpu.memref_slice %arg9[%run_scoped3A_157, %dma_start3A_175, %dma_start3A_176] : memref<2x128x64xf32, #tpu.memory_space<vmem>> -> memref<1x128x64xf32, #tpu.memory_space<vmem>>
      %dma_start3A_178 = tpu.memref_squeeze %dma_start3A_177 : memref<1x128x64xf32, #tpu.memory_space<vmem>> -> memref<128x64xf32, #tpu.memory_space<vmem>>
      %dma_start3A_179 = arith.constant 0 : i32
      %dma_start3A_180 = tpu.memref_slice %arg8[%run_scoped3A_158, %dma_start3A_179] : memref<40x128xi32, #tpu.memory_space<vmem>> -> memref<1x128xi32, #tpu.memory_space<vmem>>
      %dma_start3A_181 = tpu.memref_squeeze %dma_start3A_180 : memref<1x128xi32, #tpu.memory_space<vmem>> -> memref<128xi32, #tpu.memory_space<vmem>>
      %dma_start3A_182 = arith.constant 0 : i32
      %dma_start3A_183 = arith.constant 0 : i32
      %dma_start3A_184 = tpu.memref_slice %arg6[%dma_start3A_182, %dma_start3A_183] : memref<10240x64xf32, #tpu.memory_space<vmem_shared>> -> memref<10240x64xf32, #tpu.memory_space<vmem_shared>>
      tpu.enqueue_indirect_dma source(%dma_start3A_178 : memref<128x64xf32, #tpu.memory_space<vmem>>) target(%dma_start3A_184 : memref<10240x64xf32, #tpu.memory_space<vmem_shared>>) offsets(%dma_start3A_181 : memref<128xi32, #tpu.memory_space<vmem>>) semaphore(%run_scoped3A_174 : memref<!tpu.dma_semaphore, #tpu.memory_space<semaphore_mem>>) {add = true}
      %dma_wait3A_185 = arith.constant 0 : i32
      %dma_wait3A_186 = arith.constant 0 : i32
      %dma_wait3A_187 = tpu.memref_slice %arg9[%run_scoped3A_157, %dma_wait3A_185, %dma_wait3A_186] : memref<2x128x64xf32, #tpu.memory_space<vmem>> -> memref<1x128x64xf32, #tpu.memory_space<vmem>>
      %dma_wait3A_188 = tpu.memref_squeeze %dma_wait3A_187 : memref<1x128x64xf32, #tpu.memory_space<vmem>> -> memref<128x64xf32, #tpu.memory_space<vmem>>
      %dma_wait3A_189 = arith.constant 0 : i32
      %dma_wait3A_190 = tpu.memref_slice %arg8[%run_scoped3A_158, %dma_wait3A_189] : memref<40x128xi32, #tpu.memory_space<vmem>> -> memref<1x128xi32, #tpu.memory_space<vmem>>
      %dma_wait3A_191 = tpu.memref_squeeze %dma_wait3A_190 : memref<1x128xi32, #tpu.memory_space<vmem>> -> memref<128xi32, #tpu.memory_space<vmem>>
      %dma_wait3A_192 = arith.constant 0 : i32
      %dma_wait3A_193 = arith.constant 0 : i32
      %dma_wait3A_194 = tpu.memref_slice %arg6[%dma_wait3A_192, %dma_wait3A_193] : memref<10240x64xf32, #tpu.memory_space<vmem_shared>> -> memref<10240x64xf32, #tpu.memory_space<vmem_shared>>
      tpu.wait_indirect_dma semaphore(%run_scoped3A_174 : memref<!tpu.dma_semaphore, #tpu.memory_space<semaphore_mem>>) src(%dma_wait3A_188 : memref<128x64xf32, #tpu.memory_space<vmem>>) dst(%dma_wait3A_194 : memref<10240x64xf32, #tpu.memory_space<vmem_shared>>)
      tpu.yield
    }) : () -> ()
    %dma_wait3A_159 = arith.constant 39 : i32
    %dma_wait3A_160 = arith.constant 1 : i32
    %dma_wait3A_161 = arith.constant 0 : i32
    %dma_wait3A_162 = arith.constant 0 : i32
    %dma_wait3A_163 = tpu.memref_slice %arg9[%dma_wait3A_160, %dma_wait3A_161, %dma_wait3A_162] : memref<2x128x64xf32, #tpu.memory_space<vmem>> -> memref<1x128x64xf32, #tpu.memory_space<vmem>>
    %dma_wait3A_164 = tpu.memref_squeeze %dma_wait3A_163 : memref<1x128x64xf32, #tpu.memory_space<vmem>> -> memref<128x64xf32, #tpu.memory_space<vmem>>
    %dma_wait3A_165 = arith.constant 0 : i32
    %dma_wait3A_166 = tpu.memref_slice %arg7[%dma_wait3A_159, %dma_wait3A_165] : memref<40x128xi32, #tpu.memory_space<vmem>> -> memref<1x128xi32, #tpu.memory_space<vmem>>
    %dma_wait3A_167 = tpu.memref_squeeze %dma_wait3A_166 : memref<1x128xi32, #tpu.memory_space<vmem>> -> memref<128xi32, #tpu.memory_space<vmem>>
    %dma_wait3A_168 = arith.constant 0 : i32
    %dma_wait3A_169 = arith.constant 0 : i32
    %dma_wait3A_170 = tpu.memref_slice %arg2[%dma_wait3A_168, %dma_wait3A_169] : memref<10240x64xf32, #tpu.memory_space<hbm>> -> memref<10240x64xf32, #tpu.memory_space<hbm>>
    tpu.wait_indirect_dma semaphore(%arg12 : memref<!tpu.dma_semaphore, #tpu.memory_space<semaphore_mem>>) src(%dma_wait3A_170 : memref<10240x64xf32, #tpu.memory_space<hbm>>) dst(%dma_wait3A_164 : memref<128x64xf32, #tpu.memory_space<vmem>>)
    %run_scoped3A_171 = arith.constant 1 : i32
    %run_scoped3A_172 = arith.constant 39 : i32
    "tpu.region"() ({
      %run_scoped3A_174 = tpu.sem_alloc : memref<!tpu.dma_semaphore, #tpu.memory_space<semaphore_mem>>
      %dma_start3A_175 = arith.constant 0 : i32
      %dma_start3A_176 = arith.constant 0 : i32
      %dma_start3A_177 = tpu.memref_slice %arg9[%run_scoped3A_171, %dma_start3A_175, %dma_start3A_176] : memref<2x128x64xf32, #tpu.memory_space<vmem>> -> memref<1x128x64xf32, #tpu.memory_space<vmem>>
      %dma_start3A_178 = tpu.memref_squeeze %dma_start3A_177 : memref<1x128x64xf32, #tpu.memory_space<vmem>> -> memref<128x64xf32, #tpu.memory_space<vmem>>
      %dma_start3A_179 = arith.constant 0 : i32
      %dma_start3A_180 = tpu.memref_slice %arg8[%run_scoped3A_172, %dma_start3A_179] : memref<40x128xi32, #tpu.memory_space<vmem>> -> memref<1x128xi32, #tpu.memory_space<vmem>>
      %dma_start3A_181 = tpu.memref_squeeze %dma_start3A_180 : memref<1x128xi32, #tpu.memory_space<vmem>> -> memref<128xi32, #tpu.memory_space<vmem>>
      %dma_start3A_182 = arith.constant 0 : i32
      %dma_start3A_183 = arith.constant 0 : i32
      %dma_start3A_184 = tpu.memref_slice %arg6[%dma_start3A_182, %dma_start3A_183] : memref<10240x64xf32, #tpu.memory_space<vmem_shared>> -> memref<10240x64xf32, #tpu.memory_space<vmem_shared>>
      tpu.enqueue_indirect_dma source(%dma_start3A_178 : memref<128x64xf32, #tpu.memory_space<vmem>>) target(%dma_start3A_184 : memref<10240x64xf32, #tpu.memory_space<vmem_shared>>) offsets(%dma_start3A_181 : memref<128xi32, #tpu.memory_space<vmem>>) semaphore(%run_scoped3A_174 : memref<!tpu.dma_semaphore, #tpu.memory_space<semaphore_mem>>) {add = true}
      %dma_wait3A_185 = arith.constant 0 : i32
      %dma_wait3A_186 = arith.constant 0 : i32
      %dma_wait3A_187 = tpu.memref_slice %arg9[%run_scoped3A_171, %dma_wait3A_185, %dma_wait3A_186] : memref<2x128x64xf32, #tpu.memory_space<vmem>> -> memref<1x128x64xf32, #tpu.memory_space<vmem>>
      %dma_wait3A_188 = tpu.memref_squeeze %dma_wait3A_187 : memref<1x128x64xf32, #tpu.memory_space<vmem>> -> memref<128x64xf32, #tpu.memory_space<vmem>>
      %dma_wait3A_189 = arith.constant 0 : i32
      %dma_wait3A_190 = tpu.memref_slice %arg8[%run_scoped3A_172, %dma_wait3A_189] : memref<40x128xi32, #tpu.memory_space<vmem>> -> memref<1x128xi32, #tpu.memory_space<vmem>>
      %dma_wait3A_191 = tpu.memref_squeeze %dma_wait3A_190 : memref<1x128xi32, #tpu.memory_space<vmem>> -> memref<128xi32, #tpu.memory_space<vmem>>
      %dma_wait3A_192 = arith.constant 0 : i32
      %dma_wait3A_193 = arith.constant 0 : i32
      %dma_wait3A_194 = tpu.memref_slice %arg6[%dma_wait3A_192, %dma_wait3A_193] : memref<10240x64xf32, #tpu.memory_space<vmem_shared>> -> memref<10240x64xf32, #tpu.memory_space<vmem_shared>>
      tpu.wait_indirect_dma semaphore(%run_scoped3A_174 : memref<!tpu.dma_semaphore, #tpu.memory_space<semaphore_mem>>) src(%dma_wait3A_188 : memref<128x64xf32, #tpu.memory_space<vmem>>) dst(%dma_wait3A_194 : memref<10240x64xf32, #tpu.memory_space<vmem_shared>>)
      tpu.yield
    }) : () -> ()
    %barrier3A_173 = arith.constant 0 : index
    tpu.barrier barrier_id(%barrier3A_173)
    "tpu.region"() ({
      %run_scoped3A_174 = tpu.sem_alloc : memref<!tpu.dma_semaphore, #tpu.memory_space<semaphore_mem>>
      %dma_start3A_175 = arith.constant 0 : i32
      %dma_start3A_176 = tpu.memref_slice %arg5[%arg0, %mul3A_9, %dma_start3A_175] : memref<2x10240x64xf32, #tpu.memory_space<hbm>> -> memref<1x640x64xf32, #tpu.memory_space<hbm>>
      %dma_start3A_177 = tpu.memref_squeeze %dma_start3A_176 : memref<1x640x64xf32, #tpu.memory_space<hbm>> -> memref<640x64xf32, #tpu.memory_space<hbm>>
      %dma_start3A_178 = arith.constant 0 : i32
      %dma_start3A_179 = tpu.memref_slice %arg6[%mul3A_9, %dma_start3A_178] : memref<10240x64xf32, #tpu.memory_space<vmem_shared>> -> memref<640x64xf32, #tpu.memory_space<vmem_shared>>
      tpu.enqueue_dma source(%dma_start3A_179 : memref<640x64xf32, #tpu.memory_space<vmem_shared>>) target(%dma_start3A_177 : memref<640x64xf32, #tpu.memory_space<hbm>>) target_semaphore(%run_scoped3A_174 : memref<!tpu.dma_semaphore, #tpu.memory_space<semaphore_mem>>)
      %dma_wait3A_180 = arith.constant 0 : i32
      %dma_wait3A_181 = tpu.memref_slice %arg5[%arg0, %mul3A_9, %dma_wait3A_180] : memref<2x10240x64xf32, #tpu.memory_space<hbm>> -> memref<1x640x64xf32, #tpu.memory_space<hbm>>
      %dma_wait3A_182 = tpu.memref_squeeze %dma_wait3A_181 : memref<1x640x64xf32, #tpu.memory_space<hbm>> -> memref<640x64xf32, #tpu.memory_space<hbm>>
      %dma_wait3A_183 = arith.constant 0 : i32
      %dma_wait3A_184 = tpu.memref_slice %arg6[%mul3A_9, %dma_wait3A_183] : memref<10240x64xf32, #tpu.memory_space<vmem_shared>> -> memref<640x64xf32, #tpu.memory_space<vmem_shared>>
      tpu.wait_dma2 semaphore(%run_scoped3A_174 : memref<!tpu.dma_semaphore, #tpu.memory_space<semaphore_mem>>) src(%dma_wait3A_184 : memref<640x64xf32, #tpu.memory_space<vmem_shared>>) dst(%dma_wait3A_182 : memref<640x64xf32, #tpu.memory_space<hbm>>)
      tpu.yield
    }) : () -> ()
    return
  }
}

module attributes {stable_mosaic.version = 14 : i64} {
  func.func @body(%arg0: memref<10240x128xf32, #tpu.memory_space<vmem>>, %arg1: memref<128x128xf32, #tpu.memory_space<vmem>>, %arg2: memref<10240x1xf32, #tpu.memory_space<vmem>>, %arg3: memref<10240x128xf32, #tpu.memory_space<vmem>>) attributes {dimension_semantics = [], scalar_prefetch = 0 : i64, scratch_operands = 0 : i64, tpu.core_type = #tpu.core_type<tc>} {
    %get3A = arith.constant 0 : index
    %get3A_0 = arith.constant 0 : index
    %get3A_1 = vector.load %arg0[%get3A, %get3A_0] : memref<10240x128xf32, #tpu.memory_space<vmem>>, vector<10240x128xf32>
    %get3A_2 = arith.constant 0 : index
    %get3A_3 = arith.constant 0 : index
    %get3A_4 = vector.load %arg1[%get3A_2, %get3A_3] : memref<128x128xf32, #tpu.memory_space<vmem>>, vector<128x128xf32>
    %dot_general3A = arith.constant dense<0.000000e+00> : vector<10240x128xf32>
    %dot_general3A_5 = tpu.matmul %get3A_1, %get3A_4, %dot_general3A {dimension_numbers = #tpu.dot_dimension_numbers<[1], [0], [0], [1], [0, 0, 1, 1], [], []>, transpose_lhs_hint = false} : vector<10240x128xf32>, vector<128x128xf32>, vector<10240x128xf32> -> vector<10240x128xf32>
    %get3A_6 = arith.constant 0 : index
    %get3A_7 = arith.constant 0 : index
    %get3A_8 = vector.load %arg2[%get3A_6, %get3A_7] : memref<10240x1xf32, #tpu.memory_space<vmem>>, vector<10240x1xf32>
    %mul3A = vector.broadcast %get3A_8 : vector<10240x1xf32> to vector<10240x128xf32>
    %mul3A_9 = arith.mulf %dot_general3A_5, %mul3A : vector<10240x128xf32>
    %swap3A = arith.constant 0 : index
    %swap3A_10 = arith.constant 0 : index
    %swap3A_11 = vector.load %arg3[%swap3A, %swap3A_10] : memref<10240x128xf32, #tpu.memory_space<vmem>>, vector<10240x128xf32>
    tpu.vector_store %arg3[%swap3A, %swap3A_10], %mul3A_9 {strides = array<i32>} : memref<10240x128xf32, #tpu.memory_space<vmem>>, vector<10240x128xf32>,
    return
  }
}

module attributes {stable_mosaic.version = 14 : i64} {
  func.func @body(%arg0: memref<2x10240x128xf32, #tpu.memory_space<vmem>>, %arg1: memref<10240x1xf32, #tpu.memory_space<vmem>>, %arg2: memref<128xf32, #tpu.memory_space<vmem>>, %arg3: memref<128x64xf32, #tpu.memory_space<vmem>>, %arg4: memref<10240x1xf32, #tpu.memory_space<vmem>>, %arg5: memref<10240x64xf32, #tpu.memory_space<vmem>>) attributes {dimension_semantics = [], scalar_prefetch = 0 : i64, scratch_operands = 0 : i64, tpu.core_type = #tpu.core_type<tc>} {
    %get3A = arith.constant 0 : index
    %get3A_0 = arith.constant 0 : index
    %get3A_1 = arith.constant 0 : index
    %get3A_2 = vector.load %arg0[%get3A, %get3A_0, %get3A_1] : memref<2x10240x128xf32, #tpu.memory_space<vmem>>, vector<1x10240x128xf32>
    %get3A_3 = vector.shape_cast %get3A_2 : vector<1x10240x128xf32> to vector<10240x128xf32>
    %get3A_4 = arith.constant 1 : index
    %get3A_5 = arith.constant 0 : index
    %get3A_6 = arith.constant 0 : index
    %get3A_7 = vector.load %arg0[%get3A_4, %get3A_5, %get3A_6] : memref<2x10240x128xf32, #tpu.memory_space<vmem>>, vector<1x10240x128xf32>
    %get3A_8 = vector.shape_cast %get3A_7 : vector<1x10240x128xf32> to vector<10240x128xf32>
    %add3A = arith.addf %get3A_3, %get3A_8 : vector<10240x128xf32>
    %get3A_9 = arith.constant 0 : index
    %get3A_10 = arith.constant 0 : index
    %get3A_11 = vector.load %arg1[%get3A_9, %get3A_10] : memref<10240x1xf32, #tpu.memory_space<vmem>>, vector<10240x1xf32>
    %mul3A = vector.broadcast %get3A_11 : vector<10240x1xf32> to vector<10240x128xf32>
    %mul3A_12 = arith.mulf %add3A, %mul3A : vector<10240x128xf32>
    %get3A_13 = arith.constant 0 : index
    %get3A_14 = vector.load %arg2[%get3A_13] : memref<128xf32, #tpu.memory_space<vmem>>, vector<128xf32>
    %broadcast_in_dim3A = vector.shape_cast %get3A_14 : vector<128xf32> to vector<1x128xf32>
    %add3A_15 = vector.broadcast %broadcast_in_dim3A : vector<1x128xf32> to vector<10240x128xf32>
    %add3A_16 = arith.addf %mul3A_12, %add3A_15 : vector<10240x128xf32>
    %max3A = arith.constant 0.000000e+00 : f32
    %max3A_17 = vector.broadcast %max3A : f32 to vector<10240x128xf32>
    %max3A_18 = arith.maximumf %add3A_16, %max3A_17 : vector<10240x128xf32>
    %get3A_19 = arith.constant 0 : index
    %get3A_20 = arith.constant 0 : index
    %get3A_21 = vector.load %arg3[%get3A_19, %get3A_20] : memref<128x64xf32, #tpu.memory_space<vmem>>, vector<128x64xf32>
    %dot_general3A = arith.constant dense<0.000000e+00> : vector<10240x64xf32>
    %dot_general3A_22 = tpu.matmul %max3A_18, %get3A_21, %dot_general3A {dimension_numbers = #tpu.dot_dimension_numbers<[1], [0], [0], [1], [0, 0, 1, 1], [], []>, transpose_lhs_hint = false} : vector<10240x128xf32>, vector<128x64xf32>, vector<10240x64xf32> -> vector<10240x64xf32>
    %get3A_23 = arith.constant 0 : index
    %get3A_24 = arith.constant 0 : index
    %get3A_25 = vector.load %arg4[%get3A_23, %get3A_24] : memref<10240x1xf32, #tpu.memory_space<vmem>>, vector<10240x1xf32>
    %mul3A_26 = vector.broadcast %get3A_25 : vector<10240x1xf32> to vector<10240x64xf32>
    %mul3A_27 = arith.mulf %dot_general3A_22, %mul3A_26 : vector<10240x64xf32>
    %swap3A = arith.constant 0 : index
    %swap3A_28 = arith.constant 0 : index
    %swap3A_29 = vector.load %arg5[%swap3A, %swap3A_28] : memref<10240x64xf32, #tpu.memory_space<vmem>>, vector<10240x64xf32>
    tpu.vector_store %arg5[%swap3A, %swap3A_28], %mul3A_27 {strides = array<i32>} : memref<10240x64xf32, #tpu.memory_space<vmem>>, vector<10240x64xf32>,
    return
  }
}

module attributes {stable_mosaic.version = 14 : i64} {
  func.func @body(%arg0: memref<2x10240x64xf32, #tpu.memory_space<vmem>>, %arg1: memref<10000x1xf32, #tpu.memory_space<vmem>>, %arg2: memref<64xf32, #tpu.memory_space<vmem>>, %arg3: memref<10000x64xf32, #tpu.memory_space<vmem>>) attributes {dimension_semantics = [], scalar_prefetch = 0 : i64, scratch_operands = 0 : i64, tpu.core_type = #tpu.core_type<tc>} {
    %get3A = arith.constant 0 : index
    %get3A_0 = arith.constant 0 : index
    %get3A_1 = arith.constant 0 : index
    %get3A_2 = vector.load %arg0[%get3A, %get3A_0, %get3A_1] : memref<2x10240x64xf32, #tpu.memory_space<vmem>>, vector<1x10000x64xf32>
    %get3A_3 = vector.shape_cast %get3A_2 : vector<1x10000x64xf32> to vector<10000x64xf32>
    %get3A_4 = arith.constant 1 : index
    %get3A_5 = arith.constant 0 : index
    %get3A_6 = arith.constant 0 : index
    %get3A_7 = vector.load %arg0[%get3A_4, %get3A_5, %get3A_6] : memref<2x10240x64xf32, #tpu.memory_space<vmem>>, vector<1x10000x64xf32>
    %get3A_8 = vector.shape_cast %get3A_7 : vector<1x10000x64xf32> to vector<10000x64xf32>
    %add3A = arith.addf %get3A_3, %get3A_8 : vector<10000x64xf32>
    %get3A_9 = arith.constant 0 : index
    %get3A_10 = arith.constant 0 : index
    %get3A_11 = vector.load %arg1[%get3A_9, %get3A_10] : memref<10000x1xf32, #tpu.memory_space<vmem>>, vector<10000x1xf32>
    %mul3A = vector.broadcast %get3A_11 : vector<10000x1xf32> to vector<10000x64xf32>
    %mul3A_12 = arith.mulf %add3A, %mul3A : vector<10000x64xf32>
    %get3A_13 = arith.constant 0 : index
    %get3A_14 = vector.load %arg2[%get3A_13] : memref<64xf32, #tpu.memory_space<vmem>>, vector<64xf32>
    %broadcast_in_dim3A = vector.shape_cast %get3A_14 : vector<64xf32> to vector<1x64xf32>
    %add3A_15 = vector.broadcast %broadcast_in_dim3A : vector<1x64xf32> to vector<10000x64xf32>
    %add3A_16 = arith.addf %mul3A_12, %add3A_15 : vector<10000x64xf32>
    %swap3A = arith.constant 0 : index
    %swap3A_17 = arith.constant 0 : index
    %swap3A_18 = vector.load %arg3[%swap3A, %swap3A_17] : memref<10000x64xf32, #tpu.memory_space<vmem>>, vector<10000x64xf32>
    tpu.vector_store %arg3[%swap3A, %swap3A_17], %add3A_16 {strides = array<i32>} : memref<10000x64xf32, #tpu.memory_space<vmem>>, vector<10000x64xf32>,
    return
  }
}

</mosaic_0001>

<sc_bundles>
// kernel: kernel.11.cloned.1.call-start
scs
__scs_entry_jumppad:
0x0: {  	(pc) =	sbr.rel $0x88, $3  }
0x1: {  	(tag) =	ssettag $0x0;
	lr =	simm.s32 $0x1  }
0x2: {  	[smem:$0x3F9B] =	sst lr;
	_ =	strace $0xD0000000  }
0x3: {  	_ = 	snop  }
0x4: {  	_ = 	snop  }
0x5: {  	_ = 	snop  }
0x6: {  	_ = 	snop  }
0x7: {  	_ = 	snop  }
__scs_overlays_trampoline_lowered:
0x8: {  	[smem:$0x3FAA] =	sst s0  }
0x9: {  	[smem:$0x3FAB] =	sst s1  }
0xa: {  	[smem:$0x3FAC] =	sst s2  }
0xb: {  	[smem:$0x3FAD] =	sst s3  }
0xc: {  	[smem:$0x3FAE] =	sst s4  }
0xd: {  	[smem:$0x3FAF] =	sst s5  }
0xe: {  	[smem:$0x3FB0] =	sst s6  }
0xf: {  	[smem:$0x3FB1] =	sst s7  }
0x10: {  	[smem:$0x3FB2] =	sst s8  }
0x11: {  	[smem:$0x3FB3] =	sst s9;
	s0 =	simm.s32 @!p0 $0x0  }
0x12: {  	s1 =	sld [smem:$0x3F99];
	s0 =	simm.s32 @p0 $0x1  }
0x13: {  	[smem:$0x3FB4] =	sst s0;
	s0 =	simm.s32 @!p1 $0x0  }
0x14: {  	s2 =	sld [smem:$0x3F98];
	s0 =	simm.s32 @p1 $0x1  }
0x15: {  	[smem:$0x3FB5] =	sst s0;
	s0 =	simm.s32 @!p2 $0x0  }
0x16: {  	s3 =	sld [smem:$0x3FDB];
	s0 =	simm.s32 @p2 $0x1  }
0x17: {  	s4 =	simm.s32 $0x1BF5;
	[smem:$0x3FB7] =	sst s0  }
0x18: {  	s0 =	sld [smem:$0x3F9A];
	_ =	swait.ge [sflag:s4], $0x0  }
0x19: {  	s7 =	sld [smem:$0x3F9B]  }
0x1a: {  	s8 =	sadd.s32 $0xFFFFE003, lr  }
0x1b: {  	s9 =	sadd.s32 $0xFFFFFEF7, lr;
	s5 =	simm.s32 $0xFFFFFFFF;
	p2 =	slt.u32 s8, $0xFFFFF086  }
0x1c: {  	p1 =	slt.u32 s9, $0xF7A;
	s5 =	simm.s32 @!p2 $0x0  }
0x1d: {  	s5 =	simm.s32 @p1 $0x1;
	p0 =	seq.s32 s7, s2  }
0x1e: {  	s7 =	smul.u32 @!p0 $0xF7A, s2;
	p2 =	seq.s32 @!p0 s5, $0x0  }
0x1f: {  	s9 =	smul.u32 $0xF7A, s1;
	s8 =	simm.s32 @!p0 $0x1BF5;
	p2 =	por !p2, p0  }
0x20: {  	[sflag:s8] =	ssyncset.s32 @!p0 $0xFFFFF086;
	s6 =	sadd.s32 @!p0 s3, s7;
	s7 =	simm.s32 @!p0 $0x108  }
0x21: {  	s3 =	sadd.s32 s3, s9;
	s6 =	sadd.s32 @!p0 $0x88, s6;
	s7 =	simm.s32 @p2 $0x1082  }
0x22: {  	[simem:s7], [sflag:s8] =	dma.local @!p0 [hbm:s6], $0xF7A  }
0x23: {  	s9 =	sor.u32 $0xD0000000, s2;
	s6 =	simm.s32 $0x108;
	_ =	swait.ge @!p0 [sflag:s8], $0x0  }
0x24: {  	s3 =	sadd.s32 $0x88, s3;
	s6 =	simm.s32 @!p1 $0x1082;
	[sflag:s4] =	ssyncset.s32 $0xFFFFF086  }
0x25: {  	[simem:s6], [sflag:s4] =	dma.local [hbm:s3], $0xF7A  }
0x26: {  	[smem:$0x3F9B] =	sst s1;
	(tag) =	ssettag s2;
	_ =	strace s9  }
0x27: {  	s1 =	sld [smem:$0x3FAB]  }
0x28: {  	s2 =	sld [smem:$0x3FAC]  }
0x29: {  	s4 =	sld [smem:$0x3FAE]  }
0x2a: {  	p0 =	seq.s32 s5, $0x0;
	s5 =	sld [smem:$0x3FAF]  }
0x2b: {  	s6 =	sld [smem:$0x3FB0]  }
0x2c: {  	s7 =	sld [smem:$0x3FB1]  }
0x2d: {  	s3 =	simm.s32 $0x108;
	s8 =	sld [smem:$0x3FB2]  }
0x2e: {  	s3 =	simm.s32 @!p0 $0x1082;
	s9 =	sld [smem:$0x3FB3]  }
0x2f: {  	lr =	sadd.s32 s0, s3;
	s0 =	sld [smem:$0x3FAA]  }
0x30: {  	s3 =	sld [smem:$0x3FAD]  }
0x31: {  	[smem:$0x3FB6] =	sst s10  }
0x32: {  	s10 =	sld [smem:$0x3FB4];
	_ =	sdelay $0x3  }
0x33: {  	p0 =	seq.s32 s10, $0x1;
	s10 =	sld [smem:$0x3FB6];
	_ =	sdelay $0x3  }
0x34: {  	[smem:$0x3FB6] =	sst s10  }
0x35: {  	s10 =	sld [smem:$0x3FB5];
	_ =	sdelay $0x3  }
0x36: {  	p1 =	seq.s32 s10, $0x1;
	s10 =	sld [smem:$0x3FB6];
	_ =	sdelay $0x3  }
0x37: {  	[smem:$0x3FB6] =	sst s10  }
0x38: {  	s10 =	sld [smem:$0x3FB7]  }
0x39: {  	_ = 	snop;
	(pc) =	sbr.ind lr, $3  }
0x3a: {  	_ = 	snop  }
0x3b: {  	_ = 	snop  }
0x3c: {  	p2 =	seq.s32 s10, $0x1;
	s10 =	sld [smem:$0x3FB6]  }
0x3d: {  	_ =	shalt  }
0x3e: {  	_ =	shalt  }
0x3f: {  	_ =	shalt  }
0x40: {  	_ =	shalt  }
0x41: {  	_ =	shalt  }
0x42: {  	_ =	shalt  }
0x43: {  	_ =	shalt  }
0x44: {  	_ =	shalt  }
0x45: {  	_ =	shalt  }
0x46: {  	_ =	shalt  }
0x47: {  	_ =	shalt  }
0x48: {  	_ =	shalt  }
0x49: {  	_ =	shalt  }
0x4a: {  	_ =	shalt  }
0x4b: {  	_ =	shalt  }
0x4c: {  	_ =	shalt  }
0x4d: {  	_ =	shalt  }
0x4e: {  	_ =	shalt  }
0x4f: {  	_ =	shalt  }
0x50: {  	_ =	shalt  }
0x51: {  	_ =	shalt  }
0x52: {  	_ =	shalt  }
0x53: {  	_ =	shalt  }
0x54: {  	_ =	shalt  }
0x55: {  	_ =	shalt  }
0x56: {  	_ =	shalt  }
0x57: {  	_ =	shalt  }
0x58: {  	_ =	shalt  }
0x59: {  	_ =	shalt  }
0x5a: {  	_ =	shalt  }
0x5b: {  	_ =	shalt  }
0x5c: {  	_ =	shalt  }
0x5d: {  	_ =	shalt  }
0x5e: {  	_ =	shalt  }
0x5f: {  	_ =	shalt  }
0x60: {  	_ =	shalt  }
0x61: {  	_ =	shalt  }
0x62: {  	_ =	shalt  }
0x63: {  	_ =	shalt  }
0x64: {  	_ =	shalt  }
0x65: {  	_ =	shalt  }
0x66: {  	_ =	shalt  }
0x67: {  	_ =	shalt  }
0x68: {  	_ =	shalt  }
0x69: {  	_ =	shalt  }
0x6a: {  	_ =	shalt  }
0x6b: {  	_ =	shalt  }
0x6c: {  	_ =	shalt  }
0x6d: {  	_ =	shalt  }
0x6e: {  	_ =	shalt  }
0x6f: {  	_ =	shalt  }
0x70: {  	_ =	shalt  }
0x71: {  	_ =	shalt  }
0x72: {  	_ =	shalt  }
0x73: {  	_ =	shalt  }
0x74: {  	_ =	shalt  }
0x75: {  	_ =	shalt  }
0x76: {  	_ =	shalt  }
0x77: {  	_ =	shalt  }
0x78: {  	_ =	shalt  }
0x79: {  	_ =	shalt  }
0x7a: {  	_ =	shalt  }
0x7b: {  	_ =	shalt  }
0x7c: {  	_ =	shalt  }
0x7d: {  	_ =	shalt  }
0x7e: {  	_ =	shalt  }
0x7f: {  	_ =	shalt  }
0x80: {  	_ =	shalt  }
0x81: {  	_ =	shalt  }
0x82: {  	_ =	shalt  }
0x83: {  	_ =	shalt  }
0x84: {  	_ =	shalt  }
0x85: {  	_ =	shalt  }
0x86: {  	_ =	shalt  }
0x87: {  	_ =	shalt  }
.Lfunc_end0:
.L_simem_size_0:
called_computation.1_lowered:
.L_overlay_start_0:
0x88: {  	s2 =	sld [smem:$0x3FD9]  }
0x89: {  	s3 =	sld [smem:$0x3FFE];
	_ =	sdelay $0x1  }
0x8a: {  	s1 =	srdreg.scid  }
0x8b: {  	s0 =	sand.u32 $0x1, s1  }
0x8c: {  	s17 =	sshll.u32 s0, $0xA;
	s2 =	sadd.s32 s3, s2  }
0x8d: {  	s2 =	sadd.s32 s2, s17  }
0x8e: {  	[smem:$0x3FC2] =	sst s2  }
0x8f: {  	_ = 	snop  }
0x90: {  	s2 =	sld [smem:$0x3FD0];
	(tm) =	ssettm $0x1  }
0x91: {  	s18 =	sld [smem:$0x3FFB];
	_ =	sdelay $0x3  }
0x92: {  	_ =	strace s18  }
0x93: {  	s3 =	sld [smem:$0x3FFC];
	_ =	sdelay $0x3  }
0x94: {  	_ =	strace s3  }
0x95: {  	s3 =	sld [smem:$0x3FFD];
	_ =	sdelay $0x3  }
0x96: {  	_ =	strace s3  }
0x97: {  	_ =	strace $0x8FFFFFFF  }
0x98: {  	s19 =	sld [smem:$0x3FDB];
	_ =	sdelay $0x1  }
0x99: {  	s4 =	simm.s32 $_scs_section_size  }
0x9a: {  	s5 =	simm.s32 $_size__tile_overlayer_lowered;
	s6 =	simm.s32 $_tile_overlayer_lowered  }
0x9b: {  	s22 =	simm.s32 $0x1BFF;
	s21 =	sshll.u32 s6, $0x1;
	s3 =	sadd.s32 s4, s19  }
0x9c: {  	s7 =	simm.s32 $0x0;
	s20 =	sshll.u32 s5, $0x1;
	s5 =	sadd.s32 s21, s3  }
0x9d: {  	[timem:s7], [sflag:s22] =	dma.local [hbm:s5], s20  }
0x9e: {  	_ =	swait.ge [sflag:s22], s20  }
0x9f: {  	s4 =	ssub.s32 $0x0, s20;
	[sflag:s22] =	ssyncset.done $0x0  }
0xa0: {  	[sflag:s22] =	ssyncadd.s32 s4;
	_ =	sdelay $0x1  }
0xa1: {  	s23 =	simm.s32 $0x1B8B  }
0xa2: {  	_ =	swait.ge [sflag:s23], $0x1  }
0xa3: {  	[sflag:s23] =	ssyncset.done $0x0  }
0xa4: {  	s25 =	simm.s32 $0x1B8E;
	s24 =	sld [smem:$0x3FFE];
	[sflag:s23] =	ssyncadd.s32 $0xFFFFFFFF  }
0xa5: {  	s26 =	simm.s32 $execute0_lowered;
	[smem:$0x3FD2] =	sst s25  }
0xa6: {  	s5 =	sshll.u32 s26, $0x1;
	_ =	strace $0x80000049;
	[dreg:$0x1] =	wrdreg $0xFFFFFFFF  }
0xa7: {  	s28 =	simm.s32 $_size_execute0_lowered;
	s3 =	sadd.s32 s3, s5;
	[dreg:$0x0] =	wrdreg $0x0  }
0xa8: {  	s5 =	sshll.u32 s28, $0x1;
	[dreg:$0x2] =	wrdreg s3  }
0xa9: {  	[dreg:$0x3] =	wrdreg s5  }
0xaa: {  	[dreg:$0x4] =	wrdreg $0xC0  }
0xab: {  	_ =	task [dreg:s7], $0x5FFFF  }
0xac: {  	[dreg:$0x1] =	wrdreg $0xFFFFFFFF  }
0xad: {  	[dreg:$0x0] =	wrdreg $0x60  }
0xae: {  	[dreg:$0x2] =	wrdreg s24  }
0xaf: {  	[dreg:$0x3] =	wrdreg s2  }
0xb0: {  	[dreg:$0x4] =	wrdreg $0x0  }
0xb1: {  	[dreg:$0x5] =	wrdreg $0x9  }
0xb2: {  	_ =	task.clear_ibuf [dreg:s7], $0x6FFFF;
	_ =	strace $0x90000049  }
0xb3: {  	s29 =	simm.s32 $0x9;
	_ =	strace $0x8000004B  }
0xb4: {  	_ =	swait.ge [sflag:s29], $0x1  }
0xb5: {  	[sflag:s29] =	ssyncadd.s32 $0xFFFFFFFF  }
0xb6: {  	_ =	strace $0x9000004B  }
0xb7: {  	_ =	sfence  }
0xb8: {  	s30 =	sld [smem:$0x0];
	_ =	sdelay $0x2  }
0xb9: {  	s31 =	sshll.u32 s1, $0xD;
	s1 =	sshrl.u32 s1, $0x2  }
0xba: {  	s3 =	sand.u32 $0x4000, s31;
	s1 =	sadd.s32 s1, s30  }
0xbb: {  	s0 =	sor.u32 s3, s0;
	s1 =	sshll.u32 s1, $0x11  }
0xbc: {  	s0 =	sor.u32 s1, s0  }
0xbd: {  	s0 =	sadd.s32 $0x8F2B, s0  }
0xbe: {  	[sflag:s0] =	ssyncadd.remote.s32 $0x1  }
0xbf: {  	_ =	sfence.sel $0xFFFF  }
0xc0: {  	[dreg:$0x0] =	wrdreg $0xFFFFFFFF;
	(pc) =	sbr.abs _section_cstart, $3  }
0xc1: {  	[dreg:$0x1] =	wrdreg $0xFFFFFFFF  }
0xc2: {  	_ =	task.clear_ibuf [dreg:s7], $0x2FFFF;
	_ =	strace $0x9FFFFFFF  }
0xc3: {  	(tm) =	ssettm $0x7FFFFFFF  }
tec
execute0_lowered:
.L_overlay_start_1:
0x0: {  	(tag) =	ssettag $0x1  }
0x1: {  	s10 =	stileid.u32  }
0x2: {  	s3 =	srdreg.scid;
	s7 =	smul.u32 $0x14000, s10  }
0x3: {  	s0 =	rddreg [dreg:$0x0];
	s5 =	sand.u32 $0x1, s3;
	s24 =	smul.u32 $0x50000, s10  }
0x4: {  	s2 =	rddreg [dreg:$0x1];
	s6 =	smul.u32 $0x140000, s5  }
0x5: {  	s1 =	rddreg [dreg:$0x2];
	s3 =	simm.s32 $0x0;
	s4 =	sadd.s32 $0xBA00, s0  }
0x6: {  	[smem:$0x7FF] =	sst s3;
	s6 =	sadd.s32 s7, s6;
	s7 =	sshrl.u32 s24, $0x2  }
0x7: {  	s9 =	ssub.s32 $0x2, s5;
	s26 =	sshll.u32 s5, $0x4;
	s5 =	sadd.s32 s7, s1  }
0x8: {  	s8 =	sadd.s32 $0x1A00, s0;
	_ =	strace $0x8000004A;
	s12 =	sadd.s32 $0x1000, s5  }
0x9: {  	s25 =	sshrl.u32 s9, $0x1;
	s13 =	sadd.s32 $0x2000, s5;
	[dreg:$0x4] =	wrdreg s12  }
0xa: {  	s11 =	sor.u32 s10, s26;
	s14 =	sadd.s32 $0x3000, s5;
	[dreg:$0x5] =	wrdreg s13  }
0xb: {  	s10 =	simm.s32 $0x1A800;
	s15 =	sadd.s32 $0x4000, s5;
	[dreg:$0x6] =	wrdreg s14  }
0xc: {  	s19 =	smul.u32 $0x2800, s11;
	s16 =	sadd.s32 $0x5000, s5;
	[dreg:$0x7] =	wrdreg s15  }
0xd: {  	s6 =	sshrl.u32 s6, $0x3;
	s17 =	sadd.s32 $0x6000, s5;
	[dreg:$0x8] =	wrdreg s16  }
0xe: {  	s7 =	smul.u32 $0x500, s11;
	s18 =	sadd.s32 $0x7000, s5;
	[dreg:$0x9] =	wrdreg s17  }
0xf: {  	s11 =	simm.s32 $0x1;
	s20 =	sadd.s32 $0x8000, s5;
	[dreg:$0xa] =	wrdreg s18  }
0x10: {  	s0 =	sadd.s32 s6, s0;
	s21 =	sadd.s32 $0x9000, s5;
	[dreg:$0xb] =	wrdreg s20  }
0x11: {  	s6 =	ssub.s32 s9, s25;
	s22 =	sadd.s32 $0xA000, s5;
	[dreg:$0xc] =	wrdreg s21  }
0x12: {  	s23 =	sadd.s32 $0xB000, s5;
	s9 =	sshrl.u32 s19, $0x3;
	[dreg:$0xd] =	wrdreg s22  }
0x13: {  	s24 =	sadd.s32 $0xC000, s5;
	s25 =	sadd.s32 $0xD000, s5;
	[dreg:$0xe] =	wrdreg s23  }
0x14: {  	s28 =	sadd.s32 $0x10000, s5;
	s29 =	sadd.s32 $0x11000, s5;
	[dreg:$0xf] =	wrdreg s24  }
0x15: {  	s30 =	sadd.s32 $0x12000, s5;
	s31 =	sadd.s32 $0x13000, s5;
	[dreg:$0x10] =	wrdreg s25  }
0x16: {  	s9 =	sadd.s32 $0x280, s9;
	s26 =	sadd.s32 s8, s7;
	s7 =	sadd.s32 s2, s7  }
0x17: {  	s23 =	sadd.s32 $0xE000, s5;
	s24 =	sadd.s32 $0x33A00, s0;
	s25 =	smax.u32 s6, $0x1  }
0x18: {  	s0 =	simm.s32 $0x1E800;
	s6 =	simm.s32 $0x14000;
	s12 =	simm.s32 $0x2  }
0x19: {  	s13 =	simm.s32 $0x15380;
	s14 =	simm.s32 $0x16700;
	[dreg:$0x11] =	wrdreg s26  }
0x1a: {  	s15 =	simm.s32 $0x16780;
	[dreg:$0x12] =	wrdreg s7;
	s21 =	sadd.s32 s8, s9  }
0x1b: {  	s22 =	sadd.s32 s2, s9;
	s26 =	sadd.s32 $0xF000, s5;
	s2 =	simm.s32 $0x3  }
0x1c: {  	v0 =	vimm.f32 $0.0e+00;
	s7 =	simm.s32 $0x15400;
	s8 =	simm.s32 $0x80;
	s9 =	simm.s32 $0x16800  }
.LBB2_1:
0x1d: {  	s16 =	simm.s32 $0x0;
	s17 =	simm.s32 $0x200  }
.LBB2_2:
0x1e: {  	p0 =	sne.s32 s17, $0x3E00;
	[tilespmem:s16+$0x1E870] =	vst v0  }
0x1f: {  	[tilespmem:s16+$0x1E800] =	vst v0  }
0x20: {  	[tilespmem:s16+$0x1E810] =	vst v0  }
.Ltmp0:
0x21: {  	[tilespmem:s16+$0x1E820] =	vst v0;
	(pc) =	sbr.rel @p0 .LBB2_2-.Ltmp0, $4  }
0x22: {  	[tilespmem:s16+$0x1E830] =	vst v0  }
0x23: {  	[tilespmem:s16+$0x1E840] =	vst v0  }
0x24: {  	[tilespmem:s16+$0x1E850] =	vst v0  }
0x25: {  	[tilespmem:s16+$0x1E860] =	vst v0;
	s16 =	sshra.s32 s17, $0x2;
	s17 =	sadd.s32 $0x200, s17  }
0x26: {  	[tilespmem:s16+$0x1E870] =	vst v0  }
0x27: {  	[tilespmem:s16+$0x1E800] =	vst v0  }
0x28: {  	[tilespmem:s16+$0x1E810] =	vst v0  }
0x29: {  	[tilespmem:s16+$0x1E820] =	vst v0  }
0x2a: {  	[tilespmem:s16+$0x1E830] =	vst v0  }
0x2b: {  	[tilespmem:s16+$0x1E840] =	vst v0  }
0x2c: {  	[tilespmem:s16+$0x1E850] =	vst v0  }
0x2d: {  	[tilespmem:s16+$0x1E860] =	vst v0  }
0x2e: {  	[spmem:s5] =	stream.linear.scatter [tilespmem:s0], [sflag:$0x3], $0x1000, $0x38;
	[tilespmem:$0x1F800] =	vst v63  }
0x2f: {  	_ =	swait.ge [sflag:s2], $0x1000  }
0x30: {  	[sflag:s2] =	ssyncset.done $0x0  }
0x31: {  	s18 =	rddreg [dreg:$0x4];
	[sflag:s2] =	ssyncadd.s32 $0xFFFFF000  }
0x32: {  	[spmem:s18] =	stream.linear.scatter [tilespmem:s0], [sflag:$0x3], $0x1000, $0x38;
	[tilespmem:$0x1F800] =	vst v63  }
0x33: {  	_ =	swait.ge [sflag:s2], $0x1000  }
0x34: {  	[sflag:s2] =	ssyncset.done $0x0  }
0x35: {  	s19 =	rddreg [dreg:$0x5];
	[sflag:s2] =	ssyncadd.s32 $0xFFFFF000  }
0x36: {  	[spmem:s19] =	stream.linear.scatter [tilespmem:s0], [sflag:$0x3], $0x1000, $0x38;
	[tilespmem:$0x1F800] =	vst v63  }
0x37: {  	_ =	swait.ge [sflag:s2], $0x1000  }
0x38: {  	[sflag:s2] =	ssyncset.done $0x0  }
0x39: {  	s20 =	rddreg [dreg:$0x6];
	[sflag:s2] =	ssyncadd.s32 $0xFFFFF000  }
0x3a: {  	[spmem:s20] =	stream.linear.scatter [tilespmem:s0], [sflag:$0x3], $0x1000, $0x38;
	[tilespmem:$0x1F800] =	vst v63  }
0x3b: {  	_ =	swait.ge [sflag:s2], $0x1000  }
0x3c: {  	[sflag:s2] =	ssyncset.done $0x0  }
0x3d: {  	s17 =	rddreg [dreg:$0x7];
	[sflag:s2] =	ssyncadd.s32 $0xFFFFF000  }
0x3e: {  	[spmem:s17] =	stream.linear.scatter [tilespmem:s0], [sflag:$0x3], $0x1000, $0x38;
	[tilespmem:$0x1F800] =	vst v63  }
0x3f: {  	_ =	swait.ge [sflag:s2], $0x1000  }
0x40: {  	[sflag:s2] =	ssyncset.done $0x0  }
0x41: {  	s18 =	rddreg [dreg:$0x8];
	[sflag:s2] =	ssyncadd.s32 $0xFFFFF000  }
0x42: {  	[spmem:s18] =	stream.linear.scatter [tilespmem:s0], [sflag:$0x3], $0x1000, $0x38;
	[tilespmem:$0x1F800] =	vst v63  }
0x43: {  	_ =	swait.ge [sflag:s2], $0x1000  }
0x44: {  	[sflag:s2] =	ssyncset.done $0x0  }
0x45: {  	s19 =	rddreg [dreg:$0x9];
	[sflag:s2] =	ssyncadd.s32 $0xFFFFF000  }
0x46: {  	[spmem:s19] =	stream.linear.scatter [tilespmem:s0], [sflag:$0x3], $0x1000, $0x38;
	[tilespmem:$0x1F800] =	vst v63  }
0x47: {  	_ =	swait.ge [sflag:s2], $0x1000  }
0x48: {  	[sflag:s2] =	ssyncset.done $0x0  }
0x49: {  	s20 =	rddreg [dreg:$0xa];
	[sflag:s2] =	ssyncadd.s32 $0xFFFFF000  }
0x4a: {  	[spmem:s20] =	stream.linear.scatter [tilespmem:s0], [sflag:$0x3], $0x1000, $0x38;
	[tilespmem:$0x1F800] =	vst v63  }
0x4b: {  	_ =	swait.ge [sflag:s2], $0x1000  }
0x4c: {  	[sflag:s2] =	ssyncset.done $0x0  }
0x4d: {  	s17 =	rddreg [dreg:$0xb];
	[sflag:s2] =	ssyncadd.s32 $0xFFFFF000  }
0x4e: {  	[spmem:s17] =	stream.linear.scatter [tilespmem:s0], [sflag:$0x3], $0x1000, $0x38;
	[tilespmem:$0x1F800] =	vst v63  }
0x4f: {  	_ =	swait.ge [sflag:s2], $0x1000  }
0x50: {  	[sflag:s2] =	ssyncset.done $0x0  }
0x51: {  	s18 =	rddreg [dreg:$0xc];
	[sflag:s2] =	ssyncadd.s32 $0xFFFFF000  }
0x52: {  	[spmem:s18] =	stream.linear.scatter [tilespmem:s0], [sflag:$0x3], $0x1000, $0x38;
	[tilespmem:$0x1F800] =	vst v63  }
0x53: {  	_ =	swait.ge [sflag:s2], $0x1000  }
0x54: {  	[sflag:s2] =	ssyncset.done $0x0  }
0x55: {  	s19 =	rddreg [dreg:$0xd];
	[sflag:s2] =	ssyncadd.s32 $0xFFFFF000  }
0x56: {  	[spmem:s19] =	stream.linear.scatter [tilespmem:s0], [sflag:$0x3], $0x1000, $0x38;
	[tilespmem:$0x1F800] =	vst v63  }
0x57: {  	_ =	swait.ge [sflag:s2], $0x1000  }
0x58: {  	[sflag:s2] =	ssyncset.done $0x0  }
0x59: {  	s20 =	rddreg [dreg:$0xe];
	[sflag:s2] =	ssyncadd.s32 $0xFFFFF000  }
0x5a: {  	[spmem:s20] =	stream.linear.scatter [tilespmem:s0], [sflag:$0x3], $0x1000, $0x38;
	[tilespmem:$0x1F800] =	vst v63  }
0x5b: {  	_ =	swait.ge [sflag:s2], $0x1000  }
0x5c: {  	[sflag:s2] =	ssyncset.done $0x0  }
0x5d: {  	s17 =	rddreg [dreg:$0xf];
	[sflag:s2] =	ssyncadd.s32 $0xFFFFF000  }
0x5e: {  	[spmem:s17] =	stream.linear.scatter [tilespmem:s0], [sflag:$0x3], $0x1000, $0x38;
	[tilespmem:$0x1F800] =	vst v63  }
0x5f: {  	_ =	swait.ge [sflag:s2], $0x1000  }
0x60: {  	[sflag:s2] =	ssyncset.done $0x0  }
0x61: {  	s18 =	rddreg [dreg:$0x10];
	[sflag:s2] =	ssyncadd.s32 $0xFFFFF000  }
0x62: {  	[spmem:s18] =	stream.linear.scatter [tilespmem:s0], [sflag:$0x3], $0x1000, $0x38;
	[tilespmem:$0x1F800] =	vst v63  }
0x63: {  	_ =	swait.ge [sflag:s2], $0x1000  }
0x64: {  	[sflag:s2] =	ssyncset.done $0x0  }
0x65: {  	[sflag:s2] =	ssyncadd.s32 $0xFFFFF000  }
0x66: {  	[spmem:s23] =	stream.linear.scatter [tilespmem:s0], [sflag:$0x3], $0x1000, $0x38;
	[tilespmem:$0x1F800] =	vst v63  }
0x67: {  	_ =	swait.ge [sflag:s2], $0x1000  }
0x68: {  	[sflag:s2] =	ssyncset.done $0x0  }
0x69: {  	[sflag:s2] =	ssyncadd.s32 $0xFFFFF000  }
0x6a: {  	[spmem:s26] =	stream.linear.scatter [tilespmem:s0], [sflag:$0x3], $0x1000, $0x38;
	[tilespmem:$0x1F800] =	vst v63  }
0x6b: {  	_ =	swait.ge [sflag:s2], $0x1000  }
0x6c: {  	[sflag:s2] =	ssyncset.done $0x0  }
0x6d: {  	[sflag:s2] =	ssyncadd.s32 $0xFFFFF000  }
0x6e: {  	[spmem:s28] =	stream.linear.scatter [tilespmem:s0], [sflag:$0x3], $0x1000, $0x38;
	[tilespmem:$0x1F800] =	vst v63  }
0x6f: {  	_ =	swait.ge [sflag:s2], $0x1000  }
0x70: {  	[sflag:s2] =	ssyncset.done $0x0  }
0x71: {  	[sflag:s2] =	ssyncadd.s32 $0xFFFFF000  }
0x72: {  	[spmem:s29] =	stream.linear.scatter [tilespmem:s0], [sflag:$0x3], $0x1000, $0x38;
	[tilespmem:$0x1F800] =	vst v63  }
0x73: {  	_ =	swait.ge [sflag:s2], $0x1000  }
0x74: {  	[sflag:s2] =	ssyncset.done $0x0  }
0x75: {  	[sflag:s2] =	ssyncadd.s32 $0xFFFFF000  }
0x76: {  	[spmem:s30] =	stream.linear.scatter [tilespmem:s0], [sflag:$0x3], $0x1000, $0x38;
	[tilespmem:$0x1F800] =	vst v63  }
0x77: {  	_ =	swait.ge [sflag:s2], $0x1000  }
0x78: {  	[sflag:s2] =	ssyncset.done $0x0  }
0x79: {  	[sflag:s2] =	ssyncadd.s32 $0xFFFFF000  }
0x7a: {  	[spmem:s31] =	stream.linear.scatter [tilespmem:s0], [sflag:$0x3], $0x1000, $0x38;
	[tilespmem:$0x1F800] =	vst v63  }
0x7b: {  	_ =	swait.ge [sflag:s2], $0x1000  }
0x7c: {  	[sflag:s2] =	ssyncset.done $0x0  }
0x7d: {  	[sflag:s2] =	ssyncadd.s32 $0xFFFFF000  }
0x7e: {  	[bflag:$0x0] =	sbarrier.arrive $0xFFFF  }
0x7f: {  	s19 =	simm.s32 $0x0;
	s17 =	rddreg [dreg:$0x11]  }
0x80: {  	[tilespmem:s6], [sflag:$0x3] =	stream.linear.gather [hbm4b:s17+s19], $0x1400, $0x38;
	[tilespmem:$0x1F800] =	vst v63  }
0x81: {  	_ =	swait.ge [sflag:s2], $0x1400  }
0x82: {  	[sflag:s2] =	ssyncset.done $0x0  }
0x83: {  	s20 =	rddreg [dreg:$0x12];
	[sflag:s2] =	ssyncadd.s32 $0xFFFFEC00  }
0x84: {  	[tilespmem:s7], [sflag:$0x3] =	stream.linear.gather [hbm4b:s20+s19], $0x1400, $0x38;
	[tilespmem:$0x1F800] =	vst v63  }
0x85: {  	_ =	swait.ge [sflag:s2], $0x1400  }
0x86: {  	[sflag:s2] =	ssyncset.done $0x0  }
0x87: {  	[sflag:s2] =	ssyncadd.s32 $0xFFFFEC00  }
0x88: {  	[tilespmem:s9], [sflag:$0x1] =	stream.indirect.gather [hbm4b:s4+s8], $0x80, s6, s8, $0xb8;
	[tilespmem:$0x1F800] =	vst v63  }
0x89: {  	s17 =	simm.s32 $0x14080  }
0x8a: {  	[tilespmem:s10], [sflag:$0x2] =	stream.indirect.gather [hbm4b:s4+s8], $0x80, s17, s8, $0xb8;
	[tilespmem:$0x1F800] =	vst v63  }
0x8b: {  	_ =	swait.ge [sflag:s11], $0x4000  }
0x8c: {  	[sflag:s11] =	ssyncset.done $0x0  }
0x8d: {  	s18 =	simm.s32 $0x15400;
	[sflag:s11] =	ssyncadd.s32 $0xFFFFC000  }
0x8e: {  	[spmem:s1] =	stream.indirect.scatter.add.f32 [tilespmem:s9], [sflag:$0x3], $0x80, s18, s8, $0xb8;
	[tilespmem:$0x1F800] =	vst v63  }
0x8f: {  	_ =	swait.ge [sflag:s2], $0x4000  }
0x90: {  	[sflag:s2] =	ssyncset.done $0x0  }
0x91: {  	s19 =	simm.s32 $0x14100;
	[sflag:s2] =	ssyncadd.s32 $0xFFFFC000  }
0x92: {  	[tilespmem:s9], [sflag:$0x1] =	stream.indirect.gather [hbm4b:s4+s8], $0x80, s19, s8, $0xb8;
	[tilespmem:$0x1F800] =	vst v63  }
0x93: {  	_ =	swait.ge [sflag:s12], $0x4000  }
0x94: {  	[sflag:s12] =	ssyncset.done $0x0  }
0x95: {  	s20 =	simm.s32 $0x15480;
	[sflag:s12] =	ssyncadd.s32 $0xFFFFC000  }
0x96: {  	[spmem:s1] =	stream.indirect.scatter.add.f32 [tilespmem:s10], [sflag:$0x3], $0x80, s20, s8, $0xb8;
	[tilespmem:$0x1F800] =	vst v63  }
0x97: {  	_ =	swait.ge [sflag:s2], $0x4000  }
0x98: {  	s16 =	simm.s32 $0x100;
	s17 =	simm.s32 $0x800;
	[sflag:s2] =	ssyncset.done $0x0  }
.LBB2_4:
0x99: {  	s18 =	sadd.s32 $0x14080, s16  }
0x9a: {  	[sflag:s2] =	ssyncadd.s32 $0xFFFFC000;
	s19 =	smov.u32 s17;
	s20 =	sadd.s32 $0x400, s17  }
0x9b: {  	[tilespmem:s10], [sflag:$0x2] =	stream.indirect.gather [hbm4b:s4+s8], $0x80, s18, s8, $0xb8;
	[tilespmem:$0x1F800] =	vst v63  }
0x9c: {  	p0 =	sne.s32 s17, $0x4800;
	_ =	swait.ge [sflag:s11], $0x4000  }
0x9d: {  	[sflag:s11] =	ssyncset.done $0x0  }
0x9e: {  	s17 =	sadd.s32 $0x15400, s16;
	[sflag:s11] =	ssyncadd.s32 $0xFFFFC000  }
0x9f: {  	[spmem:s1] =	stream.indirect.scatter.add.f32 [tilespmem:s9], [sflag:$0x3], $0x80, s17, s8, $0xb8;
	[tilespmem:$0x1F800] =	vst v63  }
0xa0: {  	_ =	swait.ge [sflag:s2], $0x4000  }
0xa1: {  	[sflag:s2] =	ssyncset.done $0x0  }
0xa2: {  	s17 =	sadd.s32 $0x14100, s16;
	[sflag:s2] =	ssyncadd.s32 $0xFFFFC000  }
0xa3: {  	[tilespmem:s9], [sflag:$0x1] =	stream.indirect.gather [hbm4b:s4+s8], $0x80, s17, s8, $0xb8;
	[tilespmem:$0x1F800] =	vst v63  }
0xa4: {  	_ =	swait.ge [sflag:s12], $0x4000  }
.Ltmp1:
0xa5: {  	[sflag:s12] =	ssyncset.done $0x0;
	(pc) =	sbr.rel @p0 .LBB2_4-.Ltmp1, $4  }
0xa6: {  	s16 =	sadd.s32 $0x15480, s16;
	[sflag:s12] =	ssyncadd.s32 $0xFFFFC000  }
0xa7: {  	[spmem:s1] =	stream.indirect.scatter.add.f32 [tilespmem:s10], [sflag:$0x3], $0x80, s16, s8, $0xb8;
	[tilespmem:$0x1F800] =	vst v63  }
0xa8: {  	_ =	swait.ge [sflag:s2], $0x4000  }
0xa9: {  	s17 =	smov.u32 s20;
	s16 =	sshra.s32 s19, $0x2;
	[sflag:s2] =	ssyncset.done $0x0  }
0xaa: {  	s17 =	sadd.s32 $0x14080, s16;
	[sflag:s2] =	ssyncadd.s32 $0xFFFFC000  }
0xab: {  	[tilespmem:s10], [sflag:$0x2] =	stream.indirect.gather [hbm4b:s4+s8], $0x80, s17, s8, $0xb8;
	[tilespmem:$0x1F800] =	vst v63  }
0xac: {  	_ =	swait.ge [sflag:s11], $0x4000  }
0xad: {  	[sflag:s11] =	ssyncset.done $0x0  }
0xae: {  	s20 =	sadd.s32 $0x15400, s16;
	[sflag:s11] =	ssyncadd.s32 $0xFFFFC000  }
0xaf: {  	[spmem:s1] =	stream.indirect.scatter.add.f32 [tilespmem:s9], [sflag:$0x3], $0x80, s20, s8, $0xb8;
	[tilespmem:$0x1F800] =	vst v63  }
0xb0: {  	_ =	swait.ge [sflag:s2], $0x4000  }
0xb1: {  	[sflag:s2] =	ssyncset.done $0x0  }
0xb2: {  	s18 =	sadd.s32 $0x14100, s16;
	[sflag:s2] =	ssyncadd.s32 $0xFFFFC000  }
0xb3: {  	[tilespmem:s9], [sflag:$0x1] =	stream.indirect.gather [hbm4b:s4+s8], $0x80, s18, s8, $0xb8;
	[tilespmem:$0x1F800] =	vst v63  }
0xb4: {  	_ =	swait.ge [sflag:s12], $0x4000  }
0xb5: {  	[sflag:s12] =	ssyncset.done $0x0  }
0xb6: {  	s19 =	sadd.s32 $0x15480, s16;
	[sflag:s12] =	ssyncadd.s32 $0xFFFFC000  }
0xb7: {  	[spmem:s1] =	stream.indirect.scatter.add.f32 [tilespmem:s10], [sflag:$0x3], $0x80, s19, s8, $0xb8;
	[tilespmem:$0x1F800] =	vst v63  }
0xb8: {  	_ =	swait.ge [sflag:s2], $0x4000  }
0xb9: {  	[sflag:s2] =	ssyncset.done $0x0  }
0xba: {  	[sflag:s2] =	ssyncadd.s32 $0xFFFFC000  }
0xbb: {  	[tilespmem:s10], [sflag:$0x2] =	stream.indirect.gather [hbm4b:s4+s8], $0x80, s13, s8, $0xb8;
	[tilespmem:$0x1F800] =	vst v63  }
0xbc: {  	_ =	swait.ge [sflag:s11], $0x4000  }
0xbd: {  	[sflag:s11] =	ssyncset.done $0x0  }
0xbe: {  	[sflag:s11] =	ssyncadd.s32 $0xFFFFC000  }
0xbf: {  	[spmem:s1] =	stream.indirect.scatter.add.f32 [tilespmem:s9], [sflag:$0x3], $0x80, s14, s8, $0xb8;
	[tilespmem:$0x1F800] =	vst v63  }
0xc0: {  	_ =	swait.ge [sflag:s2], $0x4000  }
0xc1: {  	[sflag:s2] =	ssyncset.done $0x0  }
0xc2: {  	[sflag:s2] =	ssyncadd.s32 $0xFFFFC000  }
0xc3: {  	_ =	swait.ge [sflag:s12], $0x4000  }
0xc4: {  	[sflag:s12] =	ssyncset.done $0x0  }
0xc5: {  	[sflag:s12] =	ssyncadd.s32 $0xFFFFC000  }
0xc6: {  	[spmem:s1] =	stream.indirect.scatter.add.f32 [tilespmem:s10], [sflag:$0x3], $0x80, s15, s8, $0xb8;
	[tilespmem:$0x1F800] =	vst v63  }
0xc7: {  	_ =	swait.ge [sflag:s2], $0x4000  }
0xc8: {  	[sflag:s2] =	ssyncset.done $0x0  }
0xc9: {  	s20 =	simm.s32 $0x0;
	[sflag:s2] =	ssyncadd.s32 $0xFFFFC000  }
0xca: {  	[tilespmem:s6], [sflag:$0x3] =	stream.linear.gather [hbm4b:s21+s20], $0x1400, $0x38;
	[tilespmem:$0x1F800] =	vst v63  }
0xcb: {  	_ =	swait.ge [sflag:s2], $0x1400  }
0xcc: {  	[sflag:s2] =	ssyncset.done $0x0  }
0xcd: {  	[sflag:s2] =	ssyncadd.s32 $0xFFFFEC00  }
0xce: {  	[tilespmem:s7], [sflag:$0x3] =	stream.linear.gather [hbm4b:s22+s20], $0x1400, $0x38;
	[tilespmem:$0x1F800] =	vst v63  }
0xcf: {  	_ =	swait.ge [sflag:s2], $0x1400  }
0xd0: {  	[sflag:s2] =	ssyncset.done $0x0  }
0xd1: {  	[sflag:s2] =	ssyncadd.s32 $0xFFFFEC00  }
0xd2: {  	[tilespmem:s9], [sflag:$0x1] =	stream.indirect.gather [hbm4b:s4+s8], $0x80, s6, s8, $0xb8;
	[tilespmem:$0x1F800] =	vst v63  }
0xd3: {  	s17 =	simm.s32 $0x14080  }
0xd4: {  	[tilespmem:s10], [sflag:$0x2] =	stream.indirect.gather [hbm4b:s4+s8], $0x80, s17, s8, $0xb8;
	[tilespmem:$0x1F800] =	vst v63  }
0xd5: {  	_ =	swait.ge [sflag:s11], $0x4000  }
0xd6: {  	[sflag:s11] =	ssyncset.done $0x0  }
0xd7: {  	s18 =	simm.s32 $0x15400;
	[sflag:s11] =	ssyncadd.s32 $0xFFFFC000  }
0xd8: {  	[spmem:s1] =	stream.indirect.scatter.add.f32 [tilespmem:s9], [sflag:$0x3], $0x80, s18, s8, $0xb8;
	[tilespmem:$0x1F800] =	vst v63  }
0xd9: {  	_ =	swait.ge [sflag:s2], $0x4000  }
0xda: {  	[sflag:s2] =	ssyncset.done $0x0  }
0xdb: {  	s19 =	simm.s32 $0x14100;
	[sflag:s2] =	ssyncadd.s32 $0xFFFFC000  }
0xdc: {  	[tilespmem:s9], [sflag:$0x1] =	stream.indirect.gather [hbm4b:s4+s8], $0x80, s19, s8, $0xb8;
	[tilespmem:$0x1F800] =	vst v63  }
0xdd: {  	_ =	swait.ge [sflag:s12], $0x4000  }
0xde: {  	[sflag:s12] =	ssyncset.done $0x0  }
0xdf: {  	s20 =	simm.s32 $0x15480;
	[sflag:s12] =	ssyncadd.s32 $0xFFFFC000  }
0xe0: {  	[spmem:s1] =	stream.indirect.scatter.add.f32 [tilespmem:s10], [sflag:$0x3], $0x80, s20, s8, $0xb8;
	[tilespmem:$0x1F800] =	vst v63  }
0xe1: {  	_ =	swait.ge [sflag:s2], $0x4000  }
0xe2: {  	s16 =	simm.s32 $0x100;
	s17 =	simm.s32 $0x800;
	[sflag:s2] =	ssyncset.done $0x0  }
.LBB2_6:
0xe3: {  	s18 =	sadd.s32 $0x14080, s16  }
0xe4: {  	[sflag:s2] =	ssyncadd.s32 $0xFFFFC000;
	s19 =	smov.u32 s17;
	s20 =	sadd.s32 $0x400, s17  }
0xe5: {  	[tilespmem:s10], [sflag:$0x2] =	stream.indirect.gather [hbm4b:s4+s8], $0x80, s18, s8, $0xb8;
	[tilespmem:$0x1F800] =	vst v63  }
0xe6: {  	p0 =	sne.s32 s17, $0x4800;
	_ =	swait.ge [sflag:s11], $0x4000  }
0xe7: {  	[sflag:s11] =	ssyncset.done $0x0  }
0xe8: {  	s17 =	sadd.s32 $0x15400, s16;
	[sflag:s11] =	ssyncadd.s32 $0xFFFFC000  }
0xe9: {  	[spmem:s1] =	stream.indirect.scatter.add.f32 [tilespmem:s9], [sflag:$0x3], $0x80, s17, s8, $0xb8;
	[tilespmem:$0x1F800] =	vst v63  }
0xea: {  	_ =	swait.ge [sflag:s2], $0x4000  }
0xeb: {  	[sflag:s2] =	ssyncset.done $0x0  }
0xec: {  	s17 =	sadd.s32 $0x14100, s16;
	[sflag:s2] =	ssyncadd.s32 $0xFFFFC000  }
0xed: {  	[tilespmem:s9], [sflag:$0x1] =	stream.indirect.gather [hbm4b:s4+s8], $0x80, s17, s8, $0xb8;
	[tilespmem:$0x1F800] =	vst v63  }
0xee: {  	_ =	swait.ge [sflag:s12], $0x4000  }
.Ltmp2:
0xef: {  	[sflag:s12] =	ssyncset.done $0x0;
	(pc) =	sbr.rel @p0 .LBB2_6-.Ltmp2, $4  }
0xf0: {  	s16 =	sadd.s32 $0x15480, s16;
	[sflag:s12] =	ssyncadd.s32 $0xFFFFC000  }
0xf1: {  	[spmem:s1] =	stream.indirect.scatter.add.f32 [tilespmem:s10], [sflag:$0x3], $0x80, s16, s8, $0xb8;
	[tilespmem:$0x1F800] =	vst v63  }
0xf2: {  	_ =	swait.ge [sflag:s2], $0x4000  }
0xf3: {  	s17 =	smov.u32 s20;
	s16 =	sshra.s32 s19, $0x2;
	[sflag:s2] =	ssyncset.done $0x0  }
0xf4: {  	s17 =	sadd.s32 $0x14080, s16;
	[sflag:s2] =	ssyncadd.s32 $0xFFFFC000  }
0xf5: {  	[tilespmem:s10], [sflag:$0x2] =	stream.indirect.gather [hbm4b:s4+s8], $0x80, s17, s8, $0xb8;
	[tilespmem:$0x1F800] =	vst v63  }
0xf6: {  	_ =	swait.ge [sflag:s11], $0x4000  }
0xf7: {  	[sflag:s11] =	ssyncset.done $0x0  }
0xf8: {  	s19 =	sadd.s32 $0x15400, s16;
	[sflag:s11] =	ssyncadd.s32 $0xFFFFC000  }
0xf9: {  	[spmem:s1] =	stream.indirect.scatter.add.f32 [tilespmem:s9], [sflag:$0x3], $0x80, s19, s8, $0xb8;
	[tilespmem:$0x1F800] =	vst v63  }
0xfa: {  	_ =	swait.ge [sflag:s2], $0x4000  }
0xfb: {  	[sflag:s2] =	ssyncset.done $0x0  }
0xfc: {  	s20 =	sadd.s32 $0x14100, s16;
	[sflag:s2] =	ssyncadd.s32 $0xFFFFC000  }
0xfd: {  	[tilespmem:s9], [sflag:$0x1] =	stream.indirect.gather [hbm4b:s4+s8], $0x80, s20, s8, $0xb8;
	[tilespmem:$0x1F800] =	vst v63  }
0xfe: {  	_ =	swait.ge [sflag:s12], $0x4000  }
0xff: {  	[sflag:s12] =	ssyncset.done $0x0  }
0x100: {  	s18 =	sadd.s32 $0x15480, s16;
	[sflag:s12] =	ssyncadd.s32 $0xFFFFC000  }
0x101: {  	[spmem:s1] =	stream.indirect.scatter.add.f32 [tilespmem:s10], [sflag:$0x3], $0x80, s18, s8, $0xb8;
	[tilespmem:$0x1F800] =	vst v63  }
0x102: {  	_ =	swait.ge [sflag:s2], $0x4000  }
0x103: {  	[sflag:s2] =	ssyncset.done $0x0  }
0x104: {  	[sflag:s2] =	ssyncadd.s32 $0xFFFFC000  }
0x105: {  	[tilespmem:s10], [sflag:$0x2] =	stream.indirect.gather [hbm4b:s4+s8], $0x80, s13, s8, $0xb8;
	[tilespmem:$0x1F800] =	vst v63  }
0x106: {  	_ =	swait.ge [sflag:s11], $0x4000  }
0x107: {  	[sflag:s11] =	ssyncset.done $0x0  }
0x108: {  	[sflag:s11] =	ssyncadd.s32 $0xFFFFC000  }
0x109: {  	[spmem:s1] =	stream.indirect.scatter.add.f32 [tilespmem:s9], [sflag:$0x3], $0x80, s14, s8, $0xb8;
	[tilespmem:$0x1F800] =	vst v63  }
0x10a: {  	_ =	swait.ge [sflag:s2], $0x4000  }
0x10b: {  	[sflag:s2] =	ssyncset.done $0x0  }
0x10c: {  	[sflag:s2] =	ssyncadd.s32 $0xFFFFC000  }
0x10d: {  	_ =	swait.ge [sflag:s12], $0x4000  }
0x10e: {  	[sflag:s12] =	ssyncset.done $0x0  }
0x10f: {  	[sflag:s12] =	ssyncadd.s32 $0xFFFFC000  }
0x110: {  	[spmem:s1] =	stream.indirect.scatter.add.f32 [tilespmem:s10], [sflag:$0x3], $0x80, s15, s8, $0xb8;
	[tilespmem:$0x1F800] =	vst v63  }
0x111: {  	s19 =	stileid.u32;
	_ =	swait.ge [sflag:s2], $0x4000  }
0x112: {  	s3 =	sadd.s32 $0x1, s3;
	s16 =	sshll.u32 s19, $0x6;
	[sflag:s2] =	ssyncset.done $0x0  }
0x113: {  	p0 =	sne.s32 s3, s25;
	s16 =	sor.u32 $0x1C03, s16;
	[sflag:s2] =	ssyncadd.s32 $0xFFFFC000  }
.Ltmp3:
0x114: {  	s20 =	sshrl.u32 s5, $0x3;
	[bflag:$0x0] =	sbarrier.arrive $0xFFFF;
	(pc) =	sbr.rel @p0 .LBB2_1-.Ltmp3, $4  }
0x115: {  	[hbm:s24], [sflag:s16] =	dma.local [spmem:s20], $0x2800  }
0x116: {  	_ =	swait.ge [sflag:s2], $0x2800  }
0x117: {  	[sflag:s2] =	ssyncset.done $0x0  }
0x118: {  	[sflag:s2] =	ssyncadd.s32 $0xFFFFD800  }
0x119: {  	_ =	sfence.sel $0x180000  }
0x11a: {  	[bflag:$0x0] =	sbarrier.arrive $0xFFFF  }
0x11b: {  	_ =	strace $0x9000004A  }
0x11c: {  	s0 =	stileid.u32;
	[bflag:$0x2] =	sbarrier.arrive $0xFFFF  }
0x11d: {  	p0 =	sne.s32 s0, $0x0;
	s0 =	rddreg [dreg:$0x3]  }
0x11e: {  	s0 =	sadd.s32 @!p0 $0x100000, s0  }
0x11f: {  	[sflag:s0] =	ssyncadd.tile.s32 @!p0 $0x1;
	_ =	shalt  }
.Lfunc_end2:
_tile_overlayer_lowered:
.L_overlay_start_2:
0x120: {  	(tag) =	ssettag $0x2  }
0x121: {  	s0 =	rddreg [dreg:$0x0];
	s2 =	stileid.u32  }
0x122: {  	s1 =	rddreg [dreg:$0x1];
	p0 =	sne.s32 s2, $0x0  }
0x123: {  	s3 =	rddreg [dreg:$0x2];
	[bflag:$0x3] =	sbarrier.arrive $0xFFFF;
	s2 =	simm.s32 @!p0 $0x1C03  }
0x124: {  	[timem:s3], [sflag:s2] =	dma.local @!p0 [hbm:s0], s1  }
0x125: {  	s0 =	simm.s32 @!p0 $0x3  }
0x126: {  	_ =	swait.ge @!p0 [sflag:s0], s1  }
0x127: {  	s1 =	ssub.s32 @!p0 $0x0, s1;
	[sflag:s0] =	ssyncset.done @!p0 $0x0  }
0x128: {  	[sflag:s0] =	ssyncadd.s32 @!p0 s1  }
0x129: {  	[bflag:$0x3] =	sbarrier.arrive $0xFFFF  }
0x12a: {  	_ =	shalt  }

// kernel: kernel.14.cloned.1.call-start
scs
__scs_entry_jumppad:
0x0: {  	(pc) =	sbr.rel $0x88, $3  }
0x1: {  	(tag) =	ssettag $0x0;
	lr =	simm.s32 $0x1  }
0x2: {  	[smem:$0x3F9B] =	sst lr;
	_ =	strace $0xD0000000  }
0x3: {  	_ = 	snop  }
0x4: {  	_ = 	snop  }
0x5: {  	_ = 	snop  }
0x6: {  	_ = 	snop  }
0x7: {  	_ = 	snop  }
__scs_overlays_trampoline_lowered:
0x8: {  	[smem:$0x3FAA] =	sst s0  }
0x9: {  	[smem:$0x3FAB] =	sst s1  }
0xa: {  	[smem:$0x3FAC] =	sst s2  }
0xb: {  	[smem:$0x3FAD] =	sst s3  }
0xc: {  	[smem:$0x3FAE] =	sst s4  }
0xd: {  	[smem:$0x3FAF] =	sst s5  }
0xe: {  	[smem:$0x3FB0] =	sst s6  }
0xf: {  	[smem:$0x3FB1] =	sst s7  }
0x10: {  	[smem:$0x3FB2] =	sst s8  }
0x11: {  	[smem:$0x3FB3] =	sst s9;
	s0 =	simm.s32 @!p0 $0x0  }
0x12: {  	s1 =	sld [smem:$0x3F99];
	s0 =	simm.s32 @p0 $0x1  }
0x13: {  	[smem:$0x3FB4] =	sst s0;
	s0 =	simm.s32 @!p1 $0x0  }
0x14: {  	s2 =	sld [smem:$0x3F98];
	s0 =	simm.s32 @p1 $0x1  }
0x15: {  	[smem:$0x3FB5] =	sst s0;
	s0 =	simm.s32 @!p2 $0x0  }
0x16: {  	s3 =	sld [smem:$0x3FDB];
	s0 =	simm.s32 @p2 $0x1  }
0x17: {  	s4 =	simm.s32 $0x1BF5;
	[smem:$0x3FB7] =	sst s0  }
0x18: {  	s0 =	sld [smem:$0x3F9A];
	_ =	swait.ge [sflag:s4], $0x0  }
0x19: {  	s7 =	sld [smem:$0x3F9B]  }
0x1a: {  	s8 =	sadd.s32 $0xFFFFE003, lr  }
0x1b: {  	s9 =	sadd.s32 $0xFFFFFEF7, lr;
	s5 =	simm.s32 $0xFFFFFFFF;
	p2 =	slt.u32 s8, $0xFFFFF086  }
0x1c: {  	p1 =	slt.u32 s9, $0xF7A;
	s5 =	simm.s32 @!p2 $0x0  }
0x1d: {  	s5 =	simm.s32 @p1 $0x1;
	p0 =	seq.s32 s7, s2  }
0x1e: {  	s7 =	smul.u32 @!p0 $0xF7A, s2;
	p2 =	seq.s32 @!p0 s5, $0x0  }
0x1f: {  	s9 =	smul.u32 $0xF7A, s1;
	s8 =	simm.s32 @!p0 $0x1BF5;
	p2 =	por !p2, p0  }
0x20: {  	[sflag:s8] =	ssyncset.s32 @!p0 $0xFFFFF086;
	s6 =	sadd.s32 @!p0 s3, s7;
	s7 =	simm.s32 @!p0 $0x108  }
0x21: {  	s3 =	sadd.s32 s3, s9;
	s6 =	sadd.s32 @!p0 $0x88, s6;
	s7 =	simm.s32 @p2 $0x1082  }
0x22: {  	[simem:s7], [sflag:s8] =	dma.local @!p0 [hbm:s6], $0xF7A  }
0x23: {  	s9 =	sor.u32 $0xD0000000, s2;
	s6 =	simm.s32 $0x108;
	_ =	swait.ge @!p0 [sflag:s8], $0x0  }
0x24: {  	s3 =	sadd.s32 $0x88, s3;
	s6 =	simm.s32 @!p1 $0x1082;
	[sflag:s4] =	ssyncset.s32 $0xFFFFF086  }
0x25: {  	[simem:s6], [sflag:s4] =	dma.local [hbm:s3], $0xF7A  }
0x26: {  	[smem:$0x3F9B] =	sst s1;
	(tag) =	ssettag s2;
	_ =	strace s9  }
0x27: {  	s1 =	sld [smem:$0x3FAB]  }
0x28: {  	s2 =	sld [smem:$0x3FAC]  }
0x29: {  	s4 =	sld [smem:$0x3FAE]  }
0x2a: {  	p0 =	seq.s32 s5, $0x0;
	s5 =	sld [smem:$0x3FAF]  }
0x2b: {  	s6 =	sld [smem:$0x3FB0]  }
0x2c: {  	s7 =	sld [smem:$0x3FB1]  }
0x2d: {  	s3 =	simm.s32 $0x108;
	s8 =	sld [smem:$0x3FB2]  }
0x2e: {  	s3 =	simm.s32 @!p0 $0x1082;
	s9 =	sld [smem:$0x3FB3]  }
0x2f: {  	lr =	sadd.s32 s0, s3;
	s0 =	sld [smem:$0x3FAA]  }
0x30: {  	s3 =	sld [smem:$0x3FAD]  }
0x31: {  	[smem:$0x3FB6] =	sst s10  }
0x32: {  	s10 =	sld [smem:$0x3FB4];
	_ =	sdelay $0x3  }
0x33: {  	p0 =	seq.s32 s10, $0x1;
	s10 =	sld [smem:$0x3FB6];
	_ =	sdelay $0x3  }
0x34: {  	[smem:$0x3FB6] =	sst s10  }
0x35: {  	s10 =	sld [smem:$0x3FB5];
	_ =	sdelay $0x3  }
0x36: {  	p1 =	seq.s32 s10, $0x1;
	s10 =	sld [smem:$0x3FB6];
	_ =	sdelay $0x3  }
0x37: {  	[smem:$0x3FB6] =	sst s10  }
0x38: {  	s10 =	sld [smem:$0x3FB7]  }
0x39: {  	_ = 	snop;
	(pc) =	sbr.ind lr, $3  }
0x3a: {  	_ = 	snop  }
0x3b: {  	_ = 	snop  }
0x3c: {  	p2 =	seq.s32 s10, $0x1;
	s10 =	sld [smem:$0x3FB6]  }
0x3d: {  	_ =	shalt  }
0x3e: {  	_ =	shalt  }
0x3f: {  	_ =	shalt  }
0x40: {  	_ =	shalt  }
0x41: {  	_ =	shalt  }
0x42: {  	_ =	shalt  }
0x43: {  	_ =	shalt  }
0x44: {  	_ =	shalt  }
0x45: {  	_ =	shalt  }
0x46: {  	_ =	shalt  }
0x47: {  	_ =	shalt  }
0x48: {  	_ =	shalt  }
0x49: {  	_ =	shalt  }
0x4a: {  	_ =	shalt  }
0x4b: {  	_ =	shalt  }
0x4c: {  	_ =	shalt  }
0x4d: {  	_ =	shalt  }
0x4e: {  	_ =	shalt  }
0x4f: {  	_ =	shalt  }
0x50: {  	_ =	shalt  }
0x51: {  	_ =	shalt  }
0x52: {  	_ =	shalt  }
0x53: {  	_ =	shalt  }
0x54: {  	_ =	shalt  }
0x55: {  	_ =	shalt  }
0x56: {  	_ =	shalt  }
0x57: {  	_ =	shalt  }
0x58: {  	_ =	shalt  }
0x59: {  	_ =	shalt  }
0x5a: {  	_ =	shalt  }
0x5b: {  	_ =	shalt  }
0x5c: {  	_ =	shalt  }
0x5d: {  	_ =	shalt  }
0x5e: {  	_ =	shalt  }
0x5f: {  	_ =	shalt  }
0x60: {  	_ =	shalt  }
0x61: {  	_ =	shalt  }
0x62: {  	_ =	shalt  }
0x63: {  	_ =	shalt  }
0x64: {  	_ =	shalt  }
0x65: {  	_ =	shalt  }
0x66: {  	_ =	shalt  }
0x67: {  	_ =	shalt  }
0x68: {  	_ =	shalt  }
0x69: {  	_ =	shalt  }
0x6a: {  	_ =	shalt  }
0x6b: {  	_ =	shalt  }
0x6c: {  	_ =	shalt  }
0x6d: {  	_ =	shalt  }
0x6e: {  	_ =	shalt  }
0x6f: {  	_ =	shalt  }
0x70: {  	_ =	shalt  }
0x71: {  	_ =	shalt  }
0x72: {  	_ =	shalt  }
0x73: {  	_ =	shalt  }
0x74: {  	_ =	shalt  }
0x75: {  	_ =	shalt  }
0x76: {  	_ =	shalt  }
0x77: {  	_ =	shalt  }
0x78: {  	_ =	shalt  }
0x79: {  	_ =	shalt  }
0x7a: {  	_ =	shalt  }
0x7b: {  	_ =	shalt  }
0x7c: {  	_ =	shalt  }
0x7d: {  	_ =	shalt  }
0x7e: {  	_ =	shalt  }
0x7f: {  	_ =	shalt  }
0x80: {  	_ =	shalt  }
0x81: {  	_ =	shalt  }
0x82: {  	_ =	shalt  }
0x83: {  	_ =	shalt  }
0x84: {  	_ =	shalt  }
0x85: {  	_ =	shalt  }
0x86: {  	_ =	shalt  }
0x87: {  	_ =	shalt  }
.Lfunc_end0:
.L_simem_size_0:
called_computation.2_lowered:
.L_overlay_start_0:
0x88: {  	s2 =	sld [smem:$0x3FD9]  }
0x89: {  	s3 =	sld [smem:$0x3FFE];
	_ =	sdelay $0x1  }
0x8a: {  	s1 =	srdreg.scid  }
0x8b: {  	s0 =	sand.u32 $0x1, s1  }
0x8c: {  	s17 =	sshll.u32 s0, $0xA;
	s2 =	sadd.s32 s3, s2  }
0x8d: {  	s2 =	sadd.s32 s2, s17  }
0x8e: {  	[smem:$0x3FC2] =	sst s2  }
0x8f: {  	_ = 	snop  }
0x90: {  	s2 =	sld [smem:$0x3FD0];
	(tm) =	ssettm $0x1  }
0x91: {  	s18 =	sld [smem:$0x3FFB];
	_ =	sdelay $0x3  }
0x92: {  	_ =	strace s18  }
0x93: {  	s3 =	sld [smem:$0x3FFC];
	_ =	sdelay $0x3  }
0x94: {  	_ =	strace s3  }
0x95: {  	s3 =	sld [smem:$0x3FFD];
	_ =	sdelay $0x3  }
0x96: {  	_ =	strace s3  }
0x97: {  	_ =	strace $0x8FFFFFFF  }
0x98: {  	s19 =	sld [smem:$0x3FDB];
	_ =	sdelay $0x1  }
0x99: {  	s4 =	simm.s32 $_scs_section_size  }
0x9a: {  	s5 =	simm.s32 $_size__tile_overlayer_lowered;
	s6 =	simm.s32 $_tile_overlayer_lowered  }
0x9b: {  	s22 =	simm.s32 $0x1BFF;
	s21 =	sshll.u32 s6, $0x1;
	s3 =	sadd.s32 s4, s19  }
0x9c: {  	s7 =	simm.s32 $0x0;
	s20 =	sshll.u32 s5, $0x1;
	s5 =	sadd.s32 s21, s3  }
0x9d: {  	[timem:s7], [sflag:s22] =	dma.local [hbm:s5], s20  }
0x9e: {  	_ =	swait.ge [sflag:s22], s20  }
0x9f: {  	s4 =	ssub.s32 $0x0, s20;
	[sflag:s22] =	ssyncset.done $0x0  }
0xa0: {  	[sflag:s22] =	ssyncadd.s32 s4;
	_ =	sdelay $0x1  }
0xa1: {  	s23 =	simm.s32 $0x1B8B  }
0xa2: {  	_ =	swait.ge [sflag:s23], $0x1  }
0xa3: {  	[sflag:s23] =	ssyncset.done $0x0  }
0xa4: {  	s25 =	simm.s32 $0x1B8E;
	s24 =	sld [smem:$0x3FFE];
	[sflag:s23] =	ssyncadd.s32 $0xFFFFFFFF  }
0xa5: {  	s26 =	simm.s32 $execute0_lowered;
	[smem:$0x3FD2] =	sst s25  }
0xa6: {  	s5 =	sshll.u32 s26, $0x1;
	_ =	strace $0x8000004C;
	[dreg:$0x1] =	wrdreg $0xFFFFFFFF  }
0xa7: {  	s28 =	simm.s32 $_size_execute0_lowered;
	s3 =	sadd.s32 s3, s5;
	[dreg:$0x0] =	wrdreg $0x0  }
0xa8: {  	s5 =	sshll.u32 s28, $0x1;
	[dreg:$0x2] =	wrdreg s3  }
0xa9: {  	[dreg:$0x3] =	wrdreg s5  }
0xaa: {  	[dreg:$0x4] =	wrdreg $0xC0  }
0xab: {  	_ =	task [dreg:s7], $0x5FFFF  }
0xac: {  	[dreg:$0x1] =	wrdreg $0xFFFFFFFF  }
0xad: {  	[dreg:$0x0] =	wrdreg $0x60  }
0xae: {  	[dreg:$0x2] =	wrdreg s24  }
0xaf: {  	[dreg:$0x3] =	wrdreg s2  }
0xb0: {  	[dreg:$0x4] =	wrdreg $0x0  }
0xb1: {  	[dreg:$0x5] =	wrdreg $0x9  }
0xb2: {  	_ =	task.clear_ibuf [dreg:s7], $0x6FFFF;
	_ =	strace $0x9000004C  }
0xb3: {  	s29 =	simm.s32 $0x9;
	_ =	strace $0x8000004E  }
0xb4: {  	_ =	swait.ge [sflag:s29], $0x1  }
0xb5: {  	[sflag:s29] =	ssyncadd.s32 $0xFFFFFFFF  }
0xb6: {  	_ =	strace $0x9000004E  }
0xb7: {  	_ =	sfence  }
0xb8: {  	s30 =	sld [smem:$0x0];
	_ =	sdelay $0x2  }
0xb9: {  	s31 =	sshll.u32 s1, $0xD;
	s1 =	sshrl.u32 s1, $0x2  }
0xba: {  	s3 =	sand.u32 $0x4000, s31;
	s1 =	sadd.s32 s1, s30  }
0xbb: {  	s0 =	sor.u32 s3, s0;
	s1 =	sshll.u32 s1, $0x11  }
0xbc: {  	s0 =	sor.u32 s1, s0  }
0xbd: {  	s0 =	sadd.s32 $0x8F2B, s0  }
0xbe: {  	[sflag:s0] =	ssyncadd.remote.s32 $0x1  }
0xbf: {  	_ =	sfence.sel $0xFFFF  }
0xc0: {  	[dreg:$0x0] =	wrdreg $0xFFFFFFFF;
	(pc) =	sbr.abs _section_cstart, $3  }
0xc1: {  	[dreg:$0x1] =	wrdreg $0xFFFFFFFF  }
0xc2: {  	_ =	task.clear_ibuf [dreg:s7], $0x2FFFF;
	_ =	strace $0x9FFFFFFF  }
0xc3: {  	(tm) =	ssettm $0x7FFFFFFF  }
tec
execute0_lowered:
.L_overlay_start_1:
0x0: {  	(tag) =	ssettag $0x1  }
0x1: {  	s0 =	rddreg [dreg:$0x0]  }
0x2: {  	s1 =	rddreg [dreg:$0x1]  }
0x3: {  	s3 =	srdreg.scid;
	s11 =	stileid.u32  }
0x4: {  	s2 =	rddreg [dreg:$0x2];
	s6 =	smul.u32 $0xA000, s11  }
0x5: {  	s5 =	sand.u32 $0x1, s3;
	s3 =	simm.s32 $0x0;
	s8 =	smul.u32 $0x28000, s11  }
0x6: {  	s9 =	sadd.s32 $0x1A00, s0;
	s4 =	smul.u32 $0xA0000, s5;
	[smem:$0x7FF] =	sst s3  }
0x7: {  	s26 =	ssub.s32 $0x2, s5;
	s5 =	sshll.u32 s5, $0x4;
	s8 =	sshrl.u32 s8, $0x2  }
0x8: {  	_ =	strace $0x8000004D;
	s10 =	sshrl.u32 s26, $0x1;
	s8 =	sadd.s32 s8, s2  }
0x9: {  	s12 =	sor.u32 s11, s5;
	s5 =	sadd.s32 s6, s2;
	s13 =	sadd.s32 $0x800, s8  }
0xa: {  	s11 =	simm.s32 $0x1;
	s14 =	sadd.s32 $0x1000, s8;
	[dreg:$0x4] =	wrdreg s13  }
0xb: {  	s7 =	sadd.s32 s6, s4;
	s15 =	sadd.s32 $0x1800, s8;
	[dreg:$0x5] =	wrdreg s14  }
0xc: {  	s4 =	sadd.s32 $0xBA00, s0;
	s16 =	sadd.s32 $0x2000, s8;
	[dreg:$0x6] =	wrdreg s15  }
0xd: {  	s20 =	smul.u32 $0x2800, s12;
	s17 =	sadd.s32 $0x2800, s8;
	[dreg:$0x7] =	wrdreg s16  }
0xe: {  	s7 =	sshrl.u32 s7, $0x3;
	s18 =	sadd.s32 $0x3000, s8;
	[dreg:$0x8] =	wrdreg s17  }
0xf: {  	s19 =	sadd.s32 $0x3800, s8;
	s21 =	sadd.s32 $0x4000, s8;
	[dreg:$0x9] =	wrdreg s18  }
0x10: {  	s22 =	sadd.s32 $0x4800, s8;
	s23 =	sadd.s32 $0x5000, s8;
	[dreg:$0xa] =	wrdreg s19  }
0x11: {  	s24 =	sadd.s32 $0x5800, s8;
	s25 =	sadd.s32 $0x6000, s8;
	[dreg:$0xb] =	wrdreg s21  }
0x12: {  	s28 =	sadd.s32 $0x9000, s8;
	s29 =	sadd.s32 $0x9800, s8;
	[dreg:$0xc] =	wrdreg s22  }
0x13: {  	s0 =	sadd.s32 s7, s0;
	s7 =	ssub.s32 s26, s10;
	[dreg:$0xd] =	wrdreg s23  }
0x14: {  	s10 =	smul.u32 $0x500, s12;
	[dreg:$0xe] =	wrdreg s24;
	s6 =	sshrl.u32 s20, $0x3  }
0x15: {  	[dreg:$0xf] =	wrdreg s25;
	s22 =	sadd.s32 $0x6800, s8;
	s23 =	sadd.s32 $0x7000, s8  }
0x16: {  	s24 =	sadd.s32 $0x7800, s8;
	s25 =	sadd.s32 $0x8000, s8;
	s12 =	simm.s32 $0x2  }
0x17: {  	s13 =	simm.s32 $0xB380;
	s14 =	simm.s32 $0xC700;
	s15 =	simm.s32 $0xC780  }
0x18: {  	s6 =	sadd.s32 $0x280, s6;
	s30 =	sadd.s32 $0x1FA00, s0;
	s31 =	smax.u32 s7, $0x1  }
0x19: {  	s0 =	simm.s32 $0x3;
	s7 =	simm.s32 $0xB400;
	s26 =	sadd.s32 s9, s10  }
0x1a: {  	s10 =	sadd.s32 s1, s10;
	s9 =	sadd.s32 s9, s6;
	[dreg:$0x10] =	wrdreg s26  }
0x1b: {  	s21 =	sadd.s32 s1, s6;
	s1 =	simm.s32 $0x10800;
	[dreg:$0x11] =	wrdreg s10  }
0x1c: {  	s6 =	simm.s32 $0xA000;
	[dreg:$0x12] =	wrdreg s9;
	s26 =	sadd.s32 $0x8800, s8  }
0x1d: {  	v0 =	vimm.f32 $0.0e+00;
	s8 =	simm.s32 $0x80;
	s9 =	simm.s32 $0xC800;
	s10 =	simm.s32 $0xE800  }
.LBB2_1:
0x1e: {  	s17 =	simm.s32 $0x100;
	s16 =	simm.s32 $0x0  }
.LBB2_2:
0x1f: {  	p0 =	sne.s32 s17, $0x1F00;
	[tilespmem:s16+$0x10830] =	vst v0;
	s18 =	smov.u32 s17;
	s17 =	sadd.s32 $0x100, s17  }
.Ltmp0:
0x20: {  	[tilespmem:s16+$0x10820] =	vst v0;
	(pc) =	sbr.rel @p0 .LBB2_2-.Ltmp0, $3  }
0x21: {  	[tilespmem:s16+$0x10800] =	vst v0  }
0x22: {  	[tilespmem:s16+$0x10810] =	vst v0;
	_ =	sdelay $0x1  }
0x23: {  	s16 =	sshra.s32 s18, $0x2  }
0x24: {  	[tilespmem:s16+$0x10830] =	vst v0  }
0x25: {  	[tilespmem:s16+$0x10820] =	vst v0  }
0x26: {  	[tilespmem:s16+$0x10800] =	vst v0  }
0x27: {  	[tilespmem:s16+$0x10810] =	vst v0  }
0x28: {  	[spmem:s5] =	stream.linear.scatter [tilespmem:s1], [sflag:$0x3], $0x800, $0x38;
	[tilespmem:$0x11000] =	vst v63  }
0x29: {  	_ =	swait.ge [sflag:s0], $0x800  }
0x2a: {  	[sflag:s0] =	ssyncset.done $0x0  }
0x2b: {  	s19 =	rddreg [dreg:$0x4];
	[sflag:s0] =	ssyncadd.s32 $0xFFFFF800  }
0x2c: {  	[spmem:s19] =	stream.linear.scatter [tilespmem:s1], [sflag:$0x3], $0x800, $0x38;
	[tilespmem:$0x11000] =	vst v63  }
0x2d: {  	_ =	swait.ge [sflag:s0], $0x800  }
0x2e: {  	[sflag:s0] =	ssyncset.done $0x0  }
0x2f: {  	s20 =	rddreg [dreg:$0x5];
	[sflag:s0] =	ssyncadd.s32 $0xFFFFF800  }
0x30: {  	[spmem:s20] =	stream.linear.scatter [tilespmem:s1], [sflag:$0x3], $0x800, $0x38;
	[tilespmem:$0x11000] =	vst v63  }
0x31: {  	_ =	swait.ge [sflag:s0], $0x800  }
0x32: {  	[sflag:s0] =	ssyncset.done $0x0  }
0x33: {  	s17 =	rddreg [dreg:$0x6];
	[sflag:s0] =	ssyncadd.s32 $0xFFFFF800  }
0x34: {  	[spmem:s17] =	stream.linear.scatter [tilespmem:s1], [sflag:$0x3], $0x800, $0x38;
	[tilespmem:$0x11000] =	vst v63  }
0x35: {  	_ =	swait.ge [sflag:s0], $0x800  }
0x36: {  	[sflag:s0] =	ssyncset.done $0x0  }
0x37: {  	s18 =	rddreg [dreg:$0x7];
	[sflag:s0] =	ssyncadd.s32 $0xFFFFF800  }
0x38: {  	[spmem:s18] =	stream.linear.scatter [tilespmem:s1], [sflag:$0x3], $0x800, $0x38;
	[tilespmem:$0x11000] =	vst v63  }
0x39: {  	_ =	swait.ge [sflag:s0], $0x800  }
0x3a: {  	[sflag:s0] =	ssyncset.done $0x0  }
0x3b: {  	s19 =	rddreg [dreg:$0x8];
	[sflag:s0] =	ssyncadd.s32 $0xFFFFF800  }
0x3c: {  	[spmem:s19] =	stream.linear.scatter [tilespmem:s1], [sflag:$0x3], $0x800, $0x38;
	[tilespmem:$0x11000] =	vst v63  }
0x3d: {  	_ =	swait.ge [sflag:s0], $0x800  }
0x3e: {  	[sflag:s0] =	ssyncset.done $0x0  }
0x3f: {  	s20 =	rddreg [dreg:$0x9];
	[sflag:s0] =	ssyncadd.s32 $0xFFFFF800  }
0x40: {  	[spmem:s20] =	stream.linear.scatter [tilespmem:s1], [sflag:$0x3], $0x800, $0x38;
	[tilespmem:$0x11000] =	vst v63  }
0x41: {  	_ =	swait.ge [sflag:s0], $0x800  }
0x42: {  	[sflag:s0] =	ssyncset.done $0x0  }
0x43: {  	s17 =	rddreg [dreg:$0xa];
	[sflag:s0] =	ssyncadd.s32 $0xFFFFF800  }
0x44: {  	[spmem:s17] =	stream.linear.scatter [tilespmem:s1], [sflag:$0x3], $0x800, $0x38;
	[tilespmem:$0x11000] =	vst v63  }
0x45: {  	_ =	swait.ge [sflag:s0], $0x800  }
0x46: {  	[sflag:s0] =	ssyncset.done $0x0  }
0x47: {  	s18 =	rddreg [dreg:$0xb];
	[sflag:s0] =	ssyncadd.s32 $0xFFFFF800  }
0x48: {  	[spmem:s18] =	stream.linear.scatter [tilespmem:s1], [sflag:$0x3], $0x800, $0x38;
	[tilespmem:$0x11000] =	vst v63  }
0x49: {  	_ =	swait.ge [sflag:s0], $0x800  }
0x4a: {  	[sflag:s0] =	ssyncset.done $0x0  }
0x4b: {  	s19 =	rddreg [dreg:$0xc];
	[sflag:s0] =	ssyncadd.s32 $0xFFFFF800  }
0x4c: {  	[spmem:s19] =	stream.linear.scatter [tilespmem:s1], [sflag:$0x3], $0x800, $0x38;
	[tilespmem:$0x11000] =	vst v63  }
0x4d: {  	_ =	swait.ge [sflag:s0], $0x800  }
0x4e: {  	[sflag:s0] =	ssyncset.done $0x0  }
0x4f: {  	s20 =	rddreg [dreg:$0xd];
	[sflag:s0] =	ssyncadd.s32 $0xFFFFF800  }
0x50: {  	[spmem:s20] =	stream.linear.scatter [tilespmem:s1], [sflag:$0x3], $0x800, $0x38;
	[tilespmem:$0x11000] =	vst v63  }
0x51: {  	_ =	swait.ge [sflag:s0], $0x800  }
0x52: {  	[sflag:s0] =	ssyncset.done $0x0  }
0x53: {  	s17 =	rddreg [dreg:$0xe];
	[sflag:s0] =	ssyncadd.s32 $0xFFFFF800  }
0x54: {  	[spmem:s17] =	stream.linear.scatter [tilespmem:s1], [sflag:$0x3], $0x800, $0x38;
	[tilespmem:$0x11000] =	vst v63  }
0x55: {  	_ =	swait.ge [sflag:s0], $0x800  }
0x56: {  	[sflag:s0] =	ssyncset.done $0x0  }
0x57: {  	s18 =	rddreg [dreg:$0xf];
	[sflag:s0] =	ssyncadd.s32 $0xFFFFF800  }
0x58: {  	[spmem:s18] =	stream.linear.scatter [tilespmem:s1], [sflag:$0x3], $0x800, $0x38;
	[tilespmem:$0x11000] =	vst v63  }
0x59: {  	_ =	swait.ge [sflag:s0], $0x800  }
0x5a: {  	[sflag:s0] =	ssyncset.done $0x0  }
0x5b: {  	[sflag:s0] =	ssyncadd.s32 $0xFFFFF800  }
0x5c: {  	[spmem:s22] =	stream.linear.scatter [tilespmem:s1], [sflag:$0x3], $0x800, $0x38;
	[tilespmem:$0x11000] =	vst v63  }
0x5d: {  	_ =	swait.ge [sflag:s0], $0x800  }
0x5e: {  	[sflag:s0] =	ssyncset.done $0x0  }
0x5f: {  	[sflag:s0] =	ssyncadd.s32 $0xFFFFF800  }
0x60: {  	[spmem:s23] =	stream.linear.scatter [tilespmem:s1], [sflag:$0x3], $0x800, $0x38;
	[tilespmem:$0x11000] =	vst v63  }
0x61: {  	_ =	swait.ge [sflag:s0], $0x800  }
0x62: {  	[sflag:s0] =	ssyncset.done $0x0  }
0x63: {  	[sflag:s0] =	ssyncadd.s32 $0xFFFFF800  }
0x64: {  	[spmem:s24] =	stream.linear.scatter [tilespmem:s1], [sflag:$0x3], $0x800, $0x38;
	[tilespmem:$0x11000] =	vst v63  }
0x65: {  	_ =	swait.ge [sflag:s0], $0x800  }
0x66: {  	[sflag:s0] =	ssyncset.done $0x0  }
0x67: {  	[sflag:s0] =	ssyncadd.s32 $0xFFFFF800  }
0x68: {  	[spmem:s25] =	stream.linear.scatter [tilespmem:s1], [sflag:$0x3], $0x800, $0x38;
	[tilespmem:$0x11000] =	vst v63  }
0x69: {  	_ =	swait.ge [sflag:s0], $0x800  }
0x6a: {  	[sflag:s0] =	ssyncset.done $0x0  }
0x6b: {  	[sflag:s0] =	ssyncadd.s32 $0xFFFFF800  }
0x6c: {  	[spmem:s26] =	stream.linear.scatter [tilespmem:s1], [sflag:$0x3], $0x800, $0x38;
	[tilespmem:$0x11000] =	vst v63  }
0x6d: {  	_ =	swait.ge [sflag:s0], $0x800  }
0x6e: {  	[sflag:s0] =	ssyncset.done $0x0  }
0x6f: {  	[sflag:s0] =	ssyncadd.s32 $0xFFFFF800  }
0x70: {  	[spmem:s28] =	stream.linear.scatter [tilespmem:s1], [sflag:$0x3], $0x800, $0x38;
	[tilespmem:$0x11000] =	vst v63  }
0x71: {  	_ =	swait.ge [sflag:s0], $0x800  }
0x72: {  	[sflag:s0] =	ssyncset.done $0x0  }
0x73: {  	[sflag:s0] =	ssyncadd.s32 $0xFFFFF800  }
0x74: {  	[spmem:s29] =	stream.linear.scatter [tilespmem:s1], [sflag:$0x3], $0x800, $0x38;
	[tilespmem:$0x11000] =	vst v63  }
0x75: {  	_ =	swait.ge [sflag:s0], $0x800  }
0x76: {  	[sflag:s0] =	ssyncset.done $0x0  }
0x77: {  	[sflag:s0] =	ssyncadd.s32 $0xFFFFF800  }
0x78: {  	[bflag:$0x0] =	sbarrier.arrive $0xFFFF  }
0x79: {  	s19 =	simm.s32 $0x0;
	s17 =	rddreg [dreg:$0x10]  }
0x7a: {  	[tilespmem:s6], [sflag:$0x3] =	stream.linear.gather [hbm4b:s17+s19], $0x1400, $0x38;
	[tilespmem:$0x11000] =	vst v63  }
0x7b: {  	_ =	swait.ge [sflag:s0], $0x1400  }
0x7c: {  	[sflag:s0] =	ssyncset.done $0x0  }
0x7d: {  	s20 =	rddreg [dreg:$0x11];
	[sflag:s0] =	ssyncadd.s32 $0xFFFFEC00  }
0x7e: {  	[tilespmem:s7], [sflag:$0x3] =	stream.linear.gather [hbm4b:s20+s19], $0x1400, $0x38;
	[tilespmem:$0x11000] =	vst v63  }
0x7f: {  	_ =	swait.ge [sflag:s0], $0x1400  }
0x80: {  	[sflag:s0] =	ssyncset.done $0x0  }
0x81: {  	[sflag:s0] =	ssyncadd.s32 $0xFFFFEC00  }
0x82: {  	[tilespmem:s9], [sflag:$0x1] =	stream.indirect.gather [hbm4b:s4+s8], $0x40, s6, s8, $0xb8;
	[tilespmem:$0x11000] =	vst v63  }
0x83: {  	s17 =	simm.s32 $0xA080  }
0x84: {  	[tilespmem:s10], [sflag:$0x2] =	stream.indirect.gather [hbm4b:s4+s8], $0x40, s17, s8, $0xb8;
	[tilespmem:$0x11000] =	vst v63  }
0x85: {  	_ =	swait.ge [sflag:s11], $0x2000  }
0x86: {  	[sflag:s11] =	ssyncset.done $0x0  }
0x87: {  	s18 =	simm.s32 $0xB400;
	[sflag:s11] =	ssyncadd.s32 $0xFFFFE000  }
0x88: {  	[spmem:s2] =	stream.indirect.scatter.add.f32 [tilespmem:s9], [sflag:$0x3], $0x40, s18, s8, $0xb8;
	[tilespmem:$0x11000] =	vst v63  }
0x89: {  	_ =	swait.ge [sflag:s0], $0x2000  }
0x8a: {  	[sflag:s0] =	ssyncset.done $0x0  }
0x8b: {  	s19 =	simm.s32 $0xA100;
	[sflag:s0] =	ssyncadd.s32 $0xFFFFE000  }
0x8c: {  	[tilespmem:s9], [sflag:$0x1] =	stream.indirect.gather [hbm4b:s4+s8], $0x40, s19, s8, $0xb8;
	[tilespmem:$0x11000] =	vst v63  }
0x8d: {  	_ =	swait.ge [sflag:s12], $0x2000  }
0x8e: {  	[sflag:s12] =	ssyncset.done $0x0  }
0x8f: {  	s20 =	simm.s32 $0xB480;
	[sflag:s12] =	ssyncadd.s32 $0xFFFFE000  }
0x90: {  	[spmem:s2] =	stream.indirect.scatter.add.f32 [tilespmem:s10], [sflag:$0x3], $0x40, s20, s8, $0xb8;
	[tilespmem:$0x11000] =	vst v63  }
0x91: {  	_ =	swait.ge [sflag:s0], $0x2000  }
0x92: {  	s16 =	simm.s32 $0x100;
	s17 =	simm.s32 $0x800;
	[sflag:s0] =	ssyncset.done $0x0  }
.LBB2_4:
0x93: {  	s18 =	sadd.s32 $0xA080, s16  }
0x94: {  	[sflag:s0] =	ssyncadd.s32 $0xFFFFE000;
	s19 =	smov.u32 s17;
	s20 =	sadd.s32 $0x400, s17  }
0x95: {  	[tilespmem:s10], [sflag:$0x2] =	stream.indirect.gather [hbm4b:s4+s8], $0x40, s18, s8, $0xb8;
	[tilespmem:$0x11000] =	vst v63  }
0x96: {  	p0 =	sne.s32 s17, $0x4800;
	_ =	swait.ge [sflag:s11], $0x2000  }
0x97: {  	[sflag:s11] =	ssyncset.done $0x0  }
0x98: {  	s17 =	sadd.s32 $0xB400, s16;
	[sflag:s11] =	ssyncadd.s32 $0xFFFFE000  }
0x99: {  	[spmem:s2] =	stream.indirect.scatter.add.f32 [tilespmem:s9], [sflag:$0x3], $0x40, s17, s8, $0xb8;
	[tilespmem:$0x11000] =	vst v63  }
0x9a: {  	_ =	swait.ge [sflag:s0], $0x2000  }
0x9b: {  	[sflag:s0] =	ssyncset.done $0x0  }
0x9c: {  	s17 =	sadd.s32 $0xA100, s16;
	[sflag:s0] =	ssyncadd.s32 $0xFFFFE000  }
0x9d: {  	[tilespmem:s9], [sflag:$0x1] =	stream.indirect.gather [hbm4b:s4+s8], $0x40, s17, s8, $0xb8;
	[tilespmem:$0x11000] =	vst v63  }
0x9e: {  	_ =	swait.ge [sflag:s12], $0x2000  }
.Ltmp1:
0x9f: {  	[sflag:s12] =	ssyncset.done $0x0;
	(pc) =	sbr.rel @p0 .LBB2_4-.Ltmp1, $4  }
0xa0: {  	s16 =	sadd.s32 $0xB480, s16;
	[sflag:s12] =	ssyncadd.s32 $0xFFFFE000  }
0xa1: {  	[spmem:s2] =	stream.indirect.scatter.add.f32 [tilespmem:s10], [sflag:$0x3], $0x40, s16, s8, $0xb8;
	[tilespmem:$0x11000] =	vst v63  }
0xa2: {  	_ =	swait.ge [sflag:s0], $0x2000  }
0xa3: {  	s17 =	smov.u32 s20;
	s16 =	sshra.s32 s19, $0x2;
	[sflag:s0] =	ssyncset.done $0x0  }
0xa4: {  	s17 =	sadd.s32 $0xA080, s16;
	[sflag:s0] =	ssyncadd.s32 $0xFFFFE000  }
0xa5: {  	[tilespmem:s10], [sflag:$0x2] =	stream.indirect.gather [hbm4b:s4+s8], $0x40, s17, s8, $0xb8;
	[tilespmem:$0x11000] =	vst v63  }
0xa6: {  	_ =	swait.ge [sflag:s11], $0x2000  }
0xa7: {  	[sflag:s11] =	ssyncset.done $0x0  }
0xa8: {  	s19 =	sadd.s32 $0xB400, s16;
	[sflag:s11] =	ssyncadd.s32 $0xFFFFE000  }
0xa9: {  	[spmem:s2] =	stream.indirect.scatter.add.f32 [tilespmem:s9], [sflag:$0x3], $0x40, s19, s8, $0xb8;
	[tilespmem:$0x11000] =	vst v63  }
0xaa: {  	_ =	swait.ge [sflag:s0], $0x2000  }
0xab: {  	[sflag:s0] =	ssyncset.done $0x0  }
0xac: {  	s20 =	sadd.s32 $0xA100, s16;
	[sflag:s0] =	ssyncadd.s32 $0xFFFFE000  }
0xad: {  	[tilespmem:s9], [sflag:$0x1] =	stream.indirect.gather [hbm4b:s4+s8], $0x40, s20, s8, $0xb8;
	[tilespmem:$0x11000] =	vst v63  }
0xae: {  	_ =	swait.ge [sflag:s12], $0x2000  }
0xaf: {  	[sflag:s12] =	ssyncset.done $0x0  }
0xb0: {  	s18 =	sadd.s32 $0xB480, s16;
	[sflag:s12] =	ssyncadd.s32 $0xFFFFE000  }
0xb1: {  	[spmem:s2] =	stream.indirect.scatter.add.f32 [tilespmem:s10], [sflag:$0x3], $0x40, s18, s8, $0xb8;
	[tilespmem:$0x11000] =	vst v63  }
0xb2: {  	_ =	swait.ge [sflag:s0], $0x2000  }
0xb3: {  	[sflag:s0] =	ssyncset.done $0x0  }
0xb4: {  	[sflag:s0] =	ssyncadd.s32 $0xFFFFE000  }
0xb5: {  	[tilespmem:s10], [sflag:$0x2] =	stream.indirect.gather [hbm4b:s4+s8], $0x40, s13, s8, $0xb8;
	[tilespmem:$0x11000] =	vst v63  }
0xb6: {  	_ =	swait.ge [sflag:s11], $0x2000  }
0xb7: {  	[sflag:s11] =	ssyncset.done $0x0  }
0xb8: {  	[sflag:s11] =	ssyncadd.s32 $0xFFFFE000  }
0xb9: {  	[spmem:s2] =	stream.indirect.scatter.add.f32 [tilespmem:s9], [sflag:$0x3], $0x40, s14, s8, $0xb8;
	[tilespmem:$0x11000] =	vst v63  }
0xba: {  	_ =	swait.ge [sflag:s0], $0x2000  }
0xbb: {  	[sflag:s0] =	ssyncset.done $0x0  }
0xbc: {  	[sflag:s0] =	ssyncadd.s32 $0xFFFFE000  }
0xbd: {  	_ =	swait.ge [sflag:s12], $0x2000  }
0xbe: {  	[sflag:s12] =	ssyncset.done $0x0  }
0xbf: {  	[sflag:s12] =	ssyncadd.s32 $0xFFFFE000  }
0xc0: {  	[spmem:s2] =	stream.indirect.scatter.add.f32 [tilespmem:s10], [sflag:$0x3], $0x40, s15, s8, $0xb8;
	[tilespmem:$0x11000] =	vst v63  }
0xc1: {  	_ =	swait.ge [sflag:s0], $0x2000  }
0xc2: {  	[sflag:s0] =	ssyncset.done $0x0  }
0xc3: {  	s19 =	simm.s32 $0x0;
	s20 =	rddreg [dreg:$0x12];
	[sflag:s0] =	ssyncadd.s32 $0xFFFFE000  }
0xc4: {  	[tilespmem:s6], [sflag:$0x3] =	stream.linear.gather [hbm4b:s20+s19], $0x1400, $0x38;
	[tilespmem:$0x11000] =	vst v63  }
0xc5: {  	_ =	swait.ge [sflag:s0], $0x1400  }
0xc6: {  	[sflag:s0] =	ssyncset.done $0x0  }
0xc7: {  	[sflag:s0] =	ssyncadd.s32 $0xFFFFEC00  }
0xc8: {  	[tilespmem:s7], [sflag:$0x3] =	stream.linear.gather [hbm4b:s21+s19], $0x1400, $0x38;
	[tilespmem:$0x11000] =	vst v63  }
0xc9: {  	_ =	swait.ge [sflag:s0], $0x1400  }
0xca: {  	[sflag:s0] =	ssyncset.done $0x0  }
0xcb: {  	[sflag:s0] =	ssyncadd.s32 $0xFFFFEC00  }
0xcc: {  	[tilespmem:s9], [sflag:$0x1] =	stream.indirect.gather [hbm4b:s4+s8], $0x40, s6, s8, $0xb8;
	[tilespmem:$0x11000] =	vst v63  }
0xcd: {  	s17 =	simm.s32 $0xA080  }
0xce: {  	[tilespmem:s10], [sflag:$0x2] =	stream.indirect.gather [hbm4b:s4+s8], $0x40, s17, s8, $0xb8;
	[tilespmem:$0x11000] =	vst v63  }
0xcf: {  	_ =	swait.ge [sflag:s11], $0x2000  }
0xd0: {  	[sflag:s11] =	ssyncset.done $0x0  }
0xd1: {  	s18 =	simm.s32 $0xB400;
	[sflag:s11] =	ssyncadd.s32 $0xFFFFE000  }
0xd2: {  	[spmem:s2] =	stream.indirect.scatter.add.f32 [tilespmem:s9], [sflag:$0x3], $0x40, s18, s8, $0xb8;
	[tilespmem:$0x11000] =	vst v63  }
0xd3: {  	_ =	swait.ge [sflag:s0], $0x2000  }
0xd4: {  	[sflag:s0] =	ssyncset.done $0x0  }
0xd5: {  	s19 =	simm.s32 $0xA100;
	[sflag:s0] =	ssyncadd.s32 $0xFFFFE000  }
0xd6: {  	[tilespmem:s9], [sflag:$0x1] =	stream.indirect.gather [hbm4b:s4+s8], $0x40, s19, s8, $0xb8;
	[tilespmem:$0x11000] =	vst v63  }
0xd7: {  	_ =	swait.ge [sflag:s12], $0x2000  }
0xd8: {  	[sflag:s12] =	ssyncset.done $0x0  }
0xd9: {  	s20 =	simm.s32 $0xB480;
	[sflag:s12] =	ssyncadd.s32 $0xFFFFE000  }
0xda: {  	[spmem:s2] =	stream.indirect.scatter.add.f32 [tilespmem:s10], [sflag:$0x3], $0x40, s20, s8, $0xb8;
	[tilespmem:$0x11000] =	vst v63  }
0xdb: {  	_ =	swait.ge [sflag:s0], $0x2000  }
0xdc: {  	s16 =	simm.s32 $0x100;
	s17 =	simm.s32 $0x800;
	[sflag:s0] =	ssyncset.done $0x0  }
.LBB2_6:
0xdd: {  	s18 =	sadd.s32 $0xA080, s16  }
0xde: {  	[sflag:s0] =	ssyncadd.s32 $0xFFFFE000;
	s19 =	smov.u32 s17;
	s20 =	sadd.s32 $0x400, s17  }
0xdf: {  	[tilespmem:s10], [sflag:$0x2] =	stream.indirect.gather [hbm4b:s4+s8], $0x40, s18, s8, $0xb8;
	[tilespmem:$0x11000] =	vst v63  }
0xe0: {  	p0 =	sne.s32 s17, $0x4800;
	_ =	swait.ge [sflag:s11], $0x2000  }
0xe1: {  	[sflag:s11] =	ssyncset.done $0x0  }
0xe2: {  	s17 =	sadd.s32 $0xB400, s16;
	[sflag:s11] =	ssyncadd.s32 $0xFFFFE000  }
0xe3: {  	[spmem:s2] =	stream.indirect.scatter.add.f32 [tilespmem:s9], [sflag:$0x3], $0x40, s17, s8, $0xb8;
	[tilespmem:$0x11000] =	vst v63  }
0xe4: {  	_ =	swait.ge [sflag:s0], $0x2000  }
0xe5: {  	[sflag:s0] =	ssyncset.done $0x0  }
0xe6: {  	s17 =	sadd.s32 $0xA100, s16;
	[sflag:s0] =	ssyncadd.s32 $0xFFFFE000  }
0xe7: {  	[tilespmem:s9], [sflag:$0x1] =	stream.indirect.gather [hbm4b:s4+s8], $0x40, s17, s8, $0xb8;
	[tilespmem:$0x11000] =	vst v63  }
0xe8: {  	_ =	swait.ge [sflag:s12], $0x2000  }
.Ltmp2:
0xe9: {  	[sflag:s12] =	ssyncset.done $0x0;
	(pc) =	sbr.rel @p0 .LBB2_6-.Ltmp2, $4  }
0xea: {  	s16 =	sadd.s32 $0xB480, s16;
	[sflag:s12] =	ssyncadd.s32 $0xFFFFE000  }
0xeb: {  	[spmem:s2] =	stream.indirect.scatter.add.f32 [tilespmem:s10], [sflag:$0x3], $0x40, s16, s8, $0xb8;
	[tilespmem:$0x11000] =	vst v63  }
0xec: {  	_ =	swait.ge [sflag:s0], $0x2000  }
0xed: {  	s17 =	smov.u32 s20;
	s16 =	sshra.s32 s19, $0x2;
	[sflag:s0] =	ssyncset.done $0x0  }
0xee: {  	s17 =	sadd.s32 $0xA080, s16;
	[sflag:s0] =	ssyncadd.s32 $0xFFFFE000  }
0xef: {  	[tilespmem:s10], [sflag:$0x2] =	stream.indirect.gather [hbm4b:s4+s8], $0x40, s17, s8, $0xb8;
	[tilespmem:$0x11000] =	vst v63  }
0xf0: {  	_ =	swait.ge [sflag:s11], $0x2000  }
0xf1: {  	[sflag:s11] =	ssyncset.done $0x0  }
0xf2: {  	s19 =	sadd.s32 $0xB400, s16;
	[sflag:s11] =	ssyncadd.s32 $0xFFFFE000  }
0xf3: {  	[spmem:s2] =	stream.indirect.scatter.add.f32 [tilespmem:s9], [sflag:$0x3], $0x40, s19, s8, $0xb8;
	[tilespmem:$0x11000] =	vst v63  }
0xf4: {  	_ =	swait.ge [sflag:s0], $0x2000  }
0xf5: {  	[sflag:s0] =	ssyncset.done $0x0  }
0xf6: {  	s20 =	sadd.s32 $0xA100, s16;
	[sflag:s0] =	ssyncadd.s32 $0xFFFFE000  }
0xf7: {  	[tilespmem:s9], [sflag:$0x1] =	stream.indirect.gather [hbm4b:s4+s8], $0x40, s20, s8, $0xb8;
	[tilespmem:$0x11000] =	vst v63  }
0xf8: {  	_ =	swait.ge [sflag:s12], $0x2000  }
0xf9: {  	[sflag:s12] =	ssyncset.done $0x0  }
0xfa: {  	s18 =	sadd.s32 $0xB480, s16;
	[sflag:s12] =	ssyncadd.s32 $0xFFFFE000  }
0xfb: {  	[spmem:s2] =	stream.indirect.scatter.add.f32 [tilespmem:s10], [sflag:$0x3], $0x40, s18, s8, $0xb8;
	[tilespmem:$0x11000] =	vst v63  }
0xfc: {  	_ =	swait.ge [sflag:s0], $0x2000  }
0xfd: {  	[sflag:s0] =	ssyncset.done $0x0  }
0xfe: {  	[sflag:s0] =	ssyncadd.s32 $0xFFFFE000  }
0xff: {  	[tilespmem:s10], [sflag:$0x2] =	stream.indirect.gather [hbm4b:s4+s8], $0x40, s13, s8, $0xb8;
	[tilespmem:$0x11000] =	vst v63  }
0x100: {  	_ =	swait.ge [sflag:s11], $0x2000  }
0x101: {  	[sflag:s11] =	ssyncset.done $0x0  }
0x102: {  	[sflag:s11] =	ssyncadd.s32 $0xFFFFE000  }
0x103: {  	[spmem:s2] =	stream.indirect.scatter.add.f32 [tilespmem:s9], [sflag:$0x3], $0x40, s14, s8, $0xb8;
	[tilespmem:$0x11000] =	vst v63  }
0x104: {  	_ =	swait.ge [sflag:s0], $0x2000  }
0x105: {  	[sflag:s0] =	ssyncset.done $0x0  }
0x106: {  	[sflag:s0] =	ssyncadd.s32 $0xFFFFE000  }
0x107: {  	_ =	swait.ge [sflag:s12], $0x2000  }
0x108: {  	[sflag:s12] =	ssyncset.done $0x0  }
0x109: {  	[sflag:s12] =	ssyncadd.s32 $0xFFFFE000  }
0x10a: {  	[spmem:s2] =	stream.indirect.scatter.add.f32 [tilespmem:s10], [sflag:$0x3], $0x40, s15, s8, $0xb8;
	[tilespmem:$0x11000] =	vst v63  }
0x10b: {  	s19 =	stileid.u32;
	_ =	swait.ge [sflag:s0], $0x2000  }
0x10c: {  	s3 =	sadd.s32 $0x1, s3;
	s16 =	sshll.u32 s19, $0x6;
	[sflag:s0] =	ssyncset.done $0x0  }
0x10d: {  	p0 =	sne.s32 s3, s31;
	s16 =	sor.u32 $0x1C03, s16;
	[sflag:s0] =	ssyncadd.s32 $0xFFFFE000  }
.Ltmp3:
0x10e: {  	s20 =	sshrl.u32 s5, $0x3;
	[bflag:$0x0] =	sbarrier.arrive $0xFFFF;
	(pc) =	sbr.rel @p0 .LBB2_1-.Ltmp3, $4  }
0x10f: {  	[hbm:s30], [sflag:s16] =	dma.local [spmem:s20], $0x1400  }
0x110: {  	_ =	swait.ge [sflag:s0], $0x1400  }
0x111: {  	[sflag:s0] =	ssyncset.done $0x0  }
0x112: {  	[sflag:s0] =	ssyncadd.s32 $0xFFFFEC00  }
0x113: {  	_ =	sfence.sel $0x180000  }
0x114: {  	[bflag:$0x0] =	sbarrier.arrive $0xFFFF  }
0x115: {  	_ =	strace $0x9000004D  }
0x116: {  	s0 =	stileid.u32;
	[bflag:$0x2] =	sbarrier.arrive $0xFFFF  }
0x117: {  	p0 =	sne.s32 s0, $0x0;
	s0 =	rddreg [dreg:$0x3]  }
0x118: {  	s0 =	sadd.s32 @!p0 $0x100000, s0  }
0x119: {  	[sflag:s0] =	ssyncadd.tile.s32 @!p0 $0x1;
	_ =	shalt  }
.Lfunc_end2:
_tile_overlayer_lowered:
.L_overlay_start_2:
0x11a: {  	(tag) =	ssettag $0x2  }
0x11b: {  	s0 =	rddreg [dreg:$0x0];
	s2 =	stileid.u32  }
0x11c: {  	s1 =	rddreg [dreg:$0x1];
	p0 =	sne.s32 s2, $0x0  }
0x11d: {  	s3 =	rddreg [dreg:$0x2];
	[bflag:$0x3] =	sbarrier.arrive $0xFFFF;
	s2 =	simm.s32 @!p0 $0x1C03  }
0x11e: {  	[timem:s3], [sflag:s2] =	dma.local @!p0 [hbm:s0], s1  }
0x11f: {  	s0 =	simm.s32 @!p0 $0x3  }
0x120: {  	_ =	swait.ge @!p0 [sflag:s0], s1  }
0x121: {  	s1 =	ssub.s32 @!p0 $0x0, s1;
	[sflag:s0] =	ssyncset.done @!p0 $0x0  }
0x122: {  	[sflag:s0] =	ssyncadd.s32 @!p0 s1  }
0x123: {  	[bflag:$0x3] =	sbarrier.arrive $0xFFFF  }
0x124: {  	_ =	shalt  }

// kernel: kernel.8.cloned.1.call-start
scs
__scs_entry_jumppad:
0x0: {  	(pc) =	sbr.rel $0x88, $3  }
0x1: {  	(tag) =	ssettag $0x0;
	lr =	simm.s32 $0x1  }
0x2: {  	[smem:$0x3F9B] =	sst lr;
	_ =	strace $0xD0000000  }
0x3: {  	_ = 	snop  }
0x4: {  	_ = 	snop  }
0x5: {  	_ = 	snop  }
0x6: {  	_ = 	snop  }
0x7: {  	_ = 	snop  }
__scs_overlays_trampoline_lowered:
0x8: {  	[smem:$0x3FAA] =	sst s0  }
0x9: {  	[smem:$0x3FAB] =	sst s1  }
0xa: {  	[smem:$0x3FAC] =	sst s2  }
0xb: {  	[smem:$0x3FAD] =	sst s3  }
0xc: {  	[smem:$0x3FAE] =	sst s4  }
0xd: {  	[smem:$0x3FAF] =	sst s5  }
0xe: {  	[smem:$0x3FB0] =	sst s6  }
0xf: {  	[smem:$0x3FB1] =	sst s7  }
0x10: {  	[smem:$0x3FB2] =	sst s8  }
0x11: {  	[smem:$0x3FB3] =	sst s9;
	s0 =	simm.s32 @!p0 $0x0  }
0x12: {  	s1 =	sld [smem:$0x3F99];
	s0 =	simm.s32 @p0 $0x1  }
0x13: {  	[smem:$0x3FB4] =	sst s0;
	s0 =	simm.s32 @!p1 $0x0  }
0x14: {  	s2 =	sld [smem:$0x3F98];
	s0 =	simm.s32 @p1 $0x1  }
0x15: {  	[smem:$0x3FB5] =	sst s0;
	s0 =	simm.s32 @!p2 $0x0  }
0x16: {  	s3 =	sld [smem:$0x3FDB];
	s0 =	simm.s32 @p2 $0x1  }
0x17: {  	s4 =	simm.s32 $0x1BF5;
	[smem:$0x3FB7] =	sst s0  }
0x18: {  	s0 =	sld [smem:$0x3F9A];
	_ =	swait.ge [sflag:s4], $0x0  }
0x19: {  	s7 =	sld [smem:$0x3F9B]  }
0x1a: {  	s8 =	sadd.s32 $0xFFFFE003, lr  }
0x1b: {  	s9 =	sadd.s32 $0xFFFFFEF7, lr;
	s5 =	simm.s32 $0xFFFFFFFF;
	p2 =	slt.u32 s8, $0xFFFFF086  }
0x1c: {  	p1 =	slt.u32 s9, $0xF7A;
	s5 =	simm.s32 @!p2 $0x0  }
0x1d: {  	s5 =	simm.s32 @p1 $0x1;
	p0 =	seq.s32 s7, s2  }
0x1e: {  	s7 =	smul.u32 @!p0 $0xF7A, s2;
	p2 =	seq.s32 @!p0 s5, $0x0  }
0x1f: {  	s9 =	smul.u32 $0xF7A, s1;
	s8 =	simm.s32 @!p0 $0x1BF5;
	p2 =	por !p2, p0  }
0x20: {  	[sflag:s8] =	ssyncset.s32 @!p0 $0xFFFFF086;
	s6 =	sadd.s32 @!p0 s3, s7;
	s7 =	simm.s32 @!p0 $0x108  }
0x21: {  	s3 =	sadd.s32 s3, s9;
	s6 =	sadd.s32 @!p0 $0x88, s6;
	s7 =	simm.s32 @p2 $0x1082  }
0x22: {  	[simem:s7], [sflag:s8] =	dma.local @!p0 [hbm:s6], $0xF7A  }
0x23: {  	s9 =	sor.u32 $0xD0000000, s2;
	s6 =	simm.s32 $0x108;
	_ =	swait.ge @!p0 [sflag:s8], $0x0  }
0x24: {  	s3 =	sadd.s32 $0x88, s3;
	s6 =	simm.s32 @!p1 $0x1082;
	[sflag:s4] =	ssyncset.s32 $0xFFFFF086  }
0x25: {  	[simem:s6], [sflag:s4] =	dma.local [hbm:s3], $0xF7A  }
0x26: {  	[smem:$0x3F9B] =	sst s1;
	(tag) =	ssettag s2;
	_ =	strace s9  }
0x27: {  	s1 =	sld [smem:$0x3FAB]  }
0x28: {  	s2 =	sld [smem:$0x3FAC]  }
0x29: {  	s4 =	sld [smem:$0x3FAE]  }
0x2a: {  	p0 =	seq.s32 s5, $0x0;
	s5 =	sld [smem:$0x3FAF]  }
0x2b: {  	s6 =	sld [smem:$0x3FB0]  }
0x2c: {  	s7 =	sld [smem:$0x3FB1]  }
0x2d: {  	s3 =	simm.s32 $0x108;
	s8 =	sld [smem:$0x3FB2]  }
0x2e: {  	s3 =	simm.s32 @!p0 $0x1082;
	s9 =	sld [smem:$0x3FB3]  }
0x2f: {  	lr =	sadd.s32 s0, s3;
	s0 =	sld [smem:$0x3FAA]  }
0x30: {  	s3 =	sld [smem:$0x3FAD]  }
0x31: {  	[smem:$0x3FB6] =	sst s10  }
0x32: {  	s10 =	sld [smem:$0x3FB4];
	_ =	sdelay $0x3  }
0x33: {  	p0 =	seq.s32 s10, $0x1;
	s10 =	sld [smem:$0x3FB6];
	_ =	sdelay $0x3  }
0x34: {  	[smem:$0x3FB6] =	sst s10  }
0x35: {  	s10 =	sld [smem:$0x3FB5];
	_ =	sdelay $0x3  }
0x36: {  	p1 =	seq.s32 s10, $0x1;
	s10 =	sld [smem:$0x3FB6];
	_ =	sdelay $0x3  }
0x37: {  	[smem:$0x3FB6] =	sst s10  }
0x38: {  	s10 =	sld [smem:$0x3FB7]  }
0x39: {  	_ = 	snop;
	(pc) =	sbr.ind lr, $3  }
0x3a: {  	_ = 	snop  }
0x3b: {  	_ = 	snop  }
0x3c: {  	p2 =	seq.s32 s10, $0x1;
	s10 =	sld [smem:$0x3FB6]  }
0x3d: {  	_ =	shalt  }
0x3e: {  	_ =	shalt  }
0x3f: {  	_ =	shalt  }
0x40: {  	_ =	shalt  }
0x41: {  	_ =	shalt  }
0x42: {  	_ =	shalt  }
0x43: {  	_ =	shalt  }
0x44: {  	_ =	shalt  }
0x45: {  	_ =	shalt  }
0x46: {  	_ =	shalt  }
0x47: {  	_ =	shalt  }
0x48: {  	_ =	shalt  }
0x49: {  	_ =	shalt  }
0x4a: {  	_ =	shalt  }
0x4b: {  	_ =	shalt  }
0x4c: {  	_ =	shalt  }
0x4d: {  	_ =	shalt  }
0x4e: {  	_ =	shalt  }
0x4f: {  	_ =	shalt  }
0x50: {  	_ =	shalt  }
0x51: {  	_ =	shalt  }
0x52: {  	_ =	shalt  }
0x53: {  	_ =	shalt  }
0x54: {  	_ =	shalt  }
0x55: {  	_ =	shalt  }
0x56: {  	_ =	shalt  }
0x57: {  	_ =	shalt  }
0x58: {  	_ =	shalt  }
0x59: {  	_ =	shalt  }
0x5a: {  	_ =	shalt  }
0x5b: {  	_ =	shalt  }
0x5c: {  	_ =	shalt  }
0x5d: {  	_ =	shalt  }
0x5e: {  	_ =	shalt  }
0x5f: {  	_ =	shalt  }
0x60: {  	_ =	shalt  }
0x61: {  	_ =	shalt  }
0x62: {  	_ =	shalt  }
0x63: {  	_ =	shalt  }
0x64: {  	_ =	shalt  }
0x65: {  	_ =	shalt  }
0x66: {  	_ =	shalt  }
0x67: {  	_ =	shalt  }
0x68: {  	_ =	shalt  }
0x69: {  	_ =	shalt  }
0x6a: {  	_ =	shalt  }
0x6b: {  	_ =	shalt  }
0x6c: {  	_ =	shalt  }
0x6d: {  	_ =	shalt  }
0x6e: {  	_ =	shalt  }
0x6f: {  	_ =	shalt  }
0x70: {  	_ =	shalt  }
0x71: {  	_ =	shalt  }
0x72: {  	_ =	shalt  }
0x73: {  	_ =	shalt  }
0x74: {  	_ =	shalt  }
0x75: {  	_ =	shalt  }
0x76: {  	_ =	shalt  }
0x77: {  	_ =	shalt  }
0x78: {  	_ =	shalt  }
0x79: {  	_ =	shalt  }
0x7a: {  	_ =	shalt  }
0x7b: {  	_ =	shalt  }
0x7c: {  	_ =	shalt  }
0x7d: {  	_ =	shalt  }
0x7e: {  	_ =	shalt  }
0x7f: {  	_ =	shalt  }
0x80: {  	_ =	shalt  }
0x81: {  	_ =	shalt  }
0x82: {  	_ =	shalt  }
0x83: {  	_ =	shalt  }
0x84: {  	_ =	shalt  }
0x85: {  	_ =	shalt  }
0x86: {  	_ =	shalt  }
0x87: {  	_ =	shalt  }
.Lfunc_end0:
.L_simem_size_0:
called_computation_lowered:
.L_overlay_start_0:
0x88: {  	s2 =	sld [smem:$0x3FD9]  }
0x89: {  	s3 =	sld [smem:$0x3FFE];
	_ =	sdelay $0x1  }
0x8a: {  	s1 =	srdreg.scid  }
0x8b: {  	s0 =	sand.u32 $0x1, s1  }
0x8c: {  	s17 =	sshll.u32 s0, $0xA;
	s2 =	sadd.s32 s3, s2  }
0x8d: {  	s2 =	sadd.s32 s2, s17  }
0x8e: {  	[smem:$0x3FC2] =	sst s2  }
0x8f: {  	_ = 	snop  }
0x90: {  	s2 =	sld [smem:$0x3FD0];
	(tm) =	ssettm $0x1  }
0x91: {  	s18 =	sld [smem:$0x3FFB];
	_ =	sdelay $0x3  }
0x92: {  	_ =	strace s18  }
0x93: {  	s3 =	sld [smem:$0x3FFC];
	_ =	sdelay $0x3  }
0x94: {  	_ =	strace s3  }
0x95: {  	s3 =	sld [smem:$0x3FFD];
	_ =	sdelay $0x3  }
0x96: {  	_ =	strace s3  }
0x97: {  	_ =	strace $0x8FFFFFFF  }
0x98: {  	s19 =	sld [smem:$0x3FDB];
	_ =	sdelay $0x1  }
0x99: {  	s4 =	simm.s32 $_scs_section_size  }
0x9a: {  	s5 =	simm.s32 $_size__tile_overlayer_lowered;
	s6 =	simm.s32 $_tile_overlayer_lowered  }
0x9b: {  	s22 =	simm.s32 $0x1BFF;
	s21 =	sshll.u32 s6, $0x1;
	s3 =	sadd.s32 s4, s19  }
0x9c: {  	s7 =	simm.s32 $0x0;
	s20 =	sshll.u32 s5, $0x1;
	s5 =	sadd.s32 s21, s3  }
0x9d: {  	[timem:s7], [sflag:s22] =	dma.local [hbm:s5], s20  }
0x9e: {  	_ =	swait.ge [sflag:s22], s20  }
0x9f: {  	s4 =	ssub.s32 $0x0, s20;
	[sflag:s22] =	ssyncset.done $0x0  }
0xa0: {  	[sflag:s22] =	ssyncadd.s32 s4;
	_ =	sdelay $0x1  }
0xa1: {  	s23 =	simm.s32 $0x1B8B  }
0xa2: {  	_ =	swait.ge [sflag:s23], $0x1  }
0xa3: {  	[sflag:s23] =	ssyncset.done $0x0  }
0xa4: {  	s25 =	simm.s32 $0x1B8E;
	s24 =	sld [smem:$0x3FFE];
	[sflag:s23] =	ssyncadd.s32 $0xFFFFFFFF  }
0xa5: {  	s26 =	simm.s32 $execute0_lowered;
	[smem:$0x3FD2] =	sst s25  }
0xa6: {  	s5 =	sshll.u32 s26, $0x1;
	_ =	strace $0x80000046;
	[dreg:$0x1] =	wrdreg $0xFFFFFFFF  }
0xa7: {  	s28 =	simm.s32 $_size_execute0_lowered;
	s3 =	sadd.s32 s3, s5;
	[dreg:$0x0] =	wrdreg $0x0  }
0xa8: {  	s5 =	sshll.u32 s28, $0x1;
	[dreg:$0x2] =	wrdreg s3  }
0xa9: {  	[dreg:$0x3] =	wrdreg s5  }
0xaa: {  	[dreg:$0x4] =	wrdreg $0xC0  }
0xab: {  	_ =	task [dreg:s7], $0x5FFFF  }
0xac: {  	[dreg:$0x1] =	wrdreg $0xFFFFFFFF  }
0xad: {  	[dreg:$0x0] =	wrdreg $0x60  }
0xae: {  	[dreg:$0x2] =	wrdreg s24  }
0xaf: {  	[dreg:$0x3] =	wrdreg s2  }
0xb0: {  	[dreg:$0x4] =	wrdreg $0x0  }
0xb1: {  	[dreg:$0x5] =	wrdreg $0x28000  }
0xb2: {  	[dreg:$0x6] =	wrdreg $0x9  }
0xb3: {  	_ =	task.clear_ibuf [dreg:s7], $0x7FFFF;
	_ =	strace $0x90000046  }
0xb4: {  	s29 =	simm.s32 $0x9;
	_ =	strace $0x80000048  }
0xb5: {  	_ =	swait.ge [sflag:s29], $0x1  }
0xb6: {  	[sflag:s29] =	ssyncadd.s32 $0xFFFFFFFF  }
0xb7: {  	_ =	strace $0x90000048  }
0xb8: {  	_ =	sfence  }
0xb9: {  	s30 =	sld [smem:$0x0];
	_ =	sdelay $0x2  }
0xba: {  	s31 =	sshll.u32 s1, $0xD;
	s1 =	sshrl.u32 s1, $0x2  }
0xbb: {  	s3 =	sand.u32 $0x4000, s31;
	s1 =	sadd.s32 s1, s30  }
0xbc: {  	s0 =	sor.u32 s3, s0;
	s1 =	sshll.u32 s1, $0x11  }
0xbd: {  	s0 =	sor.u32 s1, s0  }
0xbe: {  	s0 =	sadd.s32 $0x8F2B, s0  }
0xbf: {  	[sflag:s0] =	ssyncadd.remote.s32 $0x1  }
0xc0: {  	_ =	sfence.sel $0xFFFF  }
0xc1: {  	[dreg:$0x0] =	wrdreg $0xFFFFFFFF;
	(pc) =	sbr.abs _section_cstart, $3  }
0xc2: {  	[dreg:$0x1] =	wrdreg $0xFFFFFFFF  }
0xc3: {  	_ =	task.clear_ibuf [dreg:s7], $0x2FFFF;
	_ =	strace $0x9FFFFFFF  }
0xc4: {  	(tm) =	ssettm $0x7FFFFFFF  }
0xc5: {  	_ =	shalt  }
tec
execute0_lowered:
.L_overlay_start_1:
0x0: {  	(tag) =	ssettag $0x1  }
0x1: {  	s4 =	rddreg [dreg:$0x0]  }
0x2: {  	s5 =	rddreg [dreg:$0x1]  }
0x3: {  	s7 =	rddreg [dreg:$0x2]  }
0x4: {  	s0 =	srdreg.scid;
	s9 =	rddreg [dreg:$0x3];
	s2 =	simm.s32 $0x0  }
0x5: {  	s15 =	simm.s32 $0x5000;
	s16 =	simm.s32 $0x7800;
	s17 =	simm.s32 $0x80  }
0x6: {  	s18 =	simm.s32 $0x400;
	s19 =	simm.s32 $0x1400;
	s20 =	simm.s32 $0x14000  }
0x7: {  	s21 =	simm.s32 $0xF000;
	s22 =	simm.s32 $0x100;
	s23 =	simm.s32 $0x11800  }
0x8: {  	s24 =	simm.s32 $0x0;
	s3 =	sand.u32 $0x1, s0;
	s0 =	stileid.u32  }
0x9: {  	[smem:$0x7FF] =	sst s2;
	s1 =	sshll.u32 s3, $0x4;
	s8 =	smul.u32 $0x5000, s3  }
0xa: {  	s10 =	smul.u32 $0x500, s0;
	s3 =	ssub.s32 $0x2, s3;
	s28 =	sshrl.u32 s0, $0x3  }
0xb: {  	s13 =	sshll.u32 s0, $0x7;
	s31 =	smul.u32 $0x1400, s0;
	s1 =	sor.u32 s0, s1  }
0xc: {  	s12 =	sshrl.u32 s3, $0x1;
	s29 =	sand.u32 $0x380, s13;
	s13 =	simm.s32 $0x1  }
0xd: {  	s6 =	smul.u32 $0x500, s1;
	s1 =	rddreg [dreg:$0x4];
	s8 =	sadd.s32 s10, s8  }
0xe: {  	_ =	strace $0x80000047;
	s10 =	smul.u32 $0x14000, s28;
	s8 =	sshrl.u32 s8, $0x3  }
0xf: {  	s12 =	ssub.s32 s3, s12;
	s11 =	sadd.s32 s6, s4;
	s14 =	sadd.s32 s8, s4  }
0x10: {  	s30 =	sor.u32 s29, s10;
	s4 =	sadd.s32 s5, s6;
	s3 =	sadd.s32 $0x1A00, s11  }
0x11: {  	s5 =	sadd.s32 s30, s7;
	s6 =	sadd.s32 s30, s9;
	s7 =	sadd.s32 s31, s7  }
0x12: {  	s8 =	sadd.s32 $0xBA00, s14;
	s9 =	sadd.s32 s31, s9;
	s10 =	sadd.s32 $0xBA10, s14  }
0x13: {  	v0 =	vimm.f32 $0.0e+00;
	v1 =	vimm.f32 $1.000000000e+00;
	s11 =	smax.u32 s12, $0x1;
	s12 =	simm.s32 $0xA000;
	s14 =	simm.s32 $0xC800  }
.LBB2_1:
0x14: {  	[tilespmem:s12], [sflag:$0x1] =	stream.linear.gather [hbm4b:s3+s2], $0x2800, $0x38;
	[tilespmem:$0x11A80] =	vst v63  }
0x15: {  	_ =	swait.ge [sflag:s13], $0x2800  }
0x16: {  	[sflag:s13] =	ssyncset.done $0x0  }
0x17: {  	[sflag:s13] =	ssyncadd.s32 $0xFFFFD800  }
0x18: {  	[tilespmem:s14], [sflag:$0x1] =	stream.linear.gather [hbm4b:s4+s2], $0x2800, $0x38;
	[tilespmem:$0x11A80] =	vst v63  }
0x19: {  	_ =	swait.ge [sflag:s13], $0x2800  }
0x1a: {  	[sflag:s13] =	ssyncset.done $0x0  }
0x1b: {  	s25 =	simm.s32 $0x40;
	s26 =	simm.s32 $0x0;
	[sflag:s13] =	ssyncadd.s32 $0xFFFFD800  }
.LBB2_2:
0x1c: {  	p0 =	sne.s32 s25, $0x9FC0;
	[tilespmem:s26+$0x5000] =	vst v0;
	s26 =	smov.u32 s25;
	s25 =	sadd.s32 $0x40, s25  }
.Ltmp0:
0x1d: {  	(pc) =	sbr.rel @p0 .LBB2_2-.Ltmp0, $2  }
0x1e: {  	_ =	sdelay $0x2  }
0x1f: {  	s26 =	sshra.s32 s26, $0x2  }
0x20: {  	[tilespmem:s26+$0x5000] =	vst v0;
	s25 =	simm.s32 $0x0;
	s26 =	simm.s32 $0x40;
	s28 =	simm.s32 $0x0  }
.LBB2_4:
0x21: {  	p0 =	sne.s32 s26, $0x9FC0;
	[tilespmem:s28+$0x7800] =	vst v0;
	s28 =	smov.u32 s26;
	s26 =	sadd.s32 $0x40, s26  }
.Ltmp1:
0x22: {  	(pc) =	sbr.rel @p0 .LBB2_4-.Ltmp1, $2  }
0x23: {  	_ =	sdelay $0x2  }
0x24: {  	s28 =	sshra.s32 s28, $0x2  }
0x25: {  	[tilespmem:s28+$0x7800] =	vst v0  }
.LBB2_6:
0x26: {  	s26 =	sshra.s32 s25, $0x2  }
0x27: {  	v2 =	vld [tilespmem:s26+$0xA000];
	_ =	sdelay $0x7  }
0x28: {  	[tilespmem:v2+s15+$0x0] =	vst.idx.add.f32.msk $0xffff, v1  }
0x29: {  	v2 =	vld [tilespmem:s26+$0xC800];
	_ =	sdelay $0x7  }
0x2a: {  	[tilespmem:v2+s16+$0x0] =	vst.idx.add.f32.msk $0xffff, v1  }
0x2b: {  	v2 =	vld [tilespmem:s26+$0xA010];
	_ =	sdelay $0x7  }
0x2c: {  	[tilespmem:v2+s15+$0x0] =	vst.idx.add.f32.msk $0xffff, v1  }
0x2d: {  	v2 =	vld [tilespmem:s26+$0xC810];
	_ =	sdelay $0x7  }
0x2e: {  	[tilespmem:v2+s16+$0x0] =	vst.idx.add.f32.msk $0xffff, v1  }
0x2f: {  	v2 =	vld [tilespmem:s26+$0xA020];
	_ =	sdelay $0x7  }
0x30: {  	[tilespmem:v2+s15+$0x0] =	vst.idx.add.f32.msk $0xffff, v1  }
0x31: {  	v2 =	vld [tilespmem:s26+$0xC820];
	_ =	sdelay $0x7  }
0x32: {  	[tilespmem:v2+s16+$0x0] =	vst.idx.add.f32.msk $0xffff, v1  }
0x33: {  	v2 =	vld [tilespmem:s26+$0xA030];
	_ =	sdelay $0x7  }
0x34: {  	[tilespmem:v2+s15+$0x0] =	vst.idx.add.f32.msk $0xffff, v1  }
0x35: {  	v2 =	vld [tilespmem:s26+$0xC830];
	_ =	sdelay $0x7  }
0x36: {  	[tilespmem:v2+s16+$0x0] =	vst.idx.add.f32.msk $0xffff, v1  }
0x37: {  	v2 =	vld [tilespmem:s26+$0xA040];
	_ =	sdelay $0x7  }
0x38: {  	[tilespmem:v2+s15+$0x0] =	vst.idx.add.f32.msk $0xffff, v1  }
0x39: {  	v2 =	vld [tilespmem:s26+$0xC840];
	_ =	sdelay $0x7  }
0x3a: {  	[tilespmem:v2+s16+$0x0] =	vst.idx.add.f32.msk $0xffff, v1  }
0x3b: {  	v2 =	vld [tilespmem:s26+$0xA050];
	_ =	sdelay $0x7  }
0x3c: {  	[tilespmem:v2+s15+$0x0] =	vst.idx.add.f32.msk $0xffff, v1  }
0x3d: {  	v2 =	vld [tilespmem:s26+$0xC850];
	_ =	sdelay $0x7  }
0x3e: {  	[tilespmem:v2+s16+$0x0] =	vst.idx.add.f32.msk $0xffff, v1  }
0x3f: {  	v2 =	vld [tilespmem:s26+$0xA060];
	_ =	sdelay $0x7  }
0x40: {  	[tilespmem:v2+s15+$0x0] =	vst.idx.add.f32.msk $0xffff, v1  }
0x41: {  	v2 =	vld [tilespmem:s26+$0xC860];
	_ =	sdelay $0x7  }
0x42: {  	[tilespmem:v2+s16+$0x0] =	vst.idx.add.f32.msk $0xffff, v1  }
0x43: {  	v2 =	vld [tilespmem:s26+$0xA070];
	_ =	sdelay $0x7  }
0x44: {  	[tilespmem:v2+s15+$0x0] =	vst.idx.add.f32.msk $0xffff, v1  }
0x45: {  	v2 =	vld [tilespmem:s26+$0xC870];
	_ =	sdelay $0x2  }
0x46: {  	p0 =	sne.s32 s25, $0x9E00  }
.Ltmp2:
0x47: {  	_ = 	snop;
	(pc) =	sbr.rel @p0 .LBB2_6-.Ltmp2, $2  }
0x48: {  	_ =	sdelay $0x2  }
0x49: {  	s25 =	sadd.s32 $0x200, s25;
	[tilespmem:v2+s16+$0x0] =	vst.idx.add.f32.msk $0xffff, v1  }
0x4a: {  	[spmem:s5] =	stream.strided.scatter [tilespmem:s15], [sflag:$0x1], $0x2800, s18, s17, $0x38;
	[tilespmem:$0x11A80] =	vst v63  }
0x4b: {  	_ =	swait.ge [sflag:s13], $0x2800  }
0x4c: {  	[sflag:s13] =	ssyncset.done $0x0  }
0x4d: {  	[sflag:s13] =	ssyncadd.s32 $0xFFFFD800  }
0x4e: {  	[spmem:s6] =	stream.strided.scatter [tilespmem:s16], [sflag:$0x1], $0x2800, s18, s17, $0x38;
	[tilespmem:$0x11A80] =	vst v63  }
0x4f: {  	_ =	swait.ge [sflag:s13], $0x2800  }
0x50: {  	[sflag:s13] =	ssyncset.done $0x0  }
0x51: {  	[sflag:s13] =	ssyncadd.s32 $0xFFFFD800  }
0x52: {  	[bflag:$0x0] =	sbarrier.arrive $0xFFFF  }
0x53: {  	[tilespmem:s21], [sflag:$0x1] =	stream.strided.gather [spmem:s7], $0x2800, s20, s19, $0x38;
	[tilespmem:$0x11A80] =	vst v63  }
0x54: {  	s25 =	simm.s32 $0x0;
	_ =	swait.ge [sflag:s13], $0x2800  }
0x55: {  	s26 =	sand.u32 $0x70, s25;
	s25 =	sand.u32 $0x1C00, s25;
	[sflag:s13] =	ssyncset.done $0x0  }
0x56: {  	s25 =	sor.u32 s26, s25;
	[sflag:s13] =	ssyncadd.s32 $0xFFFFD800  }
0x57: {  	v2 =	vld [tilespmem:s25+$0xF080]  }
0x58: {  	v3 =	vld [tilespmem:s25+$0xF000];
	_ =	sdelay $0x1  }
0x59: {  	v4 =	vld [tilespmem:s25+$0xF100];
	_ =	sdelay $0x1  }
0x5a: {  	v5 =	vld [tilespmem:s25+$0xF180]  }
0x5b: {  	v2 =	vadd.f32 v2, v3  }
0x5c: {  	v3 =	vld [tilespmem:s25+$0xF200]  }
0x5d: {  	v2 =	vadd.f32 v4, v2  }
0x5e: {  	v56 =	vld [tilespmem:s25+$0xF280]  }
0x5f: {  	v2 =	vadd.f32 v5, v2  }
0x60: {  	v57 =	vld [tilespmem:s25+$0xF300]  }
0x61: {  	v2 =	vadd.f32 v3, v2  }
0x62: {  	v3 =	vld [tilespmem:s25+$0xF380]  }
0x63: {  	v2 =	vadd.f32 v56, v2  }
0x64: {  	v58 =	vld [tilespmem:s25+$0x10400]  }
0x65: {  	v2 =	vadd.f32 v57, v2  }
0x66: {  	v59 =	vld [tilespmem:s25+$0x10480]  }
0x67: {  	v2 =	vadd.f32 v3, v2  }
0x68: {  	v3 =	vld [tilespmem:s25+$0x10500]  }
0x69: {  	v2 =	vadd.f32 v58, v2  }
0x6a: {  	v60 =	vld [tilespmem:s25+$0x10580]  }
0x6b: {  	v2 =	vadd.f32 v59, v2  }
0x6c: {  	v61 =	vld [tilespmem:s25+$0x10600]  }
0x6d: {  	v2 =	vadd.f32 v3, v2  }
0x6e: {  	v3 =	vld [tilespmem:s25+$0x10680]  }
0x6f: {  	v2 =	vadd.f32 v60, v2  }
0x70: {  	v62 =	vld [tilespmem:s25+$0x10700]  }
0x71: {  	v2 =	vadd.f32 v61, v2  }
0x72: {  	v63 =	vld [tilespmem:s25+$0x10780]  }
0x73: {  	v2 =	vadd.f32 v3, v2;
	_ =	sdelay $0x1  }
0x74: {  	v2 =	vadd.f32 v62, v2;
	_ =	sdelay $0x1  }
0x75: {  	s31 =	simm.s32 $0x10;
	s28 =	simm.s32 $0x80;
	v2 =	vadd.f32 v63, v2  }
0x76: {  	s29 =	sand.u32 $0x1C00, s28;
	s26 =	sand.u32 $0x70, s31;
	s25 =	simm.s32 $0x11800  }
0x77: {  	s26 =	sor.u32 s26, s29;
	s29 =	simm.s32 $0x20;
	[tilespmem:s25+$0x0] =	vst v2  }
.LBB2_8:
0x78: {  	p0 =	sne.s32 s29, $0x270;
	v2 =	vld [tilespmem:s26+$0xF080]  }
0x79: {  	v3 =	vld [tilespmem:s26+$0xF000];
	_ =	sdelay $0x1  }
0x7a: {  	v4 =	vld [tilespmem:s26+$0xF100];
	_ =	sdelay $0x1  }
0x7b: {  	v5 =	vld [tilespmem:s26+$0xF180]  }
0x7c: {  	v2 =	vadd.f32 v2, v3  }
0x7d: {  	v3 =	vld [tilespmem:s26+$0xF200]  }
0x7e: {  	v2 =	vadd.f32 v4, v2  }
0x7f: {  	v4 =	vld [tilespmem:s26+$0xF280]  }
0x80: {  	v2 =	vadd.f32 v5, v2  }
0x81: {  	v5 =	vld [tilespmem:s26+$0xF300]  }
0x82: {  	v2 =	vadd.f32 v3, v2  }
0x83: {  	v3 =	vld [tilespmem:s26+$0xF380]  }
0x84: {  	v2 =	vadd.f32 v4, v2  }
0x85: {  	v4 =	vld [tilespmem:s26+$0x10400]  }
0x86: {  	v2 =	vadd.f32 v5, v2  }
0x87: {  	v5 =	vld [tilespmem:s26+$0x10480]  }
0x88: {  	v2 =	vadd.f32 v3, v2  }
0x89: {  	v3 =	vld [tilespmem:s26+$0x10500]  }
0x8a: {  	v2 =	vadd.f32 v4, v2  }
0x8b: {  	v4 =	vld [tilespmem:s26+$0x10580]  }
0x8c: {  	v2 =	vadd.f32 v5, v2  }
0x8d: {  	v5 =	vld [tilespmem:s26+$0x10600]  }
0x8e: {  	v2 =	vadd.f32 v3, v2  }
0x8f: {  	v3 =	vld [tilespmem:s26+$0x10680]  }
0x90: {  	v2 =	vadd.f32 v4, v2  }
0x91: {  	v4 =	vld [tilespmem:s26+$0x10700]  }
0x92: {  	v2 =	vadd.f32 v5, v2  }
0x93: {  	v5 =	vld [tilespmem:s26+$0x10780]  }
0x94: {  	v2 =	vadd.f32 v3, v2;
	_ =	sdelay $0x1  }
.Ltmp3:
0x95: {  	v2 =	vadd.f32 v4, v2;
	(pc) =	sbr.rel @p0 .LBB2_8-.Ltmp3, $4  }
0x96: {  	_ = 	snop  }
0x97: {  	s28 =	sadd.s32 $0x80, s28;
	v2 =	vadd.f32 v5, v2  }
0x98: {  	s25 =	sadd.s32 $0x10, s25;
	s30 =	sand.u32 $0x1C00, s28;
	s26 =	sand.u32 $0x70, s29  }
0x99: {  	s29 =	sadd.s32 $0x10, s29;
	s26 =	sor.u32 s26, s30;
	[tilespmem:s25+$0x0] =	vst v2  }
0x9a: {  	v2 =	vld [tilespmem:s26+$0xF080]  }
0x9b: {  	v3 =	vld [tilespmem:s26+$0xF000];
	_ =	sdelay $0x1  }
0x9c: {  	v4 =	vld [tilespmem:s26+$0xF100];
	_ =	sdelay $0x1  }
0x9d: {  	v5 =	vld [tilespmem:s26+$0xF180]  }
0x9e: {  	v2 =	vadd.f32 v2, v3  }
0x9f: {  	v3 =	vld [tilespmem:s26+$0xF200]  }
0xa0: {  	v2 =	vadd.f32 v4, v2  }
0xa1: {  	v46 =	vld [tilespmem:s26+$0xF280]  }
0xa2: {  	v2 =	vadd.f32 v5, v2  }
0xa3: {  	v47 =	vld [tilespmem:s26+$0xF300]  }
0xa4: {  	v2 =	vadd.f32 v3, v2  }
0xa5: {  	v3 =	vld [tilespmem:s26+$0xF380]  }
0xa6: {  	v2 =	vadd.f32 v46, v2  }
0xa7: {  	v48 =	vld [tilespmem:s26+$0x10400]  }
0xa8: {  	v2 =	vadd.f32 v47, v2  }
0xa9: {  	v49 =	vld [tilespmem:s26+$0x10480]  }
0xaa: {  	v2 =	vadd.f32 v3, v2  }
0xab: {  	v3 =	vld [tilespmem:s26+$0x10500]  }
0xac: {  	v2 =	vadd.f32 v48, v2  }
0xad: {  	v50 =	vld [tilespmem:s26+$0x10580]  }
0xae: {  	v2 =	vadd.f32 v49, v2  }
0xaf: {  	v51 =	vld [tilespmem:s26+$0x10600]  }
0xb0: {  	v2 =	vadd.f32 v3, v2  }
0xb1: {  	v3 =	vld [tilespmem:s26+$0x10680]  }
0xb2: {  	v2 =	vadd.f32 v50, v2  }
0xb3: {  	v52 =	vld [tilespmem:s26+$0x10700]  }
0xb4: {  	v2 =	vadd.f32 v51, v2  }
0xb5: {  	v53 =	vld [tilespmem:s26+$0x10780]  }
0xb6: {  	v2 =	vadd.f32 v3, v2;
	_ =	sdelay $0x1  }
0xb7: {  	v2 =	vadd.f32 v52, v2;
	_ =	sdelay $0x1  }
0xb8: {  	v2 =	vadd.f32 v53, v2  }
0xb9: {  	s25 =	sadd.s32 $0x10, s25  }
0xba: {  	[tilespmem:s25+$0x0] =	vst v2;
	s25 =	simm.s32 $0x11800  }
0xbb: {  	[hbm4b:s8+s17] =	stream.strided.scatter [tilespmem:s25], [sflag:$0x1], $0x280, s22, s17, $0x38;
	[tilespmem:$0x11A80] =	vst v63  }
0xbc: {  	_ =	swait.ge [sflag:s13], $0x280  }
0xbd: {  	[sflag:s13] =	ssyncset.done $0x0  }
0xbe: {  	[sflag:s13] =	ssyncadd.s32 $0xFFFFFD80  }
0xbf: {  	[tilespmem:s21], [sflag:$0x1] =	stream.strided.gather [spmem:s9], $0x2800, s20, s19, $0x38;
	[tilespmem:$0x11A80] =	vst v63  }
0xc0: {  	s30 =	simm.s32 $0x0;
	_ =	swait.ge [sflag:s13], $0x2800  }
0xc1: {  	s28 =	sand.u32 $0x70, s30;
	s26 =	sand.u32 $0x1C00, s30;
	[sflag:s13] =	ssyncset.done $0x0  }
0xc2: {  	s26 =	sor.u32 s28, s26;
	[sflag:s13] =	ssyncadd.s32 $0xFFFFD800  }
0xc3: {  	v2 =	vld [tilespmem:s26+$0xF080]  }
0xc4: {  	v3 =	vld [tilespmem:s26+$0xF000];
	_ =	sdelay $0x1  }
0xc5: {  	v54 =	vld [tilespmem:s26+$0xF100];
	_ =	sdelay $0x1  }
0xc6: {  	v55 =	vld [tilespmem:s26+$0xF180]  }
0xc7: {  	v2 =	vadd.f32 v2, v3  }
0xc8: {  	v3 =	vld [tilespmem:s26+$0xF200]  }
0xc9: {  	v2 =	vadd.f32 v54, v2  }
0xca: {  	v56 =	vld [tilespmem:s26+$0xF280]  }
0xcb: {  	v2 =	vadd.f32 v55, v2  }
0xcc: {  	v57 =	vld [tilespmem:s26+$0xF300]  }
0xcd: {  	v2 =	vadd.f32 v3, v2  }
0xce: {  	v3 =	vld [tilespmem:s26+$0xF380]  }
0xcf: {  	v2 =	vadd.f32 v56, v2  }
0xd0: {  	v58 =	vld [tilespmem:s26+$0x10400]  }
0xd1: {  	v2 =	vadd.f32 v57, v2  }
0xd2: {  	v59 =	vld [tilespmem:s26+$0x10480]  }
0xd3: {  	v2 =	vadd.f32 v3, v2  }
0xd4: {  	v3 =	vld [tilespmem:s26+$0x10500]  }
0xd5: {  	v2 =	vadd.f32 v58, v2  }
0xd6: {  	v60 =	vld [tilespmem:s26+$0x10580]  }
0xd7: {  	v2 =	vadd.f32 v59, v2  }
0xd8: {  	v61 =	vld [tilespmem:s26+$0x10600]  }
0xd9: {  	v2 =	vadd.f32 v3, v2  }
0xda: {  	v3 =	vld [tilespmem:s26+$0x10680]  }
0xdb: {  	v2 =	vadd.f32 v60, v2  }
0xdc: {  	v62 =	vld [tilespmem:s26+$0x10700]  }
0xdd: {  	v2 =	vadd.f32 v61, v2  }
0xde: {  	v63 =	vld [tilespmem:s26+$0x10780]  }
0xdf: {  	v2 =	vadd.f32 v3, v2;
	_ =	sdelay $0x1  }
0xe0: {  	v2 =	vadd.f32 v62, v2;
	_ =	sdelay $0x1  }
0xe1: {  	s31 =	simm.s32 $0x10;
	s28 =	simm.s32 $0x80;
	v2 =	vadd.f32 v63, v2  }
0xe2: {  	s29 =	sand.u32 $0x1C00, s28;
	s26 =	sand.u32 $0x70, s31  }
0xe3: {  	s26 =	sor.u32 s26, s29;
	s29 =	simm.s32 $0x20;
	[tilespmem:s25+$0x0] =	vst v2  }
.LBB2_10:
0xe4: {  	p0 =	sne.s32 s29, $0x270;
	v2 =	vld [tilespmem:s26+$0xF080]  }
0xe5: {  	v3 =	vld [tilespmem:s26+$0xF000];
	_ =	sdelay $0x1  }
0xe6: {  	v4 =	vld [tilespmem:s26+$0xF100];
	_ =	sdelay $0x1  }
0xe7: {  	v5 =	vld [tilespmem:s26+$0xF180]  }
0xe8: {  	v2 =	vadd.f32 v2, v3  }
0xe9: {  	v3 =	vld [tilespmem:s26+$0xF200]  }
0xea: {  	v2 =	vadd.f32 v4, v2  }
0xeb: {  	v4 =	vld [tilespmem:s26+$0xF280]  }
0xec: {  	v2 =	vadd.f32 v5, v2  }
0xed: {  	v5 =	vld [tilespmem:s26+$0xF300]  }
0xee: {  	v2 =	vadd.f32 v3, v2  }
0xef: {  	v3 =	vld [tilespmem:s26+$0xF380]  }
0xf0: {  	v2 =	vadd.f32 v4, v2  }
0xf1: {  	v4 =	vld [tilespmem:s26+$0x10400]  }
0xf2: {  	v2 =	vadd.f32 v5, v2  }
0xf3: {  	v5 =	vld [tilespmem:s26+$0x10480]  }
0xf4: {  	v2 =	vadd.f32 v3, v2  }
0xf5: {  	v3 =	vld [tilespmem:s26+$0x10500]  }
0xf6: {  	v2 =	vadd.f32 v4, v2  }
0xf7: {  	v4 =	vld [tilespmem:s26+$0x10580]  }
0xf8: {  	v2 =	vadd.f32 v5, v2  }
0xf9: {  	v5 =	vld [tilespmem:s26+$0x10600]  }
0xfa: {  	v2 =	vadd.f32 v3, v2  }
0xfb: {  	v3 =	vld [tilespmem:s26+$0x10680]  }
0xfc: {  	v2 =	vadd.f32 v4, v2  }
0xfd: {  	v4 =	vld [tilespmem:s26+$0x10700]  }
0xfe: {  	v2 =	vadd.f32 v5, v2  }
0xff: {  	v5 =	vld [tilespmem:s26+$0x10780]  }
0x100: {  	v2 =	vadd.f32 v3, v2;
	_ =	sdelay $0x1  }
.Ltmp4:
0x101: {  	v2 =	vadd.f32 v4, v2;
	(pc) =	sbr.rel @p0 .LBB2_10-.Ltmp4, $4  }
0x102: {  	_ = 	snop  }
0x103: {  	s28 =	sadd.s32 $0x80, s28;
	v2 =	vadd.f32 v5, v2  }
0x104: {  	s25 =	sadd.s32 $0x10, s25;
	s30 =	sand.u32 $0x1C00, s28;
	s26 =	sand.u32 $0x70, s29  }
0x105: {  	s29 =	sadd.s32 $0x10, s29;
	s26 =	sor.u32 s26, s30;
	[tilespmem:s25+$0x0] =	vst v2  }
0x106: {  	v2 =	vld [tilespmem:s26+$0xF080]  }
0x107: {  	v3 =	vld [tilespmem:s26+$0xF000];
	_ =	sdelay $0x1  }
0x108: {  	v4 =	vld [tilespmem:s26+$0xF100];
	_ =	sdelay $0x1  }
0x109: {  	v5 =	vld [tilespmem:s26+$0xF180]  }
0x10a: {  	v2 =	vadd.f32 v2, v3  }
0x10b: {  	v3 =	vld [tilespmem:s26+$0xF200]  }
0x10c: {  	v2 =	vadd.f32 v4, v2  }
0x10d: {  	v56 =	vld [tilespmem:s26+$0xF280]  }
0x10e: {  	v2 =	vadd.f32 v5, v2  }
0x10f: {  	v57 =	vld [tilespmem:s26+$0xF300]  }
0x110: {  	v2 =	vadd.f32 v3, v2  }
0x111: {  	v3 =	vld [tilespmem:s26+$0xF380]  }
0x112: {  	v2 =	vadd.f32 v56, v2  }
0x113: {  	v58 =	vld [tilespmem:s26+$0x10400]  }
0x114: {  	v2 =	vadd.f32 v57, v2  }
0x115: {  	v59 =	vld [tilespmem:s26+$0x10480]  }
0x116: {  	v2 =	vadd.f32 v3, v2  }
0x117: {  	v3 =	vld [tilespmem:s26+$0x10500]  }
0x118: {  	v2 =	vadd.f32 v58, v2  }
0x119: {  	v60 =	vld [tilespmem:s26+$0x10580]  }
0x11a: {  	v2 =	vadd.f32 v59, v2  }
0x11b: {  	v61 =	vld [tilespmem:s26+$0x10600]  }
0x11c: {  	v2 =	vadd.f32 v3, v2  }
0x11d: {  	v3 =	vld [tilespmem:s26+$0x10680]  }
0x11e: {  	v2 =	vadd.f32 v60, v2  }
0x11f: {  	v62 =	vld [tilespmem:s26+$0x10700]  }
0x120: {  	v2 =	vadd.f32 v61, v2  }
0x121: {  	v63 =	vld [tilespmem:s26+$0x10780]  }
0x122: {  	v2 =	vadd.f32 v3, v2;
	_ =	sdelay $0x1  }
0x123: {  	v2 =	vadd.f32 v62, v2;
	_ =	sdelay $0x1  }
0x124: {  	s24 =	sadd.s32 $0x1, s24;
	v2 =	vadd.f32 v63, v2  }
0x125: {  	s25 =	sadd.s32 $0x10, s25;
	p0 =	sne.s32 s24, s11  }
.Ltmp5:
0x126: {  	[tilespmem:s25+$0x0] =	vst v2;
	(pc) =	sbr.rel @p0 .LBB2_1-.Ltmp5, $4  }
0x127: {  	[hbm4b:s10+s17] =	stream.strided.scatter [tilespmem:s23], [sflag:$0x1], $0x280, s22, s17, $0x38;
	[tilespmem:$0x11A80] =	vst v63  }
0x128: {  	_ =	swait.ge [sflag:s13], $0x280  }
0x129: {  	[sflag:s13] =	ssyncset.done $0x0  }
0x12a: {  	[sflag:s13] =	ssyncadd.s32 $0xFFFFFD80  }
0x12b: {  	_ =	sfence.sel $0x180000  }
0x12c: {  	[bflag:$0x0] =	sbarrier.arrive $0xFFFF  }
0x12d: {  	p0 =	sne.s32 s0, $0x0;
	_ =	strace $0x90000047  }
0x12e: {  	s0 =	sadd.s32 @!p0 $0x100000, s1;
	[bflag:$0x2] =	sbarrier.arrive $0xFFFF  }
0x12f: {  	[sflag:s0] =	ssyncadd.tile.s32 @!p0 $0x1;
	_ =	shalt  }
.Lfunc_end2:
_tile_overlayer_lowered:
.L_overlay_start_2:
0x130: {  	(tag) =	ssettag $0x2  }
0x131: {  	s0 =	rddreg [dreg:$0x0];
	s2 =	stileid.u32  }
0x132: {  	s1 =	rddreg [dreg:$0x1];
	p0 =	sne.s32 s2, $0x0  }
0x133: {  	s3 =	rddreg [dreg:$0x2];
	[bflag:$0x3] =	sbarrier.arrive $0xFFFF;
	s2 =	simm.s32 @!p0 $0x1C01  }
0x134: {  	[timem:s3], [sflag:s2] =	dma.local @!p0 [hbm:s0], s1  }
0x135: {  	s0 =	simm.s32 @!p0 $0x1  }
0x136: {  	_ =	swait.ge @!p0 [sflag:s0], s1  }
0x137: {  	s1 =	ssub.s32 @!p0 $0x0, s1;
	[sflag:s0] =	ssyncset.done @!p0 $0x0  }
0x138: {  	[sflag:s0] =	ssyncadd.s32 @!p0 s1  }
0x139: {  	[bflag:$0x3] =	sbarrier.arrive $0xFFFF  }
0x13a: {  	_ =	shalt  }

</sc_bundles>
